<compile_context>
chip_gen: v7x
topology: tpu7x:2x2x1
jax: 0.10.2.dev20260603
libtpu: 0.0.44.dev20260713+nightly
codegen_flags: <defaults>
</compile_context>

<pallas_src>
import functools
import numpy as np
import jax
import jax.numpy as jnp
from jax import lax
from jax.experimental import pallas as pl
from jax.experimental.pallas import tpu as pltpu
from jax.experimental.pallas import tpu_sc as plsc

NLEV = 16
LOG2T = 19
TBL = 1 << LOG2T
BASE_RES = 16
SCALE = 1.447269237440378
PRIME1 = int(np.int32(np.uint32(2654435761)))
PRIME2 = int(np.int32(np.uint32(805459861)))

NC, NS, LANES = 2, 16, 16
NW = NC * NS
NPTS = 262144
PPW = NPTS // NW
CHUNK = 1024
NCHUNK = PPW // CHUNK
NGRP = CHUNK // LANES
ROWS = 8 * CHUNK
NQ = 4

NSPM = 5
_DLEN = [4920, 13824, 39304, 117656, 357912]
_DOFF = [0, 4920, 18744, 58048, 175704]
SPW = _DOFF[-1] + _DLEN[-1]
STG = 8192

PK_TILES_PW = (NLEV * TBL // 128) // NW
PK_BLK = 64
PK_NBLK = PK_TILES_PW // PK_BLK


def _level_params():
    resf, bmul, cmul, sel = [], [], [], []
    for l in range(NLEV):
        res = int(np.floor(BASE_RES * (SCALE ** l)))
        resf.append(float(res))
        if (res + 1) ** 3 <= TBL:
            bmul.append(res + 1)
            cmul.append((res + 1) ** 2)
            sel.append(0)
        else:
            bmul.append(PRIME1)
            cmul.append(PRIME2)
            sel.append(1)
    return resf, bmul, cmul, sel


def _splat(vals, dtype):
    a = np.asarray(vals, dtype=dtype).reshape(NLEV, 1)
    return jnp.asarray(np.repeat(a, LANES, axis=1))


def _pack_kernel(native, packed, in_v, out_v, sem):
    wid = lax.axis_index("s") * NC + lax.axis_index("c")
    tbase = wid * PK_TILES_PW

    def blk(b, carry):
        t0 = tbase + b * PK_BLK
        pltpu.sync_copy(native.at[pl.ds(t0 * 256, PK_BLK * 256)], in_v)

        def rne16(u):
            return u + 0x7FFF + (lax.shift_right_logical(u, 16) & 1)

        lowmask = jnp.full((LANES,), 0xFFFF, jnp.int32)
        himask = jnp.full((LANES,), -65536, jnp.int32)

        def grp(k, c):
            toff = (k >> 3) * 256
            goff = (k & 7) * LANES
            u0 = lax.bitcast_convert_type(in_v[pl.ds(toff + goff, LANES)], jnp.int32)
            u1 = lax.bitcast_convert_type(
                in_v[pl.ds(toff + 128 + goff, LANES)], jnp.int32)
            lo = lax.shift_right_logical(rne16(u0), 16) & lowmask
            hi = rne16(u1) & himask
            out_v[pl.ds(k * LANES, LANES)] = hi | lo
            return c

        lax.fori_loop(0, PK_BLK * 8, grp, 0)
        pltpu.sync_copy(out_v, packed.at[pl.ds(t0 * 128, PK_BLK * 128)])
        return carry

    lax.fori_loop(0, PK_NBLK, blk, 0)


def _pack_table(native):
    mesh = plsc.VectorSubcoreMesh(core_axis_name="c", subcore_axis_name="s",
                                  num_cores=NC, num_subcores=NS)
    f = functools.partial(
        pl.kernel,
        out_type=jax.ShapeDtypeStruct((NLEV * TBL,), jnp.int32),
        mesh=mesh,
        scratch_types=[
            pltpu.VMEM((PK_BLK * 256,), jnp.float32),
            pltpu.VMEM((PK_BLK * 128,), jnp.int32),
            pltpu.SemaphoreType.DMA,
        ],
    )(_pack_kernel)
    return f(native)


def _encode_kernel(px, py, pz, table, resp, bp, cp, selp, offp, enc_out,
                   x_v, y_v, z_v, idx0_v, idx1_v, w0_v, w1_v,
                   rows0_v, rows1_v, enc_v,
                   res_v, b_v, c_v, sel_v, off_v, dense_s, sem0, sem1):
    sid = lax.axis_index("s")
    wid = sid * NC + lax.axis_index("c")
    base0 = wid * PPW

    pltpu.sync_copy(resp, res_v)
    pltpu.sync_copy(bp, b_v)
    pltpu.sync_copy(cp, c_v)
    pltpu.sync_copy(selp, sel_v)
    pltpu.sync_copy(offp, off_v)

    for l in range(NSPM):
        length = _DLEN[l]
        full = length // STG
        for k in range((full + NS - 1) // NS):
            j = k * NS + sid

            @pl.when(j < full)
            def _(j=j, l=l):
                pltpu.sync_copy(table.at[pl.ds(l * TBL + j * STG, STG)],
                                rows0_v.at[pl.ds(0, STG)])
                pltpu.sync_copy(rows0_v.at[pl.ds(0, STG)],
                                dense_s.at[pl.ds(_DOFF[l] + j * STG, STG)])

        tail = length - full * STG
        if tail:
            @pl.when(sid == 0)
            def _(l=l, full=full, tail=tail):
                pltpu.sync_copy(
                    table.at[pl.ds(l * TBL + full * STG, tail)],
                    rows0_v.at[pl.ds(0, tail)])
                pltpu.sync_copy(
                    rows0_v.at[pl.ds(0, tail)],
                    dense_s.at[pl.ds(_DOFF[l] + full * STG, tail)])

    plsc.subcore_barrier()

    def pass_a(l, idx_v, w_v):
        resv = res_v[l, :]
        bv = b_v[l, :]
        cv = c_v[l, :]
        hashp = sel_v[l, :] > 0
        offv = off_v[l, :]

        def body(g, carry_a):
            s = g * LANES
            sx = x_v[pl.ds(s, LANES)] * resv
            sy = y_v[pl.ds(s, LANES)] * resv
            sz = z_v[pl.ds(s, LANES)] * resv
            ix = sx.astype(jnp.int32)
            iy = sy.astype(jnp.int32)
            iz = sz.astype(jnp.int32)
            fx = sx - ix.astype(jnp.float32)
            fy = sy - iy.astype(jnp.float32)
            fz = sz - iz.astype(jnp.float32)
            gx = 1.0 - fx
            gy = 1.0 - fy
            gz = 1.0 - fz
            for c8 in range(8):
                b0, b1, b2 = c8 & 1, (c8 >> 1) & 1, (c8 >> 2) & 1
                cx = ix + 1 if b0 else ix
                cy = iy + 1 if b1 else iy
                cz = iz + 1 if b2 else iz
                t2 = cy * bv
                t3 = cz * cv
                ssum = cx + t2 + t3
                sxor = (cx ^ t2) ^ t3
                ein = jnp.where(hashp, sxor, ssum) & (TBL - 1)
                w = ((fx if b0 else gx) * (fy if b1 else gy)
                     * (fz if b2 else gz))
                flat = s * 8 + c8 * LANES
                idx_v[pl.ds(flat, LANES)] = ein + offv
                w_v[pl.ds(flat, LANES)] = w
            return carry_a

        lax.fori_loop(0, NGRP, body, 0)

    def pass_b_q(l, q, rows_v, w_v):
        himask = jnp.full((LANES,), -65536, jnp.int32)

        def body(g, carry_b):
            s = g * LANES
            acc0 = jnp.zeros((LANES,), jnp.float32)
            acc1 = jnp.zeros((LANES,), jnp.float32)
            for c8 in range(8):
                flat = s * 8 + c8 * LANES
                w = w_v[pl.ds(flat, LANES)]
                v = rows_v[pl.ds(flat, LANES)]
                f0 = lax.bitcast_convert_type(v << 16, jnp.float32)
                f1 = lax.bitcast_convert_type(v & himask, jnp.float32)
                acc0 = acc0 + w * f0
                acc1 = acc1 + w * f1
            enc_v[2 * l, pl.ds(s, LANES)] = acc0
            enc_v[2 * l + 1, pl.ds(s, LANES)] = acc1
            return carry_b

        lax.fori_loop(q * (NGRP // NQ), (q + 1) * (NGRP // NQ), body, 0)

    def fire(l, idx_v, rows_v, sem):
        @pl.when(l < NSPM)
        def _():
            for q in range(NQ):
                sl = q * (ROWS // NQ)
                pltpu.async_copy(
                    dense_s.at[idx_v.at[pl.ds(sl, ROWS // NQ)]],
                    rows_v.at[pl.ds(sl, ROWS // NQ)], sem)

        @pl.when(l >= NSPM)
        def _():
            for q in range(NQ):
                sl = q * (ROWS // NQ)
                pltpu.async_copy(
                    table.at[idx_v.at[pl.ds(sl, ROWS // NQ)]],
                    rows_v.at[pl.ds(sl, ROWS // NQ)], sem)

    def drain_q(q, rows_v, sem):
        sl = q * (ROWS // NQ)
        pltpu.make_async_copy(table.at[pl.ds(0, ROWS // NQ)],
                              rows_v.at[pl.ds(sl, ROWS // NQ)], sem).wait()

    def drain_b(l, rows_v, w_v, sem):
        for q in range(NQ):
            drain_q(q, rows_v, sem)
            pass_b_q(l, q, rows_v, w_v)

    def chunk_body(t, carry):
        base = base0 + t * CHUNK
        pltpu.sync_copy(px.at[pl.ds(base, CHUNK)], x_v)
        pltpu.sync_copy(py.at[pl.ds(base, CHUNK)], y_v)
        pltpu.sync_copy(pz.at[pl.ds(base, CHUNK)], z_v)

        def pair_body(h, carry_h):
            l0 = 2 * h
            pass_a(l0, idx0_v, w0_v)
            fire(l0, idx0_v, rows0_v, sem0)

            @pl.when(h > 0)
            def _():
                drain_b(l0 - 1, rows1_v, w1_v, sem1)

            pass_a(l0 + 1, idx1_v, w1_v)
            fire(l0 + 1, idx1_v, rows1_v, sem1)
            drain_b(l0, rows0_v, w0_v, sem0)
            return carry_h

        lax.fori_loop(0, NLEV // 2, pair_body, 0)
        drain_b(NLEV - 1, rows1_v, w1_v, sem1)

        pltpu.sync_copy(enc_v, enc_out.at[:, pl.ds(base, CHUNK)])
        return carry

    lax.fori_loop(0, NCHUNK, chunk_body, 0)


def _encode(px, py, pz, table, resp, bp, cp, selp, offp):
    mesh = plsc.VectorSubcoreMesh(core_axis_name="c", subcore_axis_name="s",
                                  num_cores=NC, num_subcores=NS)
    f = functools.partial(
        pl.kernel,
        out_type=jax.ShapeDtypeStruct((2 * NLEV, NPTS), jnp.float32),
        mesh=mesh,
        scratch_types=[
            pltpu.VMEM((CHUNK,), jnp.float32),
            pltpu.VMEM((CHUNK,), jnp.float32),
            pltpu.VMEM((CHUNK,), jnp.float32),
            pltpu.VMEM((ROWS,), jnp.int32),
            pltpu.VMEM((ROWS,), jnp.int32),
            pltpu.VMEM((ROWS,), jnp.float32),
            pltpu.VMEM((ROWS,), jnp.float32),
            pltpu.VMEM((ROWS,), jnp.int32),
            pltpu.VMEM((ROWS,), jnp.int32),
            pltpu.VMEM((2 * NLEV, CHUNK), jnp.float32),
            pltpu.VMEM((NLEV, LANES), jnp.float32),
            pltpu.VMEM((NLEV, LANES), jnp.int32),
            pltpu.VMEM((NLEV, LANES), jnp.int32),
            pltpu.VMEM((NLEV, LANES), jnp.int32),
            pltpu.VMEM((NLEV, LANES), jnp.int32),
            pltpu.VMEM_SHARED((SPW,), jnp.int32),
            pltpu.SemaphoreType.DMA,
            pltpu.SemaphoreType.DMA,
        ],
    )(_encode_kernel)
    return f(px, py, pz, table, resp, bp, cp, selp, offp)


MLP_BT = 8192


def _mlp_kernel(enc_ref, w1t_ref, b1_ref, w2_ref, b2_ref, out_ref):
    x = enc_ref[...]
    h = lax.dot(w1t_ref[...], x, precision=lax.Precision.HIGHEST,
                preferred_element_type=jnp.float32) + b1_ref[...]
    h = jnp.maximum(h, 0.0)
    t = jnp.sum(h * w2_ref[...], axis=0, keepdims=True) + b2_ref[...]
    out_ref[...] = 1.0 / (1.0 + jnp.exp(-t))


def _mlp(enc, w1t, b1c, w2, b2c):
    grid = (NPTS // MLP_BT,)
    return pl.pallas_call(
        _mlp_kernel,
        grid=grid,
        in_specs=[
            pl.BlockSpec((2 * NLEV, MLP_BT), lambda i: (0, i)),
            pl.BlockSpec((64, 2 * NLEV), lambda i: (0, 0)),
            pl.BlockSpec((64, 1), lambda i: (0, 0)),
            pl.BlockSpec((64, 1), lambda i: (0, 0)),
            pl.BlockSpec((1, 1), lambda i: (0, 0)),
        ],
        out_specs=pl.BlockSpec((1, MLP_BT), lambda i: (0, i)),
        out_shape=jax.ShapeDtypeStruct((1, NPTS), jnp.float32),
    )(enc, w1t, b1c, w2, b2c)


def kernel(points, hash_table, W1, b1, W2, b2):
    px = points[:, 0]
    py = points[:, 1]
    pz = points[:, 2]
    native = (hash_table.reshape(NLEV, TBL // 128, 128, 2)
              .transpose(0, 1, 3, 2)
              .reshape(NLEV * TBL * 2))
    table = _pack_table(native)
    resf, bmul, cmul, sel = _level_params()
    offs = [_DOFF[l] if l < NSPM else l * TBL for l in range(NLEV)]
    enc = _encode(px, py, pz, table,
                  _splat(resf, np.float32),
                  _splat(bmul, np.int32),
                  _splat(cmul, np.int32),
                  _splat(sel, np.int32),
                  _splat(offs, np.int32))
    out = _mlp(enc, W1.T, b1.reshape(64, 1), W2, b2.reshape(1, 1))
    return out.reshape(-1, 64, 64, 64)

# --- scband reference (transcript-rebuilt; emitter-appended) ---
"""Pipeline reference for scband-hash-grid-voxel-19688130084948 (READ-ONLY COPY).

The authoritative reference and input builder live on the scoring server;
editing this copy changes nothing except your own understanding.
"""

import jax, jax.numpy as jnp
import numpy as np

N_LEVELS = 16
F_PER_LEVEL = 2
LOG2_T = 19
T = 2 ** LOG2_T
BASE_RES = 16
PER_LEVEL_SCALE = 1.447269237440378
PRIMES = (1, 2654435761, 805459861)


def _level_resolutions():
    return [int(np.floor(BASE_RES * (PER_LEVEL_SCALE ** l))) for l in range(N_LEVELS)]


def setup_inputs(seed: int = 0):
    key = jax.random.key(seed)
    ks = jax.random.split(key, 6)
    points = jax.random.uniform(ks[0], (262144, 3), dtype=jnp.float32)
    hash_table = (jax.random.uniform(ks[1], (N_LEVELS, T, F_PER_LEVEL), dtype=jnp.float32) * 2.0 - 1.0) * 1e-4
    W1 = jax.random.normal(ks[2], (N_LEVELS * F_PER_LEVEL, 64), dtype=jnp.float32) * (1.0 / np.sqrt(32.0))
    b1 = jnp.zeros((64,), dtype=jnp.float32)
    W2 = jax.random.normal(ks[3], (64, 1), dtype=jnp.float32) * (1.0 / np.sqrt(64.0))
    b2 = jnp.zeros((1,), dtype=jnp.float32)
    return {"points": points, "hash_table": hash_table, "W1": W1, "b1": b1, "W2": W2, "b2": b2}


def _hashgrid_encode(points, hash_table):
    feats = []
    for l, res in enumerate(_level_resolutions()):
        scaled = points * res
        pos0 = jnp.floor(scaled)
        frac = scaled - pos0
        pos0i = pos0.astype(jnp.uint32)
        dense = (res + 1) ** 3 <= T
        acc = jnp.zeros((points.shape[0], F_PER_LEVEL), dtype=points.dtype)
        for c in range(8):
            bits = [(c >> d) & 1 for d in range(3)]
            corner = pos0i + jnp.array(bits, dtype=jnp.uint32)
            if dense:
                idx = corner[:, 0] + jnp.uint32(res + 1) * corner[:, 1] + jnp.uint32((res + 1) * (res + 1)) * corner[:, 2]
            else:
                idx = (corner[:, 0] * jnp.uint32(PRIMES[0])) ^ (corner[:, 1] * jnp.uint32(PRIMES[1])) ^ (corner[:, 2] * jnp.uint32(PRIMES[2]))
                idx = idx % jnp.uint32(T)
            idx = idx.astype(jnp.int32)
            w = jnp.ones((points.shape[0],), dtype=points.dtype)
            for d in range(3):
                w = w * (frac[:, d] if bits[d] else (1.0 - frac[:, d]))
            acc = acc + w[:, None] * jnp.take(hash_table[l], idx, axis=0)
        feats.append(acc)
    return jnp.concatenate(feats, axis=-1)


def reference(points, hash_table, W1, b1, W2, b2):
    enc = _hashgrid_encode(points, hash_table)
    h = jax.nn.relu(enc @ W1 + b1)
    out = jax.nn.sigmoid(h @ W2 + b2)
    return out.reshape(-1, 64, 64, 64)

if __name__ == "__main__":
    import jax
    _d = setup_inputs()
    print(jax.jit(kernel)(*tuple(_d.values())))

</pallas_src>

<mosaic_0001>
#map = affine_map<(d0, d1) -> (0)>
module attributes {stable_mosaic.version = 14 : i64} {
  func.func @_pack_kernel(%arg0: i32, %arg1: i32, %arg2: memref<16777216xf32, #tpu.memory_space<hbm>>, %arg3: memref<8388608xi32, #tpu.memory_space<hbm>>, %arg4: memref<16384xf32, #tpu.memory_space<vmem>>, %arg5: memref<8192xi32, #tpu.memory_space<vmem>>, %arg6: memref<!tpu.dma_semaphore, #tpu.memory_space<semaphore_mem>>) attributes {dimension_semantics = [#tpu.dimension_semantics<core_parallel>, #tpu.dimension_semantics<subcore_parallel>], iteration_bounds = array<i64: 2, 16>, scalar_prefetch = 0 : i64, scratch_operands = 3 : i64, tpu.core_type = #tpu.core_type<sc_vector_subcore>, window_params = [{transform_indices = #map}, {transform_indices = #map}]} {
    %mul3A = arith.constant 2 : i32
    %mul3A_0 = arith.muli %arg1, %mul3A : i32
    %add3A = arith.addi %mul3A_0, %arg0 : i32
    %mul3A_1 = arith.constant 2048 : i32
    %mul3A_2 = arith.muli %add3A, %mul3A_1 : i32
    %scan3A = arith.constant 0 : i32
    %scan3A_3 = arith.constant 0 : i32
    %scan3A_4 = arith.constant 32 : i32
    %scan3A_5 = arith.addi %scan3A_3, %scan3A_4 : i32
    %scan3A_6 = arith.constant 1 : i32
    scf.for %scan3A_8 = %scan3A_3 to %scan3A_5 step %scan3A_6  : i32 {
      %mul3A_9 = arith.constant 64 : i32
      %mul3A_10 = arith.muli %scan3A_8, %mul3A_9 : i32
      %add3A_11 = arith.addi %mul3A_2, %mul3A_10 : i32
      %mul3A_12 = arith.constant 256 : i32
      %mul3A_13 = arith.muli %add3A_11, %mul3A_12 : i32
      "tpu.region"() ({
        %run_scoped3A = tpu.sem_alloc : memref<!tpu.dma_semaphore, #tpu.memory_space<semaphore_mem>>
        %dma_start3A = tpu.memref_slice %arg2[%mul3A_13] : memref<16777216xf32, #tpu.memory_space<hbm>> -> memref<16384xf32, #tpu.memory_space<hbm>>
        %dma_start3A_25 = tpu.memref_slice %arg2[%mul3A_13] : memref<16777216xf32, #tpu.memory_space<hbm>> -> memref<16384xf32, #tpu.memory_space<hbm>>
        tpu.enqueue_dma source(%dma_start3A_25 : memref<16384xf32, #tpu.memory_space<hbm>>) target(%arg4 : memref<16384xf32, #tpu.memory_space<vmem>>) target_semaphore(%run_scoped3A : memref<!tpu.dma_semaphore, #tpu.memory_space<semaphore_mem>>)
        %dma_wait3A = tpu.memref_slice %arg2[%mul3A_13] : memref<16777216xf32, #tpu.memory_space<hbm>> -> memref<16384xf32, #tpu.memory_space<hbm>>
        %dma_wait3A_26 = tpu.memref_slice %arg2[%mul3A_13] : memref<16777216xf32, #tpu.memory_space<hbm>> -> memref<16384xf32, #tpu.memory_space<hbm>>
        tpu.wait_dma2 semaphore(%run_scoped3A : memref<!tpu.dma_semaphore, #tpu.memory_space<semaphore_mem>>) src(%dma_wait3A_26 : memref<16384xf32, #tpu.memory_space<hbm>>) dst(%arg4 : memref<16384xf32, #tpu.memory_space<vmem>>)
        tpu.yield
      }) : () -> ()
      %broadcast_in_dim3A = arith.constant 65535 : i32
      %broadcast_in_dim3A_14 = vector.broadcast %broadcast_in_dim3A : i32 to vector<16xi32>
      %broadcast_in_dim3A_15 = arith.constant -65536 : i32
      %broadcast_in_dim3A_16 = vector.broadcast %broadcast_in_dim3A_15 : i32 to vector<16xi32>
      %scan3A_17 = arith.constant 0 : i32
      %scan3A_18 = arith.constant 0 : i32
      %scan3A_19 = arith.constant 512 : i32
      %scan3A_20 = arith.addi %scan3A_18, %scan3A_19 : i32
      %scan3A_21 = arith.constant 1 : i32
      scf.for %scan3A_25 = %scan3A_18 to %scan3A_20 step %scan3A_21  : i32 {
        %shift_right_arithmetic3A = arith.constant 3 : i32
        %shift_right_arithmetic3A_26 = arith.shrsi %scan3A_25, %shift_right_arithmetic3A : i32
        %mul3A_27 = arith.constant 256 : i32
        %mul3A_28 = arith.muli %shift_right_arithmetic3A_26, %mul3A_27 : i32
        %and3A = arith.constant 7 : i32
        %and3A_29 = arith.andi %scan3A_25, %and3A : i32
        %mul3A_30 = arith.constant 16 : i32
        %mul3A_31 = arith.muli %and3A_29, %mul3A_30 : i32
        %add3A_32 = arith.addi %mul3A_28, %mul3A_31 : i32
        %get3A = arith.index_cast %add3A_32 : i32 to index
        %get3A_33 = tpu.vector_load %arg4[%get3A] {strides = array<i32>} : memref<16384xf32, #tpu.memory_space<vmem>>, vector<16xf32>,
        %get3A_34 = vector.shape_cast %get3A_33 : vector<16xf32> to vector<16xf32>
        %bitcast_convert_type3A = tpu.bitcast %get3A_34 : vector<16xf32> -> vector<16xi32>
        %add3A_35 = arith.constant 128 : i32
        %add3A_36 = arith.addi %mul3A_28, %add3A_35 : i32
        %add3A_37 = arith.addi %add3A_36, %mul3A_31 : i32
        %get3A_38 = arith.index_cast %add3A_37 : i32 to index
        %get3A_39 = tpu.vector_load %arg4[%get3A_38] {strides = array<i32>} : memref<16384xf32, #tpu.memory_space<vmem>>, vector<16xf32>,
        %get3A_40 = vector.shape_cast %get3A_39 : vector<16xf32> to vector<16xf32>
        %bitcast_convert_type3A_41 = tpu.bitcast %get3A_40 : vector<16xf32> -> vector<16xi32>
        %add3A_42 = arith.constant 32767 : i32
        %add3A_43 = vector.broadcast %add3A_42 : i32 to vector<16xi32>
        %add3A_44 = arith.addi %bitcast_convert_type3A, %add3A_43 : vector<16xi32>
        %shift_right_logical3A = arith.constant 16 : i32
        %shift_right_logical3A_45 = vector.broadcast %shift_right_logical3A : i32 to vector<16xi32>
        %shift_right_logical3A_46 = arith.shrui %bitcast_convert_type3A, %shift_right_logical3A_45 : vector<16xi32>
        %and3A_47 = arith.constant 1 : i32
        %and3A_48 = vector.broadcast %and3A_47 : i32 to vector<16xi32>
        %and3A_49 = arith.andi %shift_right_logical3A_46, %and3A_48 : vector<16xi32>
        %add3A_50 = arith.addi %add3A_44, %and3A_49 : vector<16xi32>
        %shift_right_logical3A_51 = arith.constant 16 : i32
        %shift_right_logical3A_52 = vector.broadcast %shift_right_logical3A_51 : i32 to vector<16xi32>
        %shift_right_logical3A_53 = arith.shrui %add3A_50, %shift_right_logical3A_52 : vector<16xi32>
        %and3A_54 = arith.andi %shift_right_logical3A_53, %broadcast_in_dim3A_14 : vector<16xi32>
        %add3A_55 = arith.constant 32767 : i32
        %add3A_56 = vector.broadcast %add3A_55 : i32 to vector<16xi32>
        %add3A_57 = arith.addi %bitcast_convert_type3A_41, %add3A_56 : vector<16xi32>
        %shift_right_logical3A_58 = arith.constant 16 : i32
        %shift_right_logical3A_59 = vector.broadcast %shift_right_logical3A_58 : i32 to vector<16xi32>
        %shift_right_logical3A_60 = arith.shrui %bitcast_convert_type3A_41, %shift_right_logical3A_59 : vector<16xi32>
        %and3A_61 = arith.constant 1 : i32
        %and3A_62 = vector.broadcast %and3A_61 : i32 to vector<16xi32>
        %and3A_63 = arith.andi %shift_right_logical3A_60, %and3A_62 : vector<16xi32>
        %add3A_64 = arith.addi %add3A_57, %and3A_63 : vector<16xi32>
        %and3A_65 = arith.andi %add3A_64, %broadcast_in_dim3A_16 : vector<16xi32>
        %or3A = arith.ori %and3A_65, %and3A_54 : vector<16xi32>
        %mul3A_66 = arith.constant 16 : i32
        %mul3A_67 = arith.muli %scan3A_25, %mul3A_66 : i32
        %swap3A = arith.index_cast %mul3A_67 : i32 to index
        %swap3A_68 = tpu.vector_load %arg5[%swap3A] {strides = array<i32>} : memref<8192xi32, #tpu.memory_space<vmem>>, vector<16xi32>,
        %swap3A_69 = vector.shape_cast %swap3A_68 : vector<16xi32> to vector<16xi32>
        %swap3A_70 = vector.shape_cast %or3A : vector<16xi32> to vector<16xi32>
        tpu.vector_store %arg5[%swap3A], %swap3A_70 {strides = array<i32>} : memref<8192xi32, #tpu.memory_space<vmem>>, vector<16xi32>,
      }
      %scan3A_22 = arith.constant 512 : i32
      %mul3A_23 = arith.constant 128 : i32
      %mul3A_24 = arith.muli %add3A_11, %mul3A_23 : i32
      "tpu.region"() ({
        %run_scoped3A = tpu.sem_alloc : memref<!tpu.dma_semaphore, #tpu.memory_space<semaphore_mem>>
        %dma_start3A = tpu.memref_slice %arg3[%mul3A_24] : memref<8388608xi32, #tpu.memory_space<hbm>> -> memref<8192xi32, #tpu.memory_space<hbm>>
        %dma_start3A_25 = tpu.memref_slice %arg3[%mul3A_24] : memref<8388608xi32, #tpu.memory_space<hbm>> -> memref<8192xi32, #tpu.memory_space<hbm>>
        tpu.enqueue_dma source(%arg5 : memref<8192xi32, #tpu.memory_space<vmem>>) target(%dma_start3A_25 : memref<8192xi32, #tpu.memory_space<hbm>>) target_semaphore(%run_scoped3A : memref<!tpu.dma_semaphore, #tpu.memory_space<semaphore_mem>>)
        %dma_wait3A = tpu.memref_slice %arg3[%mul3A_24] : memref<8388608xi32, #tpu.memory_space<hbm>> -> memref<8192xi32, #tpu.memory_space<hbm>>
        %dma_wait3A_26 = tpu.memref_slice %arg3[%mul3A_24] : memref<8388608xi32, #tpu.memory_space<hbm>> -> memref<8192xi32, #tpu.memory_space<hbm>>
        tpu.wait_dma2 semaphore(%run_scoped3A : memref<!tpu.dma_semaphore, #tpu.memory_space<semaphore_mem>>) src(%arg5 : memref<8192xi32, #tpu.memory_space<vmem>>) dst(%dma_wait3A_26 : memref<8192xi32, #tpu.memory_space<hbm>>)
        tpu.yield
      }) : () -> ()
    }
    %scan3A_7 = arith.constant 32 : i32
    return
  }
}

#map = affine_map<(d0, d1) -> (0)>
#map1 = affine_map<(d0, d1) -> (0, 0)>
module attributes {stable_mosaic.version = 14 : i64} {
  func.func @_encode_kernel(%arg0: i32, %arg1: i32, %arg2: memref<262144xf32, #tpu.memory_space<hbm>>, %arg3: memref<262144xf32, #tpu.memory_space<hbm>>, %arg4: memref<262144xf32, #tpu.memory_space<hbm>>, %arg5: memref<8388608xi32, #tpu.memory_space<hbm>>, %arg6: memref<16x16xf32, #tpu.memory_space<hbm>>, %arg7: memref<16x16xi32, #tpu.memory_space<hbm>>, %arg8: memref<16x16xi32, #tpu.memory_space<hbm>>, %arg9: memref<16x16xi32, #tpu.memory_space<hbm>>, %arg10: memref<16x16xi32, #tpu.memory_space<hbm>>, %arg11: memref<32x262144xf32, #tpu.memory_space<hbm>>, %arg12: memref<1024xf32, #tpu.memory_space<vmem>>, %arg13: memref<1024xf32, #tpu.memory_space<vmem>>, %arg14: memref<1024xf32, #tpu.memory_space<vmem>>, %arg15: memref<8192xi32, #tpu.memory_space<vmem>>, %arg16: memref<8192xi32, #tpu.memory_space<vmem>>, %arg17: memref<8192xf32, #tpu.memory_space<vmem>>, %arg18: memref<8192xf32, #tpu.memory_space<vmem>>, %arg19: memref<8192xi32, #tpu.memory_space<vmem>>, %arg20: memref<8192xi32, #tpu.memory_space<vmem>>, %arg21: memref<32x1024xf32, #tpu.memory_space<vmem>>, %arg22: memref<16x16xf32, #tpu.memory_space<vmem>>, %arg23: memref<16x16xi32, #tpu.memory_space<vmem>>, %arg24: memref<16x16xi32, #tpu.memory_space<vmem>>, %arg25: memref<16x16xi32, #tpu.memory_space<vmem>>, %arg26: memref<16x16xi32, #tpu.memory_space<vmem>>, %arg27: memref<533616xi32, #tpu.memory_space<vmem_shared>>, %arg28: memref<!tpu.dma_semaphore, #tpu.memory_space<semaphore_mem>>, %arg29: memref<!tpu.dma_semaphore, #tpu.memory_space<semaphore_mem>>) attributes {dimension_semantics = [#tpu.dimension_semantics<core_parallel>, #tpu.dimension_semantics<subcore_parallel>], iteration_bounds = array<i64: 2, 16>, scalar_prefetch = 0 : i64, scratch_operands = 18 : i64, tpu.core_type = #tpu.core_type<sc_vector_subcore>, window_params = [{transform_indices = #map}, {transform_indices = #map}, {transform_indices = #map}, {transform_indices = #map}, {transform_indices = #map1}, {transform_indices = #map1}, {transform_indices = #map1}, {transform_indices = #map1}, {transform_indices = #map1}, {transform_indices = #map1}]} {
    %mul3A = arith.constant 2 : i32
    %mul3A_0 = arith.muli %arg1, %mul3A : i32
    %add3A = arith.addi %mul3A_0, %arg0 : i32
    %mul3A_1 = arith.constant 8192 : i32
    %mul3A_2 = arith.muli %add3A, %mul3A_1 : i32
    "tpu.region"() ({
      %run_scoped3A = tpu.sem_alloc : memref<!tpu.dma_semaphore, #tpu.memory_space<semaphore_mem>>
      tpu.enqueue_dma source(%arg6 : memref<16x16xf32, #tpu.memory_space<hbm>>) target(%arg22 : memref<16x16xf32, #tpu.memory_space<vmem>>) target_semaphore(%run_scoped3A : memref<!tpu.dma_semaphore, #tpu.memory_space<semaphore_mem>>)
      tpu.wait_dma2 semaphore(%run_scoped3A : memref<!tpu.dma_semaphore, #tpu.memory_space<semaphore_mem>>) src(%arg6 : memref<16x16xf32, #tpu.memory_space<hbm>>) dst(%arg22 : memref<16x16xf32, #tpu.memory_space<vmem>>)
      tpu.yield
    }) : () -> ()
    "tpu.region"() ({
      %run_scoped3A = tpu.sem_alloc : memref<!tpu.dma_semaphore, #tpu.memory_space<semaphore_mem>>
      tpu.enqueue_dma source(%arg7 : memref<16x16xi32, #tpu.memory_space<hbm>>) target(%arg23 : memref<16x16xi32, #tpu.memory_space<vmem>>) target_semaphore(%run_scoped3A : memref<!tpu.dma_semaphore, #tpu.memory_space<semaphore_mem>>)
      tpu.wait_dma2 semaphore(%run_scoped3A : memref<!tpu.dma_semaphore, #tpu.memory_space<semaphore_mem>>) src(%arg7 : memref<16x16xi32, #tpu.memory_space<hbm>>) dst(%arg23 : memref<16x16xi32, #tpu.memory_space<vmem>>)
      tpu.yield
    }) : () -> ()
    "tpu.region"() ({
      %run_scoped3A = tpu.sem_alloc : memref<!tpu.dma_semaphore, #tpu.memory_space<semaphore_mem>>
      tpu.enqueue_dma source(%arg8 : memref<16x16xi32, #tpu.memory_space<hbm>>) target(%arg24 : memref<16x16xi32, #tpu.memory_space<vmem>>) target_semaphore(%run_scoped3A : memref<!tpu.dma_semaphore, #tpu.memory_space<semaphore_mem>>)
      tpu.wait_dma2 semaphore(%run_scoped3A : memref<!tpu.dma_semaphore, #tpu.memory_space<semaphore_mem>>) src(%arg8 : memref<16x16xi32, #tpu.memory_space<hbm>>) dst(%arg24 : memref<16x16xi32, #tpu.memory_space<vmem>>)
      tpu.yield
    }) : () -> ()
    "tpu.region"() ({
      %run_scoped3A = tpu.sem_alloc : memref<!tpu.dma_semaphore, #tpu.memory_space<semaphore_mem>>
      tpu.enqueue_dma source(%arg9 : memref<16x16xi32, #tpu.memory_space<hbm>>) target(%arg25 : memref<16x16xi32, #tpu.memory_space<vmem>>) target_semaphore(%run_scoped3A : memref<!tpu.dma_semaphore, #tpu.memory_space<semaphore_mem>>)
      tpu.wait_dma2 semaphore(%run_scoped3A : memref<!tpu.dma_semaphore, #tpu.memory_space<semaphore_mem>>) src(%arg9 : memref<16x16xi32, #tpu.memory_space<hbm>>) dst(%arg25 : memref<16x16xi32, #tpu.memory_space<vmem>>)
      tpu.yield
    }) : () -> ()
    "tpu.region"() ({
      %run_scoped3A = tpu.sem_alloc : memref<!tpu.dma_semaphore, #tpu.memory_space<semaphore_mem>>
      tpu.enqueue_dma source(%arg10 : memref<16x16xi32, #tpu.memory_space<hbm>>) target(%arg26 : memref<16x16xi32, #tpu.memory_space<vmem>>) target_semaphore(%run_scoped3A : memref<!tpu.dma_semaphore, #tpu.memory_space<semaphore_mem>>)
      tpu.wait_dma2 semaphore(%run_scoped3A : memref<!tpu.dma_semaphore, #tpu.memory_space<semaphore_mem>>) src(%arg10 : memref<16x16xi32, #tpu.memory_space<hbm>>) dst(%arg26 : memref<16x16xi32, #tpu.memory_space<vmem>>)
      tpu.yield
    }) : () -> ()
    %eq3A = arith.constant 0 : i32
    %eq3A_3 = arith.cmpi eq, %arg1, %eq3A : i32
    %convert_element_type3A = arith.extui %eq3A_3 : i1 to i32
    %cond3A = arith.constant 0 : i32
    %cond3A_4 = arith.cmpi ne, %convert_element_type3A, %cond3A : i32
    scf.if %cond3A_4 {
      "tpu.region"() ({
        %run_scoped3A = tpu.sem_alloc : memref<!tpu.dma_semaphore, #tpu.memory_space<semaphore_mem>>
        %dma_start3A = arith.constant 0 : i32
        %dma_start3A_71 = tpu.memref_slice %arg19[%dma_start3A] : memref<8192xi32, #tpu.memory_space<vmem>> -> memref<4920xi32, #tpu.memory_space<vmem>>
        %dma_start3A_72 = arith.constant 0 : i32
        %dma_start3A_73 = tpu.memref_slice %arg5[%dma_start3A_72] : memref<8388608xi32, #tpu.memory_space<hbm>> -> memref<4920xi32, #tpu.memory_space<hbm>>
        %dma_start3A_74 = arith.constant 0 : i32
        %dma_start3A_75 = tpu.memref_slice %arg19[%dma_start3A_74] : memref<8192xi32, #tpu.memory_space<vmem>> -> memref<4920xi32, #tpu.memory_space<vmem>>
        %dma_start3A_76 = arith.constant 0 : i32
        %dma_start3A_77 = tpu.memref_slice %arg5[%dma_start3A_76] : memref<8388608xi32, #tpu.memory_space<hbm>> -> memref<4920xi32, #tpu.memory_space<hbm>>
        tpu.enqueue_dma source(%dma_start3A_77 : memref<4920xi32, #tpu.memory_space<hbm>>) target(%dma_start3A_75 : memref<4920xi32, #tpu.memory_space<vmem>>) target_semaphore(%run_scoped3A : memref<!tpu.dma_semaphore, #tpu.memory_space<semaphore_mem>>)
        %dma_wait3A = arith.constant 0 : i32
        %dma_wait3A_78 = tpu.memref_slice %arg19[%dma_wait3A] : memref<8192xi32, #tpu.memory_space<vmem>> -> memref<4920xi32, #tpu.memory_space<vmem>>
        %dma_wait3A_79 = arith.constant 0 : i32
        %dma_wait3A_80 = tpu.memref_slice %arg5[%dma_wait3A_79] : memref<8388608xi32, #tpu.memory_space<hbm>> -> memref<4920xi32, #tpu.memory_space<hbm>>
        %dma_wait3A_81 = arith.constant 0 : i32
        %dma_wait3A_82 = tpu.memref_slice %arg19[%dma_wait3A_81] : memref<8192xi32, #tpu.memory_space<vmem>> -> memref<4920xi32, #tpu.memory_space<vmem>>
        %dma_wait3A_83 = arith.constant 0 : i32
        %dma_wait3A_84 = tpu.memref_slice %arg5[%dma_wait3A_83] : memref<8388608xi32, #tpu.memory_space<hbm>> -> memref<4920xi32, #tpu.memory_space<hbm>>
        tpu.wait_dma2 semaphore(%run_scoped3A : memref<!tpu.dma_semaphore, #tpu.memory_space<semaphore_mem>>) src(%dma_wait3A_84 : memref<4920xi32, #tpu.memory_space<hbm>>) dst(%dma_wait3A_82 : memref<4920xi32, #tpu.memory_space<vmem>>)
        tpu.yield
      }) : () -> ()
      "tpu.region"() ({
        %run_scoped3A = tpu.sem_alloc : memref<!tpu.dma_semaphore, #tpu.memory_space<semaphore_mem>>
        %dma_start3A = arith.constant 0 : i32
        %dma_start3A_71 = tpu.memref_slice %arg19[%dma_start3A] : memref<8192xi32, #tpu.memory_space<vmem>> -> memref<4920xi32, #tpu.memory_space<vmem>>
        %dma_start3A_72 = arith.constant 0 : i32
        %dma_start3A_73 = tpu.memref_slice %arg27[%dma_start3A_72] : memref<533616xi32, #tpu.memory_space<vmem_shared>> -> memref<4920xi32, #tpu.memory_space<vmem_shared>>
        %dma_start3A_74 = arith.constant 0 : i32
        %dma_start3A_75 = tpu.memref_slice %arg27[%dma_start3A_74] : memref<533616xi32, #tpu.memory_space<vmem_shared>> -> memref<4920xi32, #tpu.memory_space<vmem_shared>>
        %dma_start3A_76 = arith.constant 0 : i32
        %dma_start3A_77 = tpu.memref_slice %arg19[%dma_start3A_76] : memref<8192xi32, #tpu.memory_space<vmem>> -> memref<4920xi32, #tpu.memory_space<vmem>>
        tpu.enqueue_dma source(%dma_start3A_77 : memref<4920xi32, #tpu.memory_space<vmem>>) target(%dma_start3A_75 : memref<4920xi32, #tpu.memory_space<vmem_shared>>) target_semaphore(%run_scoped3A : memref<!tpu.dma_semaphore, #tpu.memory_space<semaphore_mem>>)
        %dma_wait3A = arith.constant 0 : i32
        %dma_wait3A_78 = tpu.memref_slice %arg19[%dma_wait3A] : memref<8192xi32, #tpu.memory_space<vmem>> -> memref<4920xi32, #tpu.memory_space<vmem>>
        %dma_wait3A_79 = arith.constant 0 : i32
        %dma_wait3A_80 = tpu.memref_slice %arg27[%dma_wait3A_79] : memref<533616xi32, #tpu.memory_space<vmem_shared>> -> memref<4920xi32, #tpu.memory_space<vmem_shared>>
        %dma_wait3A_81 = arith.constant 0 : i32
        %dma_wait3A_82 = tpu.memref_slice %arg27[%dma_wait3A_81] : memref<533616xi32, #tpu.memory_space<vmem_shared>> -> memref<4920xi32, #tpu.memory_space<vmem_shared>>
        %dma_wait3A_83 = arith.constant 0 : i32
        %dma_wait3A_84 = tpu.memref_slice %arg19[%dma_wait3A_83] : memref<8192xi32, #tpu.memory_space<vmem>> -> memref<4920xi32, #tpu.memory_space<vmem>>
        tpu.wait_dma2 semaphore(%run_scoped3A : memref<!tpu.dma_semaphore, #tpu.memory_space<semaphore_mem>>) src(%dma_wait3A_84 : memref<4920xi32, #tpu.memory_space<vmem>>) dst(%dma_wait3A_82 : memref<4920xi32, #tpu.memory_space<vmem_shared>>)
        tpu.yield
      }) : () -> ()
    } else {
    }
    %add3A_5 = arith.constant 0 : i32
    %add3A_6 = arith.addi %add3A_5, %arg1 : i32
    %lt3A = arith.constant 1 : i32
    %lt3A_7 = arith.cmpi slt, %add3A_6, %lt3A : i32
    %convert_element_type3A_8 = arith.extui %lt3A_7 : i1 to i32
    %cond3A_9 = arith.constant 0 : i32
    %cond3A_10 = arith.cmpi ne, %convert_element_type3A_8, %cond3A_9 : i32
    scf.if %cond3A_10 {
      %mul3A_71 = arith.constant 8192 : i32
      %mul3A_72 = arith.muli %add3A_6, %mul3A_71 : i32
      %add3A_73 = arith.constant 524288 : i32
      %add3A_74 = arith.addi %add3A_73, %mul3A_72 : i32
      "tpu.region"() ({
        %run_scoped3A = tpu.sem_alloc : memref<!tpu.dma_semaphore, #tpu.memory_space<semaphore_mem>>
        %dma_start3A = arith.constant 0 : i32
        %dma_start3A_79 = tpu.memref_slice %arg19[%dma_start3A] : memref<8192xi32, #tpu.memory_space<vmem>> -> memref<8192xi32, #tpu.memory_space<vmem>>
        %dma_start3A_80 = tpu.memref_slice %arg5[%add3A_74] : memref<8388608xi32, #tpu.memory_space<hbm>> -> memref<8192xi32, #tpu.memory_space<hbm>>
        %dma_start3A_81 = arith.constant 0 : i32
        %dma_start3A_82 = tpu.memref_slice %arg19[%dma_start3A_81] : memref<8192xi32, #tpu.memory_space<vmem>> -> memref<8192xi32, #tpu.memory_space<vmem>>
        %dma_start3A_83 = tpu.memref_slice %arg5[%add3A_74] : memref<8388608xi32, #tpu.memory_space<hbm>> -> memref<8192xi32, #tpu.memory_space<hbm>>
        tpu.enqueue_dma source(%dma_start3A_83 : memref<8192xi32, #tpu.memory_space<hbm>>) target(%dma_start3A_82 : memref<8192xi32, #tpu.memory_space<vmem>>) target_semaphore(%run_scoped3A : memref<!tpu.dma_semaphore, #tpu.memory_space<semaphore_mem>>)
        %dma_wait3A = arith.constant 0 : i32
        %dma_wait3A_84 = tpu.memref_slice %arg19[%dma_wait3A] : memref<8192xi32, #tpu.memory_space<vmem>> -> memref<8192xi32, #tpu.memory_space<vmem>>
        %dma_wait3A_85 = tpu.memref_slice %arg5[%add3A_74] : memref<8388608xi32, #tpu.memory_space<hbm>> -> memref<8192xi32, #tpu.memory_space<hbm>>
        %dma_wait3A_86 = arith.constant 0 : i32
        %dma_wait3A_87 = tpu.memref_slice %arg19[%dma_wait3A_86] : memref<8192xi32, #tpu.memory_space<vmem>> -> memref<8192xi32, #tpu.memory_space<vmem>>
        %dma_wait3A_88 = tpu.memref_slice %arg5[%add3A_74] : memref<8388608xi32, #tpu.memory_space<hbm>> -> memref<8192xi32, #tpu.memory_space<hbm>>
        tpu.wait_dma2 semaphore(%run_scoped3A : memref<!tpu.dma_semaphore, #tpu.memory_space<semaphore_mem>>) src(%dma_wait3A_88 : memref<8192xi32, #tpu.memory_space<hbm>>) dst(%dma_wait3A_87 : memref<8192xi32, #tpu.memory_space<vmem>>)
        tpu.yield
      }) : () -> ()
      %mul3A_75 = arith.constant 8192 : i32
      %mul3A_76 = arith.muli %add3A_6, %mul3A_75 : i32
      %add3A_77 = arith.constant 4920 : i32
      %add3A_78 = arith.addi %add3A_77, %mul3A_76 : i32
      "tpu.region"() ({
        %run_scoped3A = tpu.sem_alloc : memref<!tpu.dma_semaphore, #tpu.memory_space<semaphore_mem>>
        %dma_start3A = arith.constant 0 : i32
        %dma_start3A_79 = tpu.memref_slice %arg19[%dma_start3A] : memref<8192xi32, #tpu.memory_space<vmem>> -> memref<8192xi32, #tpu.memory_space<vmem>>
        %dma_start3A_80 = tpu.memref_slice %arg27[%add3A_78] : memref<533616xi32, #tpu.memory_space<vmem_shared>> -> memref<8192xi32, #tpu.memory_space<vmem_shared>>
        %dma_start3A_81 = tpu.memref_slice %arg27[%add3A_78] : memref<533616xi32, #tpu.memory_space<vmem_shared>> -> memref<8192xi32, #tpu.memory_space<vmem_shared>>
        %dma_start3A_82 = arith.constant 0 : i32
        %dma_start3A_83 = tpu.memref_slice %arg19[%dma_start3A_82] : memref<8192xi32, #tpu.memory_space<vmem>> -> memref<8192xi32, #tpu.memory_space<vmem>>
        tpu.enqueue_dma source(%dma_start3A_83 : memref<8192xi32, #tpu.memory_space<vmem>>) target(%dma_start3A_81 : memref<8192xi32, #tpu.memory_space<vmem_shared>>) target_semaphore(%run_scoped3A : memref<!tpu.dma_semaphore, #tpu.memory_space<semaphore_mem>>)
        %dma_wait3A = arith.constant 0 : i32
        %dma_wait3A_84 = tpu.memref_slice %arg19[%dma_wait3A] : memref<8192xi32, #tpu.memory_space<vmem>> -> memref<8192xi32, #tpu.memory_space<vmem>>
        %dma_wait3A_85 = tpu.memref_slice %arg27[%add3A_78] : memref<533616xi32, #tpu.memory_space<vmem_shared>> -> memref<8192xi32, #tpu.memory_space<vmem_shared>>
        %dma_wait3A_86 = tpu.memref_slice %arg27[%add3A_78] : memref<533616xi32, #tpu.memory_space<vmem_shared>> -> memref<8192xi32, #tpu.memory_space<vmem_shared>>
        %dma_wait3A_87 = arith.constant 0 : i32
        %dma_wait3A_88 = tpu.memref_slice %arg19[%dma_wait3A_87] : memref<8192xi32, #tpu.memory_space<vmem>> -> memref<8192xi32, #tpu.memory_space<vmem>>
        tpu.wait_dma2 semaphore(%run_scoped3A : memref<!tpu.dma_semaphore, #tpu.memory_space<semaphore_mem>>) src(%dma_wait3A_88 : memref<8192xi32, #tpu.memory_space<vmem>>) dst(%dma_wait3A_86 : memref<8192xi32, #tpu.memory_space<vmem_shared>>)
        tpu.yield
      }) : () -> ()
    } else {
    }
    %eq3A_11 = arith.constant 0 : i32
    %eq3A_12 = arith.cmpi eq, %arg1, %eq3A_11 : i32
    %convert_element_type3A_13 = arith.extui %eq3A_12 : i1 to i32
    %cond3A_14 = arith.constant 0 : i32
    %cond3A_15 = arith.cmpi ne, %convert_element_type3A_13, %cond3A_14 : i32
    scf.if %cond3A_15 {
      "tpu.region"() ({
        %run_scoped3A = tpu.sem_alloc : memref<!tpu.dma_semaphore, #tpu.memory_space<semaphore_mem>>
        %dma_start3A = arith.constant 0 : i32
        %dma_start3A_71 = tpu.memref_slice %arg19[%dma_start3A] : memref<8192xi32, #tpu.memory_space<vmem>> -> memref<5632xi32, #tpu.memory_space<vmem>>
        %dma_start3A_72 = arith.constant 532480 : i32
        %dma_start3A_73 = tpu.memref_slice %arg5[%dma_start3A_72] : memref<8388608xi32, #tpu.memory_space<hbm>> -> memref<5632xi32, #tpu.memory_space<hbm>>
        %dma_start3A_74 = arith.constant 0 : i32
        %dma_start3A_75 = tpu.memref_slice %arg19[%dma_start3A_74] : memref<8192xi32, #tpu.memory_space<vmem>> -> memref<5632xi32, #tpu.memory_space<vmem>>
        %dma_start3A_76 = arith.constant 532480 : i32
        %dma_start3A_77 = tpu.memref_slice %arg5[%dma_start3A_76] : memref<8388608xi32, #tpu.memory_space<hbm>> -> memref<5632xi32, #tpu.memory_space<hbm>>
        tpu.enqueue_dma source(%dma_start3A_77 : memref<5632xi32, #tpu.memory_space<hbm>>) target(%dma_start3A_75 : memref<5632xi32, #tpu.memory_space<vmem>>) target_semaphore(%run_scoped3A : memref<!tpu.dma_semaphore, #tpu.memory_space<semaphore_mem>>)
        %dma_wait3A = arith.constant 0 : i32
        %dma_wait3A_78 = tpu.memref_slice %arg19[%dma_wait3A] : memref<8192xi32, #tpu.memory_space<vmem>> -> memref<5632xi32, #tpu.memory_space<vmem>>
        %dma_wait3A_79 = arith.constant 532480 : i32
        %dma_wait3A_80 = tpu.memref_slice %arg5[%dma_wait3A_79] : memref<8388608xi32, #tpu.memory_space<hbm>> -> memref<5632xi32, #tpu.memory_space<hbm>>
        %dma_wait3A_81 = arith.constant 0 : i32
        %dma_wait3A_82 = tpu.memref_slice %arg19[%dma_wait3A_81] : memref<8192xi32, #tpu.memory_space<vmem>> -> memref<5632xi32, #tpu.memory_space<vmem>>
        %dma_wait3A_83 = arith.constant 532480 : i32
        %dma_wait3A_84 = tpu.memref_slice %arg5[%dma_wait3A_83] : memref<8388608xi32, #tpu.memory_space<hbm>> -> memref<5632xi32, #tpu.memory_space<hbm>>
        tpu.wait_dma2 semaphore(%run_scoped3A : memref<!tpu.dma_semaphore, #tpu.memory_space<semaphore_mem>>) src(%dma_wait3A_84 : memref<5632xi32, #tpu.memory_space<hbm>>) dst(%dma_wait3A_82 : memref<5632xi32, #tpu.memory_space<vmem>>)
        tpu.yield
      }) : () -> ()
      "tpu.region"() ({
        %run_scoped3A = tpu.sem_alloc : memref<!tpu.dma_semaphore, #tpu.memory_space<semaphore_mem>>
        %dma_start3A = arith.constant 0 : i32
        %dma_start3A_71 = tpu.memref_slice %arg19[%dma_start3A] : memref<8192xi32, #tpu.memory_space<vmem>> -> memref<5632xi32, #tpu.memory_space<vmem>>
        %dma_start3A_72 = arith.constant 13112 : i32
        %dma_start3A_73 = tpu.memref_slice %arg27[%dma_start3A_72] : memref<533616xi32, #tpu.memory_space<vmem_shared>> -> memref<5632xi32, #tpu.memory_space<vmem_shared>>
        %dma_start3A_74 = arith.constant 13112 : i32
        %dma_start3A_75 = tpu.memref_slice %arg27[%dma_start3A_74] : memref<533616xi32, #tpu.memory_space<vmem_shared>> -> memref<5632xi32, #tpu.memory_space<vmem_shared>>
        %dma_start3A_76 = arith.constant 0 : i32
        %dma_start3A_77 = tpu.memref_slice %arg19[%dma_start3A_76] : memref<8192xi32, #tpu.memory_space<vmem>> -> memref<5632xi32, #tpu.memory_space<vmem>>
        tpu.enqueue_dma source(%dma_start3A_77 : memref<5632xi32, #tpu.memory_space<vmem>>) target(%dma_start3A_75 : memref<5632xi32, #tpu.memory_space<vmem_shared>>) target_semaphore(%run_scoped3A : memref<!tpu.dma_semaphore, #tpu.memory_space<semaphore_mem>>)
        %dma_wait3A = arith.constant 0 : i32
        %dma_wait3A_78 = tpu.memref_slice %arg19[%dma_wait3A] : memref<8192xi32, #tpu.memory_space<vmem>> -> memref<5632xi32, #tpu.memory_space<vmem>>
        %dma_wait3A_79 = arith.constant 13112 : i32
        %dma_wait3A_80 = tpu.memref_slice %arg27[%dma_wait3A_79] : memref<533616xi32, #tpu.memory_space<vmem_shared>> -> memref<5632xi32, #tpu.memory_space<vmem_shared>>
        %dma_wait3A_81 = arith.constant 13112 : i32
        %dma_wait3A_82 = tpu.memref_slice %arg27[%dma_wait3A_81] : memref<533616xi32, #tpu.memory_space<vmem_shared>> -> memref<5632xi32, #tpu.memory_space<vmem_shared>>
        %dma_wait3A_83 = arith.constant 0 : i32
        %dma_wait3A_84 = tpu.memref_slice %arg19[%dma_wait3A_83] : memref<8192xi32, #tpu.memory_space<vmem>> -> memref<5632xi32, #tpu.memory_space<vmem>>
        tpu.wait_dma2 semaphore(%run_scoped3A : memref<!tpu.dma_semaphore, #tpu.memory_space<semaphore_mem>>) src(%dma_wait3A_84 : memref<5632xi32, #tpu.memory_space<vmem>>) dst(%dma_wait3A_82 : memref<5632xi32, #tpu.memory_space<vmem_shared>>)
        tpu.yield
      }) : () -> ()
    } else {
    }
    %add3A_16 = arith.constant 0 : i32
    %add3A_17 = arith.addi %add3A_16, %arg1 : i32
    %lt3A_18 = arith.constant 4 : i32
    %lt3A_19 = arith.cmpi slt, %add3A_17, %lt3A_18 : i32
    %convert_element_type3A_20 = arith.extui %lt3A_19 : i1 to i32
    %cond3A_21 = arith.constant 0 : i32
    %cond3A_22 = arith.cmpi ne, %convert_element_type3A_20, %cond3A_21 : i32
    scf.if %cond3A_22 {
      %mul3A_71 = arith.constant 8192 : i32
      %mul3A_72 = arith.muli %add3A_17, %mul3A_71 : i32
      %add3A_73 = arith.constant 1048576 : i32
      %add3A_74 = arith.addi %add3A_73, %mul3A_72 : i32
      "tpu.region"() ({
        %run_scoped3A = tpu.sem_alloc : memref<!tpu.dma_semaphore, #tpu.memory_space<semaphore_mem>>
        %dma_start3A = arith.constant 0 : i32
        %dma_start3A_79 = tpu.memref_slice %arg19[%dma_start3A] : memref<8192xi32, #tpu.memory_space<vmem>> -> memref<8192xi32, #tpu.memory_space<vmem>>
        %dma_start3A_80 = tpu.memref_slice %arg5[%add3A_74] : memref<8388608xi32, #tpu.memory_space<hbm>> -> memref<8192xi32, #tpu.memory_space<hbm>>
        %dma_start3A_81 = arith.constant 0 : i32
        %dma_start3A_82 = tpu.memref_slice %arg19[%dma_start3A_81] : memref<8192xi32, #tpu.memory_space<vmem>> -> memref<8192xi32, #tpu.memory_space<vmem>>
        %dma_start3A_83 = tpu.memref_slice %arg5[%add3A_74] : memref<8388608xi32, #tpu.memory_space<hbm>> -> memref<8192xi32, #tpu.memory_space<hbm>>
        tpu.enqueue_dma source(%dma_start3A_83 : memref<8192xi32, #tpu.memory_space<hbm>>) target(%dma_start3A_82 : memref<8192xi32, #tpu.memory_space<vmem>>) target_semaphore(%run_scoped3A : memref<!tpu.dma_semaphore, #tpu.memory_space<semaphore_mem>>)
        %dma_wait3A = arith.constant 0 : i32
        %dma_wait3A_84 = tpu.memref_slice %arg19[%dma_wait3A] : memref<8192xi32, #tpu.memory_space<vmem>> -> memref<8192xi32, #tpu.memory_space<vmem>>
        %dma_wait3A_85 = tpu.memref_slice %arg5[%add3A_74] : memref<8388608xi32, #tpu.memory_space<hbm>> -> memref<8192xi32, #tpu.memory_space<hbm>>
        %dma_wait3A_86 = arith.constant 0 : i32
        %dma_wait3A_87 = tpu.memref_slice %arg19[%dma_wait3A_86] : memref<8192xi32, #tpu.memory_space<vmem>> -> memref<8192xi32, #tpu.memory_space<vmem>>
        %dma_wait3A_88 = tpu.memref_slice %arg5[%add3A_74] : memref<8388608xi32, #tpu.memory_space<hbm>> -> memref<8192xi32, #tpu.memory_space<hbm>>
        tpu.wait_dma2 semaphore(%run_scoped3A : memref<!tpu.dma_semaphore, #tpu.memory_space<semaphore_mem>>) src(%dma_wait3A_88 : memref<8192xi32, #tpu.memory_space<hbm>>) dst(%dma_wait3A_87 : memref<8192xi32, #tpu.memory_space<vmem>>)
        tpu.yield
      }) : () -> ()
      %mul3A_75 = arith.constant 8192 : i32
      %mul3A_76 = arith.muli %add3A_17, %mul3A_75 : i32
      %add3A_77 = arith.constant 18744 : i32
      %add3A_78 = arith.addi %add3A_77, %mul3A_76 : i32
      "tpu.region"() ({
        %run_scoped3A = tpu.sem_alloc : memref<!tpu.dma_semaphore, #tpu.memory_space<semaphore_mem>>
        %dma_start3A = arith.constant 0 : i32
        %dma_start3A_79 = tpu.memref_slice %arg19[%dma_start3A] : memref<8192xi32, #tpu.memory_space<vmem>> -> memref<8192xi32, #tpu.memory_space<vmem>>
        %dma_start3A_80 = tpu.memref_slice %arg27[%add3A_78] : memref<533616xi32, #tpu.memory_space<vmem_shared>> -> memref<8192xi32, #tpu.memory_space<vmem_shared>>
        %dma_start3A_81 = tpu.memref_slice %arg27[%add3A_78] : memref<533616xi32, #tpu.memory_space<vmem_shared>> -> memref<8192xi32, #tpu.memory_space<vmem_shared>>
        %dma_start3A_82 = arith.constant 0 : i32
        %dma_start3A_83 = tpu.memref_slice %arg19[%dma_start3A_82] : memref<8192xi32, #tpu.memory_space<vmem>> -> memref<8192xi32, #tpu.memory_space<vmem>>
        tpu.enqueue_dma source(%dma_start3A_83 : memref<8192xi32, #tpu.memory_space<vmem>>) target(%dma_start3A_81 : memref<8192xi32, #tpu.memory_space<vmem_shared>>) target_semaphore(%run_scoped3A : memref<!tpu.dma_semaphore, #tpu.memory_space<semaphore_mem>>)
        %dma_wait3A = arith.constant 0 : i32
        %dma_wait3A_84 = tpu.memref_slice %arg19[%dma_wait3A] : memref<8192xi32, #tpu.memory_space<vmem>> -> memref<8192xi32, #tpu.memory_space<vmem>>
        %dma_wait3A_85 = tpu.memref_slice %arg27[%add3A_78] : memref<533616xi32, #tpu.memory_space<vmem_shared>> -> memref<8192xi32, #tpu.memory_space<vmem_shared>>
        %dma_wait3A_86 = tpu.memref_slice %arg27[%add3A_78] : memref<533616xi32, #tpu.memory_space<vmem_shared>> -> memref<8192xi32, #tpu.memory_space<vmem_shared>>
        %dma_wait3A_87 = arith.constant 0 : i32
        %dma_wait3A_88 = tpu.memref_slice %arg19[%dma_wait3A_87] : memref<8192xi32, #tpu.memory_space<vmem>> -> memref<8192xi32, #tpu.memory_space<vmem>>
        tpu.wait_dma2 semaphore(%run_scoped3A : memref<!tpu.dma_semaphore, #tpu.memory_space<semaphore_mem>>) src(%dma_wait3A_88 : memref<8192xi32, #tpu.memory_space<vmem>>) dst(%dma_wait3A_86 : memref<8192xi32, #tpu.memory_space<vmem_shared>>)
        tpu.yield
      }) : () -> ()
    } else {
    }
    %eq3A_23 = arith.constant 0 : i32
    %eq3A_24 = arith.cmpi eq, %arg1, %eq3A_23 : i32
    %convert_element_type3A_25 = arith.extui %eq3A_24 : i1 to i32
    %cond3A_26 = arith.constant 0 : i32
    %cond3A_27 = arith.cmpi ne, %convert_element_type3A_25, %cond3A_26 : i32
    scf.if %cond3A_27 {
      "tpu.region"() ({
        %run_scoped3A = tpu.sem_alloc : memref<!tpu.dma_semaphore, #tpu.memory_space<semaphore_mem>>
        %dma_start3A = arith.constant 0 : i32
        %dma_start3A_71 = tpu.memref_slice %arg19[%dma_start3A] : memref<8192xi32, #tpu.memory_space<vmem>> -> memref<6536xi32, #tpu.memory_space<vmem>>
        %dma_start3A_72 = arith.constant 1081344 : i32
        %dma_start3A_73 = tpu.memref_slice %arg5[%dma_start3A_72] : memref<8388608xi32, #tpu.memory_space<hbm>> -> memref<6536xi32, #tpu.memory_space<hbm>>
        %dma_start3A_74 = arith.constant 0 : i32
        %dma_start3A_75 = tpu.memref_slice %arg19[%dma_start3A_74] : memref<8192xi32, #tpu.memory_space<vmem>> -> memref<6536xi32, #tpu.memory_space<vmem>>
        %dma_start3A_76 = arith.constant 1081344 : i32
        %dma_start3A_77 = tpu.memref_slice %arg5[%dma_start3A_76] : memref<8388608xi32, #tpu.memory_space<hbm>> -> memref<6536xi32, #tpu.memory_space<hbm>>
        tpu.enqueue_dma source(%dma_start3A_77 : memref<6536xi32, #tpu.memory_space<hbm>>) target(%dma_start3A_75 : memref<6536xi32, #tpu.memory_space<vmem>>) target_semaphore(%run_scoped3A : memref<!tpu.dma_semaphore, #tpu.memory_space<semaphore_mem>>)
        %dma_wait3A = arith.constant 0 : i32
        %dma_wait3A_78 = tpu.memref_slice %arg19[%dma_wait3A] : memref<8192xi32, #tpu.memory_space<vmem>> -> memref<6536xi32, #tpu.memory_space<vmem>>
        %dma_wait3A_79 = arith.constant 1081344 : i32
        %dma_wait3A_80 = tpu.memref_slice %arg5[%dma_wait3A_79] : memref<8388608xi32, #tpu.memory_space<hbm>> -> memref<6536xi32, #tpu.memory_space<hbm>>
        %dma_wait3A_81 = arith.constant 0 : i32
        %dma_wait3A_82 = tpu.memref_slice %arg19[%dma_wait3A_81] : memref<8192xi32, #tpu.memory_space<vmem>> -> memref<6536xi32, #tpu.memory_space<vmem>>
        %dma_wait3A_83 = arith.constant 1081344 : i32
        %dma_wait3A_84 = tpu.memref_slice %arg5[%dma_wait3A_83] : memref<8388608xi32, #tpu.memory_space<hbm>> -> memref<6536xi32, #tpu.memory_space<hbm>>
        tpu.wait_dma2 semaphore(%run_scoped3A : memref<!tpu.dma_semaphore, #tpu.memory_space<semaphore_mem>>) src(%dma_wait3A_84 : memref<6536xi32, #tpu.memory_space<hbm>>) dst(%dma_wait3A_82 : memref<6536xi32, #tpu.memory_space<vmem>>)
        tpu.yield
      }) : () -> ()
      "tpu.region"() ({
        %run_scoped3A = tpu.sem_alloc : memref<!tpu.dma_semaphore, #tpu.memory_space<semaphore_mem>>
        %dma_start3A = arith.constant 0 : i32
        %dma_start3A_71 = tpu.memref_slice %arg19[%dma_start3A] : memref<8192xi32, #tpu.memory_space<vmem>> -> memref<6536xi32, #tpu.memory_space<vmem>>
        %dma_start3A_72 = arith.constant 51512 : i32
        %dma_start3A_73 = tpu.memref_slice %arg27[%dma_start3A_72] : memref<533616xi32, #tpu.memory_space<vmem_shared>> -> memref<6536xi32, #tpu.memory_space<vmem_shared>>
        %dma_start3A_74 = arith.constant 51512 : i32
        %dma_start3A_75 = tpu.memref_slice %arg27[%dma_start3A_74] : memref<533616xi32, #tpu.memory_space<vmem_shared>> -> memref<6536xi32, #tpu.memory_space<vmem_shared>>
        %dma_start3A_76 = arith.constant 0 : i32
        %dma_start3A_77 = tpu.memref_slice %arg19[%dma_start3A_76] : memref<8192xi32, #tpu.memory_space<vmem>> -> memref<6536xi32, #tpu.memory_space<vmem>>
        tpu.enqueue_dma source(%dma_start3A_77 : memref<6536xi32, #tpu.memory_space<vmem>>) target(%dma_start3A_75 : memref<6536xi32, #tpu.memory_space<vmem_shared>>) target_semaphore(%run_scoped3A : memref<!tpu.dma_semaphore, #tpu.memory_space<semaphore_mem>>)
        %dma_wait3A = arith.constant 0 : i32
        %dma_wait3A_78 = tpu.memref_slice %arg19[%dma_wait3A] : memref<8192xi32, #tpu.memory_space<vmem>> -> memref<6536xi32, #tpu.memory_space<vmem>>
        %dma_wait3A_79 = arith.constant 51512 : i32
        %dma_wait3A_80 = tpu.memref_slice %arg27[%dma_wait3A_79] : memref<533616xi32, #tpu.memory_space<vmem_shared>> -> memref<6536xi32, #tpu.memory_space<vmem_shared>>
        %dma_wait3A_81 = arith.constant 51512 : i32
        %dma_wait3A_82 = tpu.memref_slice %arg27[%dma_wait3A_81] : memref<533616xi32, #tpu.memory_space<vmem_shared>> -> memref<6536xi32, #tpu.memory_space<vmem_shared>>
        %dma_wait3A_83 = arith.constant 0 : i32
        %dma_wait3A_84 = tpu.memref_slice %arg19[%dma_wait3A_83] : memref<8192xi32, #tpu.memory_space<vmem>> -> memref<6536xi32, #tpu.memory_space<vmem>>
        tpu.wait_dma2 semaphore(%run_scoped3A : memref<!tpu.dma_semaphore, #tpu.memory_space<semaphore_mem>>) src(%dma_wait3A_84 : memref<6536xi32, #tpu.memory_space<vmem>>) dst(%dma_wait3A_82 : memref<6536xi32, #tpu.memory_space<vmem_shared>>)
        tpu.yield
      }) : () -> ()
    } else {
    }
    %add3A_28 = arith.constant 0 : i32
    %add3A_29 = arith.addi %add3A_28, %arg1 : i32
    %lt3A_30 = arith.constant 14 : i32
    %lt3A_31 = arith.cmpi slt, %add3A_29, %lt3A_30 : i32
    %convert_element_type3A_32 = arith.extui %lt3A_31 : i1 to i32
    %cond3A_33 = arith.constant 0 : i32
    %cond3A_34 = arith.cmpi ne, %convert_element_type3A_32, %cond3A_33 : i32
    scf.if %cond3A_34 {
      %mul3A_71 = arith.constant 8192 : i32
      %mul3A_72 = arith.muli %add3A_29, %mul3A_71 : i32
      %add3A_73 = arith.constant 1572864 : i32
      %add3A_74 = arith.addi %add3A_73, %mul3A_72 : i32
      "tpu.region"() ({
        %run_scoped3A = tpu.sem_alloc : memref<!tpu.dma_semaphore, #tpu.memory_space<semaphore_mem>>
        %dma_start3A = arith.constant 0 : i32
        %dma_start3A_79 = tpu.memref_slice %arg19[%dma_start3A] : memref<8192xi32, #tpu.memory_space<vmem>> -> memref<8192xi32, #tpu.memory_space<vmem>>
        %dma_start3A_80 = tpu.memref_slice %arg5[%add3A_74] : memref<8388608xi32, #tpu.memory_space<hbm>> -> memref<8192xi32, #tpu.memory_space<hbm>>
        %dma_start3A_81 = arith.constant 0 : i32
        %dma_start3A_82 = tpu.memref_slice %arg19[%dma_start3A_81] : memref<8192xi32, #tpu.memory_space<vmem>> -> memref<8192xi32, #tpu.memory_space<vmem>>
        %dma_start3A_83 = tpu.memref_slice %arg5[%add3A_74] : memref<8388608xi32, #tpu.memory_space<hbm>> -> memref<8192xi32, #tpu.memory_space<hbm>>
        tpu.enqueue_dma source(%dma_start3A_83 : memref<8192xi32, #tpu.memory_space<hbm>>) target(%dma_start3A_82 : memref<8192xi32, #tpu.memory_space<vmem>>) target_semaphore(%run_scoped3A : memref<!tpu.dma_semaphore, #tpu.memory_space<semaphore_mem>>)
        %dma_wait3A = arith.constant 0 : i32
        %dma_wait3A_84 = tpu.memref_slice %arg19[%dma_wait3A] : memref<8192xi32, #tpu.memory_space<vmem>> -> memref<8192xi32, #tpu.memory_space<vmem>>
        %dma_wait3A_85 = tpu.memref_slice %arg5[%add3A_74] : memref<8388608xi32, #tpu.memory_space<hbm>> -> memref<8192xi32, #tpu.memory_space<hbm>>
        %dma_wait3A_86 = arith.constant 0 : i32
        %dma_wait3A_87 = tpu.memref_slice %arg19[%dma_wait3A_86] : memref<8192xi32, #tpu.memory_space<vmem>> -> memref<8192xi32, #tpu.memory_space<vmem>>
        %dma_wait3A_88 = tpu.memref_slice %arg5[%add3A_74] : memref<8388608xi32, #tpu.memory_space<hbm>> -> memref<8192xi32, #tpu.memory_space<hbm>>
        tpu.wait_dma2 semaphore(%run_scoped3A : memref<!tpu.dma_semaphore, #tpu.memory_space<semaphore_mem>>) src(%dma_wait3A_88 : memref<8192xi32, #tpu.memory_space<hbm>>) dst(%dma_wait3A_87 : memref<8192xi32, #tpu.memory_space<vmem>>)
        tpu.yield
      }) : () -> ()
      %mul3A_75 = arith.constant 8192 : i32
      %mul3A_76 = arith.muli %add3A_29, %mul3A_75 : i32
      %add3A_77 = arith.constant 58048 : i32
      %add3A_78 = arith.addi %add3A_77, %mul3A_76 : i32
      "tpu.region"() ({
        %run_scoped3A = tpu.sem_alloc : memref<!tpu.dma_semaphore, #tpu.memory_space<semaphore_mem>>
        %dma_start3A = arith.constant 0 : i32
        %dma_start3A_79 = tpu.memref_slice %arg19[%dma_start3A] : memref<8192xi32, #tpu.memory_space<vmem>> -> memref<8192xi32, #tpu.memory_space<vmem>>
        %dma_start3A_80 = tpu.memref_slice %arg27[%add3A_78] : memref<533616xi32, #tpu.memory_space<vmem_shared>> -> memref<8192xi32, #tpu.memory_space<vmem_shared>>
        %dma_start3A_81 = tpu.memref_slice %arg27[%add3A_78] : memref<533616xi32, #tpu.memory_space<vmem_shared>> -> memref<8192xi32, #tpu.memory_space<vmem_shared>>
        %dma_start3A_82 = arith.constant 0 : i32
        %dma_start3A_83 = tpu.memref_slice %arg19[%dma_start3A_82] : memref<8192xi32, #tpu.memory_space<vmem>> -> memref<8192xi32, #tpu.memory_space<vmem>>
        tpu.enqueue_dma source(%dma_start3A_83 : memref<8192xi32, #tpu.memory_space<vmem>>) target(%dma_start3A_81 : memref<8192xi32, #tpu.memory_space<vmem_shared>>) target_semaphore(%run_scoped3A : memref<!tpu.dma_semaphore, #tpu.memory_space<semaphore_mem>>)
        %dma_wait3A = arith.constant 0 : i32
        %dma_wait3A_84 = tpu.memref_slice %arg19[%dma_wait3A] : memref<8192xi32, #tpu.memory_space<vmem>> -> memref<8192xi32, #tpu.memory_space<vmem>>
        %dma_wait3A_85 = tpu.memref_slice %arg27[%add3A_78] : memref<533616xi32, #tpu.memory_space<vmem_shared>> -> memref<8192xi32, #tpu.memory_space<vmem_shared>>
        %dma_wait3A_86 = tpu.memref_slice %arg27[%add3A_78] : memref<533616xi32, #tpu.memory_space<vmem_shared>> -> memref<8192xi32, #tpu.memory_space<vmem_shared>>
        %dma_wait3A_87 = arith.constant 0 : i32
        %dma_wait3A_88 = tpu.memref_slice %arg19[%dma_wait3A_87] : memref<8192xi32, #tpu.memory_space<vmem>> -> memref<8192xi32, #tpu.memory_space<vmem>>
        tpu.wait_dma2 semaphore(%run_scoped3A : memref<!tpu.dma_semaphore, #tpu.memory_space<semaphore_mem>>) src(%dma_wait3A_88 : memref<8192xi32, #tpu.memory_space<vmem>>) dst(%dma_wait3A_86 : memref<8192xi32, #tpu.memory_space<vmem_shared>>)
        tpu.yield
      }) : () -> ()
    } else {
    }
    %eq3A_35 = arith.constant 0 : i32
    %eq3A_36 = arith.cmpi eq, %arg1, %eq3A_35 : i32
    %convert_element_type3A_37 = arith.extui %eq3A_36 : i1 to i32
    %cond3A_38 = arith.constant 0 : i32
    %cond3A_39 = arith.cmpi ne, %convert_element_type3A_37, %cond3A_38 : i32
    scf.if %cond3A_39 {
      "tpu.region"() ({
        %run_scoped3A = tpu.sem_alloc : memref<!tpu.dma_semaphore, #tpu.memory_space<semaphore_mem>>
        %dma_start3A = arith.constant 0 : i32
        %dma_start3A_71 = tpu.memref_slice %arg19[%dma_start3A] : memref<8192xi32, #tpu.memory_space<vmem>> -> memref<2968xi32, #tpu.memory_space<vmem>>
        %dma_start3A_72 = arith.constant 1687552 : i32
        %dma_start3A_73 = tpu.memref_slice %arg5[%dma_start3A_72] : memref<8388608xi32, #tpu.memory_space<hbm>> -> memref<2968xi32, #tpu.memory_space<hbm>>
        %dma_start3A_74 = arith.constant 0 : i32
        %dma_start3A_75 = tpu.memref_slice %arg19[%dma_start3A_74] : memref<8192xi32, #tpu.memory_space<vmem>> -> memref<2968xi32, #tpu.memory_space<vmem>>
        %dma_start3A_76 = arith.constant 1687552 : i32
        %dma_start3A_77 = tpu.memref_slice %arg5[%dma_start3A_76] : memref<8388608xi32, #tpu.memory_space<hbm>> -> memref<2968xi32, #tpu.memory_space<hbm>>
        tpu.enqueue_dma source(%dma_start3A_77 : memref<2968xi32, #tpu.memory_space<hbm>>) target(%dma_start3A_75 : memref<2968xi32, #tpu.memory_space<vmem>>) target_semaphore(%run_scoped3A : memref<!tpu.dma_semaphore, #tpu.memory_space<semaphore_mem>>)
        %dma_wait3A = arith.constant 0 : i32
        %dma_wait3A_78 = tpu.memref_slice %arg19[%dma_wait3A] : memref<8192xi32, #tpu.memory_space<vmem>> -> memref<2968xi32, #tpu.memory_space<vmem>>
        %dma_wait3A_79 = arith.constant 1687552 : i32
        %dma_wait3A_80 = tpu.memref_slice %arg5[%dma_wait3A_79] : memref<8388608xi32, #tpu.memory_space<hbm>> -> memref<2968xi32, #tpu.memory_space<hbm>>
        %dma_wait3A_81 = arith.constant 0 : i32
        %dma_wait3A_82 = tpu.memref_slice %arg19[%dma_wait3A_81] : memref<8192xi32, #tpu.memory_space<vmem>> -> memref<2968xi32, #tpu.memory_space<vmem>>
        %dma_wait3A_83 = arith.constant 1687552 : i32
        %dma_wait3A_84 = tpu.memref_slice %arg5[%dma_wait3A_83] : memref<8388608xi32, #tpu.memory_space<hbm>> -> memref<2968xi32, #tpu.memory_space<hbm>>
        tpu.wait_dma2 semaphore(%run_scoped3A : memref<!tpu.dma_semaphore, #tpu.memory_space<semaphore_mem>>) src(%dma_wait3A_84 : memref<2968xi32, #tpu.memory_space<hbm>>) dst(%dma_wait3A_82 : memref<2968xi32, #tpu.memory_space<vmem>>)
        tpu.yield
      }) : () -> ()
      "tpu.region"() ({
        %run_scoped3A = tpu.sem_alloc : memref<!tpu.dma_semaphore, #tpu.memory_space<semaphore_mem>>
        %dma_start3A = arith.constant 0 : i32
        %dma_start3A_71 = tpu.memref_slice %arg19[%dma_start3A] : memref<8192xi32, #tpu.memory_space<vmem>> -> memref<2968xi32, #tpu.memory_space<vmem>>
        %dma_start3A_72 = arith.constant 172736 : i32
        %dma_start3A_73 = tpu.memref_slice %arg27[%dma_start3A_72] : memref<533616xi32, #tpu.memory_space<vmem_shared>> -> memref<2968xi32, #tpu.memory_space<vmem_shared>>
        %dma_start3A_74 = arith.constant 172736 : i32
        %dma_start3A_75 = tpu.memref_slice %arg27[%dma_start3A_74] : memref<533616xi32, #tpu.memory_space<vmem_shared>> -> memref<2968xi32, #tpu.memory_space<vmem_shared>>
        %dma_start3A_76 = arith.constant 0 : i32
        %dma_start3A_77 = tpu.memref_slice %arg19[%dma_start3A_76] : memref<8192xi32, #tpu.memory_space<vmem>> -> memref<2968xi32, #tpu.memory_space<vmem>>
        tpu.enqueue_dma source(%dma_start3A_77 : memref<2968xi32, #tpu.memory_space<vmem>>) target(%dma_start3A_75 : memref<2968xi32, #tpu.memory_space<vmem_shared>>) target_semaphore(%run_scoped3A : memref<!tpu.dma_semaphore, #tpu.memory_space<semaphore_mem>>)
        %dma_wait3A = arith.constant 0 : i32
        %dma_wait3A_78 = tpu.memref_slice %arg19[%dma_wait3A] : memref<8192xi32, #tpu.memory_space<vmem>> -> memref<2968xi32, #tpu.memory_space<vmem>>
        %dma_wait3A_79 = arith.constant 172736 : i32
        %dma_wait3A_80 = tpu.memref_slice %arg27[%dma_wait3A_79] : memref<533616xi32, #tpu.memory_space<vmem_shared>> -> memref<2968xi32, #tpu.memory_space<vmem_shared>>
        %dma_wait3A_81 = arith.constant 172736 : i32
        %dma_wait3A_82 = tpu.memref_slice %arg27[%dma_wait3A_81] : memref<533616xi32, #tpu.memory_space<vmem_shared>> -> memref<2968xi32, #tpu.memory_space<vmem_shared>>
        %dma_wait3A_83 = arith.constant 0 : i32
        %dma_wait3A_84 = tpu.memref_slice %arg19[%dma_wait3A_83] : memref<8192xi32, #tpu.memory_space<vmem>> -> memref<2968xi32, #tpu.memory_space<vmem>>
        tpu.wait_dma2 semaphore(%run_scoped3A : memref<!tpu.dma_semaphore, #tpu.memory_space<semaphore_mem>>) src(%dma_wait3A_84 : memref<2968xi32, #tpu.memory_space<vmem>>) dst(%dma_wait3A_82 : memref<2968xi32, #tpu.memory_space<vmem_shared>>)
        tpu.yield
      }) : () -> ()
    } else {
    }
    %add3A_40 = arith.constant 0 : i32
    %add3A_41 = arith.addi %add3A_40, %arg1 : i32
    %lt3A_42 = arith.constant 43 : i32
    %lt3A_43 = arith.cmpi slt, %add3A_41, %lt3A_42 : i32
    %convert_element_type3A_44 = arith.extui %lt3A_43 : i1 to i32
    %cond3A_45 = arith.constant 0 : i32
    %cond3A_46 = arith.cmpi ne, %convert_element_type3A_44, %cond3A_45 : i32
    scf.if %cond3A_46 {
      %mul3A_71 = arith.constant 8192 : i32
      %mul3A_72 = arith.muli %add3A_41, %mul3A_71 : i32
      %add3A_73 = arith.constant 2097152 : i32
      %add3A_74 = arith.addi %add3A_73, %mul3A_72 : i32
      "tpu.region"() ({
        %run_scoped3A = tpu.sem_alloc : memref<!tpu.dma_semaphore, #tpu.memory_space<semaphore_mem>>
        %dma_start3A = arith.constant 0 : i32
        %dma_start3A_79 = tpu.memref_slice %arg19[%dma_start3A] : memref<8192xi32, #tpu.memory_space<vmem>> -> memref<8192xi32, #tpu.memory_space<vmem>>
        %dma_start3A_80 = tpu.memref_slice %arg5[%add3A_74] : memref<8388608xi32, #tpu.memory_space<hbm>> -> memref<8192xi32, #tpu.memory_space<hbm>>
        %dma_start3A_81 = arith.constant 0 : i32
        %dma_start3A_82 = tpu.memref_slice %arg19[%dma_start3A_81] : memref<8192xi32, #tpu.memory_space<vmem>> -> memref<8192xi32, #tpu.memory_space<vmem>>
        %dma_start3A_83 = tpu.memref_slice %arg5[%add3A_74] : memref<8388608xi32, #tpu.memory_space<hbm>> -> memref<8192xi32, #tpu.memory_space<hbm>>
        tpu.enqueue_dma source(%dma_start3A_83 : memref<8192xi32, #tpu.memory_space<hbm>>) target(%dma_start3A_82 : memref<8192xi32, #tpu.memory_space<vmem>>) target_semaphore(%run_scoped3A : memref<!tpu.dma_semaphore, #tpu.memory_space<semaphore_mem>>)
        %dma_wait3A = arith.constant 0 : i32
        %dma_wait3A_84 = tpu.memref_slice %arg19[%dma_wait3A] : memref<8192xi32, #tpu.memory_space<vmem>> -> memref<8192xi32, #tpu.memory_space<vmem>>
        %dma_wait3A_85 = tpu.memref_slice %arg5[%add3A_74] : memref<8388608xi32, #tpu.memory_space<hbm>> -> memref<8192xi32, #tpu.memory_space<hbm>>
        %dma_wait3A_86 = arith.constant 0 : i32
        %dma_wait3A_87 = tpu.memref_slice %arg19[%dma_wait3A_86] : memref<8192xi32, #tpu.memory_space<vmem>> -> memref<8192xi32, #tpu.memory_space<vmem>>
        %dma_wait3A_88 = tpu.memref_slice %arg5[%add3A_74] : memref<8388608xi32, #tpu.memory_space<hbm>> -> memref<8192xi32, #tpu.memory_space<hbm>>
        tpu.wait_dma2 semaphore(%run_scoped3A : memref<!tpu.dma_semaphore, #tpu.memory_space<semaphore_mem>>) src(%dma_wait3A_88 : memref<8192xi32, #tpu.memory_space<hbm>>) dst(%dma_wait3A_87 : memref<8192xi32, #tpu.memory_space<vmem>>)
        tpu.yield
      }) : () -> ()
      %mul3A_75 = arith.constant 8192 : i32
      %mul3A_76 = arith.muli %add3A_41, %mul3A_75 : i32
      %add3A_77 = arith.constant 175704 : i32
      %add3A_78 = arith.addi %add3A_77, %mul3A_76 : i32
      "tpu.region"() ({
        %run_scoped3A = tpu.sem_alloc : memref<!tpu.dma_semaphore, #tpu.memory_space<semaphore_mem>>
        %dma_start3A = arith.constant 0 : i32
        %dma_start3A_79 = tpu.memref_slice %arg19[%dma_start3A] : memref<8192xi32, #tpu.memory_space<vmem>> -> memref<8192xi32, #tpu.memory_space<vmem>>
        %dma_start3A_80 = tpu.memref_slice %arg27[%add3A_78] : memref<533616xi32, #tpu.memory_space<vmem_shared>> -> memref<8192xi32, #tpu.memory_space<vmem_shared>>
        %dma_start3A_81 = tpu.memref_slice %arg27[%add3A_78] : memref<533616xi32, #tpu.memory_space<vmem_shared>> -> memref<8192xi32, #tpu.memory_space<vmem_shared>>
        %dma_start3A_82 = arith.constant 0 : i32
        %dma_start3A_83 = tpu.memref_slice %arg19[%dma_start3A_82] : memref<8192xi32, #tpu.memory_space<vmem>> -> memref<8192xi32, #tpu.memory_space<vmem>>
        tpu.enqueue_dma source(%dma_start3A_83 : memref<8192xi32, #tpu.memory_space<vmem>>) target(%dma_start3A_81 : memref<8192xi32, #tpu.memory_space<vmem_shared>>) target_semaphore(%run_scoped3A : memref<!tpu.dma_semaphore, #tpu.memory_space<semaphore_mem>>)
        %dma_wait3A = arith.constant 0 : i32
        %dma_wait3A_84 = tpu.memref_slice %arg19[%dma_wait3A] : memref<8192xi32, #tpu.memory_space<vmem>> -> memref<8192xi32, #tpu.memory_space<vmem>>
        %dma_wait3A_85 = tpu.memref_slice %arg27[%add3A_78] : memref<533616xi32, #tpu.memory_space<vmem_shared>> -> memref<8192xi32, #tpu.memory_space<vmem_shared>>
        %dma_wait3A_86 = tpu.memref_slice %arg27[%add3A_78] : memref<533616xi32, #tpu.memory_space<vmem_shared>> -> memref<8192xi32, #tpu.memory_space<vmem_shared>>
        %dma_wait3A_87 = arith.constant 0 : i32
        %dma_wait3A_88 = tpu.memref_slice %arg19[%dma_wait3A_87] : memref<8192xi32, #tpu.memory_space<vmem>> -> memref<8192xi32, #tpu.memory_space<vmem>>
        tpu.wait_dma2 semaphore(%run_scoped3A : memref<!tpu.dma_semaphore, #tpu.memory_space<semaphore_mem>>) src(%dma_wait3A_88 : memref<8192xi32, #tpu.memory_space<vmem>>) dst(%dma_wait3A_86 : memref<8192xi32, #tpu.memory_space<vmem_shared>>)
        tpu.yield
      }) : () -> ()
    } else {
    }
    %add3A_47 = arith.constant 16 : i32
    %add3A_48 = arith.addi %add3A_47, %arg1 : i32
    %lt3A_49 = arith.constant 43 : i32
    %lt3A_50 = arith.cmpi slt, %add3A_48, %lt3A_49 : i32
    %convert_element_type3A_51 = arith.extui %lt3A_50 : i1 to i32
    %cond3A_52 = arith.constant 0 : i32
    %cond3A_53 = arith.cmpi ne, %convert_element_type3A_51, %cond3A_52 : i32
    scf.if %cond3A_53 {
      %mul3A_71 = arith.constant 8192 : i32
      %mul3A_72 = arith.muli %add3A_48, %mul3A_71 : i32
      %add3A_73 = arith.constant 2097152 : i32
      %add3A_74 = arith.addi %add3A_73, %mul3A_72 : i32
      "tpu.region"() ({
        %run_scoped3A = tpu.sem_alloc : memref<!tpu.dma_semaphore, #tpu.memory_space<semaphore_mem>>
        %dma_start3A = arith.constant 0 : i32
        %dma_start3A_79 = tpu.memref_slice %arg19[%dma_start3A] : memref<8192xi32, #tpu.memory_space<vmem>> -> memref<8192xi32, #tpu.memory_space<vmem>>
        %dma_start3A_80 = tpu.memref_slice %arg5[%add3A_74] : memref<8388608xi32, #tpu.memory_space<hbm>> -> memref<8192xi32, #tpu.memory_space<hbm>>
        %dma_start3A_81 = arith.constant 0 : i32
        %dma_start3A_82 = tpu.memref_slice %arg19[%dma_start3A_81] : memref<8192xi32, #tpu.memory_space<vmem>> -> memref<8192xi32, #tpu.memory_space<vmem>>
        %dma_start3A_83 = tpu.memref_slice %arg5[%add3A_74] : memref<8388608xi32, #tpu.memory_space<hbm>> -> memref<8192xi32, #tpu.memory_space<hbm>>
        tpu.enqueue_dma source(%dma_start3A_83 : memref<8192xi32, #tpu.memory_space<hbm>>) target(%dma_start3A_82 : memref<8192xi32, #tpu.memory_space<vmem>>) target_semaphore(%run_scoped3A : memref<!tpu.dma_semaphore, #tpu.memory_space<semaphore_mem>>)
        %dma_wait3A = arith.constant 0 : i32
        %dma_wait3A_84 = tpu.memref_slice %arg19[%dma_wait3A] : memref<8192xi32, #tpu.memory_space<vmem>> -> memref<8192xi32, #tpu.memory_space<vmem>>
        %dma_wait3A_85 = tpu.memref_slice %arg5[%add3A_74] : memref<8388608xi32, #tpu.memory_space<hbm>> -> memref<8192xi32, #tpu.memory_space<hbm>>
        %dma_wait3A_86 = arith.constant 0 : i32
        %dma_wait3A_87 = tpu.memref_slice %arg19[%dma_wait3A_86] : memref<8192xi32, #tpu.memory_space<vmem>> -> memref<8192xi32, #tpu.memory_space<vmem>>
        %dma_wait3A_88 = tpu.memref_slice %arg5[%add3A_74] : memref<8388608xi32, #tpu.memory_space<hbm>> -> memref<8192xi32, #tpu.memory_space<hbm>>
        tpu.wait_dma2 semaphore(%run_scoped3A : memref<!tpu.dma_semaphore, #tpu.memory_space<semaphore_mem>>) src(%dma_wait3A_88 : memref<8192xi32, #tpu.memory_space<hbm>>) dst(%dma_wait3A_87 : memref<8192xi32, #tpu.memory_space<vmem>>)
        tpu.yield
      }) : () -> ()
      %mul3A_75 = arith.constant 8192 : i32
      %mul3A_76 = arith.muli %add3A_48, %mul3A_75 : i32
      %add3A_77 = arith.constant 175704 : i32
      %add3A_78 = arith.addi %add3A_77, %mul3A_76 : i32
      "tpu.region"() ({
        %run_scoped3A = tpu.sem_alloc : memref<!tpu.dma_semaphore, #tpu.memory_space<semaphore_mem>>
        %dma_start3A = arith.constant 0 : i32
        %dma_start3A_79 = tpu.memref_slice %arg19[%dma_start3A] : memref<8192xi32, #tpu.memory_space<vmem>> -> memref<8192xi32, #tpu.memory_space<vmem>>
        %dma_start3A_80 = tpu.memref_slice %arg27[%add3A_78] : memref<533616xi32, #tpu.memory_space<vmem_shared>> -> memref<8192xi32, #tpu.memory_space<vmem_shared>>
        %dma_start3A_81 = tpu.memref_slice %arg27[%add3A_78] : memref<533616xi32, #tpu.memory_space<vmem_shared>> -> memref<8192xi32, #tpu.memory_space<vmem_shared>>
        %dma_start3A_82 = arith.constant 0 : i32
        %dma_start3A_83 = tpu.memref_slice %arg19[%dma_start3A_82] : memref<8192xi32, #tpu.memory_space<vmem>> -> memref<8192xi32, #tpu.memory_space<vmem>>
        tpu.enqueue_dma source(%dma_start3A_83 : memref<8192xi32, #tpu.memory_space<vmem>>) target(%dma_start3A_81 : memref<8192xi32, #tpu.memory_space<vmem_shared>>) target_semaphore(%run_scoped3A : memref<!tpu.dma_semaphore, #tpu.memory_space<semaphore_mem>>)
        %dma_wait3A = arith.constant 0 : i32
        %dma_wait3A_84 = tpu.memref_slice %arg19[%dma_wait3A] : memref<8192xi32, #tpu.memory_space<vmem>> -> memref<8192xi32, #tpu.memory_space<vmem>>
        %dma_wait3A_85 = tpu.memref_slice %arg27[%add3A_78] : memref<533616xi32, #tpu.memory_space<vmem_shared>> -> memref<8192xi32, #tpu.memory_space<vmem_shared>>
        %dma_wait3A_86 = tpu.memref_slice %arg27[%add3A_78] : memref<533616xi32, #tpu.memory_space<vmem_shared>> -> memref<8192xi32, #tpu.memory_space<vmem_shared>>
        %dma_wait3A_87 = arith.constant 0 : i32
        %dma_wait3A_88 = tpu.memref_slice %arg19[%dma_wait3A_87] : memref<8192xi32, #tpu.memory_space<vmem>> -> memref<8192xi32, #tpu.memory_space<vmem>>
        tpu.wait_dma2 semaphore(%run_scoped3A : memref<!tpu.dma_semaphore, #tpu.memory_space<semaphore_mem>>) src(%dma_wait3A_88 : memref<8192xi32, #tpu.memory_space<vmem>>) dst(%dma_wait3A_86 : memref<8192xi32, #tpu.memory_space<vmem_shared>>)
        tpu.yield
      }) : () -> ()
    } else {
    }
    %add3A_54 = arith.constant 32 : i32
    %add3A_55 = arith.addi %add3A_54, %arg1 : i32
    %lt3A_56 = arith.constant 43 : i32
    %lt3A_57 = arith.cmpi slt, %add3A_55, %lt3A_56 : i32
    %convert_element_type3A_58 = arith.extui %lt3A_57 : i1 to i32
    %cond3A_59 = arith.constant 0 : i32
    %cond3A_60 = arith.cmpi ne, %convert_element_type3A_58, %cond3A_59 : i32
    scf.if %cond3A_60 {
      %mul3A_71 = arith.constant 8192 : i32
      %mul3A_72 = arith.muli %add3A_55, %mul3A_71 : i32
      %add3A_73 = arith.constant 2097152 : i32
      %add3A_74 = arith.addi %add3A_73, %mul3A_72 : i32
      "tpu.region"() ({
        %run_scoped3A = tpu.sem_alloc : memref<!tpu.dma_semaphore, #tpu.memory_space<semaphore_mem>>
        %dma_start3A = arith.constant 0 : i32
        %dma_start3A_79 = tpu.memref_slice %arg19[%dma_start3A] : memref<8192xi32, #tpu.memory_space<vmem>> -> memref<8192xi32, #tpu.memory_space<vmem>>
        %dma_start3A_80 = tpu.memref_slice %arg5[%add3A_74] : memref<8388608xi32, #tpu.memory_space<hbm>> -> memref<8192xi32, #tpu.memory_space<hbm>>
        %dma_start3A_81 = arith.constant 0 : i32
        %dma_start3A_82 = tpu.memref_slice %arg19[%dma_start3A_81] : memref<8192xi32, #tpu.memory_space<vmem>> -> memref<8192xi32, #tpu.memory_space<vmem>>
        %dma_start3A_83 = tpu.memref_slice %arg5[%add3A_74] : memref<8388608xi32, #tpu.memory_space<hbm>> -> memref<8192xi32, #tpu.memory_space<hbm>>
        tpu.enqueue_dma source(%dma_start3A_83 : memref<8192xi32, #tpu.memory_space<hbm>>) target(%dma_start3A_82 : memref<8192xi32, #tpu.memory_space<vmem>>) target_semaphore(%run_scoped3A : memref<!tpu.dma_semaphore, #tpu.memory_space<semaphore_mem>>)
        %dma_wait3A = arith.constant 0 : i32
        %dma_wait3A_84 = tpu.memref_slice %arg19[%dma_wait3A] : memref<8192xi32, #tpu.memory_space<vmem>> -> memref<8192xi32, #tpu.memory_space<vmem>>
        %dma_wait3A_85 = tpu.memref_slice %arg5[%add3A_74] : memref<8388608xi32, #tpu.memory_space<hbm>> -> memref<8192xi32, #tpu.memory_space<hbm>>
        %dma_wait3A_86 = arith.constant 0 : i32
        %dma_wait3A_87 = tpu.memref_slice %arg19[%dma_wait3A_86] : memref<8192xi32, #tpu.memory_space<vmem>> -> memref<8192xi32, #tpu.memory_space<vmem>>
        %dma_wait3A_88 = tpu.memref_slice %arg5[%add3A_74] : memref<8388608xi32, #tpu.memory_space<hbm>> -> memref<8192xi32, #tpu.memory_space<hbm>>
        tpu.wait_dma2 semaphore(%run_scoped3A : memref<!tpu.dma_semaphore, #tpu.memory_space<semaphore_mem>>) src(%dma_wait3A_88 : memref<8192xi32, #tpu.memory_space<hbm>>) dst(%dma_wait3A_87 : memref<8192xi32, #tpu.memory_space<vmem>>)
        tpu.yield
      }) : () -> ()
      %mul3A_75 = arith.constant 8192 : i32
      %mul3A_76 = arith.muli %add3A_55, %mul3A_75 : i32
      %add3A_77 = arith.constant 175704 : i32
      %add3A_78 = arith.addi %add3A_77, %mul3A_76 : i32
      "tpu.region"() ({
        %run_scoped3A = tpu.sem_alloc : memref<!tpu.dma_semaphore, #tpu.memory_space<semaphore_mem>>
        %dma_start3A = arith.constant 0 : i32
        %dma_start3A_79 = tpu.memref_slice %arg19[%dma_start3A] : memref<8192xi32, #tpu.memory_space<vmem>> -> memref<8192xi32, #tpu.memory_space<vmem>>
        %dma_start3A_80 = tpu.memref_slice %arg27[%add3A_78] : memref<533616xi32, #tpu.memory_space<vmem_shared>> -> memref<8192xi32, #tpu.memory_space<vmem_shared>>
        %dma_start3A_81 = tpu.memref_slice %arg27[%add3A_78] : memref<533616xi32, #tpu.memory_space<vmem_shared>> -> memref<8192xi32, #tpu.memory_space<vmem_shared>>
        %dma_start3A_82 = arith.constant 0 : i32
        %dma_start3A_83 = tpu.memref_slice %arg19[%dma_start3A_82] : memref<8192xi32, #tpu.memory_space<vmem>> -> memref<8192xi32, #tpu.memory_space<vmem>>
        tpu.enqueue_dma source(%dma_start3A_83 : memref<8192xi32, #tpu.memory_space<vmem>>) target(%dma_start3A_81 : memref<8192xi32, #tpu.memory_space<vmem_shared>>) target_semaphore(%run_scoped3A : memref<!tpu.dma_semaphore, #tpu.memory_space<semaphore_mem>>)
        %dma_wait3A = arith.constant 0 : i32
        %dma_wait3A_84 = tpu.memref_slice %arg19[%dma_wait3A] : memref<8192xi32, #tpu.memory_space<vmem>> -> memref<8192xi32, #tpu.memory_space<vmem>>
        %dma_wait3A_85 = tpu.memref_slice %arg27[%add3A_78] : memref<533616xi32, #tpu.memory_space<vmem_shared>> -> memref<8192xi32, #tpu.memory_space<vmem_shared>>
        %dma_wait3A_86 = tpu.memref_slice %arg27[%add3A_78] : memref<533616xi32, #tpu.memory_space<vmem_shared>> -> memref<8192xi32, #tpu.memory_space<vmem_shared>>
        %dma_wait3A_87 = arith.constant 0 : i32
        %dma_wait3A_88 = tpu.memref_slice %arg19[%dma_wait3A_87] : memref<8192xi32, #tpu.memory_space<vmem>> -> memref<8192xi32, #tpu.memory_space<vmem>>
        tpu.wait_dma2 semaphore(%run_scoped3A : memref<!tpu.dma_semaphore, #tpu.memory_space<semaphore_mem>>) src(%dma_wait3A_88 : memref<8192xi32, #tpu.memory_space<vmem>>) dst(%dma_wait3A_86 : memref<8192xi32, #tpu.memory_space<vmem_shared>>)
        tpu.yield
      }) : () -> ()
    } else {
    }
    %eq3A_61 = arith.constant 0 : i32
    %eq3A_62 = arith.cmpi eq, %arg1, %eq3A_61 : i32
    %convert_element_type3A_63 = arith.extui %eq3A_62 : i1 to i32
    %cond3A_64 = arith.constant 0 : i32
    %cond3A_65 = arith.cmpi ne, %convert_element_type3A_63, %cond3A_64 : i32
    scf.if %cond3A_65 {
      "tpu.region"() ({
        %run_scoped3A = tpu.sem_alloc : memref<!tpu.dma_semaphore, #tpu.memory_space<semaphore_mem>>
        %dma_start3A = arith.constant 0 : i32
        %dma_start3A_71 = tpu.memref_slice %arg19[%dma_start3A] : memref<8192xi32, #tpu.memory_space<vmem>> -> memref<5656xi32, #tpu.memory_space<vmem>>
        %dma_start3A_72 = arith.constant 2449408 : i32
        %dma_start3A_73 = tpu.memref_slice %arg5[%dma_start3A_72] : memref<8388608xi32, #tpu.memory_space<hbm>> -> memref<5656xi32, #tpu.memory_space<hbm>>
        %dma_start3A_74 = arith.constant 0 : i32
        %dma_start3A_75 = tpu.memref_slice %arg19[%dma_start3A_74] : memref<8192xi32, #tpu.memory_space<vmem>> -> memref<5656xi32, #tpu.memory_space<vmem>>
        %dma_start3A_76 = arith.constant 2449408 : i32
        %dma_start3A_77 = tpu.memref_slice %arg5[%dma_start3A_76] : memref<8388608xi32, #tpu.memory_space<hbm>> -> memref<5656xi32, #tpu.memory_space<hbm>>
        tpu.enqueue_dma source(%dma_start3A_77 : memref<5656xi32, #tpu.memory_space<hbm>>) target(%dma_start3A_75 : memref<5656xi32, #tpu.memory_space<vmem>>) target_semaphore(%run_scoped3A : memref<!tpu.dma_semaphore, #tpu.memory_space<semaphore_mem>>)
        %dma_wait3A = arith.constant 0 : i32
        %dma_wait3A_78 = tpu.memref_slice %arg19[%dma_wait3A] : memref<8192xi32, #tpu.memory_space<vmem>> -> memref<5656xi32, #tpu.memory_space<vmem>>
        %dma_wait3A_79 = arith.constant 2449408 : i32
        %dma_wait3A_80 = tpu.memref_slice %arg5[%dma_wait3A_79] : memref<8388608xi32, #tpu.memory_space<hbm>> -> memref<5656xi32, #tpu.memory_space<hbm>>
        %dma_wait3A_81 = arith.constant 0 : i32
        %dma_wait3A_82 = tpu.memref_slice %arg19[%dma_wait3A_81] : memref<8192xi32, #tpu.memory_space<vmem>> -> memref<5656xi32, #tpu.memory_space<vmem>>
        %dma_wait3A_83 = arith.constant 2449408 : i32
        %dma_wait3A_84 = tpu.memref_slice %arg5[%dma_wait3A_83] : memref<8388608xi32, #tpu.memory_space<hbm>> -> memref<5656xi32, #tpu.memory_space<hbm>>
        tpu.wait_dma2 semaphore(%run_scoped3A : memref<!tpu.dma_semaphore, #tpu.memory_space<semaphore_mem>>) src(%dma_wait3A_84 : memref<5656xi32, #tpu.memory_space<hbm>>) dst(%dma_wait3A_82 : memref<5656xi32, #tpu.memory_space<vmem>>)
        tpu.yield
      }) : () -> ()
      "tpu.region"() ({
        %run_scoped3A = tpu.sem_alloc : memref<!tpu.dma_semaphore, #tpu.memory_space<semaphore_mem>>
        %dma_start3A = arith.constant 0 : i32
        %dma_start3A_71 = tpu.memref_slice %arg19[%dma_start3A] : memref<8192xi32, #tpu.memory_space<vmem>> -> memref<5656xi32, #tpu.memory_space<vmem>>
        %dma_start3A_72 = arith.constant 527960 : i32
        %dma_start3A_73 = tpu.memref_slice %arg27[%dma_start3A_72] : memref<533616xi32, #tpu.memory_space<vmem_shared>> -> memref<5656xi32, #tpu.memory_space<vmem_shared>>
        %dma_start3A_74 = arith.constant 527960 : i32
        %dma_start3A_75 = tpu.memref_slice %arg27[%dma_start3A_74] : memref<533616xi32, #tpu.memory_space<vmem_shared>> -> memref<5656xi32, #tpu.memory_space<vmem_shared>>
        %dma_start3A_76 = arith.constant 0 : i32
        %dma_start3A_77 = tpu.memref_slice %arg19[%dma_start3A_76] : memref<8192xi32, #tpu.memory_space<vmem>> -> memref<5656xi32, #tpu.memory_space<vmem>>
        tpu.enqueue_dma source(%dma_start3A_77 : memref<5656xi32, #tpu.memory_space<vmem>>) target(%dma_start3A_75 : memref<5656xi32, #tpu.memory_space<vmem_shared>>) target_semaphore(%run_scoped3A : memref<!tpu.dma_semaphore, #tpu.memory_space<semaphore_mem>>)
        %dma_wait3A = arith.constant 0 : i32
        %dma_wait3A_78 = tpu.memref_slice %arg19[%dma_wait3A] : memref<8192xi32, #tpu.memory_space<vmem>> -> memref<5656xi32, #tpu.memory_space<vmem>>
        %dma_wait3A_79 = arith.constant 527960 : i32
        %dma_wait3A_80 = tpu.memref_slice %arg27[%dma_wait3A_79] : memref<533616xi32, #tpu.memory_space<vmem_shared>> -> memref<5656xi32, #tpu.memory_space<vmem_shared>>
        %dma_wait3A_81 = arith.constant 527960 : i32
        %dma_wait3A_82 = tpu.memref_slice %arg27[%dma_wait3A_81] : memref<533616xi32, #tpu.memory_space<vmem_shared>> -> memref<5656xi32, #tpu.memory_space<vmem_shared>>
        %dma_wait3A_83 = arith.constant 0 : i32
        %dma_wait3A_84 = tpu.memref_slice %arg19[%dma_wait3A_83] : memref<8192xi32, #tpu.memory_space<vmem>> -> memref<5656xi32, #tpu.memory_space<vmem>>
        tpu.wait_dma2 semaphore(%run_scoped3A : memref<!tpu.dma_semaphore, #tpu.memory_space<semaphore_mem>>) src(%dma_wait3A_84 : memref<5656xi32, #tpu.memory_space<vmem>>) dst(%dma_wait3A_82 : memref<5656xi32, #tpu.memory_space<vmem_shared>>)
        tpu.yield
      }) : () -> ()
    } else {
    }
    %barrier3A = arith.constant 0 : index
    tpu.barrier barrier_id(%barrier3A)
    %scan3A = arith.constant 0 : i32
    %scan3A_66 = arith.constant 0 : i32
    %scan3A_67 = arith.constant 8 : i32
    %scan3A_68 = arith.addi %scan3A_66, %scan3A_67 : i32
    %scan3A_69 = arith.constant 1 : i32
    scf.for %scan3A_71 = %scan3A_66 to %scan3A_68 step %scan3A_69  : i32 {
      %mul3A_72 = arith.constant 1024 : i32
      %mul3A_73 = arith.muli %scan3A_71, %mul3A_72 : i32
      %add3A_74 = arith.addi %mul3A_2, %mul3A_73 : i32
      "tpu.region"() ({
        %run_scoped3A = tpu.sem_alloc : memref<!tpu.dma_semaphore, #tpu.memory_space<semaphore_mem>>
        %dma_start3A = tpu.memref_slice %arg2[%add3A_74] : memref<262144xf32, #tpu.memory_space<hbm>> -> memref<1024xf32, #tpu.memory_space<hbm>>
        %dma_start3A_143 = tpu.memref_slice %arg2[%add3A_74] : memref<262144xf32, #tpu.memory_space<hbm>> -> memref<1024xf32, #tpu.memory_space<hbm>>
        tpu.enqueue_dma source(%dma_start3A_143 : memref<1024xf32, #tpu.memory_space<hbm>>) target(%arg12 : memref<1024xf32, #tpu.memory_space<vmem>>) target_semaphore(%run_scoped3A : memref<!tpu.dma_semaphore, #tpu.memory_space<semaphore_mem>>)
        %dma_wait3A_144 = tpu.memref_slice %arg2[%add3A_74] : memref<262144xf32, #tpu.memory_space<hbm>> -> memref<1024xf32, #tpu.memory_space<hbm>>
        %dma_wait3A_145 = tpu.memref_slice %arg2[%add3A_74] : memref<262144xf32, #tpu.memory_space<hbm>> -> memref<1024xf32, #tpu.memory_space<hbm>>
        tpu.wait_dma2 semaphore(%run_scoped3A : memref<!tpu.dma_semaphore, #tpu.memory_space<semaphore_mem>>) src(%dma_wait3A_145 : memref<1024xf32, #tpu.memory_space<hbm>>) dst(%arg12 : memref<1024xf32, #tpu.memory_space<vmem>>)
        tpu.yield
      }) : () -> ()
      "tpu.region"() ({
        %run_scoped3A = tpu.sem_alloc : memref<!tpu.dma_semaphore, #tpu.memory_space<semaphore_mem>>
        %dma_start3A = tpu.memref_slice %arg3[%add3A_74] : memref<262144xf32, #tpu.memory_space<hbm>> -> memref<1024xf32, #tpu.memory_space<hbm>>
        %dma_start3A_143 = tpu.memref_slice %arg3[%add3A_74] : memref<262144xf32, #tpu.memory_space<hbm>> -> memref<1024xf32, #tpu.memory_space<hbm>>
        tpu.enqueue_dma source(%dma_start3A_143 : memref<1024xf32, #tpu.memory_space<hbm>>) target(%arg13 : memref<1024xf32, #tpu.memory_space<vmem>>) target_semaphore(%run_scoped3A : memref<!tpu.dma_semaphore, #tpu.memory_space<semaphore_mem>>)
        %dma_wait3A_144 = tpu.memref_slice %arg3[%add3A_74] : memref<262144xf32, #tpu.memory_space<hbm>> -> memref<1024xf32, #tpu.memory_space<hbm>>
        %dma_wait3A_145 = tpu.memref_slice %arg3[%add3A_74] : memref<262144xf32, #tpu.memory_space<hbm>> -> memref<1024xf32, #tpu.memory_space<hbm>>
        tpu.wait_dma2 semaphore(%run_scoped3A : memref<!tpu.dma_semaphore, #tpu.memory_space<semaphore_mem>>) src(%dma_wait3A_145 : memref<1024xf32, #tpu.memory_space<hbm>>) dst(%arg13 : memref<1024xf32, #tpu.memory_space<vmem>>)
        tpu.yield
      }) : () -> ()
      "tpu.region"() ({
        %run_scoped3A = tpu.sem_alloc : memref<!tpu.dma_semaphore, #tpu.memory_space<semaphore_mem>>
        %dma_start3A = tpu.memref_slice %arg4[%add3A_74] : memref<262144xf32, #tpu.memory_space<hbm>> -> memref<1024xf32, #tpu.memory_space<hbm>>
        %dma_start3A_143 = tpu.memref_slice %arg4[%add3A_74] : memref<262144xf32, #tpu.memory_space<hbm>> -> memref<1024xf32, #tpu.memory_space<hbm>>
        tpu.enqueue_dma source(%dma_start3A_143 : memref<1024xf32, #tpu.memory_space<hbm>>) target(%arg14 : memref<1024xf32, #tpu.memory_space<vmem>>) target_semaphore(%run_scoped3A : memref<!tpu.dma_semaphore, #tpu.memory_space<semaphore_mem>>)
        %dma_wait3A_144 = tpu.memref_slice %arg4[%add3A_74] : memref<262144xf32, #tpu.memory_space<hbm>> -> memref<1024xf32, #tpu.memory_space<hbm>>
        %dma_wait3A_145 = tpu.memref_slice %arg4[%add3A_74] : memref<262144xf32, #tpu.memory_space<hbm>> -> memref<1024xf32, #tpu.memory_space<hbm>>
        tpu.wait_dma2 semaphore(%run_scoped3A : memref<!tpu.dma_semaphore, #tpu.memory_space<semaphore_mem>>) src(%dma_wait3A_145 : memref<1024xf32, #tpu.memory_space<hbm>>) dst(%arg14 : memref<1024xf32, #tpu.memory_space<vmem>>)
        tpu.yield
      }) : () -> ()
      %scan3A_75 = arith.constant 0 : i32
      %scan3A_76 = arith.constant 0 : i32
      %scan3A_77 = arith.constant 8 : i32
      %scan3A_78 = arith.addi %scan3A_76, %scan3A_77 : i32
      %scan3A_79 = arith.constant 1 : i32
      scf.for %scan3A_143 = %scan3A_76 to %scan3A_78 step %scan3A_79  : i32 {
        %mul3A_144 = arith.constant 2 : i32
        %mul3A_145 = arith.muli %mul3A_144, %scan3A_143 : i32
        %get3A = arith.index_cast %mul3A_145 : i32 to index
        %get3A_146 = arith.constant 0 : index
        %get3A_147 = tpu.vector_load %arg22[%get3A, %get3A_146] {strides = array<i32>} : memref<16x16xf32, #tpu.memory_space<vmem>>, vector<1x16xf32>,
        %get3A_148 = vector.shape_cast %get3A_147 : vector<1x16xf32> to vector<16xf32>
        %get3A_149 = arith.index_cast %mul3A_145 : i32 to index
        %get3A_150 = arith.constant 0 : index
        %get3A_151 = tpu.vector_load %arg23[%get3A_149, %get3A_150] {strides = array<i32>} : memref<16x16xi32, #tpu.memory_space<vmem>>, vector<1x16xi32>,
        %get3A_152 = vector.shape_cast %get3A_151 : vector<1x16xi32> to vector<16xi32>
        %get3A_153 = arith.index_cast %mul3A_145 : i32 to index
        %get3A_154 = arith.constant 0 : index
        %get3A_155 = tpu.vector_load %arg24[%get3A_153, %get3A_154] {strides = array<i32>} : memref<16x16xi32, #tpu.memory_space<vmem>>, vector<1x16xi32>,
        %get3A_156 = vector.shape_cast %get3A_155 : vector<1x16xi32> to vector<16xi32>
        %get3A_157 = arith.index_cast %mul3A_145 : i32 to index
        %get3A_158 = arith.constant 0 : index
        %get3A_159 = tpu.vector_load %arg25[%get3A_157, %get3A_158] {strides = array<i32>} : memref<16x16xi32, #tpu.memory_space<vmem>>, vector<1x16xi32>,
        %get3A_160 = vector.shape_cast %get3A_159 : vector<1x16xi32> to vector<16xi32>
        %gt3A = arith.constant 0 : i32
        %gt3A_161 = vector.broadcast %gt3A : i32 to vector<16xi32>
        %gt3A_162 = arith.cmpi sgt, %get3A_160, %gt3A_161 : vector<16xi32>
        %get3A_163 = arith.index_cast %mul3A_145 : i32 to index
        %get3A_164 = arith.constant 0 : index
        %get3A_165 = tpu.vector_load %arg26[%get3A_163, %get3A_164] {strides = array<i32>} : memref<16x16xi32, #tpu.memory_space<vmem>>, vector<1x16xi32>,
        %get3A_166 = vector.shape_cast %get3A_165 : vector<1x16xi32> to vector<16xi32>
        %scan3A_167 = arith.constant 0 : i32
        %scan3A_168 = arith.constant 0 : i32
        %scan3A_169 = arith.constant 64 : i32
        %scan3A_170 = arith.addi %scan3A_168, %scan3A_169 : i32
        %scan3A_171 = arith.constant 1 : i32
        scf.for %scan3A_294 = %scan3A_168 to %scan3A_170 step %scan3A_171  : i32 {
          %mul3A_295 = arith.constant 16 : i32
          %mul3A_296 = arith.muli %scan3A_294, %mul3A_295 : i32
          %get3A_297 = arith.index_cast %mul3A_296 : i32 to index
          %get3A_298 = tpu.vector_load %arg12[%get3A_297] {strides = array<i32>} : memref<1024xf32, #tpu.memory_space<vmem>>, vector<16xf32>,
          %get3A_299 = vector.shape_cast %get3A_298 : vector<16xf32> to vector<16xf32>
          %mul3A_300 = arith.mulf %get3A_299, %get3A_148 : vector<16xf32>
          %get3A_301 = arith.index_cast %mul3A_296 : i32 to index
          %get3A_302 = tpu.vector_load %arg13[%get3A_301] {strides = array<i32>} : memref<1024xf32, #tpu.memory_space<vmem>>, vector<16xf32>,
          %get3A_303 = vector.shape_cast %get3A_302 : vector<16xf32> to vector<16xf32>
          %mul3A_304 = arith.mulf %get3A_303, %get3A_148 : vector<16xf32>
          %get3A_305 = arith.index_cast %mul3A_296 : i32 to index
          %get3A_306 = tpu.vector_load %arg14[%get3A_305] {strides = array<i32>} : memref<1024xf32, #tpu.memory_space<vmem>>, vector<16xf32>,
          %get3A_307 = vector.shape_cast %get3A_306 : vector<16xf32> to vector<16xf32>
          %mul3A_308 = arith.mulf %get3A_307, %get3A_148 : vector<16xf32>
          %convert_element_type3A_309 = arith.fptosi %mul3A_300 : vector<16xf32> to vector<16xi32>
          %convert_element_type3A_310 = arith.fptosi %mul3A_304 : vector<16xf32> to vector<16xi32>
          %convert_element_type3A_311 = arith.fptosi %mul3A_308 : vector<16xf32> to vector<16xi32>
          %convert_element_type3A_312 = arith.sitofp %convert_element_type3A_309 : vector<16xi32> to vector<16xf32>
          %sub3A = arith.subf %mul3A_300, %convert_element_type3A_312 : vector<16xf32>
          %convert_element_type3A_313 = arith.sitofp %convert_element_type3A_310 : vector<16xi32> to vector<16xf32>
          %sub3A_314 = arith.subf %mul3A_304, %convert_element_type3A_313 : vector<16xf32>
          %convert_element_type3A_315 = arith.sitofp %convert_element_type3A_311 : vector<16xi32> to vector<16xf32>
          %sub3A_316 = arith.subf %mul3A_308, %convert_element_type3A_315 : vector<16xf32>
          %sub3A_317 = arith.constant 1.000000e+00 : f32
          %sub3A_318 = vector.broadcast %sub3A_317 : f32 to vector<16xf32>
          %sub3A_319 = arith.subf %sub3A_318, %sub3A : vector<16xf32>
          %sub3A_320 = arith.constant 1.000000e+00 : f32
          %sub3A_321 = vector.broadcast %sub3A_320 : f32 to vector<16xf32>
          %sub3A_322 = arith.subf %sub3A_321, %sub3A_314 : vector<16xf32>
          %sub3A_323 = arith.constant 1.000000e+00 : f32
          %sub3A_324 = vector.broadcast %sub3A_323 : f32 to vector<16xf32>
          %sub3A_325 = arith.subf %sub3A_324, %sub3A_316 : vector<16xf32>
          %mul3A_326 = arith.muli %convert_element_type3A_310, %get3A_152 : vector<16xi32>
          %mul3A_327 = arith.muli %convert_element_type3A_311, %get3A_156 : vector<16xi32>
          %add3A_328 = arith.addi %convert_element_type3A_309, %mul3A_326 : vector<16xi32>
          %add3A_329 = arith.addi %add3A_328, %mul3A_327 : vector<16xi32>
          %xor3A = arith.xori %convert_element_type3A_309, %mul3A_326 : vector<16xi32>
          %xor3A_330 = arith.xori %xor3A, %mul3A_327 : vector<16xi32>
          %select_n3A = arith.select %gt3A_162, %xor3A_330, %add3A_329 : vector<16xi1>, vector<16xi32>
          %and3A = arith.constant 524287 : i32
          %and3A_331 = vector.broadcast %and3A : i32 to vector<16xi32>
          %and3A_332 = arith.andi %select_n3A, %and3A_331 : vector<16xi32>
          %mul3A_333 = arith.mulf %sub3A_319, %sub3A_322 : vector<16xf32>
          %mul3A_334 = arith.mulf %mul3A_333, %sub3A_325 : vector<16xf32>
          %mul3A_335 = arith.constant 8 : i32
          %mul3A_336 = arith.muli %mul3A_296, %mul3A_335 : i32
          %add3A_337 = arith.constant 0 : i32
          %add3A_338 = arith.addi %mul3A_336, %add3A_337 : i32
          %add3A_339 = arith.addi %and3A_332, %get3A_166 : vector<16xi32>
          %swap3A = arith.index_cast %add3A_338 : i32 to index
          %swap3A_340 = tpu.vector_load %arg15[%swap3A] {strides = array<i32>} : memref<8192xi32, #tpu.memory_space<vmem>>, vector<16xi32>,
          %swap3A_341 = vector.shape_cast %swap3A_340 : vector<16xi32> to vector<16xi32>
          %swap3A_342 = vector.shape_cast %add3A_339 : vector<16xi32> to vector<16xi32>
          tpu.vector_store %arg15[%swap3A], %swap3A_342 {strides = array<i32>} : memref<8192xi32, #tpu.memory_space<vmem>>, vector<16xi32>,
          %swap3A_343 = arith.index_cast %add3A_338 : i32 to index
          %swap3A_344 = tpu.vector_load %arg17[%swap3A_343] {strides = array<i32>} : memref<8192xf32, #tpu.memory_space<vmem>>, vector<16xf32>,
          %swap3A_345 = vector.shape_cast %swap3A_344 : vector<16xf32> to vector<16xf32>
          %swap3A_346 = vector.shape_cast %mul3A_334 : vector<16xf32> to vector<16xf32>
          tpu.vector_store %arg17[%swap3A_343], %swap3A_346 {strides = array<i32>} : memref<8192xf32, #tpu.memory_space<vmem>>, vector<16xf32>,
          %add3A_347 = arith.constant 1 : i32
          %add3A_348 = vector.broadcast %add3A_347 : i32 to vector<16xi32>
          %add3A_349 = arith.addi %convert_element_type3A_309, %add3A_348 : vector<16xi32>
          %mul3A_350 = arith.muli %convert_element_type3A_310, %get3A_152 : vector<16xi32>
          %mul3A_351 = arith.muli %convert_element_type3A_311, %get3A_156 : vector<16xi32>
          %add3A_352 = arith.addi %add3A_349, %mul3A_350 : vector<16xi32>
          %add3A_353 = arith.addi %add3A_352, %mul3A_351 : vector<16xi32>
          %xor3A_354 = arith.xori %add3A_349, %mul3A_350 : vector<16xi32>
          %xor3A_355 = arith.xori %xor3A_354, %mul3A_351 : vector<16xi32>
          %select_n3A_356 = arith.select %gt3A_162, %xor3A_355, %add3A_353 : vector<16xi1>, vector<16xi32>
          %and3A_357 = arith.constant 524287 : i32
          %and3A_358 = vector.broadcast %and3A_357 : i32 to vector<16xi32>
          %and3A_359 = arith.andi %select_n3A_356, %and3A_358 : vector<16xi32>
          %mul3A_360 = arith.mulf %sub3A, %sub3A_322 : vector<16xf32>
          %mul3A_361 = arith.mulf %mul3A_360, %sub3A_325 : vector<16xf32>
          %mul3A_362 = arith.constant 8 : i32
          %mul3A_363 = arith.muli %mul3A_296, %mul3A_362 : i32
          %add3A_364 = arith.constant 16 : i32
          %add3A_365 = arith.addi %mul3A_363, %add3A_364 : i32
          %add3A_366 = arith.addi %and3A_359, %get3A_166 : vector<16xi32>
          %swap3A_367 = arith.index_cast %add3A_365 : i32 to index
          %swap3A_368 = tpu.vector_load %arg15[%swap3A_367] {strides = array<i32>} : memref<8192xi32, #tpu.memory_space<vmem>>, vector<16xi32>,
          %swap3A_369 = vector.shape_cast %swap3A_368 : vector<16xi32> to vector<16xi32>
          %swap3A_370 = vector.shape_cast %add3A_366 : vector<16xi32> to vector<16xi32>
          tpu.vector_store %arg15[%swap3A_367], %swap3A_370 {strides = array<i32>} : memref<8192xi32, #tpu.memory_space<vmem>>, vector<16xi32>,
          %swap3A_371 = arith.index_cast %add3A_365 : i32 to index
          %swap3A_372 = tpu.vector_load %arg17[%swap3A_371] {strides = array<i32>} : memref<8192xf32, #tpu.memory_space<vmem>>, vector<16xf32>,
          %swap3A_373 = vector.shape_cast %swap3A_372 : vector<16xf32> to vector<16xf32>
          %swap3A_374 = vector.shape_cast %mul3A_361 : vector<16xf32> to vector<16xf32>
          tpu.vector_store %arg17[%swap3A_371], %swap3A_374 {strides = array<i32>} : memref<8192xf32, #tpu.memory_space<vmem>>, vector<16xf32>,
          %add3A_375 = arith.constant 1 : i32
          %add3A_376 = vector.broadcast %add3A_375 : i32 to vector<16xi32>
          %add3A_377 = arith.addi %convert_element_type3A_310, %add3A_376 : vector<16xi32>
          %mul3A_378 = arith.muli %add3A_377, %get3A_152 : vector<16xi32>
          %mul3A_379 = arith.muli %convert_element_type3A_311, %get3A_156 : vector<16xi32>
          %add3A_380 = arith.addi %convert_element_type3A_309, %mul3A_378 : vector<16xi32>
          %add3A_381 = arith.addi %add3A_380, %mul3A_379 : vector<16xi32>
          %xor3A_382 = arith.xori %convert_element_type3A_309, %mul3A_378 : vector<16xi32>
          %xor3A_383 = arith.xori %xor3A_382, %mul3A_379 : vector<16xi32>
          %select_n3A_384 = arith.select %gt3A_162, %xor3A_383, %add3A_381 : vector<16xi1>, vector<16xi32>
          %and3A_385 = arith.constant 524287 : i32
          %and3A_386 = vector.broadcast %and3A_385 : i32 to vector<16xi32>
          %and3A_387 = arith.andi %select_n3A_384, %and3A_386 : vector<16xi32>
          %mul3A_388 = arith.mulf %sub3A_319, %sub3A_314 : vector<16xf32>
          %mul3A_389 = arith.mulf %mul3A_388, %sub3A_325 : vector<16xf32>
          %mul3A_390 = arith.constant 8 : i32
          %mul3A_391 = arith.muli %mul3A_296, %mul3A_390 : i32
          %add3A_392 = arith.constant 32 : i32
          %add3A_393 = arith.addi %mul3A_391, %add3A_392 : i32
          %add3A_394 = arith.addi %and3A_387, %get3A_166 : vector<16xi32>
          %swap3A_395 = arith.index_cast %add3A_393 : i32 to index
          %swap3A_396 = tpu.vector_load %arg15[%swap3A_395] {strides = array<i32>} : memref<8192xi32, #tpu.memory_space<vmem>>, vector<16xi32>,
          %swap3A_397 = vector.shape_cast %swap3A_396 : vector<16xi32> to vector<16xi32>
          %swap3A_398 = vector.shape_cast %add3A_394 : vector<16xi32> to vector<16xi32>
          tpu.vector_store %arg15[%swap3A_395], %swap3A_398 {strides = array<i32>} : memref<8192xi32, #tpu.memory_space<vmem>>, vector<16xi32>,
          %swap3A_399 = arith.index_cast %add3A_393 : i32 to index
          %swap3A_400 = tpu.vector_load %arg17[%swap3A_399] {strides = array<i32>} : memref<8192xf32, #tpu.memory_space<vmem>>, vector<16xf32>,
          %swap3A_401 = vector.shape_cast %swap3A_400 : vector<16xf32> to vector<16xf32>
          %swap3A_402 = vector.shape_cast %mul3A_389 : vector<16xf32> to vector<16xf32>
          tpu.vector_store %arg17[%swap3A_399], %swap3A_402 {strides = array<i32>} : memref<8192xf32, #tpu.memory_space<vmem>>, vector<16xf32>,
          %add3A_403 = arith.constant 1 : i32
          %add3A_404 = vector.broadcast %add3A_403 : i32 to vector<16xi32>
          %add3A_405 = arith.addi %convert_element_type3A_309, %add3A_404 : vector<16xi32>
          %add3A_406 = arith.constant 1 : i32
          %add3A_407 = vector.broadcast %add3A_406 : i32 to vector<16xi32>
          %add3A_408 = arith.addi %convert_element_type3A_310, %add3A_407 : vector<16xi32>
          %mul3A_409 = arith.muli %add3A_408, %get3A_152 : vector<16xi32>
          %mul3A_410 = arith.muli %convert_element_type3A_311, %get3A_156 : vector<16xi32>
          %add3A_411 = arith.addi %add3A_405, %mul3A_409 : vector<16xi32>
          %add3A_412 = arith.addi %add3A_411, %mul3A_410 : vector<16xi32>
          %xor3A_413 = arith.xori %add3A_405, %mul3A_409 : vector<16xi32>
          %xor3A_414 = arith.xori %xor3A_413, %mul3A_410 : vector<16xi32>
          %select_n3A_415 = arith.select %gt3A_162, %xor3A_414, %add3A_412 : vector<16xi1>, vector<16xi32>
          %and3A_416 = arith.constant 524287 : i32
          %and3A_417 = vector.broadcast %and3A_416 : i32 to vector<16xi32>
          %and3A_418 = arith.andi %select_n3A_415, %and3A_417 : vector<16xi32>
          %mul3A_419 = arith.mulf %sub3A, %sub3A_314 : vector<16xf32>
          %mul3A_420 = arith.mulf %mul3A_419, %sub3A_325 : vector<16xf32>
          %mul3A_421 = arith.constant 8 : i32
          %mul3A_422 = arith.muli %mul3A_296, %mul3A_421 : i32
          %add3A_423 = arith.constant 48 : i32
          %add3A_424 = arith.addi %mul3A_422, %add3A_423 : i32
          %add3A_425 = arith.addi %and3A_418, %get3A_166 : vector<16xi32>
          %swap3A_426 = arith.index_cast %add3A_424 : i32 to index
          %swap3A_427 = tpu.vector_load %arg15[%swap3A_426] {strides = array<i32>} : memref<8192xi32, #tpu.memory_space<vmem>>, vector<16xi32>,
          %swap3A_428 = vector.shape_cast %swap3A_427 : vector<16xi32> to vector<16xi32>
          %swap3A_429 = vector.shape_cast %add3A_425 : vector<16xi32> to vector<16xi32>
          tpu.vector_store %arg15[%swap3A_426], %swap3A_429 {strides = array<i32>} : memref<8192xi32, #tpu.memory_space<vmem>>, vector<16xi32>,
          %swap3A_430 = arith.index_cast %add3A_424 : i32 to index
          %swap3A_431 = tpu.vector_load %arg17[%swap3A_430] {strides = array<i32>} : memref<8192xf32, #tpu.memory_space<vmem>>, vector<16xf32>,
          %swap3A_432 = vector.shape_cast %swap3A_431 : vector<16xf32> to vector<16xf32>
          %swap3A_433 = vector.shape_cast %mul3A_420 : vector<16xf32> to vector<16xf32>
          tpu.vector_store %arg17[%swap3A_430], %swap3A_433 {strides = array<i32>} : memref<8192xf32, #tpu.memory_space<vmem>>, vector<16xf32>,
          %add3A_434 = arith.constant 1 : i32
          %add3A_435 = vector.broadcast %add3A_434 : i32 to vector<16xi32>
          %add3A_436 = arith.addi %convert_element_type3A_311, %add3A_435 : vector<16xi32>
          %mul3A_437 = arith.muli %convert_element_type3A_310, %get3A_152 : vector<16xi32>
          %mul3A_438 = arith.muli %add3A_436, %get3A_156 : vector<16xi32>
          %add3A_439 = arith.addi %convert_element_type3A_309, %mul3A_437 : vector<16xi32>
          %add3A_440 = arith.addi %add3A_439, %mul3A_438 : vector<16xi32>
          %xor3A_441 = arith.xori %convert_element_type3A_309, %mul3A_437 : vector<16xi32>
          %xor3A_442 = arith.xori %xor3A_441, %mul3A_438 : vector<16xi32>
          %select_n3A_443 = arith.select %gt3A_162, %xor3A_442, %add3A_440 : vector<16xi1>, vector<16xi32>
          %and3A_444 = arith.constant 524287 : i32
          %and3A_445 = vector.broadcast %and3A_444 : i32 to vector<16xi32>
          %and3A_446 = arith.andi %select_n3A_443, %and3A_445 : vector<16xi32>
          %mul3A_447 = arith.mulf %sub3A_319, %sub3A_322 : vector<16xf32>
          %mul3A_448 = arith.mulf %mul3A_447, %sub3A_316 : vector<16xf32>
          %mul3A_449 = arith.constant 8 : i32
          %mul3A_450 = arith.muli %mul3A_296, %mul3A_449 : i32
          %add3A_451 = arith.constant 64 : i32
          %add3A_452 = arith.addi %mul3A_450, %add3A_451 : i32
          %add3A_453 = arith.addi %and3A_446, %get3A_166 : vector<16xi32>
          %swap3A_454 = arith.index_cast %add3A_452 : i32 to index
          %swap3A_455 = tpu.vector_load %arg15[%swap3A_454] {strides = array<i32>} : memref<8192xi32, #tpu.memory_space<vmem>>, vector<16xi32>,
          %swap3A_456 = vector.shape_cast %swap3A_455 : vector<16xi32> to vector<16xi32>
          %swap3A_457 = vector.shape_cast %add3A_453 : vector<16xi32> to vector<16xi32>
          tpu.vector_store %arg15[%swap3A_454], %swap3A_457 {strides = array<i32>} : memref<8192xi32, #tpu.memory_space<vmem>>, vector<16xi32>,
          %swap3A_458 = arith.index_cast %add3A_452 : i32 to index
          %swap3A_459 = tpu.vector_load %arg17[%swap3A_458] {strides = array<i32>} : memref<8192xf32, #tpu.memory_space<vmem>>, vector<16xf32>,
          %swap3A_460 = vector.shape_cast %swap3A_459 : vector<16xf32> to vector<16xf32>
          %swap3A_461 = vector.shape_cast %mul3A_448 : vector<16xf32> to vector<16xf32>
          tpu.vector_store %arg17[%swap3A_458], %swap3A_461 {strides = array<i32>} : memref<8192xf32, #tpu.memory_space<vmem>>, vector<16xf32>,
          %add3A_462 = arith.constant 1 : i32
          %add3A_463 = vector.broadcast %add3A_462 : i32 to vector<16xi32>
          %add3A_464 = arith.addi %convert_element_type3A_309, %add3A_463 : vector<16xi32>
          %add3A_465 = arith.constant 1 : i32
          %add3A_466 = vector.broadcast %add3A_465 : i32 to vector<16xi32>
          %add3A_467 = arith.addi %convert_element_type3A_311, %add3A_466 : vector<16xi32>
          %mul3A_468 = arith.muli %convert_element_type3A_310, %get3A_152 : vector<16xi32>
          %mul3A_469 = arith.muli %add3A_467, %get3A_156 : vector<16xi32>
          %add3A_470 = arith.addi %add3A_464, %mul3A_468 : vector<16xi32>
          %add3A_471 = arith.addi %add3A_470, %mul3A_469 : vector<16xi32>
          %xor3A_472 = arith.xori %add3A_464, %mul3A_468 : vector<16xi32>
          %xor3A_473 = arith.xori %xor3A_472, %mul3A_469 : vector<16xi32>
          %select_n3A_474 = arith.select %gt3A_162, %xor3A_473, %add3A_471 : vector<16xi1>, vector<16xi32>
          %and3A_475 = arith.constant 524287 : i32
          %and3A_476 = vector.broadcast %and3A_475 : i32 to vector<16xi32>
          %and3A_477 = arith.andi %select_n3A_474, %and3A_476 : vector<16xi32>
          %mul3A_478 = arith.mulf %sub3A, %sub3A_322 : vector<16xf32>
          %mul3A_479 = arith.mulf %mul3A_478, %sub3A_316 : vector<16xf32>
          %mul3A_480 = arith.constant 8 : i32
          %mul3A_481 = arith.muli %mul3A_296, %mul3A_480 : i32
          %add3A_482 = arith.constant 80 : i32
          %add3A_483 = arith.addi %mul3A_481, %add3A_482 : i32
          %add3A_484 = arith.addi %and3A_477, %get3A_166 : vector<16xi32>
          %swap3A_485 = arith.index_cast %add3A_483 : i32 to index
          %swap3A_486 = tpu.vector_load %arg15[%swap3A_485] {strides = array<i32>} : memref<8192xi32, #tpu.memory_space<vmem>>, vector<16xi32>,
          %swap3A_487 = vector.shape_cast %swap3A_486 : vector<16xi32> to vector<16xi32>
          %swap3A_488 = vector.shape_cast %add3A_484 : vector<16xi32> to vector<16xi32>
          tpu.vector_store %arg15[%swap3A_485], %swap3A_488 {strides = array<i32>} : memref<8192xi32, #tpu.memory_space<vmem>>, vector<16xi32>,
          %swap3A_489 = arith.index_cast %add3A_483 : i32 to index
          %swap3A_490 = tpu.vector_load %arg17[%swap3A_489] {strides = array<i32>} : memref<8192xf32, #tpu.memory_space<vmem>>, vector<16xf32>,
          %swap3A_491 = vector.shape_cast %swap3A_490 : vector<16xf32> to vector<16xf32>
          %swap3A_492 = vector.shape_cast %mul3A_479 : vector<16xf32> to vector<16xf32>
          tpu.vector_store %arg17[%swap3A_489], %swap3A_492 {strides = array<i32>} : memref<8192xf32, #tpu.memory_space<vmem>>, vector<16xf32>,
          %add3A_493 = arith.constant 1 : i32
          %add3A_494 = vector.broadcast %add3A_493 : i32 to vector<16xi32>
          %add3A_495 = arith.addi %convert_element_type3A_310, %add3A_494 : vector<16xi32>
          %add3A_496 = arith.constant 1 : i32
          %add3A_497 = vector.broadcast %add3A_496 : i32 to vector<16xi32>
          %add3A_498 = arith.addi %convert_element_type3A_311, %add3A_497 : vector<16xi32>
          %mul3A_499 = arith.muli %add3A_495, %get3A_152 : vector<16xi32>
          %mul3A_500 = arith.muli %add3A_498, %get3A_156 : vector<16xi32>
          %add3A_501 = arith.addi %convert_element_type3A_309, %mul3A_499 : vector<16xi32>
          %add3A_502 = arith.addi %add3A_501, %mul3A_500 : vector<16xi32>
          %xor3A_503 = arith.xori %convert_element_type3A_309, %mul3A_499 : vector<16xi32>
          %xor3A_504 = arith.xori %xor3A_503, %mul3A_500 : vector<16xi32>
          %select_n3A_505 = arith.select %gt3A_162, %xor3A_504, %add3A_502 : vector<16xi1>, vector<16xi32>
          %and3A_506 = arith.constant 524287 : i32
          %and3A_507 = vector.broadcast %and3A_506 : i32 to vector<16xi32>
          %and3A_508 = arith.andi %select_n3A_505, %and3A_507 : vector<16xi32>
          %mul3A_509 = arith.mulf %sub3A_319, %sub3A_314 : vector<16xf32>
          %mul3A_510 = arith.mulf %mul3A_509, %sub3A_316 : vector<16xf32>
          %mul3A_511 = arith.constant 8 : i32
          %mul3A_512 = arith.muli %mul3A_296, %mul3A_511 : i32
          %add3A_513 = arith.constant 96 : i32
          %add3A_514 = arith.addi %mul3A_512, %add3A_513 : i32
          %add3A_515 = arith.addi %and3A_508, %get3A_166 : vector<16xi32>
          %swap3A_516 = arith.index_cast %add3A_514 : i32 to index
          %swap3A_517 = tpu.vector_load %arg15[%swap3A_516] {strides = array<i32>} : memref<8192xi32, #tpu.memory_space<vmem>>, vector<16xi32>,
          %swap3A_518 = vector.shape_cast %swap3A_517 : vector<16xi32> to vector<16xi32>
          %swap3A_519 = vector.shape_cast %add3A_515 : vector<16xi32> to vector<16xi32>
          tpu.vector_store %arg15[%swap3A_516], %swap3A_519 {strides = array<i32>} : memref<8192xi32, #tpu.memory_space<vmem>>, vector<16xi32>,
          %swap3A_520 = arith.index_cast %add3A_514 : i32 to index
          %swap3A_521 = tpu.vector_load %arg17[%swap3A_520] {strides = array<i32>} : memref<8192xf32, #tpu.memory_space<vmem>>, vector<16xf32>,
          %swap3A_522 = vector.shape_cast %swap3A_521 : vector<16xf32> to vector<16xf32>
          %swap3A_523 = vector.shape_cast %mul3A_510 : vector<16xf32> to vector<16xf32>
          tpu.vector_store %arg17[%swap3A_520], %swap3A_523 {strides = array<i32>} : memref<8192xf32, #tpu.memory_space<vmem>>, vector<16xf32>,
          %add3A_524 = arith.constant 1 : i32
          %add3A_525 = vector.broadcast %add3A_524 : i32 to vector<16xi32>
          %add3A_526 = arith.addi %convert_element_type3A_309, %add3A_525 : vector<16xi32>
          %add3A_527 = arith.constant 1 : i32
          %add3A_528 = vector.broadcast %add3A_527 : i32 to vector<16xi32>
          %add3A_529 = arith.addi %convert_element_type3A_310, %add3A_528 : vector<16xi32>
          %add3A_530 = arith.constant 1 : i32
          %add3A_531 = vector.broadcast %add3A_530 : i32 to vector<16xi32>
          %add3A_532 = arith.addi %convert_element_type3A_311, %add3A_531 : vector<16xi32>
          %mul3A_533 = arith.muli %add3A_529, %get3A_152 : vector<16xi32>
          %mul3A_534 = arith.muli %add3A_532, %get3A_156 : vector<16xi32>
          %add3A_535 = arith.addi %add3A_526, %mul3A_533 : vector<16xi32>
          %add3A_536 = arith.addi %add3A_535, %mul3A_534 : vector<16xi32>
          %xor3A_537 = arith.xori %add3A_526, %mul3A_533 : vector<16xi32>
          %xor3A_538 = arith.xori %xor3A_537, %mul3A_534 : vector<16xi32>
          %select_n3A_539 = arith.select %gt3A_162, %xor3A_538, %add3A_536 : vector<16xi1>, vector<16xi32>
          %and3A_540 = arith.constant 524287 : i32
          %and3A_541 = vector.broadcast %and3A_540 : i32 to vector<16xi32>
          %and3A_542 = arith.andi %select_n3A_539, %and3A_541 : vector<16xi32>
          %mul3A_543 = arith.mulf %sub3A, %sub3A_314 : vector<16xf32>
          %mul3A_544 = arith.mulf %mul3A_543, %sub3A_316 : vector<16xf32>
          %mul3A_545 = arith.constant 8 : i32
          %mul3A_546 = arith.muli %mul3A_296, %mul3A_545 : i32
          %add3A_547 = arith.constant 112 : i32
          %add3A_548 = arith.addi %mul3A_546, %add3A_547 : i32
          %add3A_549 = arith.addi %and3A_542, %get3A_166 : vector<16xi32>
          %swap3A_550 = arith.index_cast %add3A_548 : i32 to index
          %swap3A_551 = tpu.vector_load %arg15[%swap3A_550] {strides = array<i32>} : memref<8192xi32, #tpu.memory_space<vmem>>, vector<16xi32>,
          %swap3A_552 = vector.shape_cast %swap3A_551 : vector<16xi32> to vector<16xi32>
          %swap3A_553 = vector.shape_cast %add3A_549 : vector<16xi32> to vector<16xi32>
          tpu.vector_store %arg15[%swap3A_550], %swap3A_553 {strides = array<i32>} : memref<8192xi32, #tpu.memory_space<vmem>>, vector<16xi32>,
          %swap3A_554 = arith.index_cast %add3A_548 : i32 to index
          %swap3A_555 = tpu.vector_load %arg17[%swap3A_554] {strides = array<i32>} : memref<8192xf32, #tpu.memory_space<vmem>>, vector<16xf32>,
          %swap3A_556 = vector.shape_cast %swap3A_555 : vector<16xf32> to vector<16xf32>
          %swap3A_557 = vector.shape_cast %mul3A_544 : vector<16xf32> to vector<16xf32>
          tpu.vector_store %arg17[%swap3A_554], %swap3A_557 {strides = array<i32>} : memref<8192xf32, #tpu.memory_space<vmem>>, vector<16xf32>,
        }
        %scan3A_172 = arith.constant 64 : i32
        %lt3A_173 = arith.constant 5 : i32
        %lt3A_174 = arith.cmpi slt, %mul3A_145, %lt3A_173 : i32
        %convert_element_type3A_175 = arith.extui %lt3A_174 : i1 to i32
        %cond3A_176 = arith.constant 0 : i32
        %cond3A_177 = arith.cmpi ne, %convert_element_type3A_175, %cond3A_176 : i32
        scf.if %cond3A_177 {
          %dma_start3A = arith.constant 0 : i32
          %dma_start3A_294 = tpu.memref_slice %arg19[%dma_start3A] : memref<8192xi32, #tpu.memory_space<vmem>> -> memref<2048xi32, #tpu.memory_space<vmem>>
          %dma_start3A_295 = arith.constant 0 : i32
          %dma_start3A_296 = tpu.memref_slice %arg15[%dma_start3A_295] : memref<8192xi32, #tpu.memory_space<vmem>> -> memref<2048xi32, #tpu.memory_space<vmem>>
          %dma_start3A_297 = arith.constant 0 : i32
          %dma_start3A_298 = tpu.memref_slice %arg27[%dma_start3A_297] : memref<533616xi32, #tpu.memory_space<vmem_shared>> -> memref<533616xi32, #tpu.memory_space<vmem_shared>>
          tpu.enqueue_indirect_dma source(%dma_start3A_298 : memref<533616xi32, #tpu.memory_space<vmem_shared>>) target(%dma_start3A_294 : memref<2048xi32, #tpu.memory_space<vmem>>) offsets(%dma_start3A_296 : memref<2048xi32, #tpu.memory_space<vmem>>) semaphore(%arg28 : memref<!tpu.dma_semaphore, #tpu.memory_space<semaphore_mem>>)
          %dma_start3A_299 = arith.constant 2048 : i32
          %dma_start3A_300 = tpu.memref_slice %arg19[%dma_start3A_299] : memref<8192xi32, #tpu.memory_space<vmem>> -> memref<2048xi32, #tpu.memory_space<vmem>>
          %dma_start3A_301 = arith.constant 2048 : i32
          %dma_start3A_302 = tpu.memref_slice %arg15[%dma_start3A_301] : memref<8192xi32, #tpu.memory_space<vmem>> -> memref<2048xi32, #tpu.memory_space<vmem>>
          %dma_start3A_303 = arith.constant 0 : i32
          %dma_start3A_304 = tpu.memref_slice %arg27[%dma_start3A_303] : memref<533616xi32, #tpu.memory_space<vmem_shared>> -> memref<533616xi32, #tpu.memory_space<vmem_shared>>
          tpu.enqueue_indirect_dma source(%dma_start3A_304 : memref<533616xi32, #tpu.memory_space<vmem_shared>>) target(%dma_start3A_300 : memref<2048xi32, #tpu.memory_space<vmem>>) offsets(%dma_start3A_302 : memref<2048xi32, #tpu.memory_space<vmem>>) semaphore(%arg28 : memref<!tpu.dma_semaphore, #tpu.memory_space<semaphore_mem>>)
          %dma_start3A_305 = arith.constant 4096 : i32
          %dma_start3A_306 = tpu.memref_slice %arg19[%dma_start3A_305] : memref<8192xi32, #tpu.memory_space<vmem>> -> memref<2048xi32, #tpu.memory_space<vmem>>
          %dma_start3A_307 = arith.constant 4096 : i32
          %dma_start3A_308 = tpu.memref_slice %arg15[%dma_start3A_307] : memref<8192xi32, #tpu.memory_space<vmem>> -> memref<2048xi32, #tpu.memory_space<vmem>>
          %dma_start3A_309 = arith.constant 0 : i32
          %dma_start3A_310 = tpu.memref_slice %arg27[%dma_start3A_309] : memref<533616xi32, #tpu.memory_space<vmem_shared>> -> memref<533616xi32, #tpu.memory_space<vmem_shared>>
          tpu.enqueue_indirect_dma source(%dma_start3A_310 : memref<533616xi32, #tpu.memory_space<vmem_shared>>) target(%dma_start3A_306 : memref<2048xi32, #tpu.memory_space<vmem>>) offsets(%dma_start3A_308 : memref<2048xi32, #tpu.memory_space<vmem>>) semaphore(%arg28 : memref<!tpu.dma_semaphore, #tpu.memory_space<semaphore_mem>>)
          %dma_start3A_311 = arith.constant 6144 : i32
          %dma_start3A_312 = tpu.memref_slice %arg19[%dma_start3A_311] : memref<8192xi32, #tpu.memory_space<vmem>> -> memref<2048xi32, #tpu.memory_space<vmem>>
          %dma_start3A_313 = arith.constant 6144 : i32
          %dma_start3A_314 = tpu.memref_slice %arg15[%dma_start3A_313] : memref<8192xi32, #tpu.memory_space<vmem>> -> memref<2048xi32, #tpu.memory_space<vmem>>
          %dma_start3A_315 = arith.constant 0 : i32
          %dma_start3A_316 = tpu.memref_slice %arg27[%dma_start3A_315] : memref<533616xi32, #tpu.memory_space<vmem_shared>> -> memref<533616xi32, #tpu.memory_space<vmem_shared>>
          tpu.enqueue_indirect_dma source(%dma_start3A_316 : memref<533616xi32, #tpu.memory_space<vmem_shared>>) target(%dma_start3A_312 : memref<2048xi32, #tpu.memory_space<vmem>>) offsets(%dma_start3A_314 : memref<2048xi32, #tpu.memory_space<vmem>>) semaphore(%arg28 : memref<!tpu.dma_semaphore, #tpu.memory_space<semaphore_mem>>)
        } else {
        }
        %ge3A = arith.constant 5 : i32
        %ge3A_178 = arith.cmpi sge, %mul3A_145, %ge3A : i32
        %convert_element_type3A_179 = arith.extui %ge3A_178 : i1 to i32
        %cond3A_180 = arith.constant 0 : i32
        %cond3A_181 = arith.cmpi ne, %convert_element_type3A_179, %cond3A_180 : i32
        scf.if %cond3A_181 {
          %dma_start3A = arith.constant 0 : i32
          %dma_start3A_294 = tpu.memref_slice %arg19[%dma_start3A] : memref<8192xi32, #tpu.memory_space<vmem>> -> memref<2048xi32, #tpu.memory_space<vmem>>
          %dma_start3A_295 = arith.constant 0 : i32
          %dma_start3A_296 = tpu.memref_slice %arg15[%dma_start3A_295] : memref<8192xi32, #tpu.memory_space<vmem>> -> memref<2048xi32, #tpu.memory_space<vmem>>
          %dma_start3A_297 = arith.constant 0 : i32
          %dma_start3A_298 = tpu.memref_slice %arg5[%dma_start3A_297] : memref<8388608xi32, #tpu.memory_space<hbm>> -> memref<8388608xi32, #tpu.memory_space<hbm>>
          tpu.enqueue_indirect_dma source(%dma_start3A_298 : memref<8388608xi32, #tpu.memory_space<hbm>>) target(%dma_start3A_294 : memref<2048xi32, #tpu.memory_space<vmem>>) offsets(%dma_start3A_296 : memref<2048xi32, #tpu.memory_space<vmem>>) semaphore(%arg28 : memref<!tpu.dma_semaphore, #tpu.memory_space<semaphore_mem>>)
          %dma_start3A_299 = arith.constant 2048 : i32
          %dma_start3A_300 = tpu.memref_slice %arg19[%dma_start3A_299] : memref<8192xi32, #tpu.memory_space<vmem>> -> memref<2048xi32, #tpu.memory_space<vmem>>
          %dma_start3A_301 = arith.constant 2048 : i32
          %dma_start3A_302 = tpu.memref_slice %arg15[%dma_start3A_301] : memref<8192xi32, #tpu.memory_space<vmem>> -> memref<2048xi32, #tpu.memory_space<vmem>>
          %dma_start3A_303 = arith.constant 0 : i32
          %dma_start3A_304 = tpu.memref_slice %arg5[%dma_start3A_303] : memref<8388608xi32, #tpu.memory_space<hbm>> -> memref<8388608xi32, #tpu.memory_space<hbm>>
          tpu.enqueue_indirect_dma source(%dma_start3A_304 : memref<8388608xi32, #tpu.memory_space<hbm>>) target(%dma_start3A_300 : memref<2048xi32, #tpu.memory_space<vmem>>) offsets(%dma_start3A_302 : memref<2048xi32, #tpu.memory_space<vmem>>) semaphore(%arg28 : memref<!tpu.dma_semaphore, #tpu.memory_space<semaphore_mem>>)
          %dma_start3A_305 = arith.constant 4096 : i32
          %dma_start3A_306 = tpu.memref_slice %arg19[%dma_start3A_305] : memref<8192xi32, #tpu.memory_space<vmem>> -> memref<2048xi32, #tpu.memory_space<vmem>>
          %dma_start3A_307 = arith.constant 4096 : i32
          %dma_start3A_308 = tpu.memref_slice %arg15[%dma_start3A_307] : memref<8192xi32, #tpu.memory_space<vmem>> -> memref<2048xi32, #tpu.memory_space<vmem>>
          %dma_start3A_309 = arith.constant 0 : i32
          %dma_start3A_310 = tpu.memref_slice %arg5[%dma_start3A_309] : memref<8388608xi32, #tpu.memory_space<hbm>> -> memref<8388608xi32, #tpu.memory_space<hbm>>
          tpu.enqueue_indirect_dma source(%dma_start3A_310 : memref<8388608xi32, #tpu.memory_space<hbm>>) target(%dma_start3A_306 : memref<2048xi32, #tpu.memory_space<vmem>>) offsets(%dma_start3A_308 : memref<2048xi32, #tpu.memory_space<vmem>>) semaphore(%arg28 : memref<!tpu.dma_semaphore, #tpu.memory_space<semaphore_mem>>)
          %dma_start3A_311 = arith.constant 6144 : i32
          %dma_start3A_312 = tpu.memref_slice %arg19[%dma_start3A_311] : memref<8192xi32, #tpu.memory_space<vmem>> -> memref<2048xi32, #tpu.memory_space<vmem>>
          %dma_start3A_313 = arith.constant 6144 : i32
          %dma_start3A_314 = tpu.memref_slice %arg15[%dma_start3A_313] : memref<8192xi32, #tpu.memory_space<vmem>> -> memref<2048xi32, #tpu.memory_space<vmem>>
          %dma_start3A_315 = arith.constant 0 : i32
          %dma_start3A_316 = tpu.memref_slice %arg5[%dma_start3A_315] : memref<8388608xi32, #tpu.memory_space<hbm>> -> memref<8388608xi32, #tpu.memory_space<hbm>>
          tpu.enqueue_indirect_dma source(%dma_start3A_316 : memref<8388608xi32, #tpu.memory_space<hbm>>) target(%dma_start3A_312 : memref<2048xi32, #tpu.memory_space<vmem>>) offsets(%dma_start3A_314 : memref<2048xi32, #tpu.memory_space<vmem>>) semaphore(%arg28 : memref<!tpu.dma_semaphore, #tpu.memory_space<semaphore_mem>>)
        } else {
        }
        %gt3A_182 = arith.constant 0 : i32
        %gt3A_183 = arith.cmpi sgt, %scan3A_143, %gt3A_182 : i32
        %convert_element_type3A_184 = arith.extui %gt3A_183 : i1 to i32
        %cond3A_185 = arith.constant 0 : i32
        %cond3A_186 = arith.cmpi ne, %convert_element_type3A_184, %cond3A_185 : i32
        scf.if %cond3A_186 {
          %sub3A = arith.constant 1 : i32
          %sub3A_294 = arith.subi %mul3A_145, %sub3A : i32
          %dma_wait3A_295 = arith.constant 0 : i32
          %dma_wait3A_296 = tpu.memref_slice %arg20[%dma_wait3A_295] : memref<8192xi32, #tpu.memory_space<vmem>> -> memref<2048xi32, #tpu.memory_space<vmem>>
          %dma_wait3A_297 = arith.constant 0 : i32
          %dma_wait3A_298 = tpu.memref_slice %arg5[%dma_wait3A_297] : memref<8388608xi32, #tpu.memory_space<hbm>> -> memref<2048xi32, #tpu.memory_space<hbm>>
          %dma_wait3A_299 = arith.constant 0 : i32
          %dma_wait3A_300 = tpu.memref_slice %arg20[%dma_wait3A_299] : memref<8192xi32, #tpu.memory_space<vmem>> -> memref<2048xi32, #tpu.memory_space<vmem>>
          %dma_wait3A_301 = arith.constant 0 : i32
          %dma_wait3A_302 = tpu.memref_slice %arg5[%dma_wait3A_301] : memref<8388608xi32, #tpu.memory_space<hbm>> -> memref<2048xi32, #tpu.memory_space<hbm>>
          tpu.wait_dma2 semaphore(%arg29 : memref<!tpu.dma_semaphore, #tpu.memory_space<semaphore_mem>>) src(%dma_wait3A_302 : memref<2048xi32, #tpu.memory_space<hbm>>) dst(%dma_wait3A_300 : memref<2048xi32, #tpu.memory_space<vmem>>)
          %broadcast_in_dim3A_303 = arith.constant -65536 : i32
          %broadcast_in_dim3A_304 = vector.broadcast %broadcast_in_dim3A_303 : i32 to vector<16xi32>
          %scan3A_305 = arith.constant 0 : i32
          %scan3A_306 = arith.constant 0 : i32
          %scan3A_307 = arith.constant 16 : i32
          %scan3A_308 = arith.addi %scan3A_306, %scan3A_307 : i32
          %scan3A_309 = arith.constant 1 : i32
          scf.for %scan3A_359 = %scan3A_306 to %scan3A_308 step %scan3A_309  : i32 {
            %mul3A_360 = arith.constant 16 : i32
            %mul3A_361 = arith.muli %scan3A_359, %mul3A_360 : i32
            %broadcast_in_dim3A_362 = arith.constant 0.000000e+00 : f32
            %broadcast_in_dim3A_363 = vector.broadcast %broadcast_in_dim3A_362 : f32 to vector<16xf32>
            %broadcast_in_dim3A_364 = arith.constant 0.000000e+00 : f32
            %broadcast_in_dim3A_365 = vector.broadcast %broadcast_in_dim3A_364 : f32 to vector<16xf32>
            %mul3A_366 = arith.constant 8 : i32
            %mul3A_367 = arith.muli %mul3A_361, %mul3A_366 : i32
            %add3A_368 = arith.constant 0 : i32
            %add3A_369 = arith.addi %mul3A_367, %add3A_368 : i32
            %get3A_370 = arith.index_cast %add3A_369 : i32 to index
            %get3A_371 = tpu.vector_load %arg18[%get3A_370] {strides = array<i32>} : memref<8192xf32, #tpu.memory_space<vmem>>, vector<16xf32>,
            %get3A_372 = vector.shape_cast %get3A_371 : vector<16xf32> to vector<16xf32>
            %get3A_373 = arith.index_cast %add3A_369 : i32 to index
            %get3A_374 = tpu.vector_load %arg20[%get3A_373] {strides = array<i32>} : memref<8192xi32, #tpu.memory_space<vmem>>, vector<16xi32>,
            %get3A_375 = vector.shape_cast %get3A_374 : vector<16xi32> to vector<16xi32>
            %shift_left3A = arith.constant 16 : i32
            %shift_left3A_376 = vector.broadcast %shift_left3A : i32 to vector<16xi32>
            %shift_left3A_377 = arith.shli %get3A_375, %shift_left3A_376 : vector<16xi32>
            %bitcast_convert_type3A = tpu.bitcast %shift_left3A_377 : vector<16xi32> -> vector<16xf32>
            %and3A = arith.andi %get3A_375, %broadcast_in_dim3A_304 : vector<16xi32>
            %bitcast_convert_type3A_378 = tpu.bitcast %and3A : vector<16xi32> -> vector<16xf32>
            %mul3A_379 = arith.mulf %get3A_372, %bitcast_convert_type3A : vector<16xf32>
            %add3A_380 = arith.addf %broadcast_in_dim3A_363, %mul3A_379 : vector<16xf32>
            %mul3A_381 = arith.mulf %get3A_372, %bitcast_convert_type3A_378 : vector<16xf32>
            %add3A_382 = arith.addf %broadcast_in_dim3A_365, %mul3A_381 : vector<16xf32>
            %mul3A_383 = arith.constant 8 : i32
            %mul3A_384 = arith.muli %mul3A_361, %mul3A_383 : i32
            %add3A_385 = arith.constant 16 : i32
            %add3A_386 = arith.addi %mul3A_384, %add3A_385 : i32
            %get3A_387 = arith.index_cast %add3A_386 : i32 to index
            %get3A_388 = tpu.vector_load %arg18[%get3A_387] {strides = array<i32>} : memref<8192xf32, #tpu.memory_space<vmem>>, vector<16xf32>,
            %get3A_389 = vector.shape_cast %get3A_388 : vector<16xf32> to vector<16xf32>
            %get3A_390 = arith.index_cast %add3A_386 : i32 to index
            %get3A_391 = tpu.vector_load %arg20[%get3A_390] {strides = array<i32>} : memref<8192xi32, #tpu.memory_space<vmem>>, vector<16xi32>,
            %get3A_392 = vector.shape_cast %get3A_391 : vector<16xi32> to vector<16xi32>
            %shift_left3A_393 = arith.constant 16 : i32
            %shift_left3A_394 = vector.broadcast %shift_left3A_393 : i32 to vector<16xi32>
            %shift_left3A_395 = arith.shli %get3A_392, %shift_left3A_394 : vector<16xi32>
            %bitcast_convert_type3A_396 = tpu.bitcast %shift_left3A_395 : vector<16xi32> -> vector<16xf32>
            %and3A_397 = arith.andi %get3A_392, %broadcast_in_dim3A_304 : vector<16xi32>
            %bitcast_convert_type3A_398 = tpu.bitcast %and3A_397 : vector<16xi32> -> vector<16xf32>
            %mul3A_399 = arith.mulf %get3A_389, %bitcast_convert_type3A_396 : vector<16xf32>
            %add3A_400 = arith.addf %add3A_380, %mul3A_399 : vector<16xf32>
            %mul3A_401 = arith.mulf %get3A_389, %bitcast_convert_type3A_398 : vector<16xf32>
            %add3A_402 = arith.addf %add3A_382, %mul3A_401 : vector<16xf32>
            %mul3A_403 = arith.constant 8 : i32
            %mul3A_404 = arith.muli %mul3A_361, %mul3A_403 : i32
            %add3A_405 = arith.constant 32 : i32
            %add3A_406 = arith.addi %mul3A_404, %add3A_405 : i32
            %get3A_407 = arith.index_cast %add3A_406 : i32 to index
            %get3A_408 = tpu.vector_load %arg18[%get3A_407] {strides = array<i32>} : memref<8192xf32, #tpu.memory_space<vmem>>, vector<16xf32>,
            %get3A_409 = vector.shape_cast %get3A_408 : vector<16xf32> to vector<16xf32>
            %get3A_410 = arith.index_cast %add3A_406 : i32 to index
            %get3A_411 = tpu.vector_load %arg20[%get3A_410] {strides = array<i32>} : memref<8192xi32, #tpu.memory_space<vmem>>, vector<16xi32>,
            %get3A_412 = vector.shape_cast %get3A_411 : vector<16xi32> to vector<16xi32>
            %shift_left3A_413 = arith.constant 16 : i32
            %shift_left3A_414 = vector.broadcast %shift_left3A_413 : i32 to vector<16xi32>
            %shift_left3A_415 = arith.shli %get3A_412, %shift_left3A_414 : vector<16xi32>
            %bitcast_convert_type3A_416 = tpu.bitcast %shift_left3A_415 : vector<16xi32> -> vector<16xf32>
            %and3A_417 = arith.andi %get3A_412, %broadcast_in_dim3A_304 : vector<16xi32>
            %bitcast_convert_type3A_418 = tpu.bitcast %and3A_417 : vector<16xi32> -> vector<16xf32>
            %mul3A_419 = arith.mulf %get3A_409, %bitcast_convert_type3A_416 : vector<16xf32>
            %add3A_420 = arith.addf %add3A_400, %mul3A_419 : vector<16xf32>
            %mul3A_421 = arith.mulf %get3A_409, %bitcast_convert_type3A_418 : vector<16xf32>
            %add3A_422 = arith.addf %add3A_402, %mul3A_421 : vector<16xf32>
            %mul3A_423 = arith.constant 8 : i32
            %mul3A_424 = arith.muli %mul3A_361, %mul3A_423 : i32
            %add3A_425 = arith.constant 48 : i32
            %add3A_426 = arith.addi %mul3A_424, %add3A_425 : i32
            %get3A_427 = arith.index_cast %add3A_426 : i32 to index
            %get3A_428 = tpu.vector_load %arg18[%get3A_427] {strides = array<i32>} : memref<8192xf32, #tpu.memory_space<vmem>>, vector<16xf32>,
            %get3A_429 = vector.shape_cast %get3A_428 : vector<16xf32> to vector<16xf32>
            %get3A_430 = arith.index_cast %add3A_426 : i32 to index
            %get3A_431 = tpu.vector_load %arg20[%get3A_430] {strides = array<i32>} : memref<8192xi32, #tpu.memory_space<vmem>>, vector<16xi32>,
            %get3A_432 = vector.shape_cast %get3A_431 : vector<16xi32> to vector<16xi32>
            %shift_left3A_433 = arith.constant 16 : i32
            %shift_left3A_434 = vector.broadcast %shift_left3A_433 : i32 to vector<16xi32>
            %shift_left3A_435 = arith.shli %get3A_432, %shift_left3A_434 : vector<16xi32>
            %bitcast_convert_type3A_436 = tpu.bitcast %shift_left3A_435 : vector<16xi32> -> vector<16xf32>
            %and3A_437 = arith.andi %get3A_432, %broadcast_in_dim3A_304 : vector<16xi32>
            %bitcast_convert_type3A_438 = tpu.bitcast %and3A_437 : vector<16xi32> -> vector<16xf32>
            %mul3A_439 = arith.mulf %get3A_429, %bitcast_convert_type3A_436 : vector<16xf32>
            %add3A_440 = arith.addf %add3A_420, %mul3A_439 : vector<16xf32>
            %mul3A_441 = arith.mulf %get3A_429, %bitcast_convert_type3A_438 : vector<16xf32>
            %add3A_442 = arith.addf %add3A_422, %mul3A_441 : vector<16xf32>
            %mul3A_443 = arith.constant 8 : i32
            %mul3A_444 = arith.muli %mul3A_361, %mul3A_443 : i32
            %add3A_445 = arith.constant 64 : i32
            %add3A_446 = arith.addi %mul3A_444, %add3A_445 : i32
            %get3A_447 = arith.index_cast %add3A_446 : i32 to index
            %get3A_448 = tpu.vector_load %arg18[%get3A_447] {strides = array<i32>} : memref<8192xf32, #tpu.memory_space<vmem>>, vector<16xf32>,
            %get3A_449 = vector.shape_cast %get3A_448 : vector<16xf32> to vector<16xf32>
            %get3A_450 = arith.index_cast %add3A_446 : i32 to index
            %get3A_451 = tpu.vector_load %arg20[%get3A_450] {strides = array<i32>} : memref<8192xi32, #tpu.memory_space<vmem>>, vector<16xi32>,
            %get3A_452 = vector.shape_cast %get3A_451 : vector<16xi32> to vector<16xi32>
            %shift_left3A_453 = arith.constant 16 : i32
            %shift_left3A_454 = vector.broadcast %shift_left3A_453 : i32 to vector<16xi32>
            %shift_left3A_455 = arith.shli %get3A_452, %shift_left3A_454 : vector<16xi32>
            %bitcast_convert_type3A_456 = tpu.bitcast %shift_left3A_455 : vector<16xi32> -> vector<16xf32>
            %and3A_457 = arith.andi %get3A_452, %broadcast_in_dim3A_304 : vector<16xi32>
            %bitcast_convert_type3A_458 = tpu.bitcast %and3A_457 : vector<16xi32> -> vector<16xf32>
            %mul3A_459 = arith.mulf %get3A_449, %bitcast_convert_type3A_456 : vector<16xf32>
            %add3A_460 = arith.addf %add3A_440, %mul3A_459 : vector<16xf32>
            %mul3A_461 = arith.mulf %get3A_449, %bitcast_convert_type3A_458 : vector<16xf32>
            %add3A_462 = arith.addf %add3A_442, %mul3A_461 : vector<16xf32>
            %mul3A_463 = arith.constant 8 : i32
            %mul3A_464 = arith.muli %mul3A_361, %mul3A_463 : i32
            %add3A_465 = arith.constant 80 : i32
            %add3A_466 = arith.addi %mul3A_464, %add3A_465 : i32
            %get3A_467 = arith.index_cast %add3A_466 : i32 to index
            %get3A_468 = tpu.vector_load %arg18[%get3A_467] {strides = array<i32>} : memref<8192xf32, #tpu.memory_space<vmem>>, vector<16xf32>,
            %get3A_469 = vector.shape_cast %get3A_468 : vector<16xf32> to vector<16xf32>
            %get3A_470 = arith.index_cast %add3A_466 : i32 to index
            %get3A_471 = tpu.vector_load %arg20[%get3A_470] {strides = array<i32>} : memref<8192xi32, #tpu.memory_space<vmem>>, vector<16xi32>,
            %get3A_472 = vector.shape_cast %get3A_471 : vector<16xi32> to vector<16xi32>
            %shift_left3A_473 = arith.constant 16 : i32
            %shift_left3A_474 = vector.broadcast %shift_left3A_473 : i32 to vector<16xi32>
            %shift_left3A_475 = arith.shli %get3A_472, %shift_left3A_474 : vector<16xi32>
            %bitcast_convert_type3A_476 = tpu.bitcast %shift_left3A_475 : vector<16xi32> -> vector<16xf32>
            %and3A_477 = arith.andi %get3A_472, %broadcast_in_dim3A_304 : vector<16xi32>
            %bitcast_convert_type3A_478 = tpu.bitcast %and3A_477 : vector<16xi32> -> vector<16xf32>
            %mul3A_479 = arith.mulf %get3A_469, %bitcast_convert_type3A_476 : vector<16xf32>
            %add3A_480 = arith.addf %add3A_460, %mul3A_479 : vector<16xf32>
            %mul3A_481 = arith.mulf %get3A_469, %bitcast_convert_type3A_478 : vector<16xf32>
            %add3A_482 = arith.addf %add3A_462, %mul3A_481 : vector<16xf32>
            %mul3A_483 = arith.constant 8 : i32
            %mul3A_484 = arith.muli %mul3A_361, %mul3A_483 : i32
            %add3A_485 = arith.constant 96 : i32
            %add3A_486 = arith.addi %mul3A_484, %add3A_485 : i32
            %get3A_487 = arith.index_cast %add3A_486 : i32 to index
            %get3A_488 = tpu.vector_load %arg18[%get3A_487] {strides = array<i32>} : memref<8192xf32, #tpu.memory_space<vmem>>, vector<16xf32>,
            %get3A_489 = vector.shape_cast %get3A_488 : vector<16xf32> to vector<16xf32>
            %get3A_490 = arith.index_cast %add3A_486 : i32 to index
            %get3A_491 = tpu.vector_load %arg20[%get3A_490] {strides = array<i32>} : memref<8192xi32, #tpu.memory_space<vmem>>, vector<16xi32>,
            %get3A_492 = vector.shape_cast %get3A_491 : vector<16xi32> to vector<16xi32>
            %shift_left3A_493 = arith.constant 16 : i32
            %shift_left3A_494 = vector.broadcast %shift_left3A_493 : i32 to vector<16xi32>
            %shift_left3A_495 = arith.shli %get3A_492, %shift_left3A_494 : vector<16xi32>
            %bitcast_convert_type3A_496 = tpu.bitcast %shift_left3A_495 : vector<16xi32> -> vector<16xf32>
            %and3A_497 = arith.andi %get3A_492, %broadcast_in_dim3A_304 : vector<16xi32>
            %bitcast_convert_type3A_498 = tpu.bitcast %and3A_497 : vector<16xi32> -> vector<16xf32>
            %mul3A_499 = arith.mulf %get3A_489, %bitcast_convert_type3A_496 : vector<16xf32>
            %add3A_500 = arith.addf %add3A_480, %mul3A_499 : vector<16xf32>
            %mul3A_501 = arith.mulf %get3A_489, %bitcast_convert_type3A_498 : vector<16xf32>
            %add3A_502 = arith.addf %add3A_482, %mul3A_501 : vector<16xf32>
            %mul3A_503 = arith.constant 8 : i32
            %mul3A_504 = arith.muli %mul3A_361, %mul3A_503 : i32
            %add3A_505 = arith.constant 112 : i32
            %add3A_506 = arith.addi %mul3A_504, %add3A_505 : i32
            %get3A_507 = arith.index_cast %add3A_506 : i32 to index
            %get3A_508 = tpu.vector_load %arg18[%get3A_507] {strides = array<i32>} : memref<8192xf32, #tpu.memory_space<vmem>>, vector<16xf32>,
            %get3A_509 = vector.shape_cast %get3A_508 : vector<16xf32> to vector<16xf32>
            %get3A_510 = arith.index_cast %add3A_506 : i32 to index
            %get3A_511 = tpu.vector_load %arg20[%get3A_510] {strides = array<i32>} : memref<8192xi32, #tpu.memory_space<vmem>>, vector<16xi32>,
            %get3A_512 = vector.shape_cast %get3A_511 : vector<16xi32> to vector<16xi32>
            %shift_left3A_513 = arith.constant 16 : i32
            %shift_left3A_514 = vector.broadcast %shift_left3A_513 : i32 to vector<16xi32>
            %shift_left3A_515 = arith.shli %get3A_512, %shift_left3A_514 : vector<16xi32>
            %bitcast_convert_type3A_516 = tpu.bitcast %shift_left3A_515 : vector<16xi32> -> vector<16xf32>
            %and3A_517 = arith.andi %get3A_512, %broadcast_in_dim3A_304 : vector<16xi32>
            %bitcast_convert_type3A_518 = tpu.bitcast %and3A_517 : vector<16xi32> -> vector<16xf32>
            %mul3A_519 = arith.mulf %get3A_509, %bitcast_convert_type3A_516 : vector<16xf32>
            %add3A_520 = arith.addf %add3A_500, %mul3A_519 : vector<16xf32>
            %mul3A_521 = arith.mulf %get3A_509, %bitcast_convert_type3A_518 : vector<16xf32>
            %add3A_522 = arith.addf %add3A_502, %mul3A_521 : vector<16xf32>
            %mul3A_523 = arith.constant 2 : i32
            %mul3A_524 = arith.muli %mul3A_523, %sub3A_294 : i32
            %swap3A = arith.index_cast %mul3A_524 : i32 to index
            %swap3A_525 = arith.index_cast %mul3A_361 : i32 to index
            %swap3A_526 = tpu.vector_load %arg21[%swap3A, %swap3A_525] {strides = array<i32>} : memref<32x1024xf32, #tpu.memory_space<vmem>>, vector<1x16xf32>,
            %swap3A_527 = vector.shape_cast %swap3A_526 : vector<1x16xf32> to vector<16xf32>
            %swap3A_528 = vector.shape_cast %add3A_520 : vector<16xf32> to vector<1x16xf32>
            tpu.vector_store %arg21[%swap3A, %swap3A_525], %swap3A_528 {strides = array<i32>} : memref<32x1024xf32, #tpu.memory_space<vmem>>, vector<1x16xf32>,
            %mul3A_529 = arith.constant 2 : i32
            %mul3A_530 = arith.muli %mul3A_529, %sub3A_294 : i32
            %add3A_531 = arith.constant 1 : i32
            %add3A_532 = arith.addi %mul3A_530, %add3A_531 : i32
            %swap3A_533 = arith.index_cast %add3A_532 : i32 to index
            %swap3A_534 = arith.index_cast %mul3A_361 : i32 to index
            %swap3A_535 = tpu.vector_load %arg21[%swap3A_533, %swap3A_534] {strides = array<i32>} : memref<32x1024xf32, #tpu.memory_space<vmem>>, vector<1x16xf32>,
            %swap3A_536 = vector.shape_cast %swap3A_535 : vector<1x16xf32> to vector<16xf32>
            %swap3A_537 = vector.shape_cast %add3A_522 : vector<16xf32> to vector<1x16xf32>
            tpu.vector_store %arg21[%swap3A_533, %swap3A_534], %swap3A_537 {strides = array<i32>} : memref<32x1024xf32, #tpu.memory_space<vmem>>, vector<1x16xf32>,
          }
          %scan3A_310 = arith.constant 16 : i32
          %dma_wait3A_311 = arith.constant 2048 : i32
          %dma_wait3A_312 = tpu.memref_slice %arg20[%dma_wait3A_311] : memref<8192xi32, #tpu.memory_space<vmem>> -> memref<2048xi32, #tpu.memory_space<vmem>>
          %dma_wait3A_313 = arith.constant 0 : i32
          %dma_wait3A_314 = tpu.memref_slice %arg5[%dma_wait3A_313] : memref<8388608xi32, #tpu.memory_space<hbm>> -> memref<2048xi32, #tpu.memory_space<hbm>>
          %dma_wait3A_315 = arith.constant 2048 : i32
          %dma_wait3A_316 = tpu.memref_slice %arg20[%dma_wait3A_315] : memref<8192xi32, #tpu.memory_space<vmem>> -> memref<2048xi32, #tpu.memory_space<vmem>>
          %dma_wait3A_317 = arith.constant 0 : i32
          %dma_wait3A_318 = tpu.memref_slice %arg5[%dma_wait3A_317] : memref<8388608xi32, #tpu.memory_space<hbm>> -> memref<2048xi32, #tpu.memory_space<hbm>>
          tpu.wait_dma2 semaphore(%arg29 : memref<!tpu.dma_semaphore, #tpu.memory_space<semaphore_mem>>) src(%dma_wait3A_318 : memref<2048xi32, #tpu.memory_space<hbm>>) dst(%dma_wait3A_316 : memref<2048xi32, #tpu.memory_space<vmem>>)
          %broadcast_in_dim3A_319 = arith.constant -65536 : i32
          %broadcast_in_dim3A_320 = vector.broadcast %broadcast_in_dim3A_319 : i32 to vector<16xi32>
          %scan3A_321 = arith.constant 0 : i32
          %scan3A_322 = arith.constant 16 : i32
          %scan3A_323 = arith.constant 16 : i32
          %scan3A_324 = arith.addi %scan3A_322, %scan3A_323 : i32
          %scan3A_325 = arith.constant 1 : i32
          scf.for %scan3A_359 = %scan3A_322 to %scan3A_324 step %scan3A_325  : i32 {
            %mul3A_360 = arith.constant 16 : i32
            %mul3A_361 = arith.muli %scan3A_359, %mul3A_360 : i32
            %broadcast_in_dim3A_362 = arith.constant 0.000000e+00 : f32
            %broadcast_in_dim3A_363 = vector.broadcast %broadcast_in_dim3A_362 : f32 to vector<16xf32>
            %broadcast_in_dim3A_364 = arith.constant 0.000000e+00 : f32
            %broadcast_in_dim3A_365 = vector.broadcast %broadcast_in_dim3A_364 : f32 to vector<16xf32>
            %mul3A_366 = arith.constant 8 : i32
            %mul3A_367 = arith.muli %mul3A_361, %mul3A_366 : i32
            %add3A_368 = arith.constant 0 : i32
            %add3A_369 = arith.addi %mul3A_367, %add3A_368 : i32
            %get3A_370 = arith.index_cast %add3A_369 : i32 to index
            %get3A_371 = tpu.vector_load %arg18[%get3A_370] {strides = array<i32>} : memref<8192xf32, #tpu.memory_space<vmem>>, vector<16xf32>,
            %get3A_372 = vector.shape_cast %get3A_371 : vector<16xf32> to vector<16xf32>
            %get3A_373 = arith.index_cast %add3A_369 : i32 to index
            %get3A_374 = tpu.vector_load %arg20[%get3A_373] {strides = array<i32>} : memref<8192xi32, #tpu.memory_space<vmem>>, vector<16xi32>,
            %get3A_375 = vector.shape_cast %get3A_374 : vector<16xi32> to vector<16xi32>
            %shift_left3A = arith.constant 16 : i32
            %shift_left3A_376 = vector.broadcast %shift_left3A : i32 to vector<16xi32>
            %shift_left3A_377 = arith.shli %get3A_375, %shift_left3A_376 : vector<16xi32>
            %bitcast_convert_type3A = tpu.bitcast %shift_left3A_377 : vector<16xi32> -> vector<16xf32>
            %and3A = arith.andi %get3A_375, %broadcast_in_dim3A_320 : vector<16xi32>
            %bitcast_convert_type3A_378 = tpu.bitcast %and3A : vector<16xi32> -> vector<16xf32>
            %mul3A_379 = arith.mulf %get3A_372, %bitcast_convert_type3A : vector<16xf32>
            %add3A_380 = arith.addf %broadcast_in_dim3A_363, %mul3A_379 : vector<16xf32>
            %mul3A_381 = arith.mulf %get3A_372, %bitcast_convert_type3A_378 : vector<16xf32>
            %add3A_382 = arith.addf %broadcast_in_dim3A_365, %mul3A_381 : vector<16xf32>
            %mul3A_383 = arith.constant 8 : i32
            %mul3A_384 = arith.muli %mul3A_361, %mul3A_383 : i32
            %add3A_385 = arith.constant 16 : i32
            %add3A_386 = arith.addi %mul3A_384, %add3A_385 : i32
            %get3A_387 = arith.index_cast %add3A_386 : i32 to index
            %get3A_388 = tpu.vector_load %arg18[%get3A_387] {strides = array<i32>} : memref<8192xf32, #tpu.memory_space<vmem>>, vector<16xf32>,
            %get3A_389 = vector.shape_cast %get3A_388 : vector<16xf32> to vector<16xf32>
            %get3A_390 = arith.index_cast %add3A_386 : i32 to index
            %get3A_391 = tpu.vector_load %arg20[%get3A_390] {strides = array<i32>} : memref<8192xi32, #tpu.memory_space<vmem>>, vector<16xi32>,
            %get3A_392 = vector.shape_cast %get3A_391 : vector<16xi32> to vector<16xi32>
            %shift_left3A_393 = arith.constant 16 : i32
            %shift_left3A_394 = vector.broadcast %shift_left3A_393 : i32 to vector<16xi32>
            %shift_left3A_395 = arith.shli %get3A_392, %shift_left3A_394 : vector<16xi32>
            %bitcast_convert_type3A_396 = tpu.bitcast %shift_left3A_395 : vector<16xi32> -> vector<16xf32>
            %and3A_397 = arith.andi %get3A_392, %broadcast_in_dim3A_320 : vector<16xi32>
            %bitcast_convert_type3A_398 = tpu.bitcast %and3A_397 : vector<16xi32> -> vector<16xf32>
            %mul3A_399 = arith.mulf %get3A_389, %bitcast_convert_type3A_396 : vector<16xf32>
            %add3A_400 = arith.addf %add3A_380, %mul3A_399 : vector<16xf32>
            %mul3A_401 = arith.mulf %get3A_389, %bitcast_convert_type3A_398 : vector<16xf32>
            %add3A_402 = arith.addf %add3A_382, %mul3A_401 : vector<16xf32>
            %mul3A_403 = arith.constant 8 : i32
            %mul3A_404 = arith.muli %mul3A_361, %mul3A_403 : i32
            %add3A_405 = arith.constant 32 : i32
            %add3A_406 = arith.addi %mul3A_404, %add3A_405 : i32
            %get3A_407 = arith.index_cast %add3A_406 : i32 to index
            %get3A_408 = tpu.vector_load %arg18[%get3A_407] {strides = array<i32>} : memref<8192xf32, #tpu.memory_space<vmem>>, vector<16xf32>,
            %get3A_409 = vector.shape_cast %get3A_408 : vector<16xf32> to vector<16xf32>
            %get3A_410 = arith.index_cast %add3A_406 : i32 to index
            %get3A_411 = tpu.vector_load %arg20[%get3A_410] {strides = array<i32>} : memref<8192xi32, #tpu.memory_space<vmem>>, vector<16xi32>,
            %get3A_412 = vector.shape_cast %get3A_411 : vector<16xi32> to vector<16xi32>
            %shift_left3A_413 = arith.constant 16 : i32
            %shift_left3A_414 = vector.broadcast %shift_left3A_413 : i32 to vector<16xi32>
            %shift_left3A_415 = arith.shli %get3A_412, %shift_left3A_414 : vector<16xi32>
            %bitcast_convert_type3A_416 = tpu.bitcast %shift_left3A_415 : vector<16xi32> -> vector<16xf32>
            %and3A_417 = arith.andi %get3A_412, %broadcast_in_dim3A_320 : vector<16xi32>
            %bitcast_convert_type3A_418 = tpu.bitcast %and3A_417 : vector<16xi32> -> vector<16xf32>
            %mul3A_419 = arith.mulf %get3A_409, %bitcast_convert_type3A_416 : vector<16xf32>
            %add3A_420 = arith.addf %add3A_400, %mul3A_419 : vector<16xf32>
            %mul3A_421 = arith.mulf %get3A_409, %bitcast_convert_type3A_418 : vector<16xf32>
            %add3A_422 = arith.addf %add3A_402, %mul3A_421 : vector<16xf32>
            %mul3A_423 = arith.constant 8 : i32
            %mul3A_424 = arith.muli %mul3A_361, %mul3A_423 : i32
            %add3A_425 = arith.constant 48 : i32
            %add3A_426 = arith.addi %mul3A_424, %add3A_425 : i32
            %get3A_427 = arith.index_cast %add3A_426 : i32 to index
            %get3A_428 = tpu.vector_load %arg18[%get3A_427] {strides = array<i32>} : memref<8192xf32, #tpu.memory_space<vmem>>, vector<16xf32>,
            %get3A_429 = vector.shape_cast %get3A_428 : vector<16xf32> to vector<16xf32>
            %get3A_430 = arith.index_cast %add3A_426 : i32 to index
            %get3A_431 = tpu.vector_load %arg20[%get3A_430] {strides = array<i32>} : memref<8192xi32, #tpu.memory_space<vmem>>, vector<16xi32>,
            %get3A_432 = vector.shape_cast %get3A_431 : vector<16xi32> to vector<16xi32>
            %shift_left3A_433 = arith.constant 16 : i32
            %shift_left3A_434 = vector.broadcast %shift_left3A_433 : i32 to vector<16xi32>
            %shift_left3A_435 = arith.shli %get3A_432, %shift_left3A_434 : vector<16xi32>
            %bitcast_convert_type3A_436 = tpu.bitcast %shift_left3A_435 : vector<16xi32> -> vector<16xf32>
            %and3A_437 = arith.andi %get3A_432, %broadcast_in_dim3A_320 : vector<16xi32>
            %bitcast_convert_type3A_438 = tpu.bitcast %and3A_437 : vector<16xi32> -> vector<16xf32>
            %mul3A_439 = arith.mulf %get3A_429, %bitcast_convert_type3A_436 : vector<16xf32>
            %add3A_440 = arith.addf %add3A_420, %mul3A_439 : vector<16xf32>
            %mul3A_441 = arith.mulf %get3A_429, %bitcast_convert_type3A_438 : vector<16xf32>
            %add3A_442 = arith.addf %add3A_422, %mul3A_441 : vector<16xf32>
            %mul3A_443 = arith.constant 8 : i32
            %mul3A_444 = arith.muli %mul3A_361, %mul3A_443 : i32
            %add3A_445 = arith.constant 64 : i32
            %add3A_446 = arith.addi %mul3A_444, %add3A_445 : i32
            %get3A_447 = arith.index_cast %add3A_446 : i32 to index
            %get3A_448 = tpu.vector_load %arg18[%get3A_447] {strides = array<i32>} : memref<8192xf32, #tpu.memory_space<vmem>>, vector<16xf32>,
            %get3A_449 = vector.shape_cast %get3A_448 : vector<16xf32> to vector<16xf32>
            %get3A_450 = arith.index_cast %add3A_446 : i32 to index
            %get3A_451 = tpu.vector_load %arg20[%get3A_450] {strides = array<i32>} : memref<8192xi32, #tpu.memory_space<vmem>>, vector<16xi32>,
            %get3A_452 = vector.shape_cast %get3A_451 : vector<16xi32> to vector<16xi32>
            %shift_left3A_453 = arith.constant 16 : i32
            %shift_left3A_454 = vector.broadcast %shift_left3A_453 : i32 to vector<16xi32>
            %shift_left3A_455 = arith.shli %get3A_452, %shift_left3A_454 : vector<16xi32>
            %bitcast_convert_type3A_456 = tpu.bitcast %shift_left3A_455 : vector<16xi32> -> vector<16xf32>
            %and3A_457 = arith.andi %get3A_452, %broadcast_in_dim3A_320 : vector<16xi32>
            %bitcast_convert_type3A_458 = tpu.bitcast %and3A_457 : vector<16xi32> -> vector<16xf32>
            %mul3A_459 = arith.mulf %get3A_449, %bitcast_convert_type3A_456 : vector<16xf32>
            %add3A_460 = arith.addf %add3A_440, %mul3A_459 : vector<16xf32>
            %mul3A_461 = arith.mulf %get3A_449, %bitcast_convert_type3A_458 : vector<16xf32>
            %add3A_462 = arith.addf %add3A_442, %mul3A_461 : vector<16xf32>
            %mul3A_463 = arith.constant 8 : i32
            %mul3A_464 = arith.muli %mul3A_361, %mul3A_463 : i32
            %add3A_465 = arith.constant 80 : i32
            %add3A_466 = arith.addi %mul3A_464, %add3A_465 : i32
            %get3A_467 = arith.index_cast %add3A_466 : i32 to index
            %get3A_468 = tpu.vector_load %arg18[%get3A_467] {strides = array<i32>} : memref<8192xf32, #tpu.memory_space<vmem>>, vector<16xf32>,
            %get3A_469 = vector.shape_cast %get3A_468 : vector<16xf32> to vector<16xf32>
            %get3A_470 = arith.index_cast %add3A_466 : i32 to index
            %get3A_471 = tpu.vector_load %arg20[%get3A_470] {strides = array<i32>} : memref<8192xi32, #tpu.memory_space<vmem>>, vector<16xi32>,
            %get3A_472 = vector.shape_cast %get3A_471 : vector<16xi32> to vector<16xi32>
            %shift_left3A_473 = arith.constant 16 : i32
            %shift_left3A_474 = vector.broadcast %shift_left3A_473 : i32 to vector<16xi32>
            %shift_left3A_475 = arith.shli %get3A_472, %shift_left3A_474 : vector<16xi32>
            %bitcast_convert_type3A_476 = tpu.bitcast %shift_left3A_475 : vector<16xi32> -> vector<16xf32>
            %and3A_477 = arith.andi %get3A_472, %broadcast_in_dim3A_320 : vector<16xi32>
            %bitcast_convert_type3A_478 = tpu.bitcast %and3A_477 : vector<16xi32> -> vector<16xf32>
            %mul3A_479 = arith.mulf %get3A_469, %bitcast_convert_type3A_476 : vector<16xf32>
            %add3A_480 = arith.addf %add3A_460, %mul3A_479 : vector<16xf32>
            %mul3A_481 = arith.mulf %get3A_469, %bitcast_convert_type3A_478 : vector<16xf32>
            %add3A_482 = arith.addf %add3A_462, %mul3A_481 : vector<16xf32>
            %mul3A_483 = arith.constant 8 : i32
            %mul3A_484 = arith.muli %mul3A_361, %mul3A_483 : i32
            %add3A_485 = arith.constant 96 : i32
            %add3A_486 = arith.addi %mul3A_484, %add3A_485 : i32
            %get3A_487 = arith.index_cast %add3A_486 : i32 to index
            %get3A_488 = tpu.vector_load %arg18[%get3A_487] {strides = array<i32>} : memref<8192xf32, #tpu.memory_space<vmem>>, vector<16xf32>,
            %get3A_489 = vector.shape_cast %get3A_488 : vector<16xf32> to vector<16xf32>
            %get3A_490 = arith.index_cast %add3A_486 : i32 to index
            %get3A_491 = tpu.vector_load %arg20[%get3A_490] {strides = array<i32>} : memref<8192xi32, #tpu.memory_space<vmem>>, vector<16xi32>,
            %get3A_492 = vector.shape_cast %get3A_491 : vector<16xi32> to vector<16xi32>
            %shift_left3A_493 = arith.constant 16 : i32
            %shift_left3A_494 = vector.broadcast %shift_left3A_493 : i32 to vector<16xi32>
            %shift_left3A_495 = arith.shli %get3A_492, %shift_left3A_494 : vector<16xi32>
            %bitcast_convert_type3A_496 = tpu.bitcast %shift_left3A_495 : vector<16xi32> -> vector<16xf32>
            %and3A_497 = arith.andi %get3A_492, %broadcast_in_dim3A_320 : vector<16xi32>
            %bitcast_convert_type3A_498 = tpu.bitcast %and3A_497 : vector<16xi32> -> vector<16xf32>
            %mul3A_499 = arith.mulf %get3A_489, %bitcast_convert_type3A_496 : vector<16xf32>
            %add3A_500 = arith.addf %add3A_480, %mul3A_499 : vector<16xf32>
            %mul3A_501 = arith.mulf %get3A_489, %bitcast_convert_type3A_498 : vector<16xf32>
            %add3A_502 = arith.addf %add3A_482, %mul3A_501 : vector<16xf32>
            %mul3A_503 = arith.constant 8 : i32
            %mul3A_504 = arith.muli %mul3A_361, %mul3A_503 : i32
            %add3A_505 = arith.constant 112 : i32
            %add3A_506 = arith.addi %mul3A_504, %add3A_505 : i32
            %get3A_507 = arith.index_cast %add3A_506 : i32 to index
            %get3A_508 = tpu.vector_load %arg18[%get3A_507] {strides = array<i32>} : memref<8192xf32, #tpu.memory_space<vmem>>, vector<16xf32>,
            %get3A_509 = vector.shape_cast %get3A_508 : vector<16xf32> to vector<16xf32>
            %get3A_510 = arith.index_cast %add3A_506 : i32 to index
            %get3A_511 = tpu.vector_load %arg20[%get3A_510] {strides = array<i32>} : memref<8192xi32, #tpu.memory_space<vmem>>, vector<16xi32>,
            %get3A_512 = vector.shape_cast %get3A_511 : vector<16xi32> to vector<16xi32>
            %shift_left3A_513 = arith.constant 16 : i32
            %shift_left3A_514 = vector.broadcast %shift_left3A_513 : i32 to vector<16xi32>
            %shift_left3A_515 = arith.shli %get3A_512, %shift_left3A_514 : vector<16xi32>
            %bitcast_convert_type3A_516 = tpu.bitcast %shift_left3A_515 : vector<16xi32> -> vector<16xf32>
            %and3A_517 = arith.andi %get3A_512, %broadcast_in_dim3A_320 : vector<16xi32>
            %bitcast_convert_type3A_518 = tpu.bitcast %and3A_517 : vector<16xi32> -> vector<16xf32>
            %mul3A_519 = arith.mulf %get3A_509, %bitcast_convert_type3A_516 : vector<16xf32>
            %add3A_520 = arith.addf %add3A_500, %mul3A_519 : vector<16xf32>
            %mul3A_521 = arith.mulf %get3A_509, %bitcast_convert_type3A_518 : vector<16xf32>
            %add3A_522 = arith.addf %add3A_502, %mul3A_521 : vector<16xf32>
            %mul3A_523 = arith.constant 2 : i32
            %mul3A_524 = arith.muli %mul3A_523, %sub3A_294 : i32
            %swap3A = arith.index_cast %mul3A_524 : i32 to index
            %swap3A_525 = arith.index_cast %mul3A_361 : i32 to index
            %swap3A_526 = tpu.vector_load %arg21[%swap3A, %swap3A_525] {strides = array<i32>} : memref<32x1024xf32, #tpu.memory_space<vmem>>, vector<1x16xf32>,
            %swap3A_527 = vector.shape_cast %swap3A_526 : vector<1x16xf32> to vector<16xf32>
            %swap3A_528 = vector.shape_cast %add3A_520 : vector<16xf32> to vector<1x16xf32>
            tpu.vector_store %arg21[%swap3A, %swap3A_525], %swap3A_528 {strides = array<i32>} : memref<32x1024xf32, #tpu.memory_space<vmem>>, vector<1x16xf32>,
            %mul3A_529 = arith.constant 2 : i32
            %mul3A_530 = arith.muli %mul3A_529, %sub3A_294 : i32
            %add3A_531 = arith.constant 1 : i32
            %add3A_532 = arith.addi %mul3A_530, %add3A_531 : i32
            %swap3A_533 = arith.index_cast %add3A_532 : i32 to index
            %swap3A_534 = arith.index_cast %mul3A_361 : i32 to index
            %swap3A_535 = tpu.vector_load %arg21[%swap3A_533, %swap3A_534] {strides = array<i32>} : memref<32x1024xf32, #tpu.memory_space<vmem>>, vector<1x16xf32>,
            %swap3A_536 = vector.shape_cast %swap3A_535 : vector<1x16xf32> to vector<16xf32>
            %swap3A_537 = vector.shape_cast %add3A_522 : vector<16xf32> to vector<1x16xf32>
            tpu.vector_store %arg21[%swap3A_533, %swap3A_534], %swap3A_537 {strides = array<i32>} : memref<32x1024xf32, #tpu.memory_space<vmem>>, vector<1x16xf32>,
          }
          %scan3A_326 = arith.constant 16 : i32
          %dma_wait3A_327 = arith.constant 4096 : i32
          %dma_wait3A_328 = tpu.memref_slice %arg20[%dma_wait3A_327] : memref<8192xi32, #tpu.memory_space<vmem>> -> memref<2048xi32, #tpu.memory_space<vmem>>
          %dma_wait3A_329 = arith.constant 0 : i32
          %dma_wait3A_330 = tpu.memref_slice %arg5[%dma_wait3A_329] : memref<8388608xi32, #tpu.memory_space<hbm>> -> memref<2048xi32, #tpu.memory_space<hbm>>
          %dma_wait3A_331 = arith.constant 4096 : i32
          %dma_wait3A_332 = tpu.memref_slice %arg20[%dma_wait3A_331] : memref<8192xi32, #tpu.memory_space<vmem>> -> memref<2048xi32, #tpu.memory_space<vmem>>
          %dma_wait3A_333 = arith.constant 0 : i32
          %dma_wait3A_334 = tpu.memref_slice %arg5[%dma_wait3A_333] : memref<8388608xi32, #tpu.memory_space<hbm>> -> memref<2048xi32, #tpu.memory_space<hbm>>
          tpu.wait_dma2 semaphore(%arg29 : memref<!tpu.dma_semaphore, #tpu.memory_space<semaphore_mem>>) src(%dma_wait3A_334 : memref<2048xi32, #tpu.memory_space<hbm>>) dst(%dma_wait3A_332 : memref<2048xi32, #tpu.memory_space<vmem>>)
          %broadcast_in_dim3A_335 = arith.constant -65536 : i32
          %broadcast_in_dim3A_336 = vector.broadcast %broadcast_in_dim3A_335 : i32 to vector<16xi32>
          %scan3A_337 = arith.constant 0 : i32
          %scan3A_338 = arith.constant 32 : i32
          %scan3A_339 = arith.constant 16 : i32
          %scan3A_340 = arith.addi %scan3A_338, %scan3A_339 : i32
          %scan3A_341 = arith.constant 1 : i32
          scf.for %scan3A_359 = %scan3A_338 to %scan3A_340 step %scan3A_341  : i32 {
            %mul3A_360 = arith.constant 16 : i32
            %mul3A_361 = arith.muli %scan3A_359, %mul3A_360 : i32
            %broadcast_in_dim3A_362 = arith.constant 0.000000e+00 : f32
            %broadcast_in_dim3A_363 = vector.broadcast %broadcast_in_dim3A_362 : f32 to vector<16xf32>
            %broadcast_in_dim3A_364 = arith.constant 0.000000e+00 : f32
            %broadcast_in_dim3A_365 = vector.broadcast %broadcast_in_dim3A_364 : f32 to vector<16xf32>
            %mul3A_366 = arith.constant 8 : i32
            %mul3A_367 = arith.muli %mul3A_361, %mul3A_366 : i32
            %add3A_368 = arith.constant 0 : i32
            %add3A_369 = arith.addi %mul3A_367, %add3A_368 : i32
            %get3A_370 = arith.index_cast %add3A_369 : i32 to index
            %get3A_371 = tpu.vector_load %arg18[%get3A_370] {strides = array<i32>} : memref<8192xf32, #tpu.memory_space<vmem>>, vector<16xf32>,
            %get3A_372 = vector.shape_cast %get3A_371 : vector<16xf32> to vector<16xf32>
            %get3A_373 = arith.index_cast %add3A_369 : i32 to index
            %get3A_374 = tpu.vector_load %arg20[%get3A_373] {strides = array<i32>} : memref<8192xi32, #tpu.memory_space<vmem>>, vector<16xi32>,
            %get3A_375 = vector.shape_cast %get3A_374 : vector<16xi32> to vector<16xi32>
            %shift_left3A = arith.constant 16 : i32
            %shift_left3A_376 = vector.broadcast %shift_left3A : i32 to vector<16xi32>
            %shift_left3A_377 = arith.shli %get3A_375, %shift_left3A_376 : vector<16xi32>
            %bitcast_convert_type3A = tpu.bitcast %shift_left3A_377 : vector<16xi32> -> vector<16xf32>
            %and3A = arith.andi %get3A_375, %broadcast_in_dim3A_336 : vector<16xi32>
            %bitcast_convert_type3A_378 = tpu.bitcast %and3A : vector<16xi32> -> vector<16xf32>
            %mul3A_379 = arith.mulf %get3A_372, %bitcast_convert_type3A : vector<16xf32>
            %add3A_380 = arith.addf %broadcast_in_dim3A_363, %mul3A_379 : vector<16xf32>
            %mul3A_381 = arith.mulf %get3A_372, %bitcast_convert_type3A_378 : vector<16xf32>
            %add3A_382 = arith.addf %broadcast_in_dim3A_365, %mul3A_381 : vector<16xf32>
            %mul3A_383 = arith.constant 8 : i32
            %mul3A_384 = arith.muli %mul3A_361, %mul3A_383 : i32
            %add3A_385 = arith.constant 16 : i32
            %add3A_386 = arith.addi %mul3A_384, %add3A_385 : i32
            %get3A_387 = arith.index_cast %add3A_386 : i32 to index
            %get3A_388 = tpu.vector_load %arg18[%get3A_387] {strides = array<i32>} : memref<8192xf32, #tpu.memory_space<vmem>>, vector<16xf32>,
            %get3A_389 = vector.shape_cast %get3A_388 : vector<16xf32> to vector<16xf32>
            %get3A_390 = arith.index_cast %add3A_386 : i32 to index
            %get3A_391 = tpu.vector_load %arg20[%get3A_390] {strides = array<i32>} : memref<8192xi32, #tpu.memory_space<vmem>>, vector<16xi32>,
            %get3A_392 = vector.shape_cast %get3A_391 : vector<16xi32> to vector<16xi32>
            %shift_left3A_393 = arith.constant 16 : i32
            %shift_left3A_394 = vector.broadcast %shift_left3A_393 : i32 to vector<16xi32>
            %shift_left3A_395 = arith.shli %get3A_392, %shift_left3A_394 : vector<16xi32>
            %bitcast_convert_type3A_396 = tpu.bitcast %shift_left3A_395 : vector<16xi32> -> vector<16xf32>
            %and3A_397 = arith.andi %get3A_392, %broadcast_in_dim3A_336 : vector<16xi32>
            %bitcast_convert_type3A_398 = tpu.bitcast %and3A_397 : vector<16xi32> -> vector<16xf32>
            %mul3A_399 = arith.mulf %get3A_389, %bitcast_convert_type3A_396 : vector<16xf32>
            %add3A_400 = arith.addf %add3A_380, %mul3A_399 : vector<16xf32>
            %mul3A_401 = arith.mulf %get3A_389, %bitcast_convert_type3A_398 : vector<16xf32>
            %add3A_402 = arith.addf %add3A_382, %mul3A_401 : vector<16xf32>
            %mul3A_403 = arith.constant 8 : i32
            %mul3A_404 = arith.muli %mul3A_361, %mul3A_403 : i32
            %add3A_405 = arith.constant 32 : i32
            %add3A_406 = arith.addi %mul3A_404, %add3A_405 : i32
            %get3A_407 = arith.index_cast %add3A_406 : i32 to index
            %get3A_408 = tpu.vector_load %arg18[%get3A_407] {strides = array<i32>} : memref<8192xf32, #tpu.memory_space<vmem>>, vector<16xf32>,
            %get3A_409 = vector.shape_cast %get3A_408 : vector<16xf32> to vector<16xf32>
            %get3A_410 = arith.index_cast %add3A_406 : i32 to index
            %get3A_411 = tpu.vector_load %arg20[%get3A_410] {strides = array<i32>} : memref<8192xi32, #tpu.memory_space<vmem>>, vector<16xi32>,
            %get3A_412 = vector.shape_cast %get3A_411 : vector<16xi32> to vector<16xi32>
            %shift_left3A_413 = arith.constant 16 : i32
            %shift_left3A_414 = vector.broadcast %shift_left3A_413 : i32 to vector<16xi32>
            %shift_left3A_415 = arith.shli %get3A_412, %shift_left3A_414 : vector<16xi32>
            %bitcast_convert_type3A_416 = tpu.bitcast %shift_left3A_415 : vector<16xi32> -> vector<16xf32>
            %and3A_417 = arith.andi %get3A_412, %broadcast_in_dim3A_336 : vector<16xi32>
            %bitcast_convert_type3A_418 = tpu.bitcast %and3A_417 : vector<16xi32> -> vector<16xf32>
            %mul3A_419 = arith.mulf %get3A_409, %bitcast_convert_type3A_416 : vector<16xf32>
            %add3A_420 = arith.addf %add3A_400, %mul3A_419 : vector<16xf32>
            %mul3A_421 = arith.mulf %get3A_409, %bitcast_convert_type3A_418 : vector<16xf32>
            %add3A_422 = arith.addf %add3A_402, %mul3A_421 : vector<16xf32>
            %mul3A_423 = arith.constant 8 : i32
            %mul3A_424 = arith.muli %mul3A_361, %mul3A_423 : i32
            %add3A_425 = arith.constant 48 : i32
            %add3A_426 = arith.addi %mul3A_424, %add3A_425 : i32
            %get3A_427 = arith.index_cast %add3A_426 : i32 to index
            %get3A_428 = tpu.vector_load %arg18[%get3A_427] {strides = array<i32>} : memref<8192xf32, #tpu.memory_space<vmem>>, vector<16xf32>,
            %get3A_429 = vector.shape_cast %get3A_428 : vector<16xf32> to vector<16xf32>
            %get3A_430 = arith.index_cast %add3A_426 : i32 to index
            %get3A_431 = tpu.vector_load %arg20[%get3A_430] {strides = array<i32>} : memref<8192xi32, #tpu.memory_space<vmem>>, vector<16xi32>,
            %get3A_432 = vector.shape_cast %get3A_431 : vector<16xi32> to vector<16xi32>
            %shift_left3A_433 = arith.constant 16 : i32
            %shift_left3A_434 = vector.broadcast %shift_left3A_433 : i32 to vector<16xi32>
            %shift_left3A_435 = arith.shli %get3A_432, %shift_left3A_434 : vector<16xi32>
            %bitcast_convert_type3A_436 = tpu.bitcast %shift_left3A_435 : vector<16xi32> -> vector<16xf32>
            %and3A_437 = arith.andi %get3A_432, %broadcast_in_dim3A_336 : vector<16xi32>
            %bitcast_convert_type3A_438 = tpu.bitcast %and3A_437 : vector<16xi32> -> vector<16xf32>
            %mul3A_439 = arith.mulf %get3A_429, %bitcast_convert_type3A_436 : vector<16xf32>
            %add3A_440 = arith.addf %add3A_420, %mul3A_439 : vector<16xf32>
            %mul3A_441 = arith.mulf %get3A_429, %bitcast_convert_type3A_438 : vector<16xf32>
            %add3A_442 = arith.addf %add3A_422, %mul3A_441 : vector<16xf32>
            %mul3A_443 = arith.constant 8 : i32
            %mul3A_444 = arith.muli %mul3A_361, %mul3A_443 : i32
            %add3A_445 = arith.constant 64 : i32
            %add3A_446 = arith.addi %mul3A_444, %add3A_445 : i32
            %get3A_447 = arith.index_cast %add3A_446 : i32 to index
            %get3A_448 = tpu.vector_load %arg18[%get3A_447] {strides = array<i32>} : memref<8192xf32, #tpu.memory_space<vmem>>, vector<16xf32>,
            %get3A_449 = vector.shape_cast %get3A_448 : vector<16xf32> to vector<16xf32>
            %get3A_450 = arith.index_cast %add3A_446 : i32 to index
            %get3A_451 = tpu.vector_load %arg20[%get3A_450] {strides = array<i32>} : memref<8192xi32, #tpu.memory_space<vmem>>, vector<16xi32>,
            %get3A_452 = vector.shape_cast %get3A_451 : vector<16xi32> to vector<16xi32>
            %shift_left3A_453 = arith.constant 16 : i32
            %shift_left3A_454 = vector.broadcast %shift_left3A_453 : i32 to vector<16xi32>
            %shift_left3A_455 = arith.shli %get3A_452, %shift_left3A_454 : vector<16xi32>
            %bitcast_convert_type3A_456 = tpu.bitcast %shift_left3A_455 : vector<16xi32> -> vector<16xf32>
            %and3A_457 = arith.andi %get3A_452, %broadcast_in_dim3A_336 : vector<16xi32>
            %bitcast_convert_type3A_458 = tpu.bitcast %and3A_457 : vector<16xi32> -> vector<16xf32>
            %mul3A_459 = arith.mulf %get3A_449, %bitcast_convert_type3A_456 : vector<16xf32>
            %add3A_460 = arith.addf %add3A_440, %mul3A_459 : vector<16xf32>
            %mul3A_461 = arith.mulf %get3A_449, %bitcast_convert_type3A_458 : vector<16xf32>
            %add3A_462 = arith.addf %add3A_442, %mul3A_461 : vector<16xf32>
            %mul3A_463 = arith.constant 8 : i32
            %mul3A_464 = arith.muli %mul3A_361, %mul3A_463 : i32
            %add3A_465 = arith.constant 80 : i32
            %add3A_466 = arith.addi %mul3A_464, %add3A_465 : i32
            %get3A_467 = arith.index_cast %add3A_466 : i32 to index
            %get3A_468 = tpu.vector_load %arg18[%get3A_467] {strides = array<i32>} : memref<8192xf32, #tpu.memory_space<vmem>>, vector<16xf32>,
            %get3A_469 = vector.shape_cast %get3A_468 : vector<16xf32> to vector<16xf32>
            %get3A_470 = arith.index_cast %add3A_466 : i32 to index
            %get3A_471 = tpu.vector_load %arg20[%get3A_470] {strides = array<i32>} : memref<8192xi32, #tpu.memory_space<vmem>>, vector<16xi32>,
            %get3A_472 = vector.shape_cast %get3A_471 : vector<16xi32> to vector<16xi32>
            %shift_left3A_473 = arith.constant 16 : i32
            %shift_left3A_474 = vector.broadcast %shift_left3A_473 : i32 to vector<16xi32>
            %shift_left3A_475 = arith.shli %get3A_472, %shift_left3A_474 : vector<16xi32>
            %bitcast_convert_type3A_476 = tpu.bitcast %shift_left3A_475 : vector<16xi32> -> vector<16xf32>
            %and3A_477 = arith.andi %get3A_472, %broadcast_in_dim3A_336 : vector<16xi32>
            %bitcast_convert_type3A_478 = tpu.bitcast %and3A_477 : vector<16xi32> -> vector<16xf32>
            %mul3A_479 = arith.mulf %get3A_469, %bitcast_convert_type3A_476 : vector<16xf32>
            %add3A_480 = arith.addf %add3A_460, %mul3A_479 : vector<16xf32>
            %mul3A_481 = arith.mulf %get3A_469, %bitcast_convert_type3A_478 : vector<16xf32>
            %add3A_482 = arith.addf %add3A_462, %mul3A_481 : vector<16xf32>
            %mul3A_483 = arith.constant 8 : i32
            %mul3A_484 = arith.muli %mul3A_361, %mul3A_483 : i32
            %add3A_485 = arith.constant 96 : i32
            %add3A_486 = arith.addi %mul3A_484, %add3A_485 : i32
            %get3A_487 = arith.index_cast %add3A_486 : i32 to index
            %get3A_488 = tpu.vector_load %arg18[%get3A_487] {strides = array<i32>} : memref<8192xf32, #tpu.memory_space<vmem>>, vector<16xf32>,
            %get3A_489 = vector.shape_cast %get3A_488 : vector<16xf32> to vector<16xf32>
            %get3A_490 = arith.index_cast %add3A_486 : i32 to index
            %get3A_491 = tpu.vector_load %arg20[%get3A_490] {strides = array<i32>} : memref<8192xi32, #tpu.memory_space<vmem>>, vector<16xi32>,
            %get3A_492 = vector.shape_cast %get3A_491 : vector<16xi32> to vector<16xi32>
            %shift_left3A_493 = arith.constant 16 : i32
            %shift_left3A_494 = vector.broadcast %shift_left3A_493 : i32 to vector<16xi32>
            %shift_left3A_495 = arith.shli %get3A_492, %shift_left3A_494 : vector<16xi32>
            %bitcast_convert_type3A_496 = tpu.bitcast %shift_left3A_495 : vector<16xi32> -> vector<16xf32>
            %and3A_497 = arith.andi %get3A_492, %broadcast_in_dim3A_336 : vector<16xi32>
            %bitcast_convert_type3A_498 = tpu.bitcast %and3A_497 : vector<16xi32> -> vector<16xf32>
            %mul3A_499 = arith.mulf %get3A_489, %bitcast_convert_type3A_496 : vector<16xf32>
            %add3A_500 = arith.addf %add3A_480, %mul3A_499 : vector<16xf32>
            %mul3A_501 = arith.mulf %get3A_489, %bitcast_convert_type3A_498 : vector<16xf32>
            %add3A_502 = arith.addf %add3A_482, %mul3A_501 : vector<16xf32>
            %mul3A_503 = arith.constant 8 : i32
            %mul3A_504 = arith.muli %mul3A_361, %mul3A_503 : i32
            %add3A_505 = arith.constant 112 : i32
            %add3A_506 = arith.addi %mul3A_504, %add3A_505 : i32
            %get3A_507 = arith.index_cast %add3A_506 : i32 to index
            %get3A_508 = tpu.vector_load %arg18[%get3A_507] {strides = array<i32>} : memref<8192xf32, #tpu.memory_space<vmem>>, vector<16xf32>,
            %get3A_509 = vector.shape_cast %get3A_508 : vector<16xf32> to vector<16xf32>
            %get3A_510 = arith.index_cast %add3A_506 : i32 to index
            %get3A_511 = tpu.vector_load %arg20[%get3A_510] {strides = array<i32>} : memref<8192xi32, #tpu.memory_space<vmem>>, vector<16xi32>,
            %get3A_512 = vector.shape_cast %get3A_511 : vector<16xi32> to vector<16xi32>
            %shift_left3A_513 = arith.constant 16 : i32
            %shift_left3A_514 = vector.broadcast %shift_left3A_513 : i32 to vector<16xi32>
            %shift_left3A_515 = arith.shli %get3A_512, %shift_left3A_514 : vector<16xi32>
            %bitcast_convert_type3A_516 = tpu.bitcast %shift_left3A_515 : vector<16xi32> -> vector<16xf32>
            %and3A_517 = arith.andi %get3A_512, %broadcast_in_dim3A_336 : vector<16xi32>
            %bitcast_convert_type3A_518 = tpu.bitcast %and3A_517 : vector<16xi32> -> vector<16xf32>
            %mul3A_519 = arith.mulf %get3A_509, %bitcast_convert_type3A_516 : vector<16xf32>
            %add3A_520 = arith.addf %add3A_500, %mul3A_519 : vector<16xf32>
            %mul3A_521 = arith.mulf %get3A_509, %bitcast_convert_type3A_518 : vector<16xf32>
            %add3A_522 = arith.addf %add3A_502, %mul3A_521 : vector<16xf32>
            %mul3A_523 = arith.constant 2 : i32
            %mul3A_524 = arith.muli %mul3A_523, %sub3A_294 : i32
            %swap3A = arith.index_cast %mul3A_524 : i32 to index
            %swap3A_525 = arith.index_cast %mul3A_361 : i32 to index
            %swap3A_526 = tpu.vector_load %arg21[%swap3A, %swap3A_525] {strides = array<i32>} : memref<32x1024xf32, #tpu.memory_space<vmem>>, vector<1x16xf32>,
            %swap3A_527 = vector.shape_cast %swap3A_526 : vector<1x16xf32> to vector<16xf32>
            %swap3A_528 = vector.shape_cast %add3A_520 : vector<16xf32> to vector<1x16xf32>
            tpu.vector_store %arg21[%swap3A, %swap3A_525], %swap3A_528 {strides = array<i32>} : memref<32x1024xf32, #tpu.memory_space<vmem>>, vector<1x16xf32>,
            %mul3A_529 = arith.constant 2 : i32
            %mul3A_530 = arith.muli %mul3A_529, %sub3A_294 : i32
            %add3A_531 = arith.constant 1 : i32
            %add3A_532 = arith.addi %mul3A_530, %add3A_531 : i32
            %swap3A_533 = arith.index_cast %add3A_532 : i32 to index
            %swap3A_534 = arith.index_cast %mul3A_361 : i32 to index
            %swap3A_535 = tpu.vector_load %arg21[%swap3A_533, %swap3A_534] {strides = array<i32>} : memref<32x1024xf32, #tpu.memory_space<vmem>>, vector<1x16xf32>,
            %swap3A_536 = vector.shape_cast %swap3A_535 : vector<1x16xf32> to vector<16xf32>
            %swap3A_537 = vector.shape_cast %add3A_522 : vector<16xf32> to vector<1x16xf32>
            tpu.vector_store %arg21[%swap3A_533, %swap3A_534], %swap3A_537 {strides = array<i32>} : memref<32x1024xf32, #tpu.memory_space<vmem>>, vector<1x16xf32>,
          }
          %scan3A_342 = arith.constant 16 : i32
          %dma_wait3A_343 = arith.constant 6144 : i32
          %dma_wait3A_344 = tpu.memref_slice %arg20[%dma_wait3A_343] : memref<8192xi32, #tpu.memory_space<vmem>> -> memref<2048xi32, #tpu.memory_space<vmem>>
          %dma_wait3A_345 = arith.constant 0 : i32
          %dma_wait3A_346 = tpu.memref_slice %arg5[%dma_wait3A_345] : memref<8388608xi32, #tpu.memory_space<hbm>> -> memref<2048xi32, #tpu.memory_space<hbm>>
          %dma_wait3A_347 = arith.constant 6144 : i32
          %dma_wait3A_348 = tpu.memref_slice %arg20[%dma_wait3A_347] : memref<8192xi32, #tpu.memory_space<vmem>> -> memref<2048xi32, #tpu.memory_space<vmem>>
          %dma_wait3A_349 = arith.constant 0 : i32
          %dma_wait3A_350 = tpu.memref_slice %arg5[%dma_wait3A_349] : memref<8388608xi32, #tpu.memory_space<hbm>> -> memref<2048xi32, #tpu.memory_space<hbm>>
          tpu.wait_dma2 semaphore(%arg29 : memref<!tpu.dma_semaphore, #tpu.memory_space<semaphore_mem>>) src(%dma_wait3A_350 : memref<2048xi32, #tpu.memory_space<hbm>>) dst(%dma_wait3A_348 : memref<2048xi32, #tpu.memory_space<vmem>>)
          %broadcast_in_dim3A_351 = arith.constant -65536 : i32
          %broadcast_in_dim3A_352 = vector.broadcast %broadcast_in_dim3A_351 : i32 to vector<16xi32>
          %scan3A_353 = arith.constant 0 : i32
          %scan3A_354 = arith.constant 48 : i32
          %scan3A_355 = arith.constant 16 : i32
          %scan3A_356 = arith.addi %scan3A_354, %scan3A_355 : i32
          %scan3A_357 = arith.constant 1 : i32
          scf.for %scan3A_359 = %scan3A_354 to %scan3A_356 step %scan3A_357  : i32 {
            %mul3A_360 = arith.constant 16 : i32
            %mul3A_361 = arith.muli %scan3A_359, %mul3A_360 : i32
            %broadcast_in_dim3A_362 = arith.constant 0.000000e+00 : f32
            %broadcast_in_dim3A_363 = vector.broadcast %broadcast_in_dim3A_362 : f32 to vector<16xf32>
            %broadcast_in_dim3A_364 = arith.constant 0.000000e+00 : f32
            %broadcast_in_dim3A_365 = vector.broadcast %broadcast_in_dim3A_364 : f32 to vector<16xf32>
            %mul3A_366 = arith.constant 8 : i32
            %mul3A_367 = arith.muli %mul3A_361, %mul3A_366 : i32
            %add3A_368 = arith.constant 0 : i32
            %add3A_369 = arith.addi %mul3A_367, %add3A_368 : i32
            %get3A_370 = arith.index_cast %add3A_369 : i32 to index
            %get3A_371 = tpu.vector_load %arg18[%get3A_370] {strides = array<i32>} : memref<8192xf32, #tpu.memory_space<vmem>>, vector<16xf32>,
            %get3A_372 = vector.shape_cast %get3A_371 : vector<16xf32> to vector<16xf32>
            %get3A_373 = arith.index_cast %add3A_369 : i32 to index
            %get3A_374 = tpu.vector_load %arg20[%get3A_373] {strides = array<i32>} : memref<8192xi32, #tpu.memory_space<vmem>>, vector<16xi32>,
            %get3A_375 = vector.shape_cast %get3A_374 : vector<16xi32> to vector<16xi32>
            %shift_left3A = arith.constant 16 : i32
            %shift_left3A_376 = vector.broadcast %shift_left3A : i32 to vector<16xi32>
            %shift_left3A_377 = arith.shli %get3A_375, %shift_left3A_376 : vector<16xi32>
            %bitcast_convert_type3A = tpu.bitcast %shift_left3A_377 : vector<16xi32> -> vector<16xf32>
            %and3A = arith.andi %get3A_375, %broadcast_in_dim3A_352 : vector<16xi32>
            %bitcast_convert_type3A_378 = tpu.bitcast %and3A : vector<16xi32> -> vector<16xf32>
            %mul3A_379 = arith.mulf %get3A_372, %bitcast_convert_type3A : vector<16xf32>
            %add3A_380 = arith.addf %broadcast_in_dim3A_363, %mul3A_379 : vector<16xf32>
            %mul3A_381 = arith.mulf %get3A_372, %bitcast_convert_type3A_378 : vector<16xf32>
            %add3A_382 = arith.addf %broadcast_in_dim3A_365, %mul3A_381 : vector<16xf32>
            %mul3A_383 = arith.constant 8 : i32
            %mul3A_384 = arith.muli %mul3A_361, %mul3A_383 : i32
            %add3A_385 = arith.constant 16 : i32
            %add3A_386 = arith.addi %mul3A_384, %add3A_385 : i32
            %get3A_387 = arith.index_cast %add3A_386 : i32 to index
            %get3A_388 = tpu.vector_load %arg18[%get3A_387] {strides = array<i32>} : memref<8192xf32, #tpu.memory_space<vmem>>, vector<16xf32>,
            %get3A_389 = vector.shape_cast %get3A_388 : vector<16xf32> to vector<16xf32>
            %get3A_390 = arith.index_cast %add3A_386 : i32 to index
            %get3A_391 = tpu.vector_load %arg20[%get3A_390] {strides = array<i32>} : memref<8192xi32, #tpu.memory_space<vmem>>, vector<16xi32>,
            %get3A_392 = vector.shape_cast %get3A_391 : vector<16xi32> to vector<16xi32>
            %shift_left3A_393 = arith.constant 16 : i32
            %shift_left3A_394 = vector.broadcast %shift_left3A_393 : i32 to vector<16xi32>
            %shift_left3A_395 = arith.shli %get3A_392, %shift_left3A_394 : vector<16xi32>
            %bitcast_convert_type3A_396 = tpu.bitcast %shift_left3A_395 : vector<16xi32> -> vector<16xf32>
            %and3A_397 = arith.andi %get3A_392, %broadcast_in_dim3A_352 : vector<16xi32>
            %bitcast_convert_type3A_398 = tpu.bitcast %and3A_397 : vector<16xi32> -> vector<16xf32>
            %mul3A_399 = arith.mulf %get3A_389, %bitcast_convert_type3A_396 : vector<16xf32>
            %add3A_400 = arith.addf %add3A_380, %mul3A_399 : vector<16xf32>
            %mul3A_401 = arith.mulf %get3A_389, %bitcast_convert_type3A_398 : vector<16xf32>
            %add3A_402 = arith.addf %add3A_382, %mul3A_401 : vector<16xf32>
            %mul3A_403 = arith.constant 8 : i32
            %mul3A_404 = arith.muli %mul3A_361, %mul3A_403 : i32
            %add3A_405 = arith.constant 32 : i32
            %add3A_406 = arith.addi %mul3A_404, %add3A_405 : i32
            %get3A_407 = arith.index_cast %add3A_406 : i32 to index
            %get3A_408 = tpu.vector_load %arg18[%get3A_407] {strides = array<i32>} : memref<8192xf32, #tpu.memory_space<vmem>>, vector<16xf32>,
            %get3A_409 = vector.shape_cast %get3A_408 : vector<16xf32> to vector<16xf32>
            %get3A_410 = arith.index_cast %add3A_406 : i32 to index
            %get3A_411 = tpu.vector_load %arg20[%get3A_410] {strides = array<i32>} : memref<8192xi32, #tpu.memory_space<vmem>>, vector<16xi32>,
            %get3A_412 = vector.shape_cast %get3A_411 : vector<16xi32> to vector<16xi32>
            %shift_left3A_413 = arith.constant 16 : i32
            %shift_left3A_414 = vector.broadcast %shift_left3A_413 : i32 to vector<16xi32>
            %shift_left3A_415 = arith.shli %get3A_412, %shift_left3A_414 : vector<16xi32>
            %bitcast_convert_type3A_416 = tpu.bitcast %shift_left3A_415 : vector<16xi32> -> vector<16xf32>
            %and3A_417 = arith.andi %get3A_412, %broadcast_in_dim3A_352 : vector<16xi32>
            %bitcast_convert_type3A_418 = tpu.bitcast %and3A_417 : vector<16xi32> -> vector<16xf32>
            %mul3A_419 = arith.mulf %get3A_409, %bitcast_convert_type3A_416 : vector<16xf32>
            %add3A_420 = arith.addf %add3A_400, %mul3A_419 : vector<16xf32>
            %mul3A_421 = arith.mulf %get3A_409, %bitcast_convert_type3A_418 : vector<16xf32>
            %add3A_422 = arith.addf %add3A_402, %mul3A_421 : vector<16xf32>
            %mul3A_423 = arith.constant 8 : i32
            %mul3A_424 = arith.muli %mul3A_361, %mul3A_423 : i32
            %add3A_425 = arith.constant 48 : i32
            %add3A_426 = arith.addi %mul3A_424, %add3A_425 : i32
            %get3A_427 = arith.index_cast %add3A_426 : i32 to index
            %get3A_428 = tpu.vector_load %arg18[%get3A_427] {strides = array<i32>} : memref<8192xf32, #tpu.memory_space<vmem>>, vector<16xf32>,
            %get3A_429 = vector.shape_cast %get3A_428 : vector<16xf32> to vector<16xf32>
            %get3A_430 = arith.index_cast %add3A_426 : i32 to index
            %get3A_431 = tpu.vector_load %arg20[%get3A_430] {strides = array<i32>} : memref<8192xi32, #tpu.memory_space<vmem>>, vector<16xi32>,
            %get3A_432 = vector.shape_cast %get3A_431 : vector<16xi32> to vector<16xi32>
            %shift_left3A_433 = arith.constant 16 : i32
            %shift_left3A_434 = vector.broadcast %shift_left3A_433 : i32 to vector<16xi32>
            %shift_left3A_435 = arith.shli %get3A_432, %shift_left3A_434 : vector<16xi32>
            %bitcast_convert_type3A_436 = tpu.bitcast %shift_left3A_435 : vector<16xi32> -> vector<16xf32>
            %and3A_437 = arith.andi %get3A_432, %broadcast_in_dim3A_352 : vector<16xi32>
            %bitcast_convert_type3A_438 = tpu.bitcast %and3A_437 : vector<16xi32> -> vector<16xf32>
            %mul3A_439 = arith.mulf %get3A_429, %bitcast_convert_type3A_436 : vector<16xf32>
            %add3A_440 = arith.addf %add3A_420, %mul3A_439 : vector<16xf32>
            %mul3A_441 = arith.mulf %get3A_429, %bitcast_convert_type3A_438 : vector<16xf32>
            %add3A_442 = arith.addf %add3A_422, %mul3A_441 : vector<16xf32>
            %mul3A_443 = arith.constant 8 : i32
            %mul3A_444 = arith.muli %mul3A_361, %mul3A_443 : i32
            %add3A_445 = arith.constant 64 : i32
            %add3A_446 = arith.addi %mul3A_444, %add3A_445 : i32
            %get3A_447 = arith.index_cast %add3A_446 : i32 to index
            %get3A_448 = tpu.vector_load %arg18[%get3A_447] {strides = array<i32>} : memref<8192xf32, #tpu.memory_space<vmem>>, vector<16xf32>,
            %get3A_449 = vector.shape_cast %get3A_448 : vector<16xf32> to vector<16xf32>
            %get3A_450 = arith.index_cast %add3A_446 : i32 to index
            %get3A_451 = tpu.vector_load %arg20[%get3A_450] {strides = array<i32>} : memref<8192xi32, #tpu.memory_space<vmem>>, vector<16xi32>,
            %get3A_452 = vector.shape_cast %get3A_451 : vector<16xi32> to vector<16xi32>
            %shift_left3A_453 = arith.constant 16 : i32
            %shift_left3A_454 = vector.broadcast %shift_left3A_453 : i32 to vector<16xi32>
            %shift_left3A_455 = arith.shli %get3A_452, %shift_left3A_454 : vector<16xi32>
            %bitcast_convert_type3A_456 = tpu.bitcast %shift_left3A_455 : vector<16xi32> -> vector<16xf32>
            %and3A_457 = arith.andi %get3A_452, %broadcast_in_dim3A_352 : vector<16xi32>
            %bitcast_convert_type3A_458 = tpu.bitcast %and3A_457 : vector<16xi32> -> vector<16xf32>
            %mul3A_459 = arith.mulf %get3A_449, %bitcast_convert_type3A_456 : vector<16xf32>
            %add3A_460 = arith.addf %add3A_440, %mul3A_459 : vector<16xf32>
            %mul3A_461 = arith.mulf %get3A_449, %bitcast_convert_type3A_458 : vector<16xf32>
            %add3A_462 = arith.addf %add3A_442, %mul3A_461 : vector<16xf32>
            %mul3A_463 = arith.constant 8 : i32
            %mul3A_464 = arith.muli %mul3A_361, %mul3A_463 : i32
            %add3A_465 = arith.constant 80 : i32
            %add3A_466 = arith.addi %mul3A_464, %add3A_465 : i32
            %get3A_467 = arith.index_cast %add3A_466 : i32 to index
            %get3A_468 = tpu.vector_load %arg18[%get3A_467] {strides = array<i32>} : memref<8192xf32, #tpu.memory_space<vmem>>, vector<16xf32>,
            %get3A_469 = vector.shape_cast %get3A_468 : vector<16xf32> to vector<16xf32>
            %get3A_470 = arith.index_cast %add3A_466 : i32 to index
            %get3A_471 = tpu.vector_load %arg20[%get3A_470] {strides = array<i32>} : memref<8192xi32, #tpu.memory_space<vmem>>, vector<16xi32>,
            %get3A_472 = vector.shape_cast %get3A_471 : vector<16xi32> to vector<16xi32>
            %shift_left3A_473 = arith.constant 16 : i32
            %shift_left3A_474 = vector.broadcast %shift_left3A_473 : i32 to vector<16xi32>
            %shift_left3A_475 = arith.shli %get3A_472, %shift_left3A_474 : vector<16xi32>
            %bitcast_convert_type3A_476 = tpu.bitcast %shift_left3A_475 : vector<16xi32> -> vector<16xf32>
            %and3A_477 = arith.andi %get3A_472, %broadcast_in_dim3A_352 : vector<16xi32>
            %bitcast_convert_type3A_478 = tpu.bitcast %and3A_477 : vector<16xi32> -> vector<16xf32>
            %mul3A_479 = arith.mulf %get3A_469, %bitcast_convert_type3A_476 : vector<16xf32>
            %add3A_480 = arith.addf %add3A_460, %mul3A_479 : vector<16xf32>
            %mul3A_481 = arith.mulf %get3A_469, %bitcast_convert_type3A_478 : vector<16xf32>
            %add3A_482 = arith.addf %add3A_462, %mul3A_481 : vector<16xf32>
            %mul3A_483 = arith.constant 8 : i32
            %mul3A_484 = arith.muli %mul3A_361, %mul3A_483 : i32
            %add3A_485 = arith.constant 96 : i32
            %add3A_486 = arith.addi %mul3A_484, %add3A_485 : i32
            %get3A_487 = arith.index_cast %add3A_486 : i32 to index
            %get3A_488 = tpu.vector_load %arg18[%get3A_487] {strides = array<i32>} : memref<8192xf32, #tpu.memory_space<vmem>>, vector<16xf32>,
            %get3A_489 = vector.shape_cast %get3A_488 : vector<16xf32> to vector<16xf32>
            %get3A_490 = arith.index_cast %add3A_486 : i32 to index
            %get3A_491 = tpu.vector_load %arg20[%get3A_490] {strides = array<i32>} : memref<8192xi32, #tpu.memory_space<vmem>>, vector<16xi32>,
            %get3A_492 = vector.shape_cast %get3A_491 : vector<16xi32> to vector<16xi32>
            %shift_left3A_493 = arith.constant 16 : i32
            %shift_left3A_494 = vector.broadcast %shift_left3A_493 : i32 to vector<16xi32>
            %shift_left3A_495 = arith.shli %get3A_492, %shift_left3A_494 : vector<16xi32>
            %bitcast_convert_type3A_496 = tpu.bitcast %shift_left3A_495 : vector<16xi32> -> vector<16xf32>
            %and3A_497 = arith.andi %get3A_492, %broadcast_in_dim3A_352 : vector<16xi32>
            %bitcast_convert_type3A_498 = tpu.bitcast %and3A_497 : vector<16xi32> -> vector<16xf32>
            %mul3A_499 = arith.mulf %get3A_489, %bitcast_convert_type3A_496 : vector<16xf32>
            %add3A_500 = arith.addf %add3A_480, %mul3A_499 : vector<16xf32>
            %mul3A_501 = arith.mulf %get3A_489, %bitcast_convert_type3A_498 : vector<16xf32>
            %add3A_502 = arith.addf %add3A_482, %mul3A_501 : vector<16xf32>
            %mul3A_503 = arith.constant 8 : i32
            %mul3A_504 = arith.muli %mul3A_361, %mul3A_503 : i32
            %add3A_505 = arith.constant 112 : i32
            %add3A_506 = arith.addi %mul3A_504, %add3A_505 : i32
            %get3A_507 = arith.index_cast %add3A_506 : i32 to index
            %get3A_508 = tpu.vector_load %arg18[%get3A_507] {strides = array<i32>} : memref<8192xf32, #tpu.memory_space<vmem>>, vector<16xf32>,
            %get3A_509 = vector.shape_cast %get3A_508 : vector<16xf32> to vector<16xf32>
            %get3A_510 = arith.index_cast %add3A_506 : i32 to index
            %get3A_511 = tpu.vector_load %arg20[%get3A_510] {strides = array<i32>} : memref<8192xi32, #tpu.memory_space<vmem>>, vector<16xi32>,
            %get3A_512 = vector.shape_cast %get3A_511 : vector<16xi32> to vector<16xi32>
            %shift_left3A_513 = arith.constant 16 : i32
            %shift_left3A_514 = vector.broadcast %shift_left3A_513 : i32 to vector<16xi32>
            %shift_left3A_515 = arith.shli %get3A_512, %shift_left3A_514 : vector<16xi32>
            %bitcast_convert_type3A_516 = tpu.bitcast %shift_left3A_515 : vector<16xi32> -> vector<16xf32>
            %and3A_517 = arith.andi %get3A_512, %broadcast_in_dim3A_352 : vector<16xi32>
            %bitcast_convert_type3A_518 = tpu.bitcast %and3A_517 : vector<16xi32> -> vector<16xf32>
            %mul3A_519 = arith.mulf %get3A_509, %bitcast_convert_type3A_516 : vector<16xf32>
            %add3A_520 = arith.addf %add3A_500, %mul3A_519 : vector<16xf32>
            %mul3A_521 = arith.mulf %get3A_509, %bitcast_convert_type3A_518 : vector<16xf32>
            %add3A_522 = arith.addf %add3A_502, %mul3A_521 : vector<16xf32>
            %mul3A_523 = arith.constant 2 : i32
            %mul3A_524 = arith.muli %mul3A_523, %sub3A_294 : i32
            %swap3A = arith.index_cast %mul3A_524 : i32 to index
            %swap3A_525 = arith.index_cast %mul3A_361 : i32 to index
            %swap3A_526 = tpu.vector_load %arg21[%swap3A, %swap3A_525] {strides = array<i32>} : memref<32x1024xf32, #tpu.memory_space<vmem>>, vector<1x16xf32>,
            %swap3A_527 = vector.shape_cast %swap3A_526 : vector<1x16xf32> to vector<16xf32>
            %swap3A_528 = vector.shape_cast %add3A_520 : vector<16xf32> to vector<1x16xf32>
            tpu.vector_store %arg21[%swap3A, %swap3A_525], %swap3A_528 {strides = array<i32>} : memref<32x1024xf32, #tpu.memory_space<vmem>>, vector<1x16xf32>,
            %mul3A_529 = arith.constant 2 : i32
            %mul3A_530 = arith.muli %mul3A_529, %sub3A_294 : i32
            %add3A_531 = arith.constant 1 : i32
            %add3A_532 = arith.addi %mul3A_530, %add3A_531 : i32
            %swap3A_533 = arith.index_cast %add3A_532 : i32 to index
            %swap3A_534 = arith.index_cast %mul3A_361 : i32 to index
            %swap3A_535 = tpu.vector_load %arg21[%swap3A_533, %swap3A_534] {strides = array<i32>} : memref<32x1024xf32, #tpu.memory_space<vmem>>, vector<1x16xf32>,
            %swap3A_536 = vector.shape_cast %swap3A_535 : vector<1x16xf32> to vector<16xf32>
            %swap3A_537 = vector.shape_cast %add3A_522 : vector<16xf32> to vector<1x16xf32>
            tpu.vector_store %arg21[%swap3A_533, %swap3A_534], %swap3A_537 {strides = array<i32>} : memref<32x1024xf32, #tpu.memory_space<vmem>>, vector<1x16xf32>,
          }
          %scan3A_358 = arith.constant 16 : i32
        } else {
        }
        %add3A_187 = arith.constant 1 : i32
        %add3A_188 = arith.addi %mul3A_145, %add3A_187 : i32
        %get3A_189 = arith.index_cast %add3A_188 : i32 to index
        %get3A_190 = arith.constant 0 : index
        %get3A_191 = tpu.vector_load %arg22[%get3A_189, %get3A_190] {strides = array<i32>} : memref<16x16xf32, #tpu.memory_space<vmem>>, vector<1x16xf32>,
        %get3A_192 = vector.shape_cast %get3A_191 : vector<1x16xf32> to vector<16xf32>
        %get3A_193 = arith.index_cast %add3A_188 : i32 to index
        %get3A_194 = arith.constant 0 : index
        %get3A_195 = tpu.vector_load %arg23[%get3A_193, %get3A_194] {strides = array<i32>} : memref<16x16xi32, #tpu.memory_space<vmem>>, vector<1x16xi32>,
        %get3A_196 = vector.shape_cast %get3A_195 : vector<1x16xi32> to vector<16xi32>
        %get3A_197 = arith.index_cast %add3A_188 : i32 to index
        %get3A_198 = arith.constant 0 : index
        %get3A_199 = tpu.vector_load %arg24[%get3A_197, %get3A_198] {strides = array<i32>} : memref<16x16xi32, #tpu.memory_space<vmem>>, vector<1x16xi32>,
        %get3A_200 = vector.shape_cast %get3A_199 : vector<1x16xi32> to vector<16xi32>
        %get3A_201 = arith.index_cast %add3A_188 : i32 to index
        %get3A_202 = arith.constant 0 : index
        %get3A_203 = tpu.vector_load %arg25[%get3A_201, %get3A_202] {strides = array<i32>} : memref<16x16xi32, #tpu.memory_space<vmem>>, vector<1x16xi32>,
        %get3A_204 = vector.shape_cast %get3A_203 : vector<1x16xi32> to vector<16xi32>
        %gt3A_205 = arith.constant 0 : i32
        %gt3A_206 = vector.broadcast %gt3A_205 : i32 to vector<16xi32>
        %gt3A_207 = arith.cmpi sgt, %get3A_204, %gt3A_206 : vector<16xi32>
        %get3A_208 = arith.index_cast %add3A_188 : i32 to index
        %get3A_209 = arith.constant 0 : index
        %get3A_210 = tpu.vector_load %arg26[%get3A_208, %get3A_209] {strides = array<i32>} : memref<16x16xi32, #tpu.memory_space<vmem>>, vector<1x16xi32>,
        %get3A_211 = vector.shape_cast %get3A_210 : vector<1x16xi32> to vector<16xi32>
        %scan3A_212 = arith.constant 0 : i32
        %scan3A_213 = arith.constant 0 : i32
        %scan3A_214 = arith.constant 64 : i32
        %scan3A_215 = arith.addi %scan3A_213, %scan3A_214 : i32
        %scan3A_216 = arith.constant 1 : i32
        scf.for %scan3A_294 = %scan3A_213 to %scan3A_215 step %scan3A_216  : i32 {
          %mul3A_295 = arith.constant 16 : i32
          %mul3A_296 = arith.muli %scan3A_294, %mul3A_295 : i32
          %get3A_297 = arith.index_cast %mul3A_296 : i32 to index
          %get3A_298 = tpu.vector_load %arg12[%get3A_297] {strides = array<i32>} : memref<1024xf32, #tpu.memory_space<vmem>>, vector<16xf32>,
          %get3A_299 = vector.shape_cast %get3A_298 : vector<16xf32> to vector<16xf32>
          %mul3A_300 = arith.mulf %get3A_299, %get3A_192 : vector<16xf32>
          %get3A_301 = arith.index_cast %mul3A_296 : i32 to index
          %get3A_302 = tpu.vector_load %arg13[%get3A_301] {strides = array<i32>} : memref<1024xf32, #tpu.memory_space<vmem>>, vector<16xf32>,
          %get3A_303 = vector.shape_cast %get3A_302 : vector<16xf32> to vector<16xf32>
          %mul3A_304 = arith.mulf %get3A_303, %get3A_192 : vector<16xf32>
          %get3A_305 = arith.index_cast %mul3A_296 : i32 to index
          %get3A_306 = tpu.vector_load %arg14[%get3A_305] {strides = array<i32>} : memref<1024xf32, #tpu.memory_space<vmem>>, vector<16xf32>,
          %get3A_307 = vector.shape_cast %get3A_306 : vector<16xf32> to vector<16xf32>
          %mul3A_308 = arith.mulf %get3A_307, %get3A_192 : vector<16xf32>
          %convert_element_type3A_309 = arith.fptosi %mul3A_300 : vector<16xf32> to vector<16xi32>
          %convert_element_type3A_310 = arith.fptosi %mul3A_304 : vector<16xf32> to vector<16xi32>
          %convert_element_type3A_311 = arith.fptosi %mul3A_308 : vector<16xf32> to vector<16xi32>
          %convert_element_type3A_312 = arith.sitofp %convert_element_type3A_309 : vector<16xi32> to vector<16xf32>
          %sub3A = arith.subf %mul3A_300, %convert_element_type3A_312 : vector<16xf32>
          %convert_element_type3A_313 = arith.sitofp %convert_element_type3A_310 : vector<16xi32> to vector<16xf32>
          %sub3A_314 = arith.subf %mul3A_304, %convert_element_type3A_313 : vector<16xf32>
          %convert_element_type3A_315 = arith.sitofp %convert_element_type3A_311 : vector<16xi32> to vector<16xf32>
          %sub3A_316 = arith.subf %mul3A_308, %convert_element_type3A_315 : vector<16xf32>
          %sub3A_317 = arith.constant 1.000000e+00 : f32
          %sub3A_318 = vector.broadcast %sub3A_317 : f32 to vector<16xf32>
          %sub3A_319 = arith.subf %sub3A_318, %sub3A : vector<16xf32>
          %sub3A_320 = arith.constant 1.000000e+00 : f32
          %sub3A_321 = vector.broadcast %sub3A_320 : f32 to vector<16xf32>
          %sub3A_322 = arith.subf %sub3A_321, %sub3A_314 : vector<16xf32>
          %sub3A_323 = arith.constant 1.000000e+00 : f32
          %sub3A_324 = vector.broadcast %sub3A_323 : f32 to vector<16xf32>
          %sub3A_325 = arith.subf %sub3A_324, %sub3A_316 : vector<16xf32>
          %mul3A_326 = arith.muli %convert_element_type3A_310, %get3A_196 : vector<16xi32>
          %mul3A_327 = arith.muli %convert_element_type3A_311, %get3A_200 : vector<16xi32>
          %add3A_328 = arith.addi %convert_element_type3A_309, %mul3A_326 : vector<16xi32>
          %add3A_329 = arith.addi %add3A_328, %mul3A_327 : vector<16xi32>
          %xor3A = arith.xori %convert_element_type3A_309, %mul3A_326 : vector<16xi32>
          %xor3A_330 = arith.xori %xor3A, %mul3A_327 : vector<16xi32>
          %select_n3A = arith.select %gt3A_207, %xor3A_330, %add3A_329 : vector<16xi1>, vector<16xi32>
          %and3A = arith.constant 524287 : i32
          %and3A_331 = vector.broadcast %and3A : i32 to vector<16xi32>
          %and3A_332 = arith.andi %select_n3A, %and3A_331 : vector<16xi32>
          %mul3A_333 = arith.mulf %sub3A_319, %sub3A_322 : vector<16xf32>
          %mul3A_334 = arith.mulf %mul3A_333, %sub3A_325 : vector<16xf32>
          %mul3A_335 = arith.constant 8 : i32
          %mul3A_336 = arith.muli %mul3A_296, %mul3A_335 : i32
          %add3A_337 = arith.constant 0 : i32
          %add3A_338 = arith.addi %mul3A_336, %add3A_337 : i32
          %add3A_339 = arith.addi %and3A_332, %get3A_211 : vector<16xi32>
          %swap3A = arith.index_cast %add3A_338 : i32 to index
          %swap3A_340 = tpu.vector_load %arg16[%swap3A] {strides = array<i32>} : memref<8192xi32, #tpu.memory_space<vmem>>, vector<16xi32>,
          %swap3A_341 = vector.shape_cast %swap3A_340 : vector<16xi32> to vector<16xi32>
          %swap3A_342 = vector.shape_cast %add3A_339 : vector<16xi32> to vector<16xi32>
          tpu.vector_store %arg16[%swap3A], %swap3A_342 {strides = array<i32>} : memref<8192xi32, #tpu.memory_space<vmem>>, vector<16xi32>,
          %swap3A_343 = arith.index_cast %add3A_338 : i32 to index
          %swap3A_344 = tpu.vector_load %arg18[%swap3A_343] {strides = array<i32>} : memref<8192xf32, #tpu.memory_space<vmem>>, vector<16xf32>,
          %swap3A_345 = vector.shape_cast %swap3A_344 : vector<16xf32> to vector<16xf32>
          %swap3A_346 = vector.shape_cast %mul3A_334 : vector<16xf32> to vector<16xf32>
          tpu.vector_store %arg18[%swap3A_343], %swap3A_346 {strides = array<i32>} : memref<8192xf32, #tpu.memory_space<vmem>>, vector<16xf32>,
          %add3A_347 = arith.constant 1 : i32
          %add3A_348 = vector.broadcast %add3A_347 : i32 to vector<16xi32>
          %add3A_349 = arith.addi %convert_element_type3A_309, %add3A_348 : vector<16xi32>
          %mul3A_350 = arith.muli %convert_element_type3A_310, %get3A_196 : vector<16xi32>
          %mul3A_351 = arith.muli %convert_element_type3A_311, %get3A_200 : vector<16xi32>
          %add3A_352 = arith.addi %add3A_349, %mul3A_350 : vector<16xi32>
          %add3A_353 = arith.addi %add3A_352, %mul3A_351 : vector<16xi32>
          %xor3A_354 = arith.xori %add3A_349, %mul3A_350 : vector<16xi32>
          %xor3A_355 = arith.xori %xor3A_354, %mul3A_351 : vector<16xi32>
          %select_n3A_356 = arith.select %gt3A_207, %xor3A_355, %add3A_353 : vector<16xi1>, vector<16xi32>
          %and3A_357 = arith.constant 524287 : i32
          %and3A_358 = vector.broadcast %and3A_357 : i32 to vector<16xi32>
          %and3A_359 = arith.andi %select_n3A_356, %and3A_358 : vector<16xi32>
          %mul3A_360 = arith.mulf %sub3A, %sub3A_322 : vector<16xf32>
          %mul3A_361 = arith.mulf %mul3A_360, %sub3A_325 : vector<16xf32>
          %mul3A_362 = arith.constant 8 : i32
          %mul3A_363 = arith.muli %mul3A_296, %mul3A_362 : i32
          %add3A_364 = arith.constant 16 : i32
          %add3A_365 = arith.addi %mul3A_363, %add3A_364 : i32
          %add3A_366 = arith.addi %and3A_359, %get3A_211 : vector<16xi32>
          %swap3A_367 = arith.index_cast %add3A_365 : i32 to index
          %swap3A_368 = tpu.vector_load %arg16[%swap3A_367] {strides = array<i32>} : memref<8192xi32, #tpu.memory_space<vmem>>, vector<16xi32>,
          %swap3A_369 = vector.shape_cast %swap3A_368 : vector<16xi32> to vector<16xi32>
          %swap3A_370 = vector.shape_cast %add3A_366 : vector<16xi32> to vector<16xi32>
          tpu.vector_store %arg16[%swap3A_367], %swap3A_370 {strides = array<i32>} : memref<8192xi32, #tpu.memory_space<vmem>>, vector<16xi32>,
          %swap3A_371 = arith.index_cast %add3A_365 : i32 to index
          %swap3A_372 = tpu.vector_load %arg18[%swap3A_371] {strides = array<i32>} : memref<8192xf32, #tpu.memory_space<vmem>>, vector<16xf32>,
          %swap3A_373 = vector.shape_cast %swap3A_372 : vector<16xf32> to vector<16xf32>
          %swap3A_374 = vector.shape_cast %mul3A_361 : vector<16xf32> to vector<16xf32>
          tpu.vector_store %arg18[%swap3A_371], %swap3A_374 {strides = array<i32>} : memref<8192xf32, #tpu.memory_space<vmem>>, vector<16xf32>,
          %add3A_375 = arith.constant 1 : i32
          %add3A_376 = vector.broadcast %add3A_375 : i32 to vector<16xi32>
          %add3A_377 = arith.addi %convert_element_type3A_310, %add3A_376 : vector<16xi32>
          %mul3A_378 = arith.muli %add3A_377, %get3A_196 : vector<16xi32>
          %mul3A_379 = arith.muli %convert_element_type3A_311, %get3A_200 : vector<16xi32>
          %add3A_380 = arith.addi %convert_element_type3A_309, %mul3A_378 : vector<16xi32>
          %add3A_381 = arith.addi %add3A_380, %mul3A_379 : vector<16xi32>
          %xor3A_382 = arith.xori %convert_element_type3A_309, %mul3A_378 : vector<16xi32>
          %xor3A_383 = arith.xori %xor3A_382, %mul3A_379 : vector<16xi32>
          %select_n3A_384 = arith.select %gt3A_207, %xor3A_383, %add3A_381 : vector<16xi1>, vector<16xi32>
          %and3A_385 = arith.constant 524287 : i32
          %and3A_386 = vector.broadcast %and3A_385 : i32 to vector<16xi32>
          %and3A_387 = arith.andi %select_n3A_384, %and3A_386 : vector<16xi32>
          %mul3A_388 = arith.mulf %sub3A_319, %sub3A_314 : vector<16xf32>
          %mul3A_389 = arith.mulf %mul3A_388, %sub3A_325 : vector<16xf32>
          %mul3A_390 = arith.constant 8 : i32
          %mul3A_391 = arith.muli %mul3A_296, %mul3A_390 : i32
          %add3A_392 = arith.constant 32 : i32
          %add3A_393 = arith.addi %mul3A_391, %add3A_392 : i32
          %add3A_394 = arith.addi %and3A_387, %get3A_211 : vector<16xi32>
          %swap3A_395 = arith.index_cast %add3A_393 : i32 to index
          %swap3A_396 = tpu.vector_load %arg16[%swap3A_395] {strides = array<i32>} : memref<8192xi32, #tpu.memory_space<vmem>>, vector<16xi32>,
          %swap3A_397 = vector.shape_cast %swap3A_396 : vector<16xi32> to vector<16xi32>
          %swap3A_398 = vector.shape_cast %add3A_394 : vector<16xi32> to vector<16xi32>
          tpu.vector_store %arg16[%swap3A_395], %swap3A_398 {strides = array<i32>} : memref<8192xi32, #tpu.memory_space<vmem>>, vector<16xi32>,
          %swap3A_399 = arith.index_cast %add3A_393 : i32 to index
          %swap3A_400 = tpu.vector_load %arg18[%swap3A_399] {strides = array<i32>} : memref<8192xf32, #tpu.memory_space<vmem>>, vector<16xf32>,
          %swap3A_401 = vector.shape_cast %swap3A_400 : vector<16xf32> to vector<16xf32>
          %swap3A_402 = vector.shape_cast %mul3A_389 : vector<16xf32> to vector<16xf32>
          tpu.vector_store %arg18[%swap3A_399], %swap3A_402 {strides = array<i32>} : memref<8192xf32, #tpu.memory_space<vmem>>, vector<16xf32>,
          %add3A_403 = arith.constant 1 : i32
          %add3A_404 = vector.broadcast %add3A_403 : i32 to vector<16xi32>
          %add3A_405 = arith.addi %convert_element_type3A_309, %add3A_404 : vector<16xi32>
          %add3A_406 = arith.constant 1 : i32
          %add3A_407 = vector.broadcast %add3A_406 : i32 to vector<16xi32>
          %add3A_408 = arith.addi %convert_element_type3A_310, %add3A_407 : vector<16xi32>
          %mul3A_409 = arith.muli %add3A_408, %get3A_196 : vector<16xi32>
          %mul3A_410 = arith.muli %convert_element_type3A_311, %get3A_200 : vector<16xi32>
          %add3A_411 = arith.addi %add3A_405, %mul3A_409 : vector<16xi32>
          %add3A_412 = arith.addi %add3A_411, %mul3A_410 : vector<16xi32>
          %xor3A_413 = arith.xori %add3A_405, %mul3A_409 : vector<16xi32>
          %xor3A_414 = arith.xori %xor3A_413, %mul3A_410 : vector<16xi32>
          %select_n3A_415 = arith.select %gt3A_207, %xor3A_414, %add3A_412 : vector<16xi1>, vector<16xi32>
          %and3A_416 = arith.constant 524287 : i32
          %and3A_417 = vector.broadcast %and3A_416 : i32 to vector<16xi32>
          %and3A_418 = arith.andi %select_n3A_415, %and3A_417 : vector<16xi32>
          %mul3A_419 = arith.mulf %sub3A, %sub3A_314 : vector<16xf32>
          %mul3A_420 = arith.mulf %mul3A_419, %sub3A_325 : vector<16xf32>
          %mul3A_421 = arith.constant 8 : i32
          %mul3A_422 = arith.muli %mul3A_296, %mul3A_421 : i32
          %add3A_423 = arith.constant 48 : i32
          %add3A_424 = arith.addi %mul3A_422, %add3A_423 : i32
          %add3A_425 = arith.addi %and3A_418, %get3A_211 : vector<16xi32>
          %swap3A_426 = arith.index_cast %add3A_424 : i32 to index
          %swap3A_427 = tpu.vector_load %arg16[%swap3A_426] {strides = array<i32>} : memref<8192xi32, #tpu.memory_space<vmem>>, vector<16xi32>,
          %swap3A_428 = vector.shape_cast %swap3A_427 : vector<16xi32> to vector<16xi32>
          %swap3A_429 = vector.shape_cast %add3A_425 : vector<16xi32> to vector<16xi32>
          tpu.vector_store %arg16[%swap3A_426], %swap3A_429 {strides = array<i32>} : memref<8192xi32, #tpu.memory_space<vmem>>, vector<16xi32>,
          %swap3A_430 = arith.index_cast %add3A_424 : i32 to index
          %swap3A_431 = tpu.vector_load %arg18[%swap3A_430] {strides = array<i32>} : memref<8192xf32, #tpu.memory_space<vmem>>, vector<16xf32>,
          %swap3A_432 = vector.shape_cast %swap3A_431 : vector<16xf32> to vector<16xf32>
          %swap3A_433 = vector.shape_cast %mul3A_420 : vector<16xf32> to vector<16xf32>
          tpu.vector_store %arg18[%swap3A_430], %swap3A_433 {strides = array<i32>} : memref<8192xf32, #tpu.memory_space<vmem>>, vector<16xf32>,
          %add3A_434 = arith.constant 1 : i32
          %add3A_435 = vector.broadcast %add3A_434 : i32 to vector<16xi32>
          %add3A_436 = arith.addi %convert_element_type3A_311, %add3A_435 : vector<16xi32>
          %mul3A_437 = arith.muli %convert_element_type3A_310, %get3A_196 : vector<16xi32>
          %mul3A_438 = arith.muli %add3A_436, %get3A_200 : vector<16xi32>
          %add3A_439 = arith.addi %convert_element_type3A_309, %mul3A_437 : vector<16xi32>
          %add3A_440 = arith.addi %add3A_439, %mul3A_438 : vector<16xi32>
          %xor3A_441 = arith.xori %convert_element_type3A_309, %mul3A_437 : vector<16xi32>
          %xor3A_442 = arith.xori %xor3A_441, %mul3A_438 : vector<16xi32>
          %select_n3A_443 = arith.select %gt3A_207, %xor3A_442, %add3A_440 : vector<16xi1>, vector<16xi32>
          %and3A_444 = arith.constant 524287 : i32
          %and3A_445 = vector.broadcast %and3A_444 : i32 to vector<16xi32>
          %and3A_446 = arith.andi %select_n3A_443, %and3A_445 : vector<16xi32>
          %mul3A_447 = arith.mulf %sub3A_319, %sub3A_322 : vector<16xf32>
          %mul3A_448 = arith.mulf %mul3A_447, %sub3A_316 : vector<16xf32>
          %mul3A_449 = arith.constant 8 : i32
          %mul3A_450 = arith.muli %mul3A_296, %mul3A_449 : i32
          %add3A_451 = arith.constant 64 : i32
          %add3A_452 = arith.addi %mul3A_450, %add3A_451 : i32
          %add3A_453 = arith.addi %and3A_446, %get3A_211 : vector<16xi32>
          %swap3A_454 = arith.index_cast %add3A_452 : i32 to index
          %swap3A_455 = tpu.vector_load %arg16[%swap3A_454] {strides = array<i32>} : memref<8192xi32, #tpu.memory_space<vmem>>, vector<16xi32>,
          %swap3A_456 = vector.shape_cast %swap3A_455 : vector<16xi32> to vector<16xi32>
          %swap3A_457 = vector.shape_cast %add3A_453 : vector<16xi32> to vector<16xi32>
          tpu.vector_store %arg16[%swap3A_454], %swap3A_457 {strides = array<i32>} : memref<8192xi32, #tpu.memory_space<vmem>>, vector<16xi32>,
          %swap3A_458 = arith.index_cast %add3A_452 : i32 to index
          %swap3A_459 = tpu.vector_load %arg18[%swap3A_458] {strides = array<i32>} : memref<8192xf32, #tpu.memory_space<vmem>>, vector<16xf32>,
          %swap3A_460 = vector.shape_cast %swap3A_459 : vector<16xf32> to vector<16xf32>
          %swap3A_461 = vector.shape_cast %mul3A_448 : vector<16xf32> to vector<16xf32>
          tpu.vector_store %arg18[%swap3A_458], %swap3A_461 {strides = array<i32>} : memref<8192xf32, #tpu.memory_space<vmem>>, vector<16xf32>,
          %add3A_462 = arith.constant 1 : i32
          %add3A_463 = vector.broadcast %add3A_462 : i32 to vector<16xi32>
          %add3A_464 = arith.addi %convert_element_type3A_309, %add3A_463 : vector<16xi32>
          %add3A_465 = arith.constant 1 : i32
          %add3A_466 = vector.broadcast %add3A_465 : i32 to vector<16xi32>
          %add3A_467 = arith.addi %convert_element_type3A_311, %add3A_466 : vector<16xi32>
          %mul3A_468 = arith.muli %convert_element_type3A_310, %get3A_196 : vector<16xi32>
          %mul3A_469 = arith.muli %add3A_467, %get3A_200 : vector<16xi32>
          %add3A_470 = arith.addi %add3A_464, %mul3A_468 : vector<16xi32>
          %add3A_471 = arith.addi %add3A_470, %mul3A_469 : vector<16xi32>
          %xor3A_472 = arith.xori %add3A_464, %mul3A_468 : vector<16xi32>
          %xor3A_473 = arith.xori %xor3A_472, %mul3A_469 : vector<16xi32>
          %select_n3A_474 = arith.select %gt3A_207, %xor3A_473, %add3A_471 : vector<16xi1>, vector<16xi32>
          %and3A_475 = arith.constant 524287 : i32
          %and3A_476 = vector.broadcast %and3A_475 : i32 to vector<16xi32>
          %and3A_477 = arith.andi %select_n3A_474, %and3A_476 : vector<16xi32>
          %mul3A_478 = arith.mulf %sub3A, %sub3A_322 : vector<16xf32>
          %mul3A_479 = arith.mulf %mul3A_478, %sub3A_316 : vector<16xf32>
          %mul3A_480 = arith.constant 8 : i32
          %mul3A_481 = arith.muli %mul3A_296, %mul3A_480 : i32
          %add3A_482 = arith.constant 80 : i32
          %add3A_483 = arith.addi %mul3A_481, %add3A_482 : i32
          %add3A_484 = arith.addi %and3A_477, %get3A_211 : vector<16xi32>
          %swap3A_485 = arith.index_cast %add3A_483 : i32 to index
          %swap3A_486 = tpu.vector_load %arg16[%swap3A_485] {strides = array<i32>} : memref<8192xi32, #tpu.memory_space<vmem>>, vector<16xi32>,
          %swap3A_487 = vector.shape_cast %swap3A_486 : vector<16xi32> to vector<16xi32>
          %swap3A_488 = vector.shape_cast %add3A_484 : vector<16xi32> to vector<16xi32>
          tpu.vector_store %arg16[%swap3A_485], %swap3A_488 {strides = array<i32>} : memref<8192xi32, #tpu.memory_space<vmem>>, vector<16xi32>,
          %swap3A_489 = arith.index_cast %add3A_483 : i32 to index
          %swap3A_490 = tpu.vector_load %arg18[%swap3A_489] {strides = array<i32>} : memref<8192xf32, #tpu.memory_space<vmem>>, vector<16xf32>,
          %swap3A_491 = vector.shape_cast %swap3A_490 : vector<16xf32> to vector<16xf32>
          %swap3A_492 = vector.shape_cast %mul3A_479 : vector<16xf32> to vector<16xf32>
          tpu.vector_store %arg18[%swap3A_489], %swap3A_492 {strides = array<i32>} : memref<8192xf32, #tpu.memory_space<vmem>>, vector<16xf32>,
          %add3A_493 = arith.constant 1 : i32
          %add3A_494 = vector.broadcast %add3A_493 : i32 to vector<16xi32>
          %add3A_495 = arith.addi %convert_element_type3A_310, %add3A_494 : vector<16xi32>
          %add3A_496 = arith.constant 1 : i32
          %add3A_497 = vector.broadcast %add3A_496 : i32 to vector<16xi32>
          %add3A_498 = arith.addi %convert_element_type3A_311, %add3A_497 : vector<16xi32>
          %mul3A_499 = arith.muli %add3A_495, %get3A_196 : vector<16xi32>
          %mul3A_500 = arith.muli %add3A_498, %get3A_200 : vector<16xi32>
          %add3A_501 = arith.addi %convert_element_type3A_309, %mul3A_499 : vector<16xi32>
          %add3A_502 = arith.addi %add3A_501, %mul3A_500 : vector<16xi32>
          %xor3A_503 = arith.xori %convert_element_type3A_309, %mul3A_499 : vector<16xi32>
          %xor3A_504 = arith.xori %xor3A_503, %mul3A_500 : vector<16xi32>
          %select_n3A_505 = arith.select %gt3A_207, %xor3A_504, %add3A_502 : vector<16xi1>, vector<16xi32>
          %and3A_506 = arith.constant 524287 : i32
          %and3A_507 = vector.broadcast %and3A_506 : i32 to vector<16xi32>
          %and3A_508 = arith.andi %select_n3A_505, %and3A_507 : vector<16xi32>
          %mul3A_509 = arith.mulf %sub3A_319, %sub3A_314 : vector<16xf32>
          %mul3A_510 = arith.mulf %mul3A_509, %sub3A_316 : vector<16xf32>
          %mul3A_511 = arith.constant 8 : i32
          %mul3A_512 = arith.muli %mul3A_296, %mul3A_511 : i32
          %add3A_513 = arith.constant 96 : i32
          %add3A_514 = arith.addi %mul3A_512, %add3A_513 : i32
          %add3A_515 = arith.addi %and3A_508, %get3A_211 : vector<16xi32>
          %swap3A_516 = arith.index_cast %add3A_514 : i32 to index
          %swap3A_517 = tpu.vector_load %arg16[%swap3A_516] {strides = array<i32>} : memref<8192xi32, #tpu.memory_space<vmem>>, vector<16xi32>,
          %swap3A_518 = vector.shape_cast %swap3A_517 : vector<16xi32> to vector<16xi32>
          %swap3A_519 = vector.shape_cast %add3A_515 : vector<16xi32> to vector<16xi32>
          tpu.vector_store %arg16[%swap3A_516], %swap3A_519 {strides = array<i32>} : memref<8192xi32, #tpu.memory_space<vmem>>, vector<16xi32>,
          %swap3A_520 = arith.index_cast %add3A_514 : i32 to index
          %swap3A_521 = tpu.vector_load %arg18[%swap3A_520] {strides = array<i32>} : memref<8192xf32, #tpu.memory_space<vmem>>, vector<16xf32>,
          %swap3A_522 = vector.shape_cast %swap3A_521 : vector<16xf32> to vector<16xf32>
          %swap3A_523 = vector.shape_cast %mul3A_510 : vector<16xf32> to vector<16xf32>
          tpu.vector_store %arg18[%swap3A_520], %swap3A_523 {strides = array<i32>} : memref<8192xf32, #tpu.memory_space<vmem>>, vector<16xf32>,
          %add3A_524 = arith.constant 1 : i32
          %add3A_525 = vector.broadcast %add3A_524 : i32 to vector<16xi32>
          %add3A_526 = arith.addi %convert_element_type3A_309, %add3A_525 : vector<16xi32>
          %add3A_527 = arith.constant 1 : i32
          %add3A_528 = vector.broadcast %add3A_527 : i32 to vector<16xi32>
          %add3A_529 = arith.addi %convert_element_type3A_310, %add3A_528 : vector<16xi32>
          %add3A_530 = arith.constant 1 : i32
          %add3A_531 = vector.broadcast %add3A_530 : i32 to vector<16xi32>
          %add3A_532 = arith.addi %convert_element_type3A_311, %add3A_531 : vector<16xi32>
          %mul3A_533 = arith.muli %add3A_529, %get3A_196 : vector<16xi32>
          %mul3A_534 = arith.muli %add3A_532, %get3A_200 : vector<16xi32>
          %add3A_535 = arith.addi %add3A_526, %mul3A_533 : vector<16xi32>
          %add3A_536 = arith.addi %add3A_535, %mul3A_534 : vector<16xi32>
          %xor3A_537 = arith.xori %add3A_526, %mul3A_533 : vector<16xi32>
          %xor3A_538 = arith.xori %xor3A_537, %mul3A_534 : vector<16xi32>
          %select_n3A_539 = arith.select %gt3A_207, %xor3A_538, %add3A_536 : vector<16xi1>, vector<16xi32>
          %and3A_540 = arith.constant 524287 : i32
          %and3A_541 = vector.broadcast %and3A_540 : i32 to vector<16xi32>
          %and3A_542 = arith.andi %select_n3A_539, %and3A_541 : vector<16xi32>
          %mul3A_543 = arith.mulf %sub3A, %sub3A_314 : vector<16xf32>
          %mul3A_544 = arith.mulf %mul3A_543, %sub3A_316 : vector<16xf32>
          %mul3A_545 = arith.constant 8 : i32
          %mul3A_546 = arith.muli %mul3A_296, %mul3A_545 : i32
          %add3A_547 = arith.constant 112 : i32
          %add3A_548 = arith.addi %mul3A_546, %add3A_547 : i32
          %add3A_549 = arith.addi %and3A_542, %get3A_211 : vector<16xi32>
          %swap3A_550 = arith.index_cast %add3A_548 : i32 to index
          %swap3A_551 = tpu.vector_load %arg16[%swap3A_550] {strides = array<i32>} : memref<8192xi32, #tpu.memory_space<vmem>>, vector<16xi32>,
          %swap3A_552 = vector.shape_cast %swap3A_551 : vector<16xi32> to vector<16xi32>
          %swap3A_553 = vector.shape_cast %add3A_549 : vector<16xi32> to vector<16xi32>
          tpu.vector_store %arg16[%swap3A_550], %swap3A_553 {strides = array<i32>} : memref<8192xi32, #tpu.memory_space<vmem>>, vector<16xi32>,
          %swap3A_554 = arith.index_cast %add3A_548 : i32 to index
          %swap3A_555 = tpu.vector_load %arg18[%swap3A_554] {strides = array<i32>} : memref<8192xf32, #tpu.memory_space<vmem>>, vector<16xf32>,
          %swap3A_556 = vector.shape_cast %swap3A_555 : vector<16xf32> to vector<16xf32>
          %swap3A_557 = vector.shape_cast %mul3A_544 : vector<16xf32> to vector<16xf32>
          tpu.vector_store %arg18[%swap3A_554], %swap3A_557 {strides = array<i32>} : memref<8192xf32, #tpu.memory_space<vmem>>, vector<16xf32>,
        }
        %scan3A_217 = arith.constant 64 : i32
        %add3A_218 = arith.constant 1 : i32
        %add3A_219 = arith.addi %mul3A_145, %add3A_218 : i32
        %lt3A_220 = arith.constant 5 : i32
        %lt3A_221 = arith.cmpi slt, %add3A_219, %lt3A_220 : i32
        %convert_element_type3A_222 = arith.extui %lt3A_221 : i1 to i32
        %cond3A_223 = arith.constant 0 : i32
        %cond3A_224 = arith.cmpi ne, %convert_element_type3A_222, %cond3A_223 : i32
        scf.if %cond3A_224 {
          %dma_start3A = arith.constant 0 : i32
          %dma_start3A_294 = tpu.memref_slice %arg20[%dma_start3A] : memref<8192xi32, #tpu.memory_space<vmem>> -> memref<2048xi32, #tpu.memory_space<vmem>>
          %dma_start3A_295 = arith.constant 0 : i32
          %dma_start3A_296 = tpu.memref_slice %arg16[%dma_start3A_295] : memref<8192xi32, #tpu.memory_space<vmem>> -> memref<2048xi32, #tpu.memory_space<vmem>>
          %dma_start3A_297 = arith.constant 0 : i32
          %dma_start3A_298 = tpu.memref_slice %arg27[%dma_start3A_297] : memref<533616xi32, #tpu.memory_space<vmem_shared>> -> memref<533616xi32, #tpu.memory_space<vmem_shared>>
          tpu.enqueue_indirect_dma source(%dma_start3A_298 : memref<533616xi32, #tpu.memory_space<vmem_shared>>) target(%dma_start3A_294 : memref<2048xi32, #tpu.memory_space<vmem>>) offsets(%dma_start3A_296 : memref<2048xi32, #tpu.memory_space<vmem>>) semaphore(%arg29 : memref<!tpu.dma_semaphore, #tpu.memory_space<semaphore_mem>>)
          %dma_start3A_299 = arith.constant 2048 : i32
          %dma_start3A_300 = tpu.memref_slice %arg20[%dma_start3A_299] : memref<8192xi32, #tpu.memory_space<vmem>> -> memref<2048xi32, #tpu.memory_space<vmem>>
          %dma_start3A_301 = arith.constant 2048 : i32
          %dma_start3A_302 = tpu.memref_slice %arg16[%dma_start3A_301] : memref<8192xi32, #tpu.memory_space<vmem>> -> memref<2048xi32, #tpu.memory_space<vmem>>
          %dma_start3A_303 = arith.constant 0 : i32
          %dma_start3A_304 = tpu.memref_slice %arg27[%dma_start3A_303] : memref<533616xi32, #tpu.memory_space<vmem_shared>> -> memref<533616xi32, #tpu.memory_space<vmem_shared>>
          tpu.enqueue_indirect_dma source(%dma_start3A_304 : memref<533616xi32, #tpu.memory_space<vmem_shared>>) target(%dma_start3A_300 : memref<2048xi32, #tpu.memory_space<vmem>>) offsets(%dma_start3A_302 : memref<2048xi32, #tpu.memory_space<vmem>>) semaphore(%arg29 : memref<!tpu.dma_semaphore, #tpu.memory_space<semaphore_mem>>)
          %dma_start3A_305 = arith.constant 4096 : i32
          %dma_start3A_306 = tpu.memref_slice %arg20[%dma_start3A_305] : memref<8192xi32, #tpu.memory_space<vmem>> -> memref<2048xi32, #tpu.memory_space<vmem>>
          %dma_start3A_307 = arith.constant 4096 : i32
          %dma_start3A_308 = tpu.memref_slice %arg16[%dma_start3A_307] : memref<8192xi32, #tpu.memory_space<vmem>> -> memref<2048xi32, #tpu.memory_space<vmem>>
          %dma_start3A_309 = arith.constant 0 : i32
          %dma_start3A_310 = tpu.memref_slice %arg27[%dma_start3A_309] : memref<533616xi32, #tpu.memory_space<vmem_shared>> -> memref<533616xi32, #tpu.memory_space<vmem_shared>>
          tpu.enqueue_indirect_dma source(%dma_start3A_310 : memref<533616xi32, #tpu.memory_space<vmem_shared>>) target(%dma_start3A_306 : memref<2048xi32, #tpu.memory_space<vmem>>) offsets(%dma_start3A_308 : memref<2048xi32, #tpu.memory_space<vmem>>) semaphore(%arg29 : memref<!tpu.dma_semaphore, #tpu.memory_space<semaphore_mem>>)
          %dma_start3A_311 = arith.constant 6144 : i32
          %dma_start3A_312 = tpu.memref_slice %arg20[%dma_start3A_311] : memref<8192xi32, #tpu.memory_space<vmem>> -> memref<2048xi32, #tpu.memory_space<vmem>>
          %dma_start3A_313 = arith.constant 6144 : i32
          %dma_start3A_314 = tpu.memref_slice %arg16[%dma_start3A_313] : memref<8192xi32, #tpu.memory_space<vmem>> -> memref<2048xi32, #tpu.memory_space<vmem>>
          %dma_start3A_315 = arith.constant 0 : i32
          %dma_start3A_316 = tpu.memref_slice %arg27[%dma_start3A_315] : memref<533616xi32, #tpu.memory_space<vmem_shared>> -> memref<533616xi32, #tpu.memory_space<vmem_shared>>
          tpu.enqueue_indirect_dma source(%dma_start3A_316 : memref<533616xi32, #tpu.memory_space<vmem_shared>>) target(%dma_start3A_312 : memref<2048xi32, #tpu.memory_space<vmem>>) offsets(%dma_start3A_314 : memref<2048xi32, #tpu.memory_space<vmem>>) semaphore(%arg29 : memref<!tpu.dma_semaphore, #tpu.memory_space<semaphore_mem>>)
        } else {
        }
        %ge3A_225 = arith.constant 5 : i32
        %ge3A_226 = arith.cmpi sge, %add3A_219, %ge3A_225 : i32
        %convert_element_type3A_227 = arith.extui %ge3A_226 : i1 to i32
        %cond3A_228 = arith.constant 0 : i32
        %cond3A_229 = arith.cmpi ne, %convert_element_type3A_227, %cond3A_228 : i32
        scf.if %cond3A_229 {
          %dma_start3A = arith.constant 0 : i32
          %dma_start3A_294 = tpu.memref_slice %arg20[%dma_start3A] : memref<8192xi32, #tpu.memory_space<vmem>> -> memref<2048xi32, #tpu.memory_space<vmem>>
          %dma_start3A_295 = arith.constant 0 : i32
          %dma_start3A_296 = tpu.memref_slice %arg16[%dma_start3A_295] : memref<8192xi32, #tpu.memory_space<vmem>> -> memref<2048xi32, #tpu.memory_space<vmem>>
          %dma_start3A_297 = arith.constant 0 : i32
          %dma_start3A_298 = tpu.memref_slice %arg5[%dma_start3A_297] : memref<8388608xi32, #tpu.memory_space<hbm>> -> memref<8388608xi32, #tpu.memory_space<hbm>>
          tpu.enqueue_indirect_dma source(%dma_start3A_298 : memref<8388608xi32, #tpu.memory_space<hbm>>) target(%dma_start3A_294 : memref<2048xi32, #tpu.memory_space<vmem>>) offsets(%dma_start3A_296 : memref<2048xi32, #tpu.memory_space<vmem>>) semaphore(%arg29 : memref<!tpu.dma_semaphore, #tpu.memory_space<semaphore_mem>>)
          %dma_start3A_299 = arith.constant 2048 : i32
          %dma_start3A_300 = tpu.memref_slice %arg20[%dma_start3A_299] : memref<8192xi32, #tpu.memory_space<vmem>> -> memref<2048xi32, #tpu.memory_space<vmem>>
          %dma_start3A_301 = arith.constant 2048 : i32
          %dma_start3A_302 = tpu.memref_slice %arg16[%dma_start3A_301] : memref<8192xi32, #tpu.memory_space<vmem>> -> memref<2048xi32, #tpu.memory_space<vmem>>
          %dma_start3A_303 = arith.constant 0 : i32
          %dma_start3A_304 = tpu.memref_slice %arg5[%dma_start3A_303] : memref<8388608xi32, #tpu.memory_space<hbm>> -> memref<8388608xi32, #tpu.memory_space<hbm>>
          tpu.enqueue_indirect_dma source(%dma_start3A_304 : memref<8388608xi32, #tpu.memory_space<hbm>>) target(%dma_start3A_300 : memref<2048xi32, #tpu.memory_space<vmem>>) offsets(%dma_start3A_302 : memref<2048xi32, #tpu.memory_space<vmem>>) semaphore(%arg29 : memref<!tpu.dma_semaphore, #tpu.memory_space<semaphore_mem>>)
          %dma_start3A_305 = arith.constant 4096 : i32
          %dma_start3A_306 = tpu.memref_slice %arg20[%dma_start3A_305] : memref<8192xi32, #tpu.memory_space<vmem>> -> memref<2048xi32, #tpu.memory_space<vmem>>
          %dma_start3A_307 = arith.constant 4096 : i32
          %dma_start3A_308 = tpu.memref_slice %arg16[%dma_start3A_307] : memref<8192xi32, #tpu.memory_space<vmem>> -> memref<2048xi32, #tpu.memory_space<vmem>>
          %dma_start3A_309 = arith.constant 0 : i32
          %dma_start3A_310 = tpu.memref_slice %arg5[%dma_start3A_309] : memref<8388608xi32, #tpu.memory_space<hbm>> -> memref<8388608xi32, #tpu.memory_space<hbm>>
          tpu.enqueue_indirect_dma source(%dma_start3A_310 : memref<8388608xi32, #tpu.memory_space<hbm>>) target(%dma_start3A_306 : memref<2048xi32, #tpu.memory_space<vmem>>) offsets(%dma_start3A_308 : memref<2048xi32, #tpu.memory_space<vmem>>) semaphore(%arg29 : memref<!tpu.dma_semaphore, #tpu.memory_space<semaphore_mem>>)
          %dma_start3A_311 = arith.constant 6144 : i32
          %dma_start3A_312 = tpu.memref_slice %arg20[%dma_start3A_311] : memref<8192xi32, #tpu.memory_space<vmem>> -> memref<2048xi32, #tpu.memory_space<vmem>>
          %dma_start3A_313 = arith.constant 6144 : i32
          %dma_start3A_314 = tpu.memref_slice %arg16[%dma_start3A_313] : memref<8192xi32, #tpu.memory_space<vmem>> -> memref<2048xi32, #tpu.memory_space<vmem>>
          %dma_start3A_315 = arith.constant 0 : i32
          %dma_start3A_316 = tpu.memref_slice %arg5[%dma_start3A_315] : memref<8388608xi32, #tpu.memory_space<hbm>> -> memref<8388608xi32, #tpu.memory_space<hbm>>
          tpu.enqueue_indirect_dma source(%dma_start3A_316 : memref<8388608xi32, #tpu.memory_space<hbm>>) target(%dma_start3A_312 : memref<2048xi32, #tpu.memory_space<vmem>>) offsets(%dma_start3A_314 : memref<2048xi32, #tpu.memory_space<vmem>>) semaphore(%arg29 : memref<!tpu.dma_semaphore, #tpu.memory_space<semaphore_mem>>)
        } else {
        }
        %dma_wait3A_230 = arith.constant 0 : i32
        %dma_wait3A_231 = tpu.memref_slice %arg19[%dma_wait3A_230] : memref<8192xi32, #tpu.memory_space<vmem>> -> memref<2048xi32, #tpu.memory_space<vmem>>
        %dma_wait3A_232 = arith.constant 0 : i32
        %dma_wait3A_233 = tpu.memref_slice %arg5[%dma_wait3A_232] : memref<8388608xi32, #tpu.memory_space<hbm>> -> memref<2048xi32, #tpu.memory_space<hbm>>
        %dma_wait3A_234 = arith.constant 0 : i32
        %dma_wait3A_235 = tpu.memref_slice %arg19[%dma_wait3A_234] : memref<8192xi32, #tpu.memory_space<vmem>> -> memref<2048xi32, #tpu.memory_space<vmem>>
        %dma_wait3A_236 = arith.constant 0 : i32
        %dma_wait3A_237 = tpu.memref_slice %arg5[%dma_wait3A_236] : memref<8388608xi32, #tpu.memory_space<hbm>> -> memref<2048xi32, #tpu.memory_space<hbm>>
        tpu.wait_dma2 semaphore(%arg28 : memref<!tpu.dma_semaphore, #tpu.memory_space<semaphore_mem>>) src(%dma_wait3A_237 : memref<2048xi32, #tpu.memory_space<hbm>>) dst(%dma_wait3A_235 : memref<2048xi32, #tpu.memory_space<vmem>>)
        %broadcast_in_dim3A_238 = arith.constant -65536 : i32
        %broadcast_in_dim3A_239 = vector.broadcast %broadcast_in_dim3A_238 : i32 to vector<16xi32>
        %scan3A_240 = arith.constant 0 : i32
        %scan3A_241 = arith.constant 0 : i32
        %scan3A_242 = arith.constant 16 : i32
        %scan3A_243 = arith.addi %scan3A_241, %scan3A_242 : i32
        %scan3A_244 = arith.constant 1 : i32
        scf.for %scan3A_294 = %scan3A_241 to %scan3A_243 step %scan3A_244  : i32 {
          %mul3A_295 = arith.constant 16 : i32
          %mul3A_296 = arith.muli %scan3A_294, %mul3A_295 : i32
          %broadcast_in_dim3A_297 = arith.constant 0.000000e+00 : f32
          %broadcast_in_dim3A_298 = vector.broadcast %broadcast_in_dim3A_297 : f32 to vector<16xf32>
          %broadcast_in_dim3A_299 = arith.constant 0.000000e+00 : f32
          %broadcast_in_dim3A_300 = vector.broadcast %broadcast_in_dim3A_299 : f32 to vector<16xf32>
          %mul3A_301 = arith.constant 8 : i32
          %mul3A_302 = arith.muli %mul3A_296, %mul3A_301 : i32
          %add3A_303 = arith.constant 0 : i32
          %add3A_304 = arith.addi %mul3A_302, %add3A_303 : i32
          %get3A_305 = arith.index_cast %add3A_304 : i32 to index
          %get3A_306 = tpu.vector_load %arg17[%get3A_305] {strides = array<i32>} : memref<8192xf32, #tpu.memory_space<vmem>>, vector<16xf32>,
          %get3A_307 = vector.shape_cast %get3A_306 : vector<16xf32> to vector<16xf32>
          %get3A_308 = arith.index_cast %add3A_304 : i32 to index
          %get3A_309 = tpu.vector_load %arg19[%get3A_308] {strides = array<i32>} : memref<8192xi32, #tpu.memory_space<vmem>>, vector<16xi32>,
          %get3A_310 = vector.shape_cast %get3A_309 : vector<16xi32> to vector<16xi32>
          %shift_left3A = arith.constant 16 : i32
          %shift_left3A_311 = vector.broadcast %shift_left3A : i32 to vector<16xi32>
          %shift_left3A_312 = arith.shli %get3A_310, %shift_left3A_311 : vector<16xi32>
          %bitcast_convert_type3A = tpu.bitcast %shift_left3A_312 : vector<16xi32> -> vector<16xf32>
          %and3A = arith.andi %get3A_310, %broadcast_in_dim3A_239 : vector<16xi32>
          %bitcast_convert_type3A_313 = tpu.bitcast %and3A : vector<16xi32> -> vector<16xf32>
          %mul3A_314 = arith.mulf %get3A_307, %bitcast_convert_type3A : vector<16xf32>
          %add3A_315 = arith.addf %broadcast_in_dim3A_298, %mul3A_314 : vector<16xf32>
          %mul3A_316 = arith.mulf %get3A_307, %bitcast_convert_type3A_313 : vector<16xf32>
          %add3A_317 = arith.addf %broadcast_in_dim3A_300, %mul3A_316 : vector<16xf32>
          %mul3A_318 = arith.constant 8 : i32
          %mul3A_319 = arith.muli %mul3A_296, %mul3A_318 : i32
          %add3A_320 = arith.constant 16 : i32
          %add3A_321 = arith.addi %mul3A_319, %add3A_320 : i32
          %get3A_322 = arith.index_cast %add3A_321 : i32 to index
          %get3A_323 = tpu.vector_load %arg17[%get3A_322] {strides = array<i32>} : memref<8192xf32, #tpu.memory_space<vmem>>, vector<16xf32>,
          %get3A_324 = vector.shape_cast %get3A_323 : vector<16xf32> to vector<16xf32>
          %get3A_325 = arith.index_cast %add3A_321 : i32 to index
          %get3A_326 = tpu.vector_load %arg19[%get3A_325] {strides = array<i32>} : memref<8192xi32, #tpu.memory_space<vmem>>, vector<16xi32>,
          %get3A_327 = vector.shape_cast %get3A_326 : vector<16xi32> to vector<16xi32>
          %shift_left3A_328 = arith.constant 16 : i32
          %shift_left3A_329 = vector.broadcast %shift_left3A_328 : i32 to vector<16xi32>
          %shift_left3A_330 = arith.shli %get3A_327, %shift_left3A_329 : vector<16xi32>
          %bitcast_convert_type3A_331 = tpu.bitcast %shift_left3A_330 : vector<16xi32> -> vector<16xf32>
          %and3A_332 = arith.andi %get3A_327, %broadcast_in_dim3A_239 : vector<16xi32>
          %bitcast_convert_type3A_333 = tpu.bitcast %and3A_332 : vector<16xi32> -> vector<16xf32>
          %mul3A_334 = arith.mulf %get3A_324, %bitcast_convert_type3A_331 : vector<16xf32>
          %add3A_335 = arith.addf %add3A_315, %mul3A_334 : vector<16xf32>
          %mul3A_336 = arith.mulf %get3A_324, %bitcast_convert_type3A_333 : vector<16xf32>
          %add3A_337 = arith.addf %add3A_317, %mul3A_336 : vector<16xf32>
          %mul3A_338 = arith.constant 8 : i32
          %mul3A_339 = arith.muli %mul3A_296, %mul3A_338 : i32
          %add3A_340 = arith.constant 32 : i32
          %add3A_341 = arith.addi %mul3A_339, %add3A_340 : i32
          %get3A_342 = arith.index_cast %add3A_341 : i32 to index
          %get3A_343 = tpu.vector_load %arg17[%get3A_342] {strides = array<i32>} : memref<8192xf32, #tpu.memory_space<vmem>>, vector<16xf32>,
          %get3A_344 = vector.shape_cast %get3A_343 : vector<16xf32> to vector<16xf32>
          %get3A_345 = arith.index_cast %add3A_341 : i32 to index
          %get3A_346 = tpu.vector_load %arg19[%get3A_345] {strides = array<i32>} : memref<8192xi32, #tpu.memory_space<vmem>>, vector<16xi32>,
          %get3A_347 = vector.shape_cast %get3A_346 : vector<16xi32> to vector<16xi32>
          %shift_left3A_348 = arith.constant 16 : i32
          %shift_left3A_349 = vector.broadcast %shift_left3A_348 : i32 to vector<16xi32>
          %shift_left3A_350 = arith.shli %get3A_347, %shift_left3A_349 : vector<16xi32>
          %bitcast_convert_type3A_351 = tpu.bitcast %shift_left3A_350 : vector<16xi32> -> vector<16xf32>
          %and3A_352 = arith.andi %get3A_347, %broadcast_in_dim3A_239 : vector<16xi32>
          %bitcast_convert_type3A_353 = tpu.bitcast %and3A_352 : vector<16xi32> -> vector<16xf32>
          %mul3A_354 = arith.mulf %get3A_344, %bitcast_convert_type3A_351 : vector<16xf32>
          %add3A_355 = arith.addf %add3A_335, %mul3A_354 : vector<16xf32>
          %mul3A_356 = arith.mulf %get3A_344, %bitcast_convert_type3A_353 : vector<16xf32>
          %add3A_357 = arith.addf %add3A_337, %mul3A_356 : vector<16xf32>
          %mul3A_358 = arith.constant 8 : i32
          %mul3A_359 = arith.muli %mul3A_296, %mul3A_358 : i32
          %add3A_360 = arith.constant 48 : i32
          %add3A_361 = arith.addi %mul3A_359, %add3A_360 : i32
          %get3A_362 = arith.index_cast %add3A_361 : i32 to index
          %get3A_363 = tpu.vector_load %arg17[%get3A_362] {strides = array<i32>} : memref<8192xf32, #tpu.memory_space<vmem>>, vector<16xf32>,
          %get3A_364 = vector.shape_cast %get3A_363 : vector<16xf32> to vector<16xf32>
          %get3A_365 = arith.index_cast %add3A_361 : i32 to index
          %get3A_366 = tpu.vector_load %arg19[%get3A_365] {strides = array<i32>} : memref<8192xi32, #tpu.memory_space<vmem>>, vector<16xi32>,
          %get3A_367 = vector.shape_cast %get3A_366 : vector<16xi32> to vector<16xi32>
          %shift_left3A_368 = arith.constant 16 : i32
          %shift_left3A_369 = vector.broadcast %shift_left3A_368 : i32 to vector<16xi32>
          %shift_left3A_370 = arith.shli %get3A_367, %shift_left3A_369 : vector<16xi32>
          %bitcast_convert_type3A_371 = tpu.bitcast %shift_left3A_370 : vector<16xi32> -> vector<16xf32>
          %and3A_372 = arith.andi %get3A_367, %broadcast_in_dim3A_239 : vector<16xi32>
          %bitcast_convert_type3A_373 = tpu.bitcast %and3A_372 : vector<16xi32> -> vector<16xf32>
          %mul3A_374 = arith.mulf %get3A_364, %bitcast_convert_type3A_371 : vector<16xf32>
          %add3A_375 = arith.addf %add3A_355, %mul3A_374 : vector<16xf32>
          %mul3A_376 = arith.mulf %get3A_364, %bitcast_convert_type3A_373 : vector<16xf32>
          %add3A_377 = arith.addf %add3A_357, %mul3A_376 : vector<16xf32>
          %mul3A_378 = arith.constant 8 : i32
          %mul3A_379 = arith.muli %mul3A_296, %mul3A_378 : i32
          %add3A_380 = arith.constant 64 : i32
          %add3A_381 = arith.addi %mul3A_379, %add3A_380 : i32
          %get3A_382 = arith.index_cast %add3A_381 : i32 to index
          %get3A_383 = tpu.vector_load %arg17[%get3A_382] {strides = array<i32>} : memref<8192xf32, #tpu.memory_space<vmem>>, vector<16xf32>,
          %get3A_384 = vector.shape_cast %get3A_383 : vector<16xf32> to vector<16xf32>
          %get3A_385 = arith.index_cast %add3A_381 : i32 to index
          %get3A_386 = tpu.vector_load %arg19[%get3A_385] {strides = array<i32>} : memref<8192xi32, #tpu.memory_space<vmem>>, vector<16xi32>,
          %get3A_387 = vector.shape_cast %get3A_386 : vector<16xi32> to vector<16xi32>
          %shift_left3A_388 = arith.constant 16 : i32
          %shift_left3A_389 = vector.broadcast %shift_left3A_388 : i32 to vector<16xi32>
          %shift_left3A_390 = arith.shli %get3A_387, %shift_left3A_389 : vector<16xi32>
          %bitcast_convert_type3A_391 = tpu.bitcast %shift_left3A_390 : vector<16xi32> -> vector<16xf32>
          %and3A_392 = arith.andi %get3A_387, %broadcast_in_dim3A_239 : vector<16xi32>
          %bitcast_convert_type3A_393 = tpu.bitcast %and3A_392 : vector<16xi32> -> vector<16xf32>
          %mul3A_394 = arith.mulf %get3A_384, %bitcast_convert_type3A_391 : vector<16xf32>
          %add3A_395 = arith.addf %add3A_375, %mul3A_394 : vector<16xf32>
          %mul3A_396 = arith.mulf %get3A_384, %bitcast_convert_type3A_393 : vector<16xf32>
          %add3A_397 = arith.addf %add3A_377, %mul3A_396 : vector<16xf32>
          %mul3A_398 = arith.constant 8 : i32
          %mul3A_399 = arith.muli %mul3A_296, %mul3A_398 : i32
          %add3A_400 = arith.constant 80 : i32
          %add3A_401 = arith.addi %mul3A_399, %add3A_400 : i32
          %get3A_402 = arith.index_cast %add3A_401 : i32 to index
          %get3A_403 = tpu.vector_load %arg17[%get3A_402] {strides = array<i32>} : memref<8192xf32, #tpu.memory_space<vmem>>, vector<16xf32>,
          %get3A_404 = vector.shape_cast %get3A_403 : vector<16xf32> to vector<16xf32>
          %get3A_405 = arith.index_cast %add3A_401 : i32 to index
          %get3A_406 = tpu.vector_load %arg19[%get3A_405] {strides = array<i32>} : memref<8192xi32, #tpu.memory_space<vmem>>, vector<16xi32>,
          %get3A_407 = vector.shape_cast %get3A_406 : vector<16xi32> to vector<16xi32>
          %shift_left3A_408 = arith.constant 16 : i32
          %shift_left3A_409 = vector.broadcast %shift_left3A_408 : i32 to vector<16xi32>
          %shift_left3A_410 = arith.shli %get3A_407, %shift_left3A_409 : vector<16xi32>
          %bitcast_convert_type3A_411 = tpu.bitcast %shift_left3A_410 : vector<16xi32> -> vector<16xf32>
          %and3A_412 = arith.andi %get3A_407, %broadcast_in_dim3A_239 : vector<16xi32>
          %bitcast_convert_type3A_413 = tpu.bitcast %and3A_412 : vector<16xi32> -> vector<16xf32>
          %mul3A_414 = arith.mulf %get3A_404, %bitcast_convert_type3A_411 : vector<16xf32>
          %add3A_415 = arith.addf %add3A_395, %mul3A_414 : vector<16xf32>
          %mul3A_416 = arith.mulf %get3A_404, %bitcast_convert_type3A_413 : vector<16xf32>
          %add3A_417 = arith.addf %add3A_397, %mul3A_416 : vector<16xf32>
          %mul3A_418 = arith.constant 8 : i32
          %mul3A_419 = arith.muli %mul3A_296, %mul3A_418 : i32
          %add3A_420 = arith.constant 96 : i32
          %add3A_421 = arith.addi %mul3A_419, %add3A_420 : i32
          %get3A_422 = arith.index_cast %add3A_421 : i32 to index
          %get3A_423 = tpu.vector_load %arg17[%get3A_422] {strides = array<i32>} : memref<8192xf32, #tpu.memory_space<vmem>>, vector<16xf32>,
          %get3A_424 = vector.shape_cast %get3A_423 : vector<16xf32> to vector<16xf32>
          %get3A_425 = arith.index_cast %add3A_421 : i32 to index
          %get3A_426 = tpu.vector_load %arg19[%get3A_425] {strides = array<i32>} : memref<8192xi32, #tpu.memory_space<vmem>>, vector<16xi32>,
          %get3A_427 = vector.shape_cast %get3A_426 : vector<16xi32> to vector<16xi32>
          %shift_left3A_428 = arith.constant 16 : i32
          %shift_left3A_429 = vector.broadcast %shift_left3A_428 : i32 to vector<16xi32>
          %shift_left3A_430 = arith.shli %get3A_427, %shift_left3A_429 : vector<16xi32>
          %bitcast_convert_type3A_431 = tpu.bitcast %shift_left3A_430 : vector<16xi32> -> vector<16xf32>
          %and3A_432 = arith.andi %get3A_427, %broadcast_in_dim3A_239 : vector<16xi32>
          %bitcast_convert_type3A_433 = tpu.bitcast %and3A_432 : vector<16xi32> -> vector<16xf32>
          %mul3A_434 = arith.mulf %get3A_424, %bitcast_convert_type3A_431 : vector<16xf32>
          %add3A_435 = arith.addf %add3A_415, %mul3A_434 : vector<16xf32>
          %mul3A_436 = arith.mulf %get3A_424, %bitcast_convert_type3A_433 : vector<16xf32>
          %add3A_437 = arith.addf %add3A_417, %mul3A_436 : vector<16xf32>
          %mul3A_438 = arith.constant 8 : i32
          %mul3A_439 = arith.muli %mul3A_296, %mul3A_438 : i32
          %add3A_440 = arith.constant 112 : i32
          %add3A_441 = arith.addi %mul3A_439, %add3A_440 : i32
          %get3A_442 = arith.index_cast %add3A_441 : i32 to index
          %get3A_443 = tpu.vector_load %arg17[%get3A_442] {strides = array<i32>} : memref<8192xf32, #tpu.memory_space<vmem>>, vector<16xf32>,
          %get3A_444 = vector.shape_cast %get3A_443 : vector<16xf32> to vector<16xf32>
          %get3A_445 = arith.index_cast %add3A_441 : i32 to index
          %get3A_446 = tpu.vector_load %arg19[%get3A_445] {strides = array<i32>} : memref<8192xi32, #tpu.memory_space<vmem>>, vector<16xi32>,
          %get3A_447 = vector.shape_cast %get3A_446 : vector<16xi32> to vector<16xi32>
          %shift_left3A_448 = arith.constant 16 : i32
          %shift_left3A_449 = vector.broadcast %shift_left3A_448 : i32 to vector<16xi32>
          %shift_left3A_450 = arith.shli %get3A_447, %shift_left3A_449 : vector<16xi32>
          %bitcast_convert_type3A_451 = tpu.bitcast %shift_left3A_450 : vector<16xi32> -> vector<16xf32>
          %and3A_452 = arith.andi %get3A_447, %broadcast_in_dim3A_239 : vector<16xi32>
          %bitcast_convert_type3A_453 = tpu.bitcast %and3A_452 : vector<16xi32> -> vector<16xf32>
          %mul3A_454 = arith.mulf %get3A_444, %bitcast_convert_type3A_451 : vector<16xf32>
          %add3A_455 = arith.addf %add3A_435, %mul3A_454 : vector<16xf32>
          %mul3A_456 = arith.mulf %get3A_444, %bitcast_convert_type3A_453 : vector<16xf32>
          %add3A_457 = arith.addf %add3A_437, %mul3A_456 : vector<16xf32>
          %mul3A_458 = arith.constant 2 : i32
          %mul3A_459 = arith.muli %mul3A_458, %mul3A_145 : i32
          %swap3A = arith.index_cast %mul3A_459 : i32 to index
          %swap3A_460 = arith.index_cast %mul3A_296 : i32 to index
          %swap3A_461 = tpu.vector_load %arg21[%swap3A, %swap3A_460] {strides = array<i32>} : memref<32x1024xf32, #tpu.memory_space<vmem>>, vector<1x16xf32>,
          %swap3A_462 = vector.shape_cast %swap3A_461 : vector<1x16xf32> to vector<16xf32>
          %swap3A_463 = vector.shape_cast %add3A_455 : vector<16xf32> to vector<1x16xf32>
          tpu.vector_store %arg21[%swap3A, %swap3A_460], %swap3A_463 {strides = array<i32>} : memref<32x1024xf32, #tpu.memory_space<vmem>>, vector<1x16xf32>,
          %mul3A_464 = arith.constant 2 : i32
          %mul3A_465 = arith.muli %mul3A_464, %mul3A_145 : i32
          %add3A_466 = arith.constant 1 : i32
          %add3A_467 = arith.addi %mul3A_465, %add3A_466 : i32
          %swap3A_468 = arith.index_cast %add3A_467 : i32 to index
          %swap3A_469 = arith.index_cast %mul3A_296 : i32 to index
          %swap3A_470 = tpu.vector_load %arg21[%swap3A_468, %swap3A_469] {strides = array<i32>} : memref<32x1024xf32, #tpu.memory_space<vmem>>, vector<1x16xf32>,
          %swap3A_471 = vector.shape_cast %swap3A_470 : vector<1x16xf32> to vector<16xf32>
          %swap3A_472 = vector.shape_cast %add3A_457 : vector<16xf32> to vector<1x16xf32>
          tpu.vector_store %arg21[%swap3A_468, %swap3A_469], %swap3A_472 {strides = array<i32>} : memref<32x1024xf32, #tpu.memory_space<vmem>>, vector<1x16xf32>,
        }
        %scan3A_245 = arith.constant 16 : i32
        %dma_wait3A_246 = arith.constant 2048 : i32
        %dma_wait3A_247 = tpu.memref_slice %arg19[%dma_wait3A_246] : memref<8192xi32, #tpu.memory_space<vmem>> -> memref<2048xi32, #tpu.memory_space<vmem>>
        %dma_wait3A_248 = arith.constant 0 : i32
        %dma_wait3A_249 = tpu.memref_slice %arg5[%dma_wait3A_248] : memref<8388608xi32, #tpu.memory_space<hbm>> -> memref<2048xi32, #tpu.memory_space<hbm>>
        %dma_wait3A_250 = arith.constant 2048 : i32
        %dma_wait3A_251 = tpu.memref_slice %arg19[%dma_wait3A_250] : memref<8192xi32, #tpu.memory_space<vmem>> -> memref<2048xi32, #tpu.memory_space<vmem>>
        %dma_wait3A_252 = arith.constant 0 : i32
        %dma_wait3A_253 = tpu.memref_slice %arg5[%dma_wait3A_252] : memref<8388608xi32, #tpu.memory_space<hbm>> -> memref<2048xi32, #tpu.memory_space<hbm>>
        tpu.wait_dma2 semaphore(%arg28 : memref<!tpu.dma_semaphore, #tpu.memory_space<semaphore_mem>>) src(%dma_wait3A_253 : memref<2048xi32, #tpu.memory_space<hbm>>) dst(%dma_wait3A_251 : memref<2048xi32, #tpu.memory_space<vmem>>)
        %broadcast_in_dim3A_254 = arith.constant -65536 : i32
        %broadcast_in_dim3A_255 = vector.broadcast %broadcast_in_dim3A_254 : i32 to vector<16xi32>
        %scan3A_256 = arith.constant 0 : i32
        %scan3A_257 = arith.constant 16 : i32
        %scan3A_258 = arith.constant 16 : i32
        %scan3A_259 = arith.addi %scan3A_257, %scan3A_258 : i32
        %scan3A_260 = arith.constant 1 : i32
        scf.for %scan3A_294 = %scan3A_257 to %scan3A_259 step %scan3A_260  : i32 {
          %mul3A_295 = arith.constant 16 : i32
          %mul3A_296 = arith.muli %scan3A_294, %mul3A_295 : i32
          %broadcast_in_dim3A_297 = arith.constant 0.000000e+00 : f32
          %broadcast_in_dim3A_298 = vector.broadcast %broadcast_in_dim3A_297 : f32 to vector<16xf32>
          %broadcast_in_dim3A_299 = arith.constant 0.000000e+00 : f32
          %broadcast_in_dim3A_300 = vector.broadcast %broadcast_in_dim3A_299 : f32 to vector<16xf32>
          %mul3A_301 = arith.constant 8 : i32
          %mul3A_302 = arith.muli %mul3A_296, %mul3A_301 : i32
          %add3A_303 = arith.constant 0 : i32
          %add3A_304 = arith.addi %mul3A_302, %add3A_303 : i32
          %get3A_305 = arith.index_cast %add3A_304 : i32 to index
          %get3A_306 = tpu.vector_load %arg17[%get3A_305] {strides = array<i32>} : memref<8192xf32, #tpu.memory_space<vmem>>, vector<16xf32>,
          %get3A_307 = vector.shape_cast %get3A_306 : vector<16xf32> to vector<16xf32>
          %get3A_308 = arith.index_cast %add3A_304 : i32 to index
          %get3A_309 = tpu.vector_load %arg19[%get3A_308] {strides = array<i32>} : memref<8192xi32, #tpu.memory_space<vmem>>, vector<16xi32>,
          %get3A_310 = vector.shape_cast %get3A_309 : vector<16xi32> to vector<16xi32>
          %shift_left3A = arith.constant 16 : i32
          %shift_left3A_311 = vector.broadcast %shift_left3A : i32 to vector<16xi32>
          %shift_left3A_312 = arith.shli %get3A_310, %shift_left3A_311 : vector<16xi32>
          %bitcast_convert_type3A = tpu.bitcast %shift_left3A_312 : vector<16xi32> -> vector<16xf32>
          %and3A = arith.andi %get3A_310, %broadcast_in_dim3A_255 : vector<16xi32>
          %bitcast_convert_type3A_313 = tpu.bitcast %and3A : vector<16xi32> -> vector<16xf32>
          %mul3A_314 = arith.mulf %get3A_307, %bitcast_convert_type3A : vector<16xf32>
          %add3A_315 = arith.addf %broadcast_in_dim3A_298, %mul3A_314 : vector<16xf32>
          %mul3A_316 = arith.mulf %get3A_307, %bitcast_convert_type3A_313 : vector<16xf32>
          %add3A_317 = arith.addf %broadcast_in_dim3A_300, %mul3A_316 : vector<16xf32>
          %mul3A_318 = arith.constant 8 : i32
          %mul3A_319 = arith.muli %mul3A_296, %mul3A_318 : i32
          %add3A_320 = arith.constant 16 : i32
          %add3A_321 = arith.addi %mul3A_319, %add3A_320 : i32
          %get3A_322 = arith.index_cast %add3A_321 : i32 to index
          %get3A_323 = tpu.vector_load %arg17[%get3A_322] {strides = array<i32>} : memref<8192xf32, #tpu.memory_space<vmem>>, vector<16xf32>,
          %get3A_324 = vector.shape_cast %get3A_323 : vector<16xf32> to vector<16xf32>
          %get3A_325 = arith.index_cast %add3A_321 : i32 to index
          %get3A_326 = tpu.vector_load %arg19[%get3A_325] {strides = array<i32>} : memref<8192xi32, #tpu.memory_space<vmem>>, vector<16xi32>,
          %get3A_327 = vector.shape_cast %get3A_326 : vector<16xi32> to vector<16xi32>
          %shift_left3A_328 = arith.constant 16 : i32
          %shift_left3A_329 = vector.broadcast %shift_left3A_328 : i32 to vector<16xi32>
          %shift_left3A_330 = arith.shli %get3A_327, %shift_left3A_329 : vector<16xi32>
          %bitcast_convert_type3A_331 = tpu.bitcast %shift_left3A_330 : vector<16xi32> -> vector<16xf32>
          %and3A_332 = arith.andi %get3A_327, %broadcast_in_dim3A_255 : vector<16xi32>
          %bitcast_convert_type3A_333 = tpu.bitcast %and3A_332 : vector<16xi32> -> vector<16xf32>
          %mul3A_334 = arith.mulf %get3A_324, %bitcast_convert_type3A_331 : vector<16xf32>
          %add3A_335 = arith.addf %add3A_315, %mul3A_334 : vector<16xf32>
          %mul3A_336 = arith.mulf %get3A_324, %bitcast_convert_type3A_333 : vector<16xf32>
          %add3A_337 = arith.addf %add3A_317, %mul3A_336 : vector<16xf32>
          %mul3A_338 = arith.constant 8 : i32
          %mul3A_339 = arith.muli %mul3A_296, %mul3A_338 : i32
          %add3A_340 = arith.constant 32 : i32
          %add3A_341 = arith.addi %mul3A_339, %add3A_340 : i32
          %get3A_342 = arith.index_cast %add3A_341 : i32 to index
          %get3A_343 = tpu.vector_load %arg17[%get3A_342] {strides = array<i32>} : memref<8192xf32, #tpu.memory_space<vmem>>, vector<16xf32>,
          %get3A_344 = vector.shape_cast %get3A_343 : vector<16xf32> to vector<16xf32>
          %get3A_345 = arith.index_cast %add3A_341 : i32 to index
          %get3A_346 = tpu.vector_load %arg19[%get3A_345] {strides = array<i32>} : memref<8192xi32, #tpu.memory_space<vmem>>, vector<16xi32>,
          %get3A_347 = vector.shape_cast %get3A_346 : vector<16xi32> to vector<16xi32>
          %shift_left3A_348 = arith.constant 16 : i32
          %shift_left3A_349 = vector.broadcast %shift_left3A_348 : i32 to vector<16xi32>
          %shift_left3A_350 = arith.shli %get3A_347, %shift_left3A_349 : vector<16xi32>
          %bitcast_convert_type3A_351 = tpu.bitcast %shift_left3A_350 : vector<16xi32> -> vector<16xf32>
          %and3A_352 = arith.andi %get3A_347, %broadcast_in_dim3A_255 : vector<16xi32>
          %bitcast_convert_type3A_353 = tpu.bitcast %and3A_352 : vector<16xi32> -> vector<16xf32>
          %mul3A_354 = arith.mulf %get3A_344, %bitcast_convert_type3A_351 : vector<16xf32>
          %add3A_355 = arith.addf %add3A_335, %mul3A_354 : vector<16xf32>
          %mul3A_356 = arith.mulf %get3A_344, %bitcast_convert_type3A_353 : vector<16xf32>
          %add3A_357 = arith.addf %add3A_337, %mul3A_356 : vector<16xf32>
          %mul3A_358 = arith.constant 8 : i32
          %mul3A_359 = arith.muli %mul3A_296, %mul3A_358 : i32
          %add3A_360 = arith.constant 48 : i32
          %add3A_361 = arith.addi %mul3A_359, %add3A_360 : i32
          %get3A_362 = arith.index_cast %add3A_361 : i32 to index
          %get3A_363 = tpu.vector_load %arg17[%get3A_362] {strides = array<i32>} : memref<8192xf32, #tpu.memory_space<vmem>>, vector<16xf32>,
          %get3A_364 = vector.shape_cast %get3A_363 : vector<16xf32> to vector<16xf32>
          %get3A_365 = arith.index_cast %add3A_361 : i32 to index
          %get3A_366 = tpu.vector_load %arg19[%get3A_365] {strides = array<i32>} : memref<8192xi32, #tpu.memory_space<vmem>>, vector<16xi32>,
          %get3A_367 = vector.shape_cast %get3A_366 : vector<16xi32> to vector<16xi32>
          %shift_left3A_368 = arith.constant 16 : i32
          %shift_left3A_369 = vector.broadcast %shift_left3A_368 : i32 to vector<16xi32>
          %shift_left3A_370 = arith.shli %get3A_367, %shift_left3A_369 : vector<16xi32>
          %bitcast_convert_type3A_371 = tpu.bitcast %shift_left3A_370 : vector<16xi32> -> vector<16xf32>
          %and3A_372 = arith.andi %get3A_367, %broadcast_in_dim3A_255 : vector<16xi32>
          %bitcast_convert_type3A_373 = tpu.bitcast %and3A_372 : vector<16xi32> -> vector<16xf32>
          %mul3A_374 = arith.mulf %get3A_364, %bitcast_convert_type3A_371 : vector<16xf32>
          %add3A_375 = arith.addf %add3A_355, %mul3A_374 : vector<16xf32>
          %mul3A_376 = arith.mulf %get3A_364, %bitcast_convert_type3A_373 : vector<16xf32>
          %add3A_377 = arith.addf %add3A_357, %mul3A_376 : vector<16xf32>
          %mul3A_378 = arith.constant 8 : i32
          %mul3A_379 = arith.muli %mul3A_296, %mul3A_378 : i32
          %add3A_380 = arith.constant 64 : i32
          %add3A_381 = arith.addi %mul3A_379, %add3A_380 : i32
          %get3A_382 = arith.index_cast %add3A_381 : i32 to index
          %get3A_383 = tpu.vector_load %arg17[%get3A_382] {strides = array<i32>} : memref<8192xf32, #tpu.memory_space<vmem>>, vector<16xf32>,
          %get3A_384 = vector.shape_cast %get3A_383 : vector<16xf32> to vector<16xf32>
          %get3A_385 = arith.index_cast %add3A_381 : i32 to index
          %get3A_386 = tpu.vector_load %arg19[%get3A_385] {strides = array<i32>} : memref<8192xi32, #tpu.memory_space<vmem>>, vector<16xi32>,
          %get3A_387 = vector.shape_cast %get3A_386 : vector<16xi32> to vector<16xi32>
          %shift_left3A_388 = arith.constant 16 : i32
          %shift_left3A_389 = vector.broadcast %shift_left3A_388 : i32 to vector<16xi32>
          %shift_left3A_390 = arith.shli %get3A_387, %shift_left3A_389 : vector<16xi32>
          %bitcast_convert_type3A_391 = tpu.bitcast %shift_left3A_390 : vector<16xi32> -> vector<16xf32>
          %and3A_392 = arith.andi %get3A_387, %broadcast_in_dim3A_255 : vector<16xi32>
          %bitcast_convert_type3A_393 = tpu.bitcast %and3A_392 : vector<16xi32> -> vector<16xf32>
          %mul3A_394 = arith.mulf %get3A_384, %bitcast_convert_type3A_391 : vector<16xf32>
          %add3A_395 = arith.addf %add3A_375, %mul3A_394 : vector<16xf32>
          %mul3A_396 = arith.mulf %get3A_384, %bitcast_convert_type3A_393 : vector<16xf32>
          %add3A_397 = arith.addf %add3A_377, %mul3A_396 : vector<16xf32>
          %mul3A_398 = arith.constant 8 : i32
          %mul3A_399 = arith.muli %mul3A_296, %mul3A_398 : i32
          %add3A_400 = arith.constant 80 : i32
          %add3A_401 = arith.addi %mul3A_399, %add3A_400 : i32
          %get3A_402 = arith.index_cast %add3A_401 : i32 to index
          %get3A_403 = tpu.vector_load %arg17[%get3A_402] {strides = array<i32>} : memref<8192xf32, #tpu.memory_space<vmem>>, vector<16xf32>,
          %get3A_404 = vector.shape_cast %get3A_403 : vector<16xf32> to vector<16xf32>
          %get3A_405 = arith.index_cast %add3A_401 : i32 to index
          %get3A_406 = tpu.vector_load %arg19[%get3A_405] {strides = array<i32>} : memref<8192xi32, #tpu.memory_space<vmem>>, vector<16xi32>,
          %get3A_407 = vector.shape_cast %get3A_406 : vector<16xi32> to vector<16xi32>
          %shift_left3A_408 = arith.constant 16 : i32
          %shift_left3A_409 = vector.broadcast %shift_left3A_408 : i32 to vector<16xi32>
          %shift_left3A_410 = arith.shli %get3A_407, %shift_left3A_409 : vector<16xi32>
          %bitcast_convert_type3A_411 = tpu.bitcast %shift_left3A_410 : vector<16xi32> -> vector<16xf32>
          %and3A_412 = arith.andi %get3A_407, %broadcast_in_dim3A_255 : vector<16xi32>
          %bitcast_convert_type3A_413 = tpu.bitcast %and3A_412 : vector<16xi32> -> vector<16xf32>
          %mul3A_414 = arith.mulf %get3A_404, %bitcast_convert_type3A_411 : vector<16xf32>
          %add3A_415 = arith.addf %add3A_395, %mul3A_414 : vector<16xf32>
          %mul3A_416 = arith.mulf %get3A_404, %bitcast_convert_type3A_413 : vector<16xf32>
          %add3A_417 = arith.addf %add3A_397, %mul3A_416 : vector<16xf32>
          %mul3A_418 = arith.constant 8 : i32
          %mul3A_419 = arith.muli %mul3A_296, %mul3A_418 : i32
          %add3A_420 = arith.constant 96 : i32
          %add3A_421 = arith.addi %mul3A_419, %add3A_420 : i32
          %get3A_422 = arith.index_cast %add3A_421 : i32 to index
          %get3A_423 = tpu.vector_load %arg17[%get3A_422] {strides = array<i32>} : memref<8192xf32, #tpu.memory_space<vmem>>, vector<16xf32>,
          %get3A_424 = vector.shape_cast %get3A_423 : vector<16xf32> to vector<16xf32>
          %get3A_425 = arith.index_cast %add3A_421 : i32 to index
          %get3A_426 = tpu.vector_load %arg19[%get3A_425] {strides = array<i32>} : memref<8192xi32, #tpu.memory_space<vmem>>, vector<16xi32>,
          %get3A_427 = vector.shape_cast %get3A_426 : vector<16xi32> to vector<16xi32>
          %shift_left3A_428 = arith.constant 16 : i32
          %shift_left3A_429 = vector.broadcast %shift_left3A_428 : i32 to vector<16xi32>
          %shift_left3A_430 = arith.shli %get3A_427, %shift_left3A_429 : vector<16xi32>
          %bitcast_convert_type3A_431 = tpu.bitcast %shift_left3A_430 : vector<16xi32> -> vector<16xf32>
          %and3A_432 = arith.andi %get3A_427, %broadcast_in_dim3A_255 : vector<16xi32>
          %bitcast_convert_type3A_433 = tpu.bitcast %and3A_432 : vector<16xi32> -> vector<16xf32>
          %mul3A_434 = arith.mulf %get3A_424, %bitcast_convert_type3A_431 : vector<16xf32>
          %add3A_435 = arith.addf %add3A_415, %mul3A_434 : vector<16xf32>
          %mul3A_436 = arith.mulf %get3A_424, %bitcast_convert_type3A_433 : vector<16xf32>
          %add3A_437 = arith.addf %add3A_417, %mul3A_436 : vector<16xf32>
          %mul3A_438 = arith.constant 8 : i32
          %mul3A_439 = arith.muli %mul3A_296, %mul3A_438 : i32
          %add3A_440 = arith.constant 112 : i32
          %add3A_441 = arith.addi %mul3A_439, %add3A_440 : i32
          %get3A_442 = arith.index_cast %add3A_441 : i32 to index
          %get3A_443 = tpu.vector_load %arg17[%get3A_442] {strides = array<i32>} : memref<8192xf32, #tpu.memory_space<vmem>>, vector<16xf32>,
          %get3A_444 = vector.shape_cast %get3A_443 : vector<16xf32> to vector<16xf32>
          %get3A_445 = arith.index_cast %add3A_441 : i32 to index
          %get3A_446 = tpu.vector_load %arg19[%get3A_445] {strides = array<i32>} : memref<8192xi32, #tpu.memory_space<vmem>>, vector<16xi32>,
          %get3A_447 = vector.shape_cast %get3A_446 : vector<16xi32> to vector<16xi32>
          %shift_left3A_448 = arith.constant 16 : i32
          %shift_left3A_449 = vector.broadcast %shift_left3A_448 : i32 to vector<16xi32>
          %shift_left3A_450 = arith.shli %get3A_447, %shift_left3A_449 : vector<16xi32>
          %bitcast_convert_type3A_451 = tpu.bitcast %shift_left3A_450 : vector<16xi32> -> vector<16xf32>
          %and3A_452 = arith.andi %get3A_447, %broadcast_in_dim3A_255 : vector<16xi32>
          %bitcast_convert_type3A_453 = tpu.bitcast %and3A_452 : vector<16xi32> -> vector<16xf32>
          %mul3A_454 = arith.mulf %get3A_444, %bitcast_convert_type3A_451 : vector<16xf32>
          %add3A_455 = arith.addf %add3A_435, %mul3A_454 : vector<16xf32>
          %mul3A_456 = arith.mulf %get3A_444, %bitcast_convert_type3A_453 : vector<16xf32>
          %add3A_457 = arith.addf %add3A_437, %mul3A_456 : vector<16xf32>
          %mul3A_458 = arith.constant 2 : i32
          %mul3A_459 = arith.muli %mul3A_458, %mul3A_145 : i32
          %swap3A = arith.index_cast %mul3A_459 : i32 to index
          %swap3A_460 = arith.index_cast %mul3A_296 : i32 to index
          %swap3A_461 = tpu.vector_load %arg21[%swap3A, %swap3A_460] {strides = array<i32>} : memref<32x1024xf32, #tpu.memory_space<vmem>>, vector<1x16xf32>,
          %swap3A_462 = vector.shape_cast %swap3A_461 : vector<1x16xf32> to vector<16xf32>
          %swap3A_463 = vector.shape_cast %add3A_455 : vector<16xf32> to vector<1x16xf32>
          tpu.vector_store %arg21[%swap3A, %swap3A_460], %swap3A_463 {strides = array<i32>} : memref<32x1024xf32, #tpu.memory_space<vmem>>, vector<1x16xf32>,
          %mul3A_464 = arith.constant 2 : i32
          %mul3A_465 = arith.muli %mul3A_464, %mul3A_145 : i32
          %add3A_466 = arith.constant 1 : i32
          %add3A_467 = arith.addi %mul3A_465, %add3A_466 : i32
          %swap3A_468 = arith.index_cast %add3A_467 : i32 to index
          %swap3A_469 = arith.index_cast %mul3A_296 : i32 to index
          %swap3A_470 = tpu.vector_load %arg21[%swap3A_468, %swap3A_469] {strides = array<i32>} : memref<32x1024xf32, #tpu.memory_space<vmem>>, vector<1x16xf32>,
          %swap3A_471 = vector.shape_cast %swap3A_470 : vector<1x16xf32> to vector<16xf32>
          %swap3A_472 = vector.shape_cast %add3A_457 : vector<16xf32> to vector<1x16xf32>
          tpu.vector_store %arg21[%swap3A_468, %swap3A_469], %swap3A_472 {strides = array<i32>} : memref<32x1024xf32, #tpu.memory_space<vmem>>, vector<1x16xf32>,
        }
        %scan3A_261 = arith.constant 16 : i32
        %dma_wait3A_262 = arith.constant 4096 : i32
        %dma_wait3A_263 = tpu.memref_slice %arg19[%dma_wait3A_262] : memref<8192xi32, #tpu.memory_space<vmem>> -> memref<2048xi32, #tpu.memory_space<vmem>>
        %dma_wait3A_264 = arith.constant 0 : i32
        %dma_wait3A_265 = tpu.memref_slice %arg5[%dma_wait3A_264] : memref<8388608xi32, #tpu.memory_space<hbm>> -> memref<2048xi32, #tpu.memory_space<hbm>>
        %dma_wait3A_266 = arith.constant 4096 : i32
        %dma_wait3A_267 = tpu.memref_slice %arg19[%dma_wait3A_266] : memref<8192xi32, #tpu.memory_space<vmem>> -> memref<2048xi32, #tpu.memory_space<vmem>>
        %dma_wait3A_268 = arith.constant 0 : i32
        %dma_wait3A_269 = tpu.memref_slice %arg5[%dma_wait3A_268] : memref<8388608xi32, #tpu.memory_space<hbm>> -> memref<2048xi32, #tpu.memory_space<hbm>>
        tpu.wait_dma2 semaphore(%arg28 : memref<!tpu.dma_semaphore, #tpu.memory_space<semaphore_mem>>) src(%dma_wait3A_269 : memref<2048xi32, #tpu.memory_space<hbm>>) dst(%dma_wait3A_267 : memref<2048xi32, #tpu.memory_space<vmem>>)
        %broadcast_in_dim3A_270 = arith.constant -65536 : i32
        %broadcast_in_dim3A_271 = vector.broadcast %broadcast_in_dim3A_270 : i32 to vector<16xi32>
        %scan3A_272 = arith.constant 0 : i32
        %scan3A_273 = arith.constant 32 : i32
        %scan3A_274 = arith.constant 16 : i32
        %scan3A_275 = arith.addi %scan3A_273, %scan3A_274 : i32
        %scan3A_276 = arith.constant 1 : i32
        scf.for %scan3A_294 = %scan3A_273 to %scan3A_275 step %scan3A_276  : i32 {
          %mul3A_295 = arith.constant 16 : i32
          %mul3A_296 = arith.muli %scan3A_294, %mul3A_295 : i32
          %broadcast_in_dim3A_297 = arith.constant 0.000000e+00 : f32
          %broadcast_in_dim3A_298 = vector.broadcast %broadcast_in_dim3A_297 : f32 to vector<16xf32>
          %broadcast_in_dim3A_299 = arith.constant 0.000000e+00 : f32
          %broadcast_in_dim3A_300 = vector.broadcast %broadcast_in_dim3A_299 : f32 to vector<16xf32>
          %mul3A_301 = arith.constant 8 : i32
          %mul3A_302 = arith.muli %mul3A_296, %mul3A_301 : i32
          %add3A_303 = arith.constant 0 : i32
          %add3A_304 = arith.addi %mul3A_302, %add3A_303 : i32
          %get3A_305 = arith.index_cast %add3A_304 : i32 to index
          %get3A_306 = tpu.vector_load %arg17[%get3A_305] {strides = array<i32>} : memref<8192xf32, #tpu.memory_space<vmem>>, vector<16xf32>,
          %get3A_307 = vector.shape_cast %get3A_306 : vector<16xf32> to vector<16xf32>
          %get3A_308 = arith.index_cast %add3A_304 : i32 to index
          %get3A_309 = tpu.vector_load %arg19[%get3A_308] {strides = array<i32>} : memref<8192xi32, #tpu.memory_space<vmem>>, vector<16xi32>,
          %get3A_310 = vector.shape_cast %get3A_309 : vector<16xi32> to vector<16xi32>
          %shift_left3A = arith.constant 16 : i32
          %shift_left3A_311 = vector.broadcast %shift_left3A : i32 to vector<16xi32>
          %shift_left3A_312 = arith.shli %get3A_310, %shift_left3A_311 : vector<16xi32>
          %bitcast_convert_type3A = tpu.bitcast %shift_left3A_312 : vector<16xi32> -> vector<16xf32>
          %and3A = arith.andi %get3A_310, %broadcast_in_dim3A_271 : vector<16xi32>
          %bitcast_convert_type3A_313 = tpu.bitcast %and3A : vector<16xi32> -> vector<16xf32>
          %mul3A_314 = arith.mulf %get3A_307, %bitcast_convert_type3A : vector<16xf32>
          %add3A_315 = arith.addf %broadcast_in_dim3A_298, %mul3A_314 : vector<16xf32>
          %mul3A_316 = arith.mulf %get3A_307, %bitcast_convert_type3A_313 : vector<16xf32>
          %add3A_317 = arith.addf %broadcast_in_dim3A_300, %mul3A_316 : vector<16xf32>
          %mul3A_318 = arith.constant 8 : i32
          %mul3A_319 = arith.muli %mul3A_296, %mul3A_318 : i32
          %add3A_320 = arith.constant 16 : i32
          %add3A_321 = arith.addi %mul3A_319, %add3A_320 : i32
          %get3A_322 = arith.index_cast %add3A_321 : i32 to index
          %get3A_323 = tpu.vector_load %arg17[%get3A_322] {strides = array<i32>} : memref<8192xf32, #tpu.memory_space<vmem>>, vector<16xf32>,
          %get3A_324 = vector.shape_cast %get3A_323 : vector<16xf32> to vector<16xf32>
          %get3A_325 = arith.index_cast %add3A_321 : i32 to index
          %get3A_326 = tpu.vector_load %arg19[%get3A_325] {strides = array<i32>} : memref<8192xi32, #tpu.memory_space<vmem>>, vector<16xi32>,
          %get3A_327 = vector.shape_cast %get3A_326 : vector<16xi32> to vector<16xi32>
          %shift_left3A_328 = arith.constant 16 : i32
          %shift_left3A_329 = vector.broadcast %shift_left3A_328 : i32 to vector<16xi32>
          %shift_left3A_330 = arith.shli %get3A_327, %shift_left3A_329 : vector<16xi32>
          %bitcast_convert_type3A_331 = tpu.bitcast %shift_left3A_330 : vector<16xi32> -> vector<16xf32>
          %and3A_332 = arith.andi %get3A_327, %broadcast_in_dim3A_271 : vector<16xi32>
          %bitcast_convert_type3A_333 = tpu.bitcast %and3A_332 : vector<16xi32> -> vector<16xf32>
          %mul3A_334 = arith.mulf %get3A_324, %bitcast_convert_type3A_331 : vector<16xf32>
          %add3A_335 = arith.addf %add3A_315, %mul3A_334 : vector<16xf32>
          %mul3A_336 = arith.mulf %get3A_324, %bitcast_convert_type3A_333 : vector<16xf32>
          %add3A_337 = arith.addf %add3A_317, %mul3A_336 : vector<16xf32>
          %mul3A_338 = arith.constant 8 : i32
          %mul3A_339 = arith.muli %mul3A_296, %mul3A_338 : i32
          %add3A_340 = arith.constant 32 : i32
          %add3A_341 = arith.addi %mul3A_339, %add3A_340 : i32
          %get3A_342 = arith.index_cast %add3A_341 : i32 to index
          %get3A_343 = tpu.vector_load %arg17[%get3A_342] {strides = array<i32>} : memref<8192xf32, #tpu.memory_space<vmem>>, vector<16xf32>,
          %get3A_344 = vector.shape_cast %get3A_343 : vector<16xf32> to vector<16xf32>
          %get3A_345 = arith.index_cast %add3A_341 : i32 to index
          %get3A_346 = tpu.vector_load %arg19[%get3A_345] {strides = array<i32>} : memref<8192xi32, #tpu.memory_space<vmem>>, vector<16xi32>,
          %get3A_347 = vector.shape_cast %get3A_346 : vector<16xi32> to vector<16xi32>
          %shift_left3A_348 = arith.constant 16 : i32
          %shift_left3A_349 = vector.broadcast %shift_left3A_348 : i32 to vector<16xi32>
          %shift_left3A_350 = arith.shli %get3A_347, %shift_left3A_349 : vector<16xi32>
          %bitcast_convert_type3A_351 = tpu.bitcast %shift_left3A_350 : vector<16xi32> -> vector<16xf32>
          %and3A_352 = arith.andi %get3A_347, %broadcast_in_dim3A_271 : vector<16xi32>
          %bitcast_convert_type3A_353 = tpu.bitcast %and3A_352 : vector<16xi32> -> vector<16xf32>
          %mul3A_354 = arith.mulf %get3A_344, %bitcast_convert_type3A_351 : vector<16xf32>
          %add3A_355 = arith.addf %add3A_335, %mul3A_354 : vector<16xf32>
          %mul3A_356 = arith.mulf %get3A_344, %bitcast_convert_type3A_353 : vector<16xf32>
          %add3A_357 = arith.addf %add3A_337, %mul3A_356 : vector<16xf32>
          %mul3A_358 = arith.constant 8 : i32
          %mul3A_359 = arith.muli %mul3A_296, %mul3A_358 : i32
          %add3A_360 = arith.constant 48 : i32
          %add3A_361 = arith.addi %mul3A_359, %add3A_360 : i32
          %get3A_362 = arith.index_cast %add3A_361 : i32 to index
          %get3A_363 = tpu.vector_load %arg17[%get3A_362] {strides = array<i32>} : memref<8192xf32, #tpu.memory_space<vmem>>, vector<16xf32>,
          %get3A_364 = vector.shape_cast %get3A_363 : vector<16xf32> to vector<16xf32>
          %get3A_365 = arith.index_cast %add3A_361 : i32 to index
          %get3A_366 = tpu.vector_load %arg19[%get3A_365] {strides = array<i32>} : memref<8192xi32, #tpu.memory_space<vmem>>, vector<16xi32>,
          %get3A_367 = vector.shape_cast %get3A_366 : vector<16xi32> to vector<16xi32>
          %shift_left3A_368 = arith.constant 16 : i32
          %shift_left3A_369 = vector.broadcast %shift_left3A_368 : i32 to vector<16xi32>
          %shift_left3A_370 = arith.shli %get3A_367, %shift_left3A_369 : vector<16xi32>
          %bitcast_convert_type3A_371 = tpu.bitcast %shift_left3A_370 : vector<16xi32> -> vector<16xf32>
          %and3A_372 = arith.andi %get3A_367, %broadcast_in_dim3A_271 : vector<16xi32>
          %bitcast_convert_type3A_373 = tpu.bitcast %and3A_372 : vector<16xi32> -> vector<16xf32>
          %mul3A_374 = arith.mulf %get3A_364, %bitcast_convert_type3A_371 : vector<16xf32>
          %add3A_375 = arith.addf %add3A_355, %mul3A_374 : vector<16xf32>
          %mul3A_376 = arith.mulf %get3A_364, %bitcast_convert_type3A_373 : vector<16xf32>
          %add3A_377 = arith.addf %add3A_357, %mul3A_376 : vector<16xf32>
          %mul3A_378 = arith.constant 8 : i32
          %mul3A_379 = arith.muli %mul3A_296, %mul3A_378 : i32
          %add3A_380 = arith.constant 64 : i32
          %add3A_381 = arith.addi %mul3A_379, %add3A_380 : i32
          %get3A_382 = arith.index_cast %add3A_381 : i32 to index
          %get3A_383 = tpu.vector_load %arg17[%get3A_382] {strides = array<i32>} : memref<8192xf32, #tpu.memory_space<vmem>>, vector<16xf32>,
          %get3A_384 = vector.shape_cast %get3A_383 : vector<16xf32> to vector<16xf32>
          %get3A_385 = arith.index_cast %add3A_381 : i32 to index
          %get3A_386 = tpu.vector_load %arg19[%get3A_385] {strides = array<i32>} : memref<8192xi32, #tpu.memory_space<vmem>>, vector<16xi32>,
          %get3A_387 = vector.shape_cast %get3A_386 : vector<16xi32> to vector<16xi32>
          %shift_left3A_388 = arith.constant 16 : i32
          %shift_left3A_389 = vector.broadcast %shift_left3A_388 : i32 to vector<16xi32>
          %shift_left3A_390 = arith.shli %get3A_387, %shift_left3A_389 : vector<16xi32>
          %bitcast_convert_type3A_391 = tpu.bitcast %shift_left3A_390 : vector<16xi32> -> vector<16xf32>
          %and3A_392 = arith.andi %get3A_387, %broadcast_in_dim3A_271 : vector<16xi32>
          %bitcast_convert_type3A_393 = tpu.bitcast %and3A_392 : vector<16xi32> -> vector<16xf32>
          %mul3A_394 = arith.mulf %get3A_384, %bitcast_convert_type3A_391 : vector<16xf32>
          %add3A_395 = arith.addf %add3A_375, %mul3A_394 : vector<16xf32>
          %mul3A_396 = arith.mulf %get3A_384, %bitcast_convert_type3A_393 : vector<16xf32>
          %add3A_397 = arith.addf %add3A_377, %mul3A_396 : vector<16xf32>
          %mul3A_398 = arith.constant 8 : i32
          %mul3A_399 = arith.muli %mul3A_296, %mul3A_398 : i32
          %add3A_400 = arith.constant 80 : i32
          %add3A_401 = arith.addi %mul3A_399, %add3A_400 : i32
          %get3A_402 = arith.index_cast %add3A_401 : i32 to index
          %get3A_403 = tpu.vector_load %arg17[%get3A_402] {strides = array<i32>} : memref<8192xf32, #tpu.memory_space<vmem>>, vector<16xf32>,
          %get3A_404 = vector.shape_cast %get3A_403 : vector<16xf32> to vector<16xf32>
          %get3A_405 = arith.index_cast %add3A_401 : i32 to index
          %get3A_406 = tpu.vector_load %arg19[%get3A_405] {strides = array<i32>} : memref<8192xi32, #tpu.memory_space<vmem>>, vector<16xi32>,
          %get3A_407 = vector.shape_cast %get3A_406 : vector<16xi32> to vector<16xi32>
          %shift_left3A_408 = arith.constant 16 : i32
          %shift_left3A_409 = vector.broadcast %shift_left3A_408 : i32 to vector<16xi32>
          %shift_left3A_410 = arith.shli %get3A_407, %shift_left3A_409 : vector<16xi32>
          %bitcast_convert_type3A_411 = tpu.bitcast %shift_left3A_410 : vector<16xi32> -> vector<16xf32>
          %and3A_412 = arith.andi %get3A_407, %broadcast_in_dim3A_271 : vector<16xi32>
          %bitcast_convert_type3A_413 = tpu.bitcast %and3A_412 : vector<16xi32> -> vector<16xf32>
          %mul3A_414 = arith.mulf %get3A_404, %bitcast_convert_type3A_411 : vector<16xf32>
          %add3A_415 = arith.addf %add3A_395, %mul3A_414 : vector<16xf32>
          %mul3A_416 = arith.mulf %get3A_404, %bitcast_convert_type3A_413 : vector<16xf32>
          %add3A_417 = arith.addf %add3A_397, %mul3A_416 : vector<16xf32>
          %mul3A_418 = arith.constant 8 : i32
          %mul3A_419 = arith.muli %mul3A_296, %mul3A_418 : i32
          %add3A_420 = arith.constant 96 : i32
          %add3A_421 = arith.addi %mul3A_419, %add3A_420 : i32
          %get3A_422 = arith.index_cast %add3A_421 : i32 to index
          %get3A_423 = tpu.vector_load %arg17[%get3A_422] {strides = array<i32>} : memref<8192xf32, #tpu.memory_space<vmem>>, vector<16xf32>,
          %get3A_424 = vector.shape_cast %get3A_423 : vector<16xf32> to vector<16xf32>
          %get3A_425 = arith.index_cast %add3A_421 : i32 to index
          %get3A_426 = tpu.vector_load %arg19[%get3A_425] {strides = array<i32>} : memref<8192xi32, #tpu.memory_space<vmem>>, vector<16xi32>,
          %get3A_427 = vector.shape_cast %get3A_426 : vector<16xi32> to vector<16xi32>
          %shift_left3A_428 = arith.constant 16 : i32
          %shift_left3A_429 = vector.broadcast %shift_left3A_428 : i32 to vector<16xi32>
          %shift_left3A_430 = arith.shli %get3A_427, %shift_left3A_429 : vector<16xi32>
          %bitcast_convert_type3A_431 = tpu.bitcast %shift_left3A_430 : vector<16xi32> -> vector<16xf32>
          %and3A_432 = arith.andi %get3A_427, %broadcast_in_dim3A_271 : vector<16xi32>
          %bitcast_convert_type3A_433 = tpu.bitcast %and3A_432 : vector<16xi32> -> vector<16xf32>
          %mul3A_434 = arith.mulf %get3A_424, %bitcast_convert_type3A_431 : vector<16xf32>
          %add3A_435 = arith.addf %add3A_415, %mul3A_434 : vector<16xf32>
          %mul3A_436 = arith.mulf %get3A_424, %bitcast_convert_type3A_433 : vector<16xf32>
          %add3A_437 = arith.addf %add3A_417, %mul3A_436 : vector<16xf32>
          %mul3A_438 = arith.constant 8 : i32
          %mul3A_439 = arith.muli %mul3A_296, %mul3A_438 : i32
          %add3A_440 = arith.constant 112 : i32
          %add3A_441 = arith.addi %mul3A_439, %add3A_440 : i32
          %get3A_442 = arith.index_cast %add3A_441 : i32 to index
          %get3A_443 = tpu.vector_load %arg17[%get3A_442] {strides = array<i32>} : memref<8192xf32, #tpu.memory_space<vmem>>, vector<16xf32>,
          %get3A_444 = vector.shape_cast %get3A_443 : vector<16xf32> to vector<16xf32>
          %get3A_445 = arith.index_cast %add3A_441 : i32 to index
          %get3A_446 = tpu.vector_load %arg19[%get3A_445] {strides = array<i32>} : memref<8192xi32, #tpu.memory_space<vmem>>, vector<16xi32>,
          %get3A_447 = vector.shape_cast %get3A_446 : vector<16xi32> to vector<16xi32>
          %shift_left3A_448 = arith.constant 16 : i32
          %shift_left3A_449 = vector.broadcast %shift_left3A_448 : i32 to vector<16xi32>
          %shift_left3A_450 = arith.shli %get3A_447, %shift_left3A_449 : vector<16xi32>
          %bitcast_convert_type3A_451 = tpu.bitcast %shift_left3A_450 : vector<16xi32> -> vector<16xf32>
          %and3A_452 = arith.andi %get3A_447, %broadcast_in_dim3A_271 : vector<16xi32>
          %bitcast_convert_type3A_453 = tpu.bitcast %and3A_452 : vector<16xi32> -> vector<16xf32>
          %mul3A_454 = arith.mulf %get3A_444, %bitcast_convert_type3A_451 : vector<16xf32>
          %add3A_455 = arith.addf %add3A_435, %mul3A_454 : vector<16xf32>
          %mul3A_456 = arith.mulf %get3A_444, %bitcast_convert_type3A_453 : vector<16xf32>
          %add3A_457 = arith.addf %add3A_437, %mul3A_456 : vector<16xf32>
          %mul3A_458 = arith.constant 2 : i32
          %mul3A_459 = arith.muli %mul3A_458, %mul3A_145 : i32
          %swap3A = arith.index_cast %mul3A_459 : i32 to index
          %swap3A_460 = arith.index_cast %mul3A_296 : i32 to index
          %swap3A_461 = tpu.vector_load %arg21[%swap3A, %swap3A_460] {strides = array<i32>} : memref<32x1024xf32, #tpu.memory_space<vmem>>, vector<1x16xf32>,
          %swap3A_462 = vector.shape_cast %swap3A_461 : vector<1x16xf32> to vector<16xf32>
          %swap3A_463 = vector.shape_cast %add3A_455 : vector<16xf32> to vector<1x16xf32>
          tpu.vector_store %arg21[%swap3A, %swap3A_460], %swap3A_463 {strides = array<i32>} : memref<32x1024xf32, #tpu.memory_space<vmem>>, vector<1x16xf32>,
          %mul3A_464 = arith.constant 2 : i32
          %mul3A_465 = arith.muli %mul3A_464, %mul3A_145 : i32
          %add3A_466 = arith.constant 1 : i32
          %add3A_467 = arith.addi %mul3A_465, %add3A_466 : i32
          %swap3A_468 = arith.index_cast %add3A_467 : i32 to index
          %swap3A_469 = arith.index_cast %mul3A_296 : i32 to index
          %swap3A_470 = tpu.vector_load %arg21[%swap3A_468, %swap3A_469] {strides = array<i32>} : memref<32x1024xf32, #tpu.memory_space<vmem>>, vector<1x16xf32>,
          %swap3A_471 = vector.shape_cast %swap3A_470 : vector<1x16xf32> to vector<16xf32>
          %swap3A_472 = vector.shape_cast %add3A_457 : vector<16xf32> to vector<1x16xf32>
          tpu.vector_store %arg21[%swap3A_468, %swap3A_469], %swap3A_472 {strides = array<i32>} : memref<32x1024xf32, #tpu.memory_space<vmem>>, vector<1x16xf32>,
        }
        %scan3A_277 = arith.constant 16 : i32
        %dma_wait3A_278 = arith.constant 6144 : i32
        %dma_wait3A_279 = tpu.memref_slice %arg19[%dma_wait3A_278] : memref<8192xi32, #tpu.memory_space<vmem>> -> memref<2048xi32, #tpu.memory_space<vmem>>
        %dma_wait3A_280 = arith.constant 0 : i32
        %dma_wait3A_281 = tpu.memref_slice %arg5[%dma_wait3A_280] : memref<8388608xi32, #tpu.memory_space<hbm>> -> memref<2048xi32, #tpu.memory_space<hbm>>
        %dma_wait3A_282 = arith.constant 6144 : i32
        %dma_wait3A_283 = tpu.memref_slice %arg19[%dma_wait3A_282] : memref<8192xi32, #tpu.memory_space<vmem>> -> memref<2048xi32, #tpu.memory_space<vmem>>
        %dma_wait3A_284 = arith.constant 0 : i32
        %dma_wait3A_285 = tpu.memref_slice %arg5[%dma_wait3A_284] : memref<8388608xi32, #tpu.memory_space<hbm>> -> memref<2048xi32, #tpu.memory_space<hbm>>
        tpu.wait_dma2 semaphore(%arg28 : memref<!tpu.dma_semaphore, #tpu.memory_space<semaphore_mem>>) src(%dma_wait3A_285 : memref<2048xi32, #tpu.memory_space<hbm>>) dst(%dma_wait3A_283 : memref<2048xi32, #tpu.memory_space<vmem>>)
        %broadcast_in_dim3A_286 = arith.constant -65536 : i32
        %broadcast_in_dim3A_287 = vector.broadcast %broadcast_in_dim3A_286 : i32 to vector<16xi32>
        %scan3A_288 = arith.constant 0 : i32
        %scan3A_289 = arith.constant 48 : i32
        %scan3A_290 = arith.constant 16 : i32
        %scan3A_291 = arith.addi %scan3A_289, %scan3A_290 : i32
        %scan3A_292 = arith.constant 1 : i32
        scf.for %scan3A_294 = %scan3A_289 to %scan3A_291 step %scan3A_292  : i32 {
          %mul3A_295 = arith.constant 16 : i32
          %mul3A_296 = arith.muli %scan3A_294, %mul3A_295 : i32
          %broadcast_in_dim3A_297 = arith.constant 0.000000e+00 : f32
          %broadcast_in_dim3A_298 = vector.broadcast %broadcast_in_dim3A_297 : f32 to vector<16xf32>
          %broadcast_in_dim3A_299 = arith.constant 0.000000e+00 : f32
          %broadcast_in_dim3A_300 = vector.broadcast %broadcast_in_dim3A_299 : f32 to vector<16xf32>
          %mul3A_301 = arith.constant 8 : i32
          %mul3A_302 = arith.muli %mul3A_296, %mul3A_301 : i32
          %add3A_303 = arith.constant 0 : i32
          %add3A_304 = arith.addi %mul3A_302, %add3A_303 : i32
          %get3A_305 = arith.index_cast %add3A_304 : i32 to index
          %get3A_306 = tpu.vector_load %arg17[%get3A_305] {strides = array<i32>} : memref<8192xf32, #tpu.memory_space<vmem>>, vector<16xf32>,
          %get3A_307 = vector.shape_cast %get3A_306 : vector<16xf32> to vector<16xf32>
          %get3A_308 = arith.index_cast %add3A_304 : i32 to index
          %get3A_309 = tpu.vector_load %arg19[%get3A_308] {strides = array<i32>} : memref<8192xi32, #tpu.memory_space<vmem>>, vector<16xi32>,
          %get3A_310 = vector.shape_cast %get3A_309 : vector<16xi32> to vector<16xi32>
          %shift_left3A = arith.constant 16 : i32
          %shift_left3A_311 = vector.broadcast %shift_left3A : i32 to vector<16xi32>
          %shift_left3A_312 = arith.shli %get3A_310, %shift_left3A_311 : vector<16xi32>
          %bitcast_convert_type3A = tpu.bitcast %shift_left3A_312 : vector<16xi32> -> vector<16xf32>
          %and3A = arith.andi %get3A_310, %broadcast_in_dim3A_287 : vector<16xi32>
          %bitcast_convert_type3A_313 = tpu.bitcast %and3A : vector<16xi32> -> vector<16xf32>
          %mul3A_314 = arith.mulf %get3A_307, %bitcast_convert_type3A : vector<16xf32>
          %add3A_315 = arith.addf %broadcast_in_dim3A_298, %mul3A_314 : vector<16xf32>
          %mul3A_316 = arith.mulf %get3A_307, %bitcast_convert_type3A_313 : vector<16xf32>
          %add3A_317 = arith.addf %broadcast_in_dim3A_300, %mul3A_316 : vector<16xf32>
          %mul3A_318 = arith.constant 8 : i32
          %mul3A_319 = arith.muli %mul3A_296, %mul3A_318 : i32
          %add3A_320 = arith.constant 16 : i32
          %add3A_321 = arith.addi %mul3A_319, %add3A_320 : i32
          %get3A_322 = arith.index_cast %add3A_321 : i32 to index
          %get3A_323 = tpu.vector_load %arg17[%get3A_322] {strides = array<i32>} : memref<8192xf32, #tpu.memory_space<vmem>>, vector<16xf32>,
          %get3A_324 = vector.shape_cast %get3A_323 : vector<16xf32> to vector<16xf32>
          %get3A_325 = arith.index_cast %add3A_321 : i32 to index
          %get3A_326 = tpu.vector_load %arg19[%get3A_325] {strides = array<i32>} : memref<8192xi32, #tpu.memory_space<vmem>>, vector<16xi32>,
          %get3A_327 = vector.shape_cast %get3A_326 : vector<16xi32> to vector<16xi32>
          %shift_left3A_328 = arith.constant 16 : i32
          %shift_left3A_329 = vector.broadcast %shift_left3A_328 : i32 to vector<16xi32>
          %shift_left3A_330 = arith.shli %get3A_327, %shift_left3A_329 : vector<16xi32>
          %bitcast_convert_type3A_331 = tpu.bitcast %shift_left3A_330 : vector<16xi32> -> vector<16xf32>
          %and3A_332 = arith.andi %get3A_327, %broadcast_in_dim3A_287 : vector<16xi32>
          %bitcast_convert_type3A_333 = tpu.bitcast %and3A_332 : vector<16xi32> -> vector<16xf32>
          %mul3A_334 = arith.mulf %get3A_324, %bitcast_convert_type3A_331 : vector<16xf32>
          %add3A_335 = arith.addf %add3A_315, %mul3A_334 : vector<16xf32>
          %mul3A_336 = arith.mulf %get3A_324, %bitcast_convert_type3A_333 : vector<16xf32>
          %add3A_337 = arith.addf %add3A_317, %mul3A_336 : vector<16xf32>
          %mul3A_338 = arith.constant 8 : i32
          %mul3A_339 = arith.muli %mul3A_296, %mul3A_338 : i32
          %add3A_340 = arith.constant 32 : i32
          %add3A_341 = arith.addi %mul3A_339, %add3A_340 : i32
          %get3A_342 = arith.index_cast %add3A_341 : i32 to index
          %get3A_343 = tpu.vector_load %arg17[%get3A_342] {strides = array<i32>} : memref<8192xf32, #tpu.memory_space<vmem>>, vector<16xf32>,
          %get3A_344 = vector.shape_cast %get3A_343 : vector<16xf32> to vector<16xf32>
          %get3A_345 = arith.index_cast %add3A_341 : i32 to index
          %get3A_346 = tpu.vector_load %arg19[%get3A_345] {strides = array<i32>} : memref<8192xi32, #tpu.memory_space<vmem>>, vector<16xi32>,
          %get3A_347 = vector.shape_cast %get3A_346 : vector<16xi32> to vector<16xi32>
          %shift_left3A_348 = arith.constant 16 : i32
          %shift_left3A_349 = vector.broadcast %shift_left3A_348 : i32 to vector<16xi32>
          %shift_left3A_350 = arith.shli %get3A_347, %shift_left3A_349 : vector<16xi32>
          %bitcast_convert_type3A_351 = tpu.bitcast %shift_left3A_350 : vector<16xi32> -> vector<16xf32>
          %and3A_352 = arith.andi %get3A_347, %broadcast_in_dim3A_287 : vector<16xi32>
          %bitcast_convert_type3A_353 = tpu.bitcast %and3A_352 : vector<16xi32> -> vector<16xf32>
          %mul3A_354 = arith.mulf %get3A_344, %bitcast_convert_type3A_351 : vector<16xf32>
          %add3A_355 = arith.addf %add3A_335, %mul3A_354 : vector<16xf32>
          %mul3A_356 = arith.mulf %get3A_344, %bitcast_convert_type3A_353 : vector<16xf32>
          %add3A_357 = arith.addf %add3A_337, %mul3A_356 : vector<16xf32>
          %mul3A_358 = arith.constant 8 : i32
          %mul3A_359 = arith.muli %mul3A_296, %mul3A_358 : i32
          %add3A_360 = arith.constant 48 : i32
          %add3A_361 = arith.addi %mul3A_359, %add3A_360 : i32
          %get3A_362 = arith.index_cast %add3A_361 : i32 to index
          %get3A_363 = tpu.vector_load %arg17[%get3A_362] {strides = array<i32>} : memref<8192xf32, #tpu.memory_space<vmem>>, vector<16xf32>,
          %get3A_364 = vector.shape_cast %get3A_363 : vector<16xf32> to vector<16xf32>
          %get3A_365 = arith.index_cast %add3A_361 : i32 to index
          %get3A_366 = tpu.vector_load %arg19[%get3A_365] {strides = array<i32>} : memref<8192xi32, #tpu.memory_space<vmem>>, vector<16xi32>,
          %get3A_367 = vector.shape_cast %get3A_366 : vector<16xi32> to vector<16xi32>
          %shift_left3A_368 = arith.constant 16 : i32
          %shift_left3A_369 = vector.broadcast %shift_left3A_368 : i32 to vector<16xi32>
          %shift_left3A_370 = arith.shli %get3A_367, %shift_left3A_369 : vector<16xi32>
          %bitcast_convert_type3A_371 = tpu.bitcast %shift_left3A_370 : vector<16xi32> -> vector<16xf32>
          %and3A_372 = arith.andi %get3A_367, %broadcast_in_dim3A_287 : vector<16xi32>
          %bitcast_convert_type3A_373 = tpu.bitcast %and3A_372 : vector<16xi32> -> vector<16xf32>
          %mul3A_374 = arith.mulf %get3A_364, %bitcast_convert_type3A_371 : vector<16xf32>
          %add3A_375 = arith.addf %add3A_355, %mul3A_374 : vector<16xf32>
          %mul3A_376 = arith.mulf %get3A_364, %bitcast_convert_type3A_373 : vector<16xf32>
          %add3A_377 = arith.addf %add3A_357, %mul3A_376 : vector<16xf32>
          %mul3A_378 = arith.constant 8 : i32
          %mul3A_379 = arith.muli %mul3A_296, %mul3A_378 : i32
          %add3A_380 = arith.constant 64 : i32
          %add3A_381 = arith.addi %mul3A_379, %add3A_380 : i32
          %get3A_382 = arith.index_cast %add3A_381 : i32 to index
          %get3A_383 = tpu.vector_load %arg17[%get3A_382] {strides = array<i32>} : memref<8192xf32, #tpu.memory_space<vmem>>, vector<16xf32>,
          %get3A_384 = vector.shape_cast %get3A_383 : vector<16xf32> to vector<16xf32>
          %get3A_385 = arith.index_cast %add3A_381 : i32 to index
          %get3A_386 = tpu.vector_load %arg19[%get3A_385] {strides = array<i32>} : memref<8192xi32, #tpu.memory_space<vmem>>, vector<16xi32>,
          %get3A_387 = vector.shape_cast %get3A_386 : vector<16xi32> to vector<16xi32>
          %shift_left3A_388 = arith.constant 16 : i32
          %shift_left3A_389 = vector.broadcast %shift_left3A_388 : i32 to vector<16xi32>
          %shift_left3A_390 = arith.shli %get3A_387, %shift_left3A_389 : vector<16xi32>
          %bitcast_convert_type3A_391 = tpu.bitcast %shift_left3A_390 : vector<16xi32> -> vector<16xf32>
          %and3A_392 = arith.andi %get3A_387, %broadcast_in_dim3A_287 : vector<16xi32>
          %bitcast_convert_type3A_393 = tpu.bitcast %and3A_392 : vector<16xi32> -> vector<16xf32>
          %mul3A_394 = arith.mulf %get3A_384, %bitcast_convert_type3A_391 : vector<16xf32>
          %add3A_395 = arith.addf %add3A_375, %mul3A_394 : vector<16xf32>
          %mul3A_396 = arith.mulf %get3A_384, %bitcast_convert_type3A_393 : vector<16xf32>
          %add3A_397 = arith.addf %add3A_377, %mul3A_396 : vector<16xf32>
          %mul3A_398 = arith.constant 8 : i32
          %mul3A_399 = arith.muli %mul3A_296, %mul3A_398 : i32
          %add3A_400 = arith.constant 80 : i32
          %add3A_401 = arith.addi %mul3A_399, %add3A_400 : i32
          %get3A_402 = arith.index_cast %add3A_401 : i32 to index
          %get3A_403 = tpu.vector_load %arg17[%get3A_402] {strides = array<i32>} : memref<8192xf32, #tpu.memory_space<vmem>>, vector<16xf32>,
          %get3A_404 = vector.shape_cast %get3A_403 : vector<16xf32> to vector<16xf32>
          %get3A_405 = arith.index_cast %add3A_401 : i32 to index
          %get3A_406 = tpu.vector_load %arg19[%get3A_405] {strides = array<i32>} : memref<8192xi32, #tpu.memory_space<vmem>>, vector<16xi32>,
          %get3A_407 = vector.shape_cast %get3A_406 : vector<16xi32> to vector<16xi32>
          %shift_left3A_408 = arith.constant 16 : i32
          %shift_left3A_409 = vector.broadcast %shift_left3A_408 : i32 to vector<16xi32>
          %shift_left3A_410 = arith.shli %get3A_407, %shift_left3A_409 : vector<16xi32>
          %bitcast_convert_type3A_411 = tpu.bitcast %shift_left3A_410 : vector<16xi32> -> vector<16xf32>
          %and3A_412 = arith.andi %get3A_407, %broadcast_in_dim3A_287 : vector<16xi32>
          %bitcast_convert_type3A_413 = tpu.bitcast %and3A_412 : vector<16xi32> -> vector<16xf32>
          %mul3A_414 = arith.mulf %get3A_404, %bitcast_convert_type3A_411 : vector<16xf32>
          %add3A_415 = arith.addf %add3A_395, %mul3A_414 : vector<16xf32>
          %mul3A_416 = arith.mulf %get3A_404, %bitcast_convert_type3A_413 : vector<16xf32>
          %add3A_417 = arith.addf %add3A_397, %mul3A_416 : vector<16xf32>
          %mul3A_418 = arith.constant 8 : i32
          %mul3A_419 = arith.muli %mul3A_296, %mul3A_418 : i32
          %add3A_420 = arith.constant 96 : i32
          %add3A_421 = arith.addi %mul3A_419, %add3A_420 : i32
          %get3A_422 = arith.index_cast %add3A_421 : i32 to index
          %get3A_423 = tpu.vector_load %arg17[%get3A_422] {strides = array<i32>} : memref<8192xf32, #tpu.memory_space<vmem>>, vector<16xf32>,
          %get3A_424 = vector.shape_cast %get3A_423 : vector<16xf32> to vector<16xf32>
          %get3A_425 = arith.index_cast %add3A_421 : i32 to index
          %get3A_426 = tpu.vector_load %arg19[%get3A_425] {strides = array<i32>} : memref<8192xi32, #tpu.memory_space<vmem>>, vector<16xi32>,
          %get3A_427 = vector.shape_cast %get3A_426 : vector<16xi32> to vector<16xi32>
          %shift_left3A_428 = arith.constant 16 : i32
          %shift_left3A_429 = vector.broadcast %shift_left3A_428 : i32 to vector<16xi32>
          %shift_left3A_430 = arith.shli %get3A_427, %shift_left3A_429 : vector<16xi32>
          %bitcast_convert_type3A_431 = tpu.bitcast %shift_left3A_430 : vector<16xi32> -> vector<16xf32>
          %and3A_432 = arith.andi %get3A_427, %broadcast_in_dim3A_287 : vector<16xi32>
          %bitcast_convert_type3A_433 = tpu.bitcast %and3A_432 : vector<16xi32> -> vector<16xf32>
          %mul3A_434 = arith.mulf %get3A_424, %bitcast_convert_type3A_431 : vector<16xf32>
          %add3A_435 = arith.addf %add3A_415, %mul3A_434 : vector<16xf32>
          %mul3A_436 = arith.mulf %get3A_424, %bitcast_convert_type3A_433 : vector<16xf32>
          %add3A_437 = arith.addf %add3A_417, %mul3A_436 : vector<16xf32>
          %mul3A_438 = arith.constant 8 : i32
          %mul3A_439 = arith.muli %mul3A_296, %mul3A_438 : i32
          %add3A_440 = arith.constant 112 : i32
          %add3A_441 = arith.addi %mul3A_439, %add3A_440 : i32
          %get3A_442 = arith.index_cast %add3A_441 : i32 to index
          %get3A_443 = tpu.vector_load %arg17[%get3A_442] {strides = array<i32>} : memref<8192xf32, #tpu.memory_space<vmem>>, vector<16xf32>,
          %get3A_444 = vector.shape_cast %get3A_443 : vector<16xf32> to vector<16xf32>
          %get3A_445 = arith.index_cast %add3A_441 : i32 to index
          %get3A_446 = tpu.vector_load %arg19[%get3A_445] {strides = array<i32>} : memref<8192xi32, #tpu.memory_space<vmem>>, vector<16xi32>,
          %get3A_447 = vector.shape_cast %get3A_446 : vector<16xi32> to vector<16xi32>
          %shift_left3A_448 = arith.constant 16 : i32
          %shift_left3A_449 = vector.broadcast %shift_left3A_448 : i32 to vector<16xi32>
          %shift_left3A_450 = arith.shli %get3A_447, %shift_left3A_449 : vector<16xi32>
          %bitcast_convert_type3A_451 = tpu.bitcast %shift_left3A_450 : vector<16xi32> -> vector<16xf32>
          %and3A_452 = arith.andi %get3A_447, %broadcast_in_dim3A_287 : vector<16xi32>
          %bitcast_convert_type3A_453 = tpu.bitcast %and3A_452 : vector<16xi32> -> vector<16xf32>
          %mul3A_454 = arith.mulf %get3A_444, %bitcast_convert_type3A_451 : vector<16xf32>
          %add3A_455 = arith.addf %add3A_435, %mul3A_454 : vector<16xf32>
          %mul3A_456 = arith.mulf %get3A_444, %bitcast_convert_type3A_453 : vector<16xf32>
          %add3A_457 = arith.addf %add3A_437, %mul3A_456 : vector<16xf32>
          %mul3A_458 = arith.constant 2 : i32
          %mul3A_459 = arith.muli %mul3A_458, %mul3A_145 : i32
          %swap3A = arith.index_cast %mul3A_459 : i32 to index
          %swap3A_460 = arith.index_cast %mul3A_296 : i32 to index
          %swap3A_461 = tpu.vector_load %arg21[%swap3A, %swap3A_460] {strides = array<i32>} : memref<32x1024xf32, #tpu.memory_space<vmem>>, vector<1x16xf32>,
          %swap3A_462 = vector.shape_cast %swap3A_461 : vector<1x16xf32> to vector<16xf32>
          %swap3A_463 = vector.shape_cast %add3A_455 : vector<16xf32> to vector<1x16xf32>
          tpu.vector_store %arg21[%swap3A, %swap3A_460], %swap3A_463 {strides = array<i32>} : memref<32x1024xf32, #tpu.memory_space<vmem>>, vector<1x16xf32>,
          %mul3A_464 = arith.constant 2 : i32
          %mul3A_465 = arith.muli %mul3A_464, %mul3A_145 : i32
          %add3A_466 = arith.constant 1 : i32
          %add3A_467 = arith.addi %mul3A_465, %add3A_466 : i32
          %swap3A_468 = arith.index_cast %add3A_467 : i32 to index
          %swap3A_469 = arith.index_cast %mul3A_296 : i32 to index
          %swap3A_470 = tpu.vector_load %arg21[%swap3A_468, %swap3A_469] {strides = array<i32>} : memref<32x1024xf32, #tpu.memory_space<vmem>>, vector<1x16xf32>,
          %swap3A_471 = vector.shape_cast %swap3A_470 : vector<1x16xf32> to vector<16xf32>
          %swap3A_472 = vector.shape_cast %add3A_457 : vector<16xf32> to vector<1x16xf32>
          tpu.vector_store %arg21[%swap3A_468, %swap3A_469], %swap3A_472 {strides = array<i32>} : memref<32x1024xf32, #tpu.memory_space<vmem>>, vector<1x16xf32>,
        }
        %scan3A_293 = arith.constant 16 : i32
      }
      %scan3A_80 = arith.constant 8 : i32
      %dma_wait3A = arith.constant 0 : i32
      %dma_wait3A_81 = tpu.memref_slice %arg20[%dma_wait3A] : memref<8192xi32, #tpu.memory_space<vmem>> -> memref<2048xi32, #tpu.memory_space<vmem>>
      %dma_wait3A_82 = arith.constant 0 : i32
      %dma_wait3A_83 = tpu.memref_slice %arg5[%dma_wait3A_82] : memref<8388608xi32, #tpu.memory_space<hbm>> -> memref<2048xi32, #tpu.memory_space<hbm>>
      %dma_wait3A_84 = arith.constant 0 : i32
      %dma_wait3A_85 = tpu.memref_slice %arg20[%dma_wait3A_84] : memref<8192xi32, #tpu.memory_space<vmem>> -> memref<2048xi32, #tpu.memory_space<vmem>>
      %dma_wait3A_86 = arith.constant 0 : i32
      %dma_wait3A_87 = tpu.memref_slice %arg5[%dma_wait3A_86] : memref<8388608xi32, #tpu.memory_space<hbm>> -> memref<2048xi32, #tpu.memory_space<hbm>>
      tpu.wait_dma2 semaphore(%arg29 : memref<!tpu.dma_semaphore, #tpu.memory_space<semaphore_mem>>) src(%dma_wait3A_87 : memref<2048xi32, #tpu.memory_space<hbm>>) dst(%dma_wait3A_85 : memref<2048xi32, #tpu.memory_space<vmem>>)
      %broadcast_in_dim3A = arith.constant -65536 : i32
      %broadcast_in_dim3A_88 = vector.broadcast %broadcast_in_dim3A : i32 to vector<16xi32>
      %scan3A_89 = arith.constant 0 : i32
      %scan3A_90 = arith.constant 0 : i32
      %scan3A_91 = arith.constant 16 : i32
      %scan3A_92 = arith.addi %scan3A_90, %scan3A_91 : i32
      %scan3A_93 = arith.constant 1 : i32
      scf.for %scan3A_143 = %scan3A_90 to %scan3A_92 step %scan3A_93  : i32 {
        %mul3A_144 = arith.constant 16 : i32
        %mul3A_145 = arith.muli %scan3A_143, %mul3A_144 : i32
        %broadcast_in_dim3A_146 = arith.constant 0.000000e+00 : f32
        %broadcast_in_dim3A_147 = vector.broadcast %broadcast_in_dim3A_146 : f32 to vector<16xf32>
        %broadcast_in_dim3A_148 = arith.constant 0.000000e+00 : f32
        %broadcast_in_dim3A_149 = vector.broadcast %broadcast_in_dim3A_148 : f32 to vector<16xf32>
        %mul3A_150 = arith.constant 8 : i32
        %mul3A_151 = arith.muli %mul3A_145, %mul3A_150 : i32
        %add3A_152 = arith.constant 0 : i32
        %add3A_153 = arith.addi %mul3A_151, %add3A_152 : i32
        %get3A = arith.index_cast %add3A_153 : i32 to index
        %get3A_154 = tpu.vector_load %arg18[%get3A] {strides = array<i32>} : memref<8192xf32, #tpu.memory_space<vmem>>, vector<16xf32>,
        %get3A_155 = vector.shape_cast %get3A_154 : vector<16xf32> to vector<16xf32>
        %get3A_156 = arith.index_cast %add3A_153 : i32 to index
        %get3A_157 = tpu.vector_load %arg20[%get3A_156] {strides = array<i32>} : memref<8192xi32, #tpu.memory_space<vmem>>, vector<16xi32>,
        %get3A_158 = vector.shape_cast %get3A_157 : vector<16xi32> to vector<16xi32>
        %shift_left3A = arith.constant 16 : i32
        %shift_left3A_159 = vector.broadcast %shift_left3A : i32 to vector<16xi32>
        %shift_left3A_160 = arith.shli %get3A_158, %shift_left3A_159 : vector<16xi32>
        %bitcast_convert_type3A = tpu.bitcast %shift_left3A_160 : vector<16xi32> -> vector<16xf32>
        %and3A = arith.andi %get3A_158, %broadcast_in_dim3A_88 : vector<16xi32>
        %bitcast_convert_type3A_161 = tpu.bitcast %and3A : vector<16xi32> -> vector<16xf32>
        %mul3A_162 = arith.mulf %get3A_155, %bitcast_convert_type3A : vector<16xf32>
        %add3A_163 = arith.addf %broadcast_in_dim3A_147, %mul3A_162 : vector<16xf32>
        %mul3A_164 = arith.mulf %get3A_155, %bitcast_convert_type3A_161 : vector<16xf32>
        %add3A_165 = arith.addf %broadcast_in_dim3A_149, %mul3A_164 : vector<16xf32>
        %mul3A_166 = arith.constant 8 : i32
        %mul3A_167 = arith.muli %mul3A_145, %mul3A_166 : i32
        %add3A_168 = arith.constant 16 : i32
        %add3A_169 = arith.addi %mul3A_167, %add3A_168 : i32
        %get3A_170 = arith.index_cast %add3A_169 : i32 to index
        %get3A_171 = tpu.vector_load %arg18[%get3A_170] {strides = array<i32>} : memref<8192xf32, #tpu.memory_space<vmem>>, vector<16xf32>,
        %get3A_172 = vector.shape_cast %get3A_171 : vector<16xf32> to vector<16xf32>
        %get3A_173 = arith.index_cast %add3A_169 : i32 to index
        %get3A_174 = tpu.vector_load %arg20[%get3A_173] {strides = array<i32>} : memref<8192xi32, #tpu.memory_space<vmem>>, vector<16xi32>,
        %get3A_175 = vector.shape_cast %get3A_174 : vector<16xi32> to vector<16xi32>
        %shift_left3A_176 = arith.constant 16 : i32
        %shift_left3A_177 = vector.broadcast %shift_left3A_176 : i32 to vector<16xi32>
        %shift_left3A_178 = arith.shli %get3A_175, %shift_left3A_177 : vector<16xi32>
        %bitcast_convert_type3A_179 = tpu.bitcast %shift_left3A_178 : vector<16xi32> -> vector<16xf32>
        %and3A_180 = arith.andi %get3A_175, %broadcast_in_dim3A_88 : vector<16xi32>
        %bitcast_convert_type3A_181 = tpu.bitcast %and3A_180 : vector<16xi32> -> vector<16xf32>
        %mul3A_182 = arith.mulf %get3A_172, %bitcast_convert_type3A_179 : vector<16xf32>
        %add3A_183 = arith.addf %add3A_163, %mul3A_182 : vector<16xf32>
        %mul3A_184 = arith.mulf %get3A_172, %bitcast_convert_type3A_181 : vector<16xf32>
        %add3A_185 = arith.addf %add3A_165, %mul3A_184 : vector<16xf32>
        %mul3A_186 = arith.constant 8 : i32
        %mul3A_187 = arith.muli %mul3A_145, %mul3A_186 : i32
        %add3A_188 = arith.constant 32 : i32
        %add3A_189 = arith.addi %mul3A_187, %add3A_188 : i32
        %get3A_190 = arith.index_cast %add3A_189 : i32 to index
        %get3A_191 = tpu.vector_load %arg18[%get3A_190] {strides = array<i32>} : memref<8192xf32, #tpu.memory_space<vmem>>, vector<16xf32>,
        %get3A_192 = vector.shape_cast %get3A_191 : vector<16xf32> to vector<16xf32>
        %get3A_193 = arith.index_cast %add3A_189 : i32 to index
        %get3A_194 = tpu.vector_load %arg20[%get3A_193] {strides = array<i32>} : memref<8192xi32, #tpu.memory_space<vmem>>, vector<16xi32>,
        %get3A_195 = vector.shape_cast %get3A_194 : vector<16xi32> to vector<16xi32>
        %shift_left3A_196 = arith.constant 16 : i32
        %shift_left3A_197 = vector.broadcast %shift_left3A_196 : i32 to vector<16xi32>
        %shift_left3A_198 = arith.shli %get3A_195, %shift_left3A_197 : vector<16xi32>
        %bitcast_convert_type3A_199 = tpu.bitcast %shift_left3A_198 : vector<16xi32> -> vector<16xf32>
        %and3A_200 = arith.andi %get3A_195, %broadcast_in_dim3A_88 : vector<16xi32>
        %bitcast_convert_type3A_201 = tpu.bitcast %and3A_200 : vector<16xi32> -> vector<16xf32>
        %mul3A_202 = arith.mulf %get3A_192, %bitcast_convert_type3A_199 : vector<16xf32>
        %add3A_203 = arith.addf %add3A_183, %mul3A_202 : vector<16xf32>
        %mul3A_204 = arith.mulf %get3A_192, %bitcast_convert_type3A_201 : vector<16xf32>
        %add3A_205 = arith.addf %add3A_185, %mul3A_204 : vector<16xf32>
        %mul3A_206 = arith.constant 8 : i32
        %mul3A_207 = arith.muli %mul3A_145, %mul3A_206 : i32
        %add3A_208 = arith.constant 48 : i32
        %add3A_209 = arith.addi %mul3A_207, %add3A_208 : i32
        %get3A_210 = arith.index_cast %add3A_209 : i32 to index
        %get3A_211 = tpu.vector_load %arg18[%get3A_210] {strides = array<i32>} : memref<8192xf32, #tpu.memory_space<vmem>>, vector<16xf32>,
        %get3A_212 = vector.shape_cast %get3A_211 : vector<16xf32> to vector<16xf32>
        %get3A_213 = arith.index_cast %add3A_209 : i32 to index
        %get3A_214 = tpu.vector_load %arg20[%get3A_213] {strides = array<i32>} : memref<8192xi32, #tpu.memory_space<vmem>>, vector<16xi32>,
        %get3A_215 = vector.shape_cast %get3A_214 : vector<16xi32> to vector<16xi32>
        %shift_left3A_216 = arith.constant 16 : i32
        %shift_left3A_217 = vector.broadcast %shift_left3A_216 : i32 to vector<16xi32>
        %shift_left3A_218 = arith.shli %get3A_215, %shift_left3A_217 : vector<16xi32>
        %bitcast_convert_type3A_219 = tpu.bitcast %shift_left3A_218 : vector<16xi32> -> vector<16xf32>
        %and3A_220 = arith.andi %get3A_215, %broadcast_in_dim3A_88 : vector<16xi32>
        %bitcast_convert_type3A_221 = tpu.bitcast %and3A_220 : vector<16xi32> -> vector<16xf32>
        %mul3A_222 = arith.mulf %get3A_212, %bitcast_convert_type3A_219 : vector<16xf32>
        %add3A_223 = arith.addf %add3A_203, %mul3A_222 : vector<16xf32>
        %mul3A_224 = arith.mulf %get3A_212, %bitcast_convert_type3A_221 : vector<16xf32>
        %add3A_225 = arith.addf %add3A_205, %mul3A_224 : vector<16xf32>
        %mul3A_226 = arith.constant 8 : i32
        %mul3A_227 = arith.muli %mul3A_145, %mul3A_226 : i32
        %add3A_228 = arith.constant 64 : i32
        %add3A_229 = arith.addi %mul3A_227, %add3A_228 : i32
        %get3A_230 = arith.index_cast %add3A_229 : i32 to index
        %get3A_231 = tpu.vector_load %arg18[%get3A_230] {strides = array<i32>} : memref<8192xf32, #tpu.memory_space<vmem>>, vector<16xf32>,
        %get3A_232 = vector.shape_cast %get3A_231 : vector<16xf32> to vector<16xf32>
        %get3A_233 = arith.index_cast %add3A_229 : i32 to index
        %get3A_234 = tpu.vector_load %arg20[%get3A_233] {strides = array<i32>} : memref<8192xi32, #tpu.memory_space<vmem>>, vector<16xi32>,
        %get3A_235 = vector.shape_cast %get3A_234 : vector<16xi32> to vector<16xi32>
        %shift_left3A_236 = arith.constant 16 : i32
        %shift_left3A_237 = vector.broadcast %shift_left3A_236 : i32 to vector<16xi32>
        %shift_left3A_238 = arith.shli %get3A_235, %shift_left3A_237 : vector<16xi32>
        %bitcast_convert_type3A_239 = tpu.bitcast %shift_left3A_238 : vector<16xi32> -> vector<16xf32>
        %and3A_240 = arith.andi %get3A_235, %broadcast_in_dim3A_88 : vector<16xi32>
        %bitcast_convert_type3A_241 = tpu.bitcast %and3A_240 : vector<16xi32> -> vector<16xf32>
        %mul3A_242 = arith.mulf %get3A_232, %bitcast_convert_type3A_239 : vector<16xf32>
        %add3A_243 = arith.addf %add3A_223, %mul3A_242 : vector<16xf32>
        %mul3A_244 = arith.mulf %get3A_232, %bitcast_convert_type3A_241 : vector<16xf32>
        %add3A_245 = arith.addf %add3A_225, %mul3A_244 : vector<16xf32>
        %mul3A_246 = arith.constant 8 : i32
        %mul3A_247 = arith.muli %mul3A_145, %mul3A_246 : i32
        %add3A_248 = arith.constant 80 : i32
        %add3A_249 = arith.addi %mul3A_247, %add3A_248 : i32
        %get3A_250 = arith.index_cast %add3A_249 : i32 to index
        %get3A_251 = tpu.vector_load %arg18[%get3A_250] {strides = array<i32>} : memref<8192xf32, #tpu.memory_space<vmem>>, vector<16xf32>,
        %get3A_252 = vector.shape_cast %get3A_251 : vector<16xf32> to vector<16xf32>
        %get3A_253 = arith.index_cast %add3A_249 : i32 to index
        %get3A_254 = tpu.vector_load %arg20[%get3A_253] {strides = array<i32>} : memref<8192xi32, #tpu.memory_space<vmem>>, vector<16xi32>,
        %get3A_255 = vector.shape_cast %get3A_254 : vector<16xi32> to vector<16xi32>
        %shift_left3A_256 = arith.constant 16 : i32
        %shift_left3A_257 = vector.broadcast %shift_left3A_256 : i32 to vector<16xi32>
        %shift_left3A_258 = arith.shli %get3A_255, %shift_left3A_257 : vector<16xi32>
        %bitcast_convert_type3A_259 = tpu.bitcast %shift_left3A_258 : vector<16xi32> -> vector<16xf32>
        %and3A_260 = arith.andi %get3A_255, %broadcast_in_dim3A_88 : vector<16xi32>
        %bitcast_convert_type3A_261 = tpu.bitcast %and3A_260 : vector<16xi32> -> vector<16xf32>
        %mul3A_262 = arith.mulf %get3A_252, %bitcast_convert_type3A_259 : vector<16xf32>
        %add3A_263 = arith.addf %add3A_243, %mul3A_262 : vector<16xf32>
        %mul3A_264 = arith.mulf %get3A_252, %bitcast_convert_type3A_261 : vector<16xf32>
        %add3A_265 = arith.addf %add3A_245, %mul3A_264 : vector<16xf32>
        %mul3A_266 = arith.constant 8 : i32
        %mul3A_267 = arith.muli %mul3A_145, %mul3A_266 : i32
        %add3A_268 = arith.constant 96 : i32
        %add3A_269 = arith.addi %mul3A_267, %add3A_268 : i32
        %get3A_270 = arith.index_cast %add3A_269 : i32 to index
        %get3A_271 = tpu.vector_load %arg18[%get3A_270] {strides = array<i32>} : memref<8192xf32, #tpu.memory_space<vmem>>, vector<16xf32>,
        %get3A_272 = vector.shape_cast %get3A_271 : vector<16xf32> to vector<16xf32>
        %get3A_273 = arith.index_cast %add3A_269 : i32 to index
        %get3A_274 = tpu.vector_load %arg20[%get3A_273] {strides = array<i32>} : memref<8192xi32, #tpu.memory_space<vmem>>, vector<16xi32>,
        %get3A_275 = vector.shape_cast %get3A_274 : vector<16xi32> to vector<16xi32>
        %shift_left3A_276 = arith.constant 16 : i32
        %shift_left3A_277 = vector.broadcast %shift_left3A_276 : i32 to vector<16xi32>
        %shift_left3A_278 = arith.shli %get3A_275, %shift_left3A_277 : vector<16xi32>
        %bitcast_convert_type3A_279 = tpu.bitcast %shift_left3A_278 : vector<16xi32> -> vector<16xf32>
        %and3A_280 = arith.andi %get3A_275, %broadcast_in_dim3A_88 : vector<16xi32>
        %bitcast_convert_type3A_281 = tpu.bitcast %and3A_280 : vector<16xi32> -> vector<16xf32>
        %mul3A_282 = arith.mulf %get3A_272, %bitcast_convert_type3A_279 : vector<16xf32>
        %add3A_283 = arith.addf %add3A_263, %mul3A_282 : vector<16xf32>
        %mul3A_284 = arith.mulf %get3A_272, %bitcast_convert_type3A_281 : vector<16xf32>
        %add3A_285 = arith.addf %add3A_265, %mul3A_284 : vector<16xf32>
        %mul3A_286 = arith.constant 8 : i32
        %mul3A_287 = arith.muli %mul3A_145, %mul3A_286 : i32
        %add3A_288 = arith.constant 112 : i32
        %add3A_289 = arith.addi %mul3A_287, %add3A_288 : i32
        %get3A_290 = arith.index_cast %add3A_289 : i32 to index
        %get3A_291 = tpu.vector_load %arg18[%get3A_290] {strides = array<i32>} : memref<8192xf32, #tpu.memory_space<vmem>>, vector<16xf32>,
        %get3A_292 = vector.shape_cast %get3A_291 : vector<16xf32> to vector<16xf32>
        %get3A_293 = arith.index_cast %add3A_289 : i32 to index
        %get3A_294 = tpu.vector_load %arg20[%get3A_293] {strides = array<i32>} : memref<8192xi32, #tpu.memory_space<vmem>>, vector<16xi32>,
        %get3A_295 = vector.shape_cast %get3A_294 : vector<16xi32> to vector<16xi32>
        %shift_left3A_296 = arith.constant 16 : i32
        %shift_left3A_297 = vector.broadcast %shift_left3A_296 : i32 to vector<16xi32>
        %shift_left3A_298 = arith.shli %get3A_295, %shift_left3A_297 : vector<16xi32>
        %bitcast_convert_type3A_299 = tpu.bitcast %shift_left3A_298 : vector<16xi32> -> vector<16xf32>
        %and3A_300 = arith.andi %get3A_295, %broadcast_in_dim3A_88 : vector<16xi32>
        %bitcast_convert_type3A_301 = tpu.bitcast %and3A_300 : vector<16xi32> -> vector<16xf32>
        %mul3A_302 = arith.mulf %get3A_292, %bitcast_convert_type3A_299 : vector<16xf32>
        %add3A_303 = arith.addf %add3A_283, %mul3A_302 : vector<16xf32>
        %mul3A_304 = arith.mulf %get3A_292, %bitcast_convert_type3A_301 : vector<16xf32>
        %add3A_305 = arith.addf %add3A_285, %mul3A_304 : vector<16xf32>
        %swap3A = arith.constant 30 : i32
        %swap3A_306 = arith.index_cast %swap3A : i32 to index
        %swap3A_307 = arith.index_cast %mul3A_145 : i32 to index
        %swap3A_308 = tpu.vector_load %arg21[%swap3A_306, %swap3A_307] {strides = array<i32>} : memref<32x1024xf32, #tpu.memory_space<vmem>>, vector<1x16xf32>,
        %swap3A_309 = vector.shape_cast %swap3A_308 : vector<1x16xf32> to vector<16xf32>
        %swap3A_310 = vector.shape_cast %add3A_303 : vector<16xf32> to vector<1x16xf32>
        tpu.vector_store %arg21[%swap3A_306, %swap3A_307], %swap3A_310 {strides = array<i32>} : memref<32x1024xf32, #tpu.memory_space<vmem>>, vector<1x16xf32>,
        %swap3A_311 = arith.constant 31 : i32
        %swap3A_312 = arith.index_cast %swap3A_311 : i32 to index
        %swap3A_313 = arith.index_cast %mul3A_145 : i32 to index
        %swap3A_314 = tpu.vector_load %arg21[%swap3A_312, %swap3A_313] {strides = array<i32>} : memref<32x1024xf32, #tpu.memory_space<vmem>>, vector<1x16xf32>,
        %swap3A_315 = vector.shape_cast %swap3A_314 : vector<1x16xf32> to vector<16xf32>
        %swap3A_316 = vector.shape_cast %add3A_305 : vector<16xf32> to vector<1x16xf32>
        tpu.vector_store %arg21[%swap3A_312, %swap3A_313], %swap3A_316 {strides = array<i32>} : memref<32x1024xf32, #tpu.memory_space<vmem>>, vector<1x16xf32>,
      }
      %scan3A_94 = arith.constant 16 : i32
      %dma_wait3A_95 = arith.constant 2048 : i32
      %dma_wait3A_96 = tpu.memref_slice %arg20[%dma_wait3A_95] : memref<8192xi32, #tpu.memory_space<vmem>> -> memref<2048xi32, #tpu.memory_space<vmem>>
      %dma_wait3A_97 = arith.constant 0 : i32
      %dma_wait3A_98 = tpu.memref_slice %arg5[%dma_wait3A_97] : memref<8388608xi32, #tpu.memory_space<hbm>> -> memref<2048xi32, #tpu.memory_space<hbm>>
      %dma_wait3A_99 = arith.constant 2048 : i32
      %dma_wait3A_100 = tpu.memref_slice %arg20[%dma_wait3A_99] : memref<8192xi32, #tpu.memory_space<vmem>> -> memref<2048xi32, #tpu.memory_space<vmem>>
      %dma_wait3A_101 = arith.constant 0 : i32
      %dma_wait3A_102 = tpu.memref_slice %arg5[%dma_wait3A_101] : memref<8388608xi32, #tpu.memory_space<hbm>> -> memref<2048xi32, #tpu.memory_space<hbm>>
      tpu.wait_dma2 semaphore(%arg29 : memref<!tpu.dma_semaphore, #tpu.memory_space<semaphore_mem>>) src(%dma_wait3A_102 : memref<2048xi32, #tpu.memory_space<hbm>>) dst(%dma_wait3A_100 : memref<2048xi32, #tpu.memory_space<vmem>>)
      %broadcast_in_dim3A_103 = arith.constant -65536 : i32
      %broadcast_in_dim3A_104 = vector.broadcast %broadcast_in_dim3A_103 : i32 to vector<16xi32>
      %scan3A_105 = arith.constant 0 : i32
      %scan3A_106 = arith.constant 16 : i32
      %scan3A_107 = arith.constant 16 : i32
      %scan3A_108 = arith.addi %scan3A_106, %scan3A_107 : i32
      %scan3A_109 = arith.constant 1 : i32
      scf.for %scan3A_143 = %scan3A_106 to %scan3A_108 step %scan3A_109  : i32 {
        %mul3A_144 = arith.constant 16 : i32
        %mul3A_145 = arith.muli %scan3A_143, %mul3A_144 : i32
        %broadcast_in_dim3A_146 = arith.constant 0.000000e+00 : f32
        %broadcast_in_dim3A_147 = vector.broadcast %broadcast_in_dim3A_146 : f32 to vector<16xf32>
        %broadcast_in_dim3A_148 = arith.constant 0.000000e+00 : f32
        %broadcast_in_dim3A_149 = vector.broadcast %broadcast_in_dim3A_148 : f32 to vector<16xf32>
        %mul3A_150 = arith.constant 8 : i32
        %mul3A_151 = arith.muli %mul3A_145, %mul3A_150 : i32
        %add3A_152 = arith.constant 0 : i32
        %add3A_153 = arith.addi %mul3A_151, %add3A_152 : i32
        %get3A = arith.index_cast %add3A_153 : i32 to index
        %get3A_154 = tpu.vector_load %arg18[%get3A] {strides = array<i32>} : memref<8192xf32, #tpu.memory_space<vmem>>, vector<16xf32>,
        %get3A_155 = vector.shape_cast %get3A_154 : vector<16xf32> to vector<16xf32>
        %get3A_156 = arith.index_cast %add3A_153 : i32 to index
        %get3A_157 = tpu.vector_load %arg20[%get3A_156] {strides = array<i32>} : memref<8192xi32, #tpu.memory_space<vmem>>, vector<16xi32>,
        %get3A_158 = vector.shape_cast %get3A_157 : vector<16xi32> to vector<16xi32>
        %shift_left3A = arith.constant 16 : i32
        %shift_left3A_159 = vector.broadcast %shift_left3A : i32 to vector<16xi32>
        %shift_left3A_160 = arith.shli %get3A_158, %shift_left3A_159 : vector<16xi32>
        %bitcast_convert_type3A = tpu.bitcast %shift_left3A_160 : vector<16xi32> -> vector<16xf32>
        %and3A = arith.andi %get3A_158, %broadcast_in_dim3A_104 : vector<16xi32>
        %bitcast_convert_type3A_161 = tpu.bitcast %and3A : vector<16xi32> -> vector<16xf32>
        %mul3A_162 = arith.mulf %get3A_155, %bitcast_convert_type3A : vector<16xf32>
        %add3A_163 = arith.addf %broadcast_in_dim3A_147, %mul3A_162 : vector<16xf32>
        %mul3A_164 = arith.mulf %get3A_155, %bitcast_convert_type3A_161 : vector<16xf32>
        %add3A_165 = arith.addf %broadcast_in_dim3A_149, %mul3A_164 : vector<16xf32>
        %mul3A_166 = arith.constant 8 : i32
        %mul3A_167 = arith.muli %mul3A_145, %mul3A_166 : i32
        %add3A_168 = arith.constant 16 : i32
        %add3A_169 = arith.addi %mul3A_167, %add3A_168 : i32
        %get3A_170 = arith.index_cast %add3A_169 : i32 to index
        %get3A_171 = tpu.vector_load %arg18[%get3A_170] {strides = array<i32>} : memref<8192xf32, #tpu.memory_space<vmem>>, vector<16xf32>,
        %get3A_172 = vector.shape_cast %get3A_171 : vector<16xf32> to vector<16xf32>
        %get3A_173 = arith.index_cast %add3A_169 : i32 to index
        %get3A_174 = tpu.vector_load %arg20[%get3A_173] {strides = array<i32>} : memref<8192xi32, #tpu.memory_space<vmem>>, vector<16xi32>,
        %get3A_175 = vector.shape_cast %get3A_174 : vector<16xi32> to vector<16xi32>
        %shift_left3A_176 = arith.constant 16 : i32
        %shift_left3A_177 = vector.broadcast %shift_left3A_176 : i32 to vector<16xi32>
        %shift_left3A_178 = arith.shli %get3A_175, %shift_left3A_177 : vector<16xi32>
        %bitcast_convert_type3A_179 = tpu.bitcast %shift_left3A_178 : vector<16xi32> -> vector<16xf32>
        %and3A_180 = arith.andi %get3A_175, %broadcast_in_dim3A_104 : vector<16xi32>
        %bitcast_convert_type3A_181 = tpu.bitcast %and3A_180 : vector<16xi32> -> vector<16xf32>
        %mul3A_182 = arith.mulf %get3A_172, %bitcast_convert_type3A_179 : vector<16xf32>
        %add3A_183 = arith.addf %add3A_163, %mul3A_182 : vector<16xf32>
        %mul3A_184 = arith.mulf %get3A_172, %bitcast_convert_type3A_181 : vector<16xf32>
        %add3A_185 = arith.addf %add3A_165, %mul3A_184 : vector<16xf32>
        %mul3A_186 = arith.constant 8 : i32
        %mul3A_187 = arith.muli %mul3A_145, %mul3A_186 : i32
        %add3A_188 = arith.constant 32 : i32
        %add3A_189 = arith.addi %mul3A_187, %add3A_188 : i32
        %get3A_190 = arith.index_cast %add3A_189 : i32 to index
        %get3A_191 = tpu.vector_load %arg18[%get3A_190] {strides = array<i32>} : memref<8192xf32, #tpu.memory_space<vmem>>, vector<16xf32>,
        %get3A_192 = vector.shape_cast %get3A_191 : vector<16xf32> to vector<16xf32>
        %get3A_193 = arith.index_cast %add3A_189 : i32 to index
        %get3A_194 = tpu.vector_load %arg20[%get3A_193] {strides = array<i32>} : memref<8192xi32, #tpu.memory_space<vmem>>, vector<16xi32>,
        %get3A_195 = vector.shape_cast %get3A_194 : vector<16xi32> to vector<16xi32>
        %shift_left3A_196 = arith.constant 16 : i32
        %shift_left3A_197 = vector.broadcast %shift_left3A_196 : i32 to vector<16xi32>
        %shift_left3A_198 = arith.shli %get3A_195, %shift_left3A_197 : vector<16xi32>
        %bitcast_convert_type3A_199 = tpu.bitcast %shift_left3A_198 : vector<16xi32> -> vector<16xf32>
        %and3A_200 = arith.andi %get3A_195, %broadcast_in_dim3A_104 : vector<16xi32>
        %bitcast_convert_type3A_201 = tpu.bitcast %and3A_200 : vector<16xi32> -> vector<16xf32>
        %mul3A_202 = arith.mulf %get3A_192, %bitcast_convert_type3A_199 : vector<16xf32>
        %add3A_203 = arith.addf %add3A_183, %mul3A_202 : vector<16xf32>
        %mul3A_204 = arith.mulf %get3A_192, %bitcast_convert_type3A_201 : vector<16xf32>
        %add3A_205 = arith.addf %add3A_185, %mul3A_204 : vector<16xf32>
        %mul3A_206 = arith.constant 8 : i32
        %mul3A_207 = arith.muli %mul3A_145, %mul3A_206 : i32
        %add3A_208 = arith.constant 48 : i32
        %add3A_209 = arith.addi %mul3A_207, %add3A_208 : i32
        %get3A_210 = arith.index_cast %add3A_209 : i32 to index
        %get3A_211 = tpu.vector_load %arg18[%get3A_210] {strides = array<i32>} : memref<8192xf32, #tpu.memory_space<vmem>>, vector<16xf32>,
        %get3A_212 = vector.shape_cast %get3A_211 : vector<16xf32> to vector<16xf32>
        %get3A_213 = arith.index_cast %add3A_209 : i32 to index
        %get3A_214 = tpu.vector_load %arg20[%get3A_213] {strides = array<i32>} : memref<8192xi32, #tpu.memory_space<vmem>>, vector<16xi32>,
        %get3A_215 = vector.shape_cast %get3A_214 : vector<16xi32> to vector<16xi32>
        %shift_left3A_216 = arith.constant 16 : i32
        %shift_left3A_217 = vector.broadcast %shift_left3A_216 : i32 to vector<16xi32>
        %shift_left3A_218 = arith.shli %get3A_215, %shift_left3A_217 : vector<16xi32>
        %bitcast_convert_type3A_219 = tpu.bitcast %shift_left3A_218 : vector<16xi32> -> vector<16xf32>
        %and3A_220 = arith.andi %get3A_215, %broadcast_in_dim3A_104 : vector<16xi32>
        %bitcast_convert_type3A_221 = tpu.bitcast %and3A_220 : vector<16xi32> -> vector<16xf32>
        %mul3A_222 = arith.mulf %get3A_212, %bitcast_convert_type3A_219 : vector<16xf32>
        %add3A_223 = arith.addf %add3A_203, %mul3A_222 : vector<16xf32>
        %mul3A_224 = arith.mulf %get3A_212, %bitcast_convert_type3A_221 : vector<16xf32>
        %add3A_225 = arith.addf %add3A_205, %mul3A_224 : vector<16xf32>
        %mul3A_226 = arith.constant 8 : i32
        %mul3A_227 = arith.muli %mul3A_145, %mul3A_226 : i32
        %add3A_228 = arith.constant 64 : i32
        %add3A_229 = arith.addi %mul3A_227, %add3A_228 : i32
        %get3A_230 = arith.index_cast %add3A_229 : i32 to index
        %get3A_231 = tpu.vector_load %arg18[%get3A_230] {strides = array<i32>} : memref<8192xf32, #tpu.memory_space<vmem>>, vector<16xf32>,
        %get3A_232 = vector.shape_cast %get3A_231 : vector<16xf32> to vector<16xf32>
        %get3A_233 = arith.index_cast %add3A_229 : i32 to index
        %get3A_234 = tpu.vector_load %arg20[%get3A_233] {strides = array<i32>} : memref<8192xi32, #tpu.memory_space<vmem>>, vector<16xi32>,
        %get3A_235 = vector.shape_cast %get3A_234 : vector<16xi32> to vector<16xi32>
        %shift_left3A_236 = arith.constant 16 : i32
        %shift_left3A_237 = vector.broadcast %shift_left3A_236 : i32 to vector<16xi32>
        %shift_left3A_238 = arith.shli %get3A_235, %shift_left3A_237 : vector<16xi32>
        %bitcast_convert_type3A_239 = tpu.bitcast %shift_left3A_238 : vector<16xi32> -> vector<16xf32>
        %and3A_240 = arith.andi %get3A_235, %broadcast_in_dim3A_104 : vector<16xi32>
        %bitcast_convert_type3A_241 = tpu.bitcast %and3A_240 : vector<16xi32> -> vector<16xf32>
        %mul3A_242 = arith.mulf %get3A_232, %bitcast_convert_type3A_239 : vector<16xf32>
        %add3A_243 = arith.addf %add3A_223, %mul3A_242 : vector<16xf32>
        %mul3A_244 = arith.mulf %get3A_232, %bitcast_convert_type3A_241 : vector<16xf32>
        %add3A_245 = arith.addf %add3A_225, %mul3A_244 : vector<16xf32>
        %mul3A_246 = arith.constant 8 : i32
        %mul3A_247 = arith.muli %mul3A_145, %mul3A_246 : i32
        %add3A_248 = arith.constant 80 : i32
        %add3A_249 = arith.addi %mul3A_247, %add3A_248 : i32
        %get3A_250 = arith.index_cast %add3A_249 : i32 to index
        %get3A_251 = tpu.vector_load %arg18[%get3A_250] {strides = array<i32>} : memref<8192xf32, #tpu.memory_space<vmem>>, vector<16xf32>,
        %get3A_252 = vector.shape_cast %get3A_251 : vector<16xf32> to vector<16xf32>
        %get3A_253 = arith.index_cast %add3A_249 : i32 to index
        %get3A_254 = tpu.vector_load %arg20[%get3A_253] {strides = array<i32>} : memref<8192xi32, #tpu.memory_space<vmem>>, vector<16xi32>,
        %get3A_255 = vector.shape_cast %get3A_254 : vector<16xi32> to vector<16xi32>
        %shift_left3A_256 = arith.constant 16 : i32
        %shift_left3A_257 = vector.broadcast %shift_left3A_256 : i32 to vector<16xi32>
        %shift_left3A_258 = arith.shli %get3A_255, %shift_left3A_257 : vector<16xi32>
        %bitcast_convert_type3A_259 = tpu.bitcast %shift_left3A_258 : vector<16xi32> -> vector<16xf32>
        %and3A_260 = arith.andi %get3A_255, %broadcast_in_dim3A_104 : vector<16xi32>
        %bitcast_convert_type3A_261 = tpu.bitcast %and3A_260 : vector<16xi32> -> vector<16xf32>
        %mul3A_262 = arith.mulf %get3A_252, %bitcast_convert_type3A_259 : vector<16xf32>
        %add3A_263 = arith.addf %add3A_243, %mul3A_262 : vector<16xf32>
        %mul3A_264 = arith.mulf %get3A_252, %bitcast_convert_type3A_261 : vector<16xf32>
        %add3A_265 = arith.addf %add3A_245, %mul3A_264 : vector<16xf32>
        %mul3A_266 = arith.constant 8 : i32
        %mul3A_267 = arith.muli %mul3A_145, %mul3A_266 : i32
        %add3A_268 = arith.constant 96 : i32
        %add3A_269 = arith.addi %mul3A_267, %add3A_268 : i32
        %get3A_270 = arith.index_cast %add3A_269 : i32 to index
        %get3A_271 = tpu.vector_load %arg18[%get3A_270] {strides = array<i32>} : memref<8192xf32, #tpu.memory_space<vmem>>, vector<16xf32>,
        %get3A_272 = vector.shape_cast %get3A_271 : vector<16xf32> to vector<16xf32>
        %get3A_273 = arith.index_cast %add3A_269 : i32 to index
        %get3A_274 = tpu.vector_load %arg20[%get3A_273] {strides = array<i32>} : memref<8192xi32, #tpu.memory_space<vmem>>, vector<16xi32>,
        %get3A_275 = vector.shape_cast %get3A_274 : vector<16xi32> to vector<16xi32>
        %shift_left3A_276 = arith.constant 16 : i32
        %shift_left3A_277 = vector.broadcast %shift_left3A_276 : i32 to vector<16xi32>
        %shift_left3A_278 = arith.shli %get3A_275, %shift_left3A_277 : vector<16xi32>
        %bitcast_convert_type3A_279 = tpu.bitcast %shift_left3A_278 : vector<16xi32> -> vector<16xf32>
        %and3A_280 = arith.andi %get3A_275, %broadcast_in_dim3A_104 : vector<16xi32>
        %bitcast_convert_type3A_281 = tpu.bitcast %and3A_280 : vector<16xi32> -> vector<16xf32>
        %mul3A_282 = arith.mulf %get3A_272, %bitcast_convert_type3A_279 : vector<16xf32>
        %add3A_283 = arith.addf %add3A_263, %mul3A_282 : vector<16xf32>
        %mul3A_284 = arith.mulf %get3A_272, %bitcast_convert_type3A_281 : vector<16xf32>
        %add3A_285 = arith.addf %add3A_265, %mul3A_284 : vector<16xf32>
        %mul3A_286 = arith.constant 8 : i32
        %mul3A_287 = arith.muli %mul3A_145, %mul3A_286 : i32
        %add3A_288 = arith.constant 112 : i32
        %add3A_289 = arith.addi %mul3A_287, %add3A_288 : i32
        %get3A_290 = arith.index_cast %add3A_289 : i32 to index
        %get3A_291 = tpu.vector_load %arg18[%get3A_290] {strides = array<i32>} : memref<8192xf32, #tpu.memory_space<vmem>>, vector<16xf32>,
        %get3A_292 = vector.shape_cast %get3A_291 : vector<16xf32> to vector<16xf32>
        %get3A_293 = arith.index_cast %add3A_289 : i32 to index
        %get3A_294 = tpu.vector_load %arg20[%get3A_293] {strides = array<i32>} : memref<8192xi32, #tpu.memory_space<vmem>>, vector<16xi32>,
        %get3A_295 = vector.shape_cast %get3A_294 : vector<16xi32> to vector<16xi32>
        %shift_left3A_296 = arith.constant 16 : i32
        %shift_left3A_297 = vector.broadcast %shift_left3A_296 : i32 to vector<16xi32>
        %shift_left3A_298 = arith.shli %get3A_295, %shift_left3A_297 : vector<16xi32>
        %bitcast_convert_type3A_299 = tpu.bitcast %shift_left3A_298 : vector<16xi32> -> vector<16xf32>
        %and3A_300 = arith.andi %get3A_295, %broadcast_in_dim3A_104 : vector<16xi32>
        %bitcast_convert_type3A_301 = tpu.bitcast %and3A_300 : vector<16xi32> -> vector<16xf32>
        %mul3A_302 = arith.mulf %get3A_292, %bitcast_convert_type3A_299 : vector<16xf32>
        %add3A_303 = arith.addf %add3A_283, %mul3A_302 : vector<16xf32>
        %mul3A_304 = arith.mulf %get3A_292, %bitcast_convert_type3A_301 : vector<16xf32>
        %add3A_305 = arith.addf %add3A_285, %mul3A_304 : vector<16xf32>
        %swap3A = arith.constant 30 : i32
        %swap3A_306 = arith.index_cast %swap3A : i32 to index
        %swap3A_307 = arith.index_cast %mul3A_145 : i32 to index
        %swap3A_308 = tpu.vector_load %arg21[%swap3A_306, %swap3A_307] {strides = array<i32>} : memref<32x1024xf32, #tpu.memory_space<vmem>>, vector<1x16xf32>,
        %swap3A_309 = vector.shape_cast %swap3A_308 : vector<1x16xf32> to vector<16xf32>
        %swap3A_310 = vector.shape_cast %add3A_303 : vector<16xf32> to vector<1x16xf32>
        tpu.vector_store %arg21[%swap3A_306, %swap3A_307], %swap3A_310 {strides = array<i32>} : memref<32x1024xf32, #tpu.memory_space<vmem>>, vector<1x16xf32>,
        %swap3A_311 = arith.constant 31 : i32
        %swap3A_312 = arith.index_cast %swap3A_311 : i32 to index
        %swap3A_313 = arith.index_cast %mul3A_145 : i32 to index
        %swap3A_314 = tpu.vector_load %arg21[%swap3A_312, %swap3A_313] {strides = array<i32>} : memref<32x1024xf32, #tpu.memory_space<vmem>>, vector<1x16xf32>,
        %swap3A_315 = vector.shape_cast %swap3A_314 : vector<1x16xf32> to vector<16xf32>
        %swap3A_316 = vector.shape_cast %add3A_305 : vector<16xf32> to vector<1x16xf32>
        tpu.vector_store %arg21[%swap3A_312, %swap3A_313], %swap3A_316 {strides = array<i32>} : memref<32x1024xf32, #tpu.memory_space<vmem>>, vector<1x16xf32>,
      }
      %scan3A_110 = arith.constant 16 : i32
      %dma_wait3A_111 = arith.constant 4096 : i32
      %dma_wait3A_112 = tpu.memref_slice %arg20[%dma_wait3A_111] : memref<8192xi32, #tpu.memory_space<vmem>> -> memref<2048xi32, #tpu.memory_space<vmem>>
      %dma_wait3A_113 = arith.constant 0 : i32
      %dma_wait3A_114 = tpu.memref_slice %arg5[%dma_wait3A_113] : memref<8388608xi32, #tpu.memory_space<hbm>> -> memref<2048xi32, #tpu.memory_space<hbm>>
      %dma_wait3A_115 = arith.constant 4096 : i32
      %dma_wait3A_116 = tpu.memref_slice %arg20[%dma_wait3A_115] : memref<8192xi32, #tpu.memory_space<vmem>> -> memref<2048xi32, #tpu.memory_space<vmem>>
      %dma_wait3A_117 = arith.constant 0 : i32
      %dma_wait3A_118 = tpu.memref_slice %arg5[%dma_wait3A_117] : memref<8388608xi32, #tpu.memory_space<hbm>> -> memref<2048xi32, #tpu.memory_space<hbm>>
      tpu.wait_dma2 semaphore(%arg29 : memref<!tpu.dma_semaphore, #tpu.memory_space<semaphore_mem>>) src(%dma_wait3A_118 : memref<2048xi32, #tpu.memory_space<hbm>>) dst(%dma_wait3A_116 : memref<2048xi32, #tpu.memory_space<vmem>>)
      %broadcast_in_dim3A_119 = arith.constant -65536 : i32
      %broadcast_in_dim3A_120 = vector.broadcast %broadcast_in_dim3A_119 : i32 to vector<16xi32>
      %scan3A_121 = arith.constant 0 : i32
      %scan3A_122 = arith.constant 32 : i32
      %scan3A_123 = arith.constant 16 : i32
      %scan3A_124 = arith.addi %scan3A_122, %scan3A_123 : i32
      %scan3A_125 = arith.constant 1 : i32
      scf.for %scan3A_143 = %scan3A_122 to %scan3A_124 step %scan3A_125  : i32 {
        %mul3A_144 = arith.constant 16 : i32
        %mul3A_145 = arith.muli %scan3A_143, %mul3A_144 : i32
        %broadcast_in_dim3A_146 = arith.constant 0.000000e+00 : f32
        %broadcast_in_dim3A_147 = vector.broadcast %broadcast_in_dim3A_146 : f32 to vector<16xf32>
        %broadcast_in_dim3A_148 = arith.constant 0.000000e+00 : f32
        %broadcast_in_dim3A_149 = vector.broadcast %broadcast_in_dim3A_148 : f32 to vector<16xf32>
        %mul3A_150 = arith.constant 8 : i32
        %mul3A_151 = arith.muli %mul3A_145, %mul3A_150 : i32
        %add3A_152 = arith.constant 0 : i32
        %add3A_153 = arith.addi %mul3A_151, %add3A_152 : i32
        %get3A = arith.index_cast %add3A_153 : i32 to index
        %get3A_154 = tpu.vector_load %arg18[%get3A] {strides = array<i32>} : memref<8192xf32, #tpu.memory_space<vmem>>, vector<16xf32>,
        %get3A_155 = vector.shape_cast %get3A_154 : vector<16xf32> to vector<16xf32>
        %get3A_156 = arith.index_cast %add3A_153 : i32 to index
        %get3A_157 = tpu.vector_load %arg20[%get3A_156] {strides = array<i32>} : memref<8192xi32, #tpu.memory_space<vmem>>, vector<16xi32>,
        %get3A_158 = vector.shape_cast %get3A_157 : vector<16xi32> to vector<16xi32>
        %shift_left3A = arith.constant 16 : i32
        %shift_left3A_159 = vector.broadcast %shift_left3A : i32 to vector<16xi32>
        %shift_left3A_160 = arith.shli %get3A_158, %shift_left3A_159 : vector<16xi32>
        %bitcast_convert_type3A = tpu.bitcast %shift_left3A_160 : vector<16xi32> -> vector<16xf32>
        %and3A = arith.andi %get3A_158, %broadcast_in_dim3A_120 : vector<16xi32>
        %bitcast_convert_type3A_161 = tpu.bitcast %and3A : vector<16xi32> -> vector<16xf32>
        %mul3A_162 = arith.mulf %get3A_155, %bitcast_convert_type3A : vector<16xf32>
        %add3A_163 = arith.addf %broadcast_in_dim3A_147, %mul3A_162 : vector<16xf32>
        %mul3A_164 = arith.mulf %get3A_155, %bitcast_convert_type3A_161 : vector<16xf32>
        %add3A_165 = arith.addf %broadcast_in_dim3A_149, %mul3A_164 : vector<16xf32>
        %mul3A_166 = arith.constant 8 : i32
        %mul3A_167 = arith.muli %mul3A_145, %mul3A_166 : i32
        %add3A_168 = arith.constant 16 : i32
        %add3A_169 = arith.addi %mul3A_167, %add3A_168 : i32
        %get3A_170 = arith.index_cast %add3A_169 : i32 to index
        %get3A_171 = tpu.vector_load %arg18[%get3A_170] {strides = array<i32>} : memref<8192xf32, #tpu.memory_space<vmem>>, vector<16xf32>,
        %get3A_172 = vector.shape_cast %get3A_171 : vector<16xf32> to vector<16xf32>
        %get3A_173 = arith.index_cast %add3A_169 : i32 to index
        %get3A_174 = tpu.vector_load %arg20[%get3A_173] {strides = array<i32>} : memref<8192xi32, #tpu.memory_space<vmem>>, vector<16xi32>,
        %get3A_175 = vector.shape_cast %get3A_174 : vector<16xi32> to vector<16xi32>
        %shift_left3A_176 = arith.constant 16 : i32
        %shift_left3A_177 = vector.broadcast %shift_left3A_176 : i32 to vector<16xi32>
        %shift_left3A_178 = arith.shli %get3A_175, %shift_left3A_177 : vector<16xi32>
        %bitcast_convert_type3A_179 = tpu.bitcast %shift_left3A_178 : vector<16xi32> -> vector<16xf32>
        %and3A_180 = arith.andi %get3A_175, %broadcast_in_dim3A_120 : vector<16xi32>
        %bitcast_convert_type3A_181 = tpu.bitcast %and3A_180 : vector<16xi32> -> vector<16xf32>
        %mul3A_182 = arith.mulf %get3A_172, %bitcast_convert_type3A_179 : vector<16xf32>
        %add3A_183 = arith.addf %add3A_163, %mul3A_182 : vector<16xf32>
        %mul3A_184 = arith.mulf %get3A_172, %bitcast_convert_type3A_181 : vector<16xf32>
        %add3A_185 = arith.addf %add3A_165, %mul3A_184 : vector<16xf32>
        %mul3A_186 = arith.constant 8 : i32
        %mul3A_187 = arith.muli %mul3A_145, %mul3A_186 : i32
        %add3A_188 = arith.constant 32 : i32
        %add3A_189 = arith.addi %mul3A_187, %add3A_188 : i32
        %get3A_190 = arith.index_cast %add3A_189 : i32 to index
        %get3A_191 = tpu.vector_load %arg18[%get3A_190] {strides = array<i32>} : memref<8192xf32, #tpu.memory_space<vmem>>, vector<16xf32>,
        %get3A_192 = vector.shape_cast %get3A_191 : vector<16xf32> to vector<16xf32>
        %get3A_193 = arith.index_cast %add3A_189 : i32 to index
        %get3A_194 = tpu.vector_load %arg20[%get3A_193] {strides = array<i32>} : memref<8192xi32, #tpu.memory_space<vmem>>, vector<16xi32>,
        %get3A_195 = vector.shape_cast %get3A_194 : vector<16xi32> to vector<16xi32>
        %shift_left3A_196 = arith.constant 16 : i32
        %shift_left3A_197 = vector.broadcast %shift_left3A_196 : i32 to vector<16xi32>
        %shift_left3A_198 = arith.shli %get3A_195, %shift_left3A_197 : vector<16xi32>
        %bitcast_convert_type3A_199 = tpu.bitcast %shift_left3A_198 : vector<16xi32> -> vector<16xf32>
        %and3A_200 = arith.andi %get3A_195, %broadcast_in_dim3A_120 : vector<16xi32>
        %bitcast_convert_type3A_201 = tpu.bitcast %and3A_200 : vector<16xi32> -> vector<16xf32>
        %mul3A_202 = arith.mulf %get3A_192, %bitcast_convert_type3A_199 : vector<16xf32>
        %add3A_203 = arith.addf %add3A_183, %mul3A_202 : vector<16xf32>
        %mul3A_204 = arith.mulf %get3A_192, %bitcast_convert_type3A_201 : vector<16xf32>
        %add3A_205 = arith.addf %add3A_185, %mul3A_204 : vector<16xf32>
        %mul3A_206 = arith.constant 8 : i32
        %mul3A_207 = arith.muli %mul3A_145, %mul3A_206 : i32
        %add3A_208 = arith.constant 48 : i32
        %add3A_209 = arith.addi %mul3A_207, %add3A_208 : i32
        %get3A_210 = arith.index_cast %add3A_209 : i32 to index
        %get3A_211 = tpu.vector_load %arg18[%get3A_210] {strides = array<i32>} : memref<8192xf32, #tpu.memory_space<vmem>>, vector<16xf32>,
        %get3A_212 = vector.shape_cast %get3A_211 : vector<16xf32> to vector<16xf32>
        %get3A_213 = arith.index_cast %add3A_209 : i32 to index
        %get3A_214 = tpu.vector_load %arg20[%get3A_213] {strides = array<i32>} : memref<8192xi32, #tpu.memory_space<vmem>>, vector<16xi32>,
        %get3A_215 = vector.shape_cast %get3A_214 : vector<16xi32> to vector<16xi32>
        %shift_left3A_216 = arith.constant 16 : i32
        %shift_left3A_217 = vector.broadcast %shift_left3A_216 : i32 to vector<16xi32>
        %shift_left3A_218 = arith.shli %get3A_215, %shift_left3A_217 : vector<16xi32>
        %bitcast_convert_type3A_219 = tpu.bitcast %shift_left3A_218 : vector<16xi32> -> vector<16xf32>
        %and3A_220 = arith.andi %get3A_215, %broadcast_in_dim3A_120 : vector<16xi32>
        %bitcast_convert_type3A_221 = tpu.bitcast %and3A_220 : vector<16xi32> -> vector<16xf32>
        %mul3A_222 = arith.mulf %get3A_212, %bitcast_convert_type3A_219 : vector<16xf32>
        %add3A_223 = arith.addf %add3A_203, %mul3A_222 : vector<16xf32>
        %mul3A_224 = arith.mulf %get3A_212, %bitcast_convert_type3A_221 : vector<16xf32>
        %add3A_225 = arith.addf %add3A_205, %mul3A_224 : vector<16xf32>
        %mul3A_226 = arith.constant 8 : i32
        %mul3A_227 = arith.muli %mul3A_145, %mul3A_226 : i32
        %add3A_228 = arith.constant 64 : i32
        %add3A_229 = arith.addi %mul3A_227, %add3A_228 : i32
        %get3A_230 = arith.index_cast %add3A_229 : i32 to index
        %get3A_231 = tpu.vector_load %arg18[%get3A_230] {strides = array<i32>} : memref<8192xf32, #tpu.memory_space<vmem>>, vector<16xf32>,
        %get3A_232 = vector.shape_cast %get3A_231 : vector<16xf32> to vector<16xf32>
        %get3A_233 = arith.index_cast %add3A_229 : i32 to index
        %get3A_234 = tpu.vector_load %arg20[%get3A_233] {strides = array<i32>} : memref<8192xi32, #tpu.memory_space<vmem>>, vector<16xi32>,
        %get3A_235 = vector.shape_cast %get3A_234 : vector<16xi32> to vector<16xi32>
        %shift_left3A_236 = arith.constant 16 : i32
        %shift_left3A_237 = vector.broadcast %shift_left3A_236 : i32 to vector<16xi32>
        %shift_left3A_238 = arith.shli %get3A_235, %shift_left3A_237 : vector<16xi32>
        %bitcast_convert_type3A_239 = tpu.bitcast %shift_left3A_238 : vector<16xi32> -> vector<16xf32>
        %and3A_240 = arith.andi %get3A_235, %broadcast_in_dim3A_120 : vector<16xi32>
        %bitcast_convert_type3A_241 = tpu.bitcast %and3A_240 : vector<16xi32> -> vector<16xf32>
        %mul3A_242 = arith.mulf %get3A_232, %bitcast_convert_type3A_239 : vector<16xf32>
        %add3A_243 = arith.addf %add3A_223, %mul3A_242 : vector<16xf32>
        %mul3A_244 = arith.mulf %get3A_232, %bitcast_convert_type3A_241 : vector<16xf32>
        %add3A_245 = arith.addf %add3A_225, %mul3A_244 : vector<16xf32>
        %mul3A_246 = arith.constant 8 : i32
        %mul3A_247 = arith.muli %mul3A_145, %mul3A_246 : i32
        %add3A_248 = arith.constant 80 : i32
        %add3A_249 = arith.addi %mul3A_247, %add3A_248 : i32
        %get3A_250 = arith.index_cast %add3A_249 : i32 to index
        %get3A_251 = tpu.vector_load %arg18[%get3A_250] {strides = array<i32>} : memref<8192xf32, #tpu.memory_space<vmem>>, vector<16xf32>,
        %get3A_252 = vector.shape_cast %get3A_251 : vector<16xf32> to vector<16xf32>
        %get3A_253 = arith.index_cast %add3A_249 : i32 to index
        %get3A_254 = tpu.vector_load %arg20[%get3A_253] {strides = array<i32>} : memref<8192xi32, #tpu.memory_space<vmem>>, vector<16xi32>,
        %get3A_255 = vector.shape_cast %get3A_254 : vector<16xi32> to vector<16xi32>
        %shift_left3A_256 = arith.constant 16 : i32
        %shift_left3A_257 = vector.broadcast %shift_left3A_256 : i32 to vector<16xi32>
        %shift_left3A_258 = arith.shli %get3A_255, %shift_left3A_257 : vector<16xi32>
        %bitcast_convert_type3A_259 = tpu.bitcast %shift_left3A_258 : vector<16xi32> -> vector<16xf32>
        %and3A_260 = arith.andi %get3A_255, %broadcast_in_dim3A_120 : vector<16xi32>
        %bitcast_convert_type3A_261 = tpu.bitcast %and3A_260 : vector<16xi32> -> vector<16xf32>
        %mul3A_262 = arith.mulf %get3A_252, %bitcast_convert_type3A_259 : vector<16xf32>
        %add3A_263 = arith.addf %add3A_243, %mul3A_262 : vector<16xf32>
        %mul3A_264 = arith.mulf %get3A_252, %bitcast_convert_type3A_261 : vector<16xf32>
        %add3A_265 = arith.addf %add3A_245, %mul3A_264 : vector<16xf32>
        %mul3A_266 = arith.constant 8 : i32
        %mul3A_267 = arith.muli %mul3A_145, %mul3A_266 : i32
        %add3A_268 = arith.constant 96 : i32
        %add3A_269 = arith.addi %mul3A_267, %add3A_268 : i32
        %get3A_270 = arith.index_cast %add3A_269 : i32 to index
        %get3A_271 = tpu.vector_load %arg18[%get3A_270] {strides = array<i32>} : memref<8192xf32, #tpu.memory_space<vmem>>, vector<16xf32>,
        %get3A_272 = vector.shape_cast %get3A_271 : vector<16xf32> to vector<16xf32>
        %get3A_273 = arith.index_cast %add3A_269 : i32 to index
        %get3A_274 = tpu.vector_load %arg20[%get3A_273] {strides = array<i32>} : memref<8192xi32, #tpu.memory_space<vmem>>, vector<16xi32>,
        %get3A_275 = vector.shape_cast %get3A_274 : vector<16xi32> to vector<16xi32>
        %shift_left3A_276 = arith.constant 16 : i32
        %shift_left3A_277 = vector.broadcast %shift_left3A_276 : i32 to vector<16xi32>
        %shift_left3A_278 = arith.shli %get3A_275, %shift_left3A_277 : vector<16xi32>
        %bitcast_convert_type3A_279 = tpu.bitcast %shift_left3A_278 : vector<16xi32> -> vector<16xf32>
        %and3A_280 = arith.andi %get3A_275, %broadcast_in_dim3A_120 : vector<16xi32>
        %bitcast_convert_type3A_281 = tpu.bitcast %and3A_280 : vector<16xi32> -> vector<16xf32>
        %mul3A_282 = arith.mulf %get3A_272, %bitcast_convert_type3A_279 : vector<16xf32>
        %add3A_283 = arith.addf %add3A_263, %mul3A_282 : vector<16xf32>
        %mul3A_284 = arith.mulf %get3A_272, %bitcast_convert_type3A_281 : vector<16xf32>
        %add3A_285 = arith.addf %add3A_265, %mul3A_284 : vector<16xf32>
        %mul3A_286 = arith.constant 8 : i32
        %mul3A_287 = arith.muli %mul3A_145, %mul3A_286 : i32
        %add3A_288 = arith.constant 112 : i32
        %add3A_289 = arith.addi %mul3A_287, %add3A_288 : i32
        %get3A_290 = arith.index_cast %add3A_289 : i32 to index
        %get3A_291 = tpu.vector_load %arg18[%get3A_290] {strides = array<i32>} : memref<8192xf32, #tpu.memory_space<vmem>>, vector<16xf32>,
        %get3A_292 = vector.shape_cast %get3A_291 : vector<16xf32> to vector<16xf32>
        %get3A_293 = arith.index_cast %add3A_289 : i32 to index
        %get3A_294 = tpu.vector_load %arg20[%get3A_293] {strides = array<i32>} : memref<8192xi32, #tpu.memory_space<vmem>>, vector<16xi32>,
        %get3A_295 = vector.shape_cast %get3A_294 : vector<16xi32> to vector<16xi32>
        %shift_left3A_296 = arith.constant 16 : i32
        %shift_left3A_297 = vector.broadcast %shift_left3A_296 : i32 to vector<16xi32>
        %shift_left3A_298 = arith.shli %get3A_295, %shift_left3A_297 : vector<16xi32>
        %bitcast_convert_type3A_299 = tpu.bitcast %shift_left3A_298 : vector<16xi32> -> vector<16xf32>
        %and3A_300 = arith.andi %get3A_295, %broadcast_in_dim3A_120 : vector<16xi32>
        %bitcast_convert_type3A_301 = tpu.bitcast %and3A_300 : vector<16xi32> -> vector<16xf32>
        %mul3A_302 = arith.mulf %get3A_292, %bitcast_convert_type3A_299 : vector<16xf32>
        %add3A_303 = arith.addf %add3A_283, %mul3A_302 : vector<16xf32>
        %mul3A_304 = arith.mulf %get3A_292, %bitcast_convert_type3A_301 : vector<16xf32>
        %add3A_305 = arith.addf %add3A_285, %mul3A_304 : vector<16xf32>
        %swap3A = arith.constant 30 : i32
        %swap3A_306 = arith.index_cast %swap3A : i32 to index
        %swap3A_307 = arith.index_cast %mul3A_145 : i32 to index
        %swap3A_308 = tpu.vector_load %arg21[%swap3A_306, %swap3A_307] {strides = array<i32>} : memref<32x1024xf32, #tpu.memory_space<vmem>>, vector<1x16xf32>,
        %swap3A_309 = vector.shape_cast %swap3A_308 : vector<1x16xf32> to vector<16xf32>
        %swap3A_310 = vector.shape_cast %add3A_303 : vector<16xf32> to vector<1x16xf32>
        tpu.vector_store %arg21[%swap3A_306, %swap3A_307], %swap3A_310 {strides = array<i32>} : memref<32x1024xf32, #tpu.memory_space<vmem>>, vector<1x16xf32>,
        %swap3A_311 = arith.constant 31 : i32
        %swap3A_312 = arith.index_cast %swap3A_311 : i32 to index
        %swap3A_313 = arith.index_cast %mul3A_145 : i32 to index
        %swap3A_314 = tpu.vector_load %arg21[%swap3A_312, %swap3A_313] {strides = array<i32>} : memref<32x1024xf32, #tpu.memory_space<vmem>>, vector<1x16xf32>,
        %swap3A_315 = vector.shape_cast %swap3A_314 : vector<1x16xf32> to vector<16xf32>
        %swap3A_316 = vector.shape_cast %add3A_305 : vector<16xf32> to vector<1x16xf32>
        tpu.vector_store %arg21[%swap3A_312, %swap3A_313], %swap3A_316 {strides = array<i32>} : memref<32x1024xf32, #tpu.memory_space<vmem>>, vector<1x16xf32>,
      }
      %scan3A_126 = arith.constant 16 : i32
      %dma_wait3A_127 = arith.constant 6144 : i32
      %dma_wait3A_128 = tpu.memref_slice %arg20[%dma_wait3A_127] : memref<8192xi32, #tpu.memory_space<vmem>> -> memref<2048xi32, #tpu.memory_space<vmem>>
      %dma_wait3A_129 = arith.constant 0 : i32
      %dma_wait3A_130 = tpu.memref_slice %arg5[%dma_wait3A_129] : memref<8388608xi32, #tpu.memory_space<hbm>> -> memref<2048xi32, #tpu.memory_space<hbm>>
      %dma_wait3A_131 = arith.constant 6144 : i32
      %dma_wait3A_132 = tpu.memref_slice %arg20[%dma_wait3A_131] : memref<8192xi32, #tpu.memory_space<vmem>> -> memref<2048xi32, #tpu.memory_space<vmem>>
      %dma_wait3A_133 = arith.constant 0 : i32
      %dma_wait3A_134 = tpu.memref_slice %arg5[%dma_wait3A_133] : memref<8388608xi32, #tpu.memory_space<hbm>> -> memref<2048xi32, #tpu.memory_space<hbm>>
      tpu.wait_dma2 semaphore(%arg29 : memref<!tpu.dma_semaphore, #tpu.memory_space<semaphore_mem>>) src(%dma_wait3A_134 : memref<2048xi32, #tpu.memory_space<hbm>>) dst(%dma_wait3A_132 : memref<2048xi32, #tpu.memory_space<vmem>>)
      %broadcast_in_dim3A_135 = arith.constant -65536 : i32
      %broadcast_in_dim3A_136 = vector.broadcast %broadcast_in_dim3A_135 : i32 to vector<16xi32>
      %scan3A_137 = arith.constant 0 : i32
      %scan3A_138 = arith.constant 48 : i32
      %scan3A_139 = arith.constant 16 : i32
      %scan3A_140 = arith.addi %scan3A_138, %scan3A_139 : i32
      %scan3A_141 = arith.constant 1 : i32
      scf.for %scan3A_143 = %scan3A_138 to %scan3A_140 step %scan3A_141  : i32 {
        %mul3A_144 = arith.constant 16 : i32
        %mul3A_145 = arith.muli %scan3A_143, %mul3A_144 : i32
        %broadcast_in_dim3A_146 = arith.constant 0.000000e+00 : f32
        %broadcast_in_dim3A_147 = vector.broadcast %broadcast_in_dim3A_146 : f32 to vector<16xf32>
        %broadcast_in_dim3A_148 = arith.constant 0.000000e+00 : f32
        %broadcast_in_dim3A_149 = vector.broadcast %broadcast_in_dim3A_148 : f32 to vector<16xf32>
        %mul3A_150 = arith.constant 8 : i32
        %mul3A_151 = arith.muli %mul3A_145, %mul3A_150 : i32
        %add3A_152 = arith.constant 0 : i32
        %add3A_153 = arith.addi %mul3A_151, %add3A_152 : i32
        %get3A = arith.index_cast %add3A_153 : i32 to index
        %get3A_154 = tpu.vector_load %arg18[%get3A] {strides = array<i32>} : memref<8192xf32, #tpu.memory_space<vmem>>, vector<16xf32>,
        %get3A_155 = vector.shape_cast %get3A_154 : vector<16xf32> to vector<16xf32>
        %get3A_156 = arith.index_cast %add3A_153 : i32 to index
        %get3A_157 = tpu.vector_load %arg20[%get3A_156] {strides = array<i32>} : memref<8192xi32, #tpu.memory_space<vmem>>, vector<16xi32>,
        %get3A_158 = vector.shape_cast %get3A_157 : vector<16xi32> to vector<16xi32>
        %shift_left3A = arith.constant 16 : i32
        %shift_left3A_159 = vector.broadcast %shift_left3A : i32 to vector<16xi32>
        %shift_left3A_160 = arith.shli %get3A_158, %shift_left3A_159 : vector<16xi32>
        %bitcast_convert_type3A = tpu.bitcast %shift_left3A_160 : vector<16xi32> -> vector<16xf32>
        %and3A = arith.andi %get3A_158, %broadcast_in_dim3A_136 : vector<16xi32>
        %bitcast_convert_type3A_161 = tpu.bitcast %and3A : vector<16xi32> -> vector<16xf32>
        %mul3A_162 = arith.mulf %get3A_155, %bitcast_convert_type3A : vector<16xf32>
        %add3A_163 = arith.addf %broadcast_in_dim3A_147, %mul3A_162 : vector<16xf32>
        %mul3A_164 = arith.mulf %get3A_155, %bitcast_convert_type3A_161 : vector<16xf32>
        %add3A_165 = arith.addf %broadcast_in_dim3A_149, %mul3A_164 : vector<16xf32>
        %mul3A_166 = arith.constant 8 : i32
        %mul3A_167 = arith.muli %mul3A_145, %mul3A_166 : i32
        %add3A_168 = arith.constant 16 : i32
        %add3A_169 = arith.addi %mul3A_167, %add3A_168 : i32
        %get3A_170 = arith.index_cast %add3A_169 : i32 to index
        %get3A_171 = tpu.vector_load %arg18[%get3A_170] {strides = array<i32>} : memref<8192xf32, #tpu.memory_space<vmem>>, vector<16xf32>,
        %get3A_172 = vector.shape_cast %get3A_171 : vector<16xf32> to vector<16xf32>
        %get3A_173 = arith.index_cast %add3A_169 : i32 to index
        %get3A_174 = tpu.vector_load %arg20[%get3A_173] {strides = array<i32>} : memref<8192xi32, #tpu.memory_space<vmem>>, vector<16xi32>,
        %get3A_175 = vector.shape_cast %get3A_174 : vector<16xi32> to vector<16xi32>
        %shift_left3A_176 = arith.constant 16 : i32
        %shift_left3A_177 = vector.broadcast %shift_left3A_176 : i32 to vector<16xi32>
        %shift_left3A_178 = arith.shli %get3A_175, %shift_left3A_177 : vector<16xi32>
        %bitcast_convert_type3A_179 = tpu.bitcast %shift_left3A_178 : vector<16xi32> -> vector<16xf32>
        %and3A_180 = arith.andi %get3A_175, %broadcast_in_dim3A_136 : vector<16xi32>
        %bitcast_convert_type3A_181 = tpu.bitcast %and3A_180 : vector<16xi32> -> vector<16xf32>
        %mul3A_182 = arith.mulf %get3A_172, %bitcast_convert_type3A_179 : vector<16xf32>
        %add3A_183 = arith.addf %add3A_163, %mul3A_182 : vector<16xf32>
        %mul3A_184 = arith.mulf %get3A_172, %bitcast_convert_type3A_181 : vector<16xf32>
        %add3A_185 = arith.addf %add3A_165, %mul3A_184 : vector<16xf32>
        %mul3A_186 = arith.constant 8 : i32
        %mul3A_187 = arith.muli %mul3A_145, %mul3A_186 : i32
        %add3A_188 = arith.constant 32 : i32
        %add3A_189 = arith.addi %mul3A_187, %add3A_188 : i32
        %get3A_190 = arith.index_cast %add3A_189 : i32 to index
        %get3A_191 = tpu.vector_load %arg18[%get3A_190] {strides = array<i32>} : memref<8192xf32, #tpu.memory_space<vmem>>, vector<16xf32>,
        %get3A_192 = vector.shape_cast %get3A_191 : vector<16xf32> to vector<16xf32>
        %get3A_193 = arith.index_cast %add3A_189 : i32 to index
        %get3A_194 = tpu.vector_load %arg20[%get3A_193] {strides = array<i32>} : memref<8192xi32, #tpu.memory_space<vmem>>, vector<16xi32>,
        %get3A_195 = vector.shape_cast %get3A_194 : vector<16xi32> to vector<16xi32>
        %shift_left3A_196 = arith.constant 16 : i32
        %shift_left3A_197 = vector.broadcast %shift_left3A_196 : i32 to vector<16xi32>
        %shift_left3A_198 = arith.shli %get3A_195, %shift_left3A_197 : vector<16xi32>
        %bitcast_convert_type3A_199 = tpu.bitcast %shift_left3A_198 : vector<16xi32> -> vector<16xf32>
        %and3A_200 = arith.andi %get3A_195, %broadcast_in_dim3A_136 : vector<16xi32>
        %bitcast_convert_type3A_201 = tpu.bitcast %and3A_200 : vector<16xi32> -> vector<16xf32>
        %mul3A_202 = arith.mulf %get3A_192, %bitcast_convert_type3A_199 : vector<16xf32>
        %add3A_203 = arith.addf %add3A_183, %mul3A_202 : vector<16xf32>
        %mul3A_204 = arith.mulf %get3A_192, %bitcast_convert_type3A_201 : vector<16xf32>
        %add3A_205 = arith.addf %add3A_185, %mul3A_204 : vector<16xf32>
        %mul3A_206 = arith.constant 8 : i32
        %mul3A_207 = arith.muli %mul3A_145, %mul3A_206 : i32
        %add3A_208 = arith.constant 48 : i32
        %add3A_209 = arith.addi %mul3A_207, %add3A_208 : i32
        %get3A_210 = arith.index_cast %add3A_209 : i32 to index
        %get3A_211 = tpu.vector_load %arg18[%get3A_210] {strides = array<i32>} : memref<8192xf32, #tpu.memory_space<vmem>>, vector<16xf32>,
        %get3A_212 = vector.shape_cast %get3A_211 : vector<16xf32> to vector<16xf32>
        %get3A_213 = arith.index_cast %add3A_209 : i32 to index
        %get3A_214 = tpu.vector_load %arg20[%get3A_213] {strides = array<i32>} : memref<8192xi32, #tpu.memory_space<vmem>>, vector<16xi32>,
        %get3A_215 = vector.shape_cast %get3A_214 : vector<16xi32> to vector<16xi32>
        %shift_left3A_216 = arith.constant 16 : i32
        %shift_left3A_217 = vector.broadcast %shift_left3A_216 : i32 to vector<16xi32>
        %shift_left3A_218 = arith.shli %get3A_215, %shift_left3A_217 : vector<16xi32>
        %bitcast_convert_type3A_219 = tpu.bitcast %shift_left3A_218 : vector<16xi32> -> vector<16xf32>
        %and3A_220 = arith.andi %get3A_215, %broadcast_in_dim3A_136 : vector<16xi32>
        %bitcast_convert_type3A_221 = tpu.bitcast %and3A_220 : vector<16xi32> -> vector<16xf32>
        %mul3A_222 = arith.mulf %get3A_212, %bitcast_convert_type3A_219 : vector<16xf32>
        %add3A_223 = arith.addf %add3A_203, %mul3A_222 : vector<16xf32>
        %mul3A_224 = arith.mulf %get3A_212, %bitcast_convert_type3A_221 : vector<16xf32>
        %add3A_225 = arith.addf %add3A_205, %mul3A_224 : vector<16xf32>
        %mul3A_226 = arith.constant 8 : i32
        %mul3A_227 = arith.muli %mul3A_145, %mul3A_226 : i32
        %add3A_228 = arith.constant 64 : i32
        %add3A_229 = arith.addi %mul3A_227, %add3A_228 : i32
        %get3A_230 = arith.index_cast %add3A_229 : i32 to index
        %get3A_231 = tpu.vector_load %arg18[%get3A_230] {strides = array<i32>} : memref<8192xf32, #tpu.memory_space<vmem>>, vector<16xf32>,
        %get3A_232 = vector.shape_cast %get3A_231 : vector<16xf32> to vector<16xf32>
        %get3A_233 = arith.index_cast %add3A_229 : i32 to index
        %get3A_234 = tpu.vector_load %arg20[%get3A_233] {strides = array<i32>} : memref<8192xi32, #tpu.memory_space<vmem>>, vector<16xi32>,
        %get3A_235 = vector.shape_cast %get3A_234 : vector<16xi32> to vector<16xi32>
        %shift_left3A_236 = arith.constant 16 : i32
        %shift_left3A_237 = vector.broadcast %shift_left3A_236 : i32 to vector<16xi32>
        %shift_left3A_238 = arith.shli %get3A_235, %shift_left3A_237 : vector<16xi32>
        %bitcast_convert_type3A_239 = tpu.bitcast %shift_left3A_238 : vector<16xi32> -> vector<16xf32>
        %and3A_240 = arith.andi %get3A_235, %broadcast_in_dim3A_136 : vector<16xi32>
        %bitcast_convert_type3A_241 = tpu.bitcast %and3A_240 : vector<16xi32> -> vector<16xf32>
        %mul3A_242 = arith.mulf %get3A_232, %bitcast_convert_type3A_239 : vector<16xf32>
        %add3A_243 = arith.addf %add3A_223, %mul3A_242 : vector<16xf32>
        %mul3A_244 = arith.mulf %get3A_232, %bitcast_convert_type3A_241 : vector<16xf32>
        %add3A_245 = arith.addf %add3A_225, %mul3A_244 : vector<16xf32>
        %mul3A_246 = arith.constant 8 : i32
        %mul3A_247 = arith.muli %mul3A_145, %mul3A_246 : i32
        %add3A_248 = arith.constant 80 : i32
        %add3A_249 = arith.addi %mul3A_247, %add3A_248 : i32
        %get3A_250 = arith.index_cast %add3A_249 : i32 to index
        %get3A_251 = tpu.vector_load %arg18[%get3A_250] {strides = array<i32>} : memref<8192xf32, #tpu.memory_space<vmem>>, vector<16xf32>,
        %get3A_252 = vector.shape_cast %get3A_251 : vector<16xf32> to vector<16xf32>
        %get3A_253 = arith.index_cast %add3A_249 : i32 to index
        %get3A_254 = tpu.vector_load %arg20[%get3A_253] {strides = array<i32>} : memref<8192xi32, #tpu.memory_space<vmem>>, vector<16xi32>,
        %get3A_255 = vector.shape_cast %get3A_254 : vector<16xi32> to vector<16xi32>
        %shift_left3A_256 = arith.constant 16 : i32
        %shift_left3A_257 = vector.broadcast %shift_left3A_256 : i32 to vector<16xi32>
        %shift_left3A_258 = arith.shli %get3A_255, %shift_left3A_257 : vector<16xi32>
        %bitcast_convert_type3A_259 = tpu.bitcast %shift_left3A_258 : vector<16xi32> -> vector<16xf32>
        %and3A_260 = arith.andi %get3A_255, %broadcast_in_dim3A_136 : vector<16xi32>
        %bitcast_convert_type3A_261 = tpu.bitcast %and3A_260 : vector<16xi32> -> vector<16xf32>
        %mul3A_262 = arith.mulf %get3A_252, %bitcast_convert_type3A_259 : vector<16xf32>
        %add3A_263 = arith.addf %add3A_243, %mul3A_262 : vector<16xf32>
        %mul3A_264 = arith.mulf %get3A_252, %bitcast_convert_type3A_261 : vector<16xf32>
        %add3A_265 = arith.addf %add3A_245, %mul3A_264 : vector<16xf32>
        %mul3A_266 = arith.constant 8 : i32
        %mul3A_267 = arith.muli %mul3A_145, %mul3A_266 : i32
        %add3A_268 = arith.constant 96 : i32
        %add3A_269 = arith.addi %mul3A_267, %add3A_268 : i32
        %get3A_270 = arith.index_cast %add3A_269 : i32 to index
        %get3A_271 = tpu.vector_load %arg18[%get3A_270] {strides = array<i32>} : memref<8192xf32, #tpu.memory_space<vmem>>, vector<16xf32>,
        %get3A_272 = vector.shape_cast %get3A_271 : vector<16xf32> to vector<16xf32>
        %get3A_273 = arith.index_cast %add3A_269 : i32 to index
        %get3A_274 = tpu.vector_load %arg20[%get3A_273] {strides = array<i32>} : memref<8192xi32, #tpu.memory_space<vmem>>, vector<16xi32>,
        %get3A_275 = vector.shape_cast %get3A_274 : vector<16xi32> to vector<16xi32>
        %shift_left3A_276 = arith.constant 16 : i32
        %shift_left3A_277 = vector.broadcast %shift_left3A_276 : i32 to vector<16xi32>
        %shift_left3A_278 = arith.shli %get3A_275, %shift_left3A_277 : vector<16xi32>
        %bitcast_convert_type3A_279 = tpu.bitcast %shift_left3A_278 : vector<16xi32> -> vector<16xf32>
        %and3A_280 = arith.andi %get3A_275, %broadcast_in_dim3A_136 : vector<16xi32>
        %bitcast_convert_type3A_281 = tpu.bitcast %and3A_280 : vector<16xi32> -> vector<16xf32>
        %mul3A_282 = arith.mulf %get3A_272, %bitcast_convert_type3A_279 : vector<16xf32>
        %add3A_283 = arith.addf %add3A_263, %mul3A_282 : vector<16xf32>
        %mul3A_284 = arith.mulf %get3A_272, %bitcast_convert_type3A_281 : vector<16xf32>
        %add3A_285 = arith.addf %add3A_265, %mul3A_284 : vector<16xf32>
        %mul3A_286 = arith.constant 8 : i32
        %mul3A_287 = arith.muli %mul3A_145, %mul3A_286 : i32
        %add3A_288 = arith.constant 112 : i32
        %add3A_289 = arith.addi %mul3A_287, %add3A_288 : i32
        %get3A_290 = arith.index_cast %add3A_289 : i32 to index
        %get3A_291 = tpu.vector_load %arg18[%get3A_290] {strides = array<i32>} : memref<8192xf32, #tpu.memory_space<vmem>>, vector<16xf32>,
        %get3A_292 = vector.shape_cast %get3A_291 : vector<16xf32> to vector<16xf32>
        %get3A_293 = arith.index_cast %add3A_289 : i32 to index
        %get3A_294 = tpu.vector_load %arg20[%get3A_293] {strides = array<i32>} : memref<8192xi32, #tpu.memory_space<vmem>>, vector<16xi32>,
        %get3A_295 = vector.shape_cast %get3A_294 : vector<16xi32> to vector<16xi32>
        %shift_left3A_296 = arith.constant 16 : i32
        %shift_left3A_297 = vector.broadcast %shift_left3A_296 : i32 to vector<16xi32>
        %shift_left3A_298 = arith.shli %get3A_295, %shift_left3A_297 : vector<16xi32>
        %bitcast_convert_type3A_299 = tpu.bitcast %shift_left3A_298 : vector<16xi32> -> vector<16xf32>
        %and3A_300 = arith.andi %get3A_295, %broadcast_in_dim3A_136 : vector<16xi32>
        %bitcast_convert_type3A_301 = tpu.bitcast %and3A_300 : vector<16xi32> -> vector<16xf32>
        %mul3A_302 = arith.mulf %get3A_292, %bitcast_convert_type3A_299 : vector<16xf32>
        %add3A_303 = arith.addf %add3A_283, %mul3A_302 : vector<16xf32>
        %mul3A_304 = arith.mulf %get3A_292, %bitcast_convert_type3A_301 : vector<16xf32>
        %add3A_305 = arith.addf %add3A_285, %mul3A_304 : vector<16xf32>
        %swap3A = arith.constant 30 : i32
        %swap3A_306 = arith.index_cast %swap3A : i32 to index
        %swap3A_307 = arith.index_cast %mul3A_145 : i32 to index
        %swap3A_308 = tpu.vector_load %arg21[%swap3A_306, %swap3A_307] {strides = array<i32>} : memref<32x1024xf32, #tpu.memory_space<vmem>>, vector<1x16xf32>,
        %swap3A_309 = vector.shape_cast %swap3A_308 : vector<1x16xf32> to vector<16xf32>
        %swap3A_310 = vector.shape_cast %add3A_303 : vector<16xf32> to vector<1x16xf32>
        tpu.vector_store %arg21[%swap3A_306, %swap3A_307], %swap3A_310 {strides = array<i32>} : memref<32x1024xf32, #tpu.memory_space<vmem>>, vector<1x16xf32>,
        %swap3A_311 = arith.constant 31 : i32
        %swap3A_312 = arith.index_cast %swap3A_311 : i32 to index
        %swap3A_313 = arith.index_cast %mul3A_145 : i32 to index
        %swap3A_314 = tpu.vector_load %arg21[%swap3A_312, %swap3A_313] {strides = array<i32>} : memref<32x1024xf32, #tpu.memory_space<vmem>>, vector<1x16xf32>,
        %swap3A_315 = vector.shape_cast %swap3A_314 : vector<1x16xf32> to vector<16xf32>
        %swap3A_316 = vector.shape_cast %add3A_305 : vector<16xf32> to vector<1x16xf32>
        tpu.vector_store %arg21[%swap3A_312, %swap3A_313], %swap3A_316 {strides = array<i32>} : memref<32x1024xf32, #tpu.memory_space<vmem>>, vector<1x16xf32>,
      }
      %scan3A_142 = arith.constant 16 : i32
      "tpu.region"() ({
        %run_scoped3A = tpu.sem_alloc : memref<!tpu.dma_semaphore, #tpu.memory_space<semaphore_mem>>
        %dma_start3A = arith.constant 0 : i32
        %dma_start3A_143 = tpu.memref_slice %arg11[%dma_start3A, %add3A_74] : memref<32x262144xf32, #tpu.memory_space<hbm>> -> memref<32x1024xf32, #tpu.memory_space<hbm>>
        %dma_start3A_144 = arith.constant 0 : i32
        %dma_start3A_145 = tpu.memref_slice %arg11[%dma_start3A_144, %add3A_74] : memref<32x262144xf32, #tpu.memory_space<hbm>> -> memref<32x1024xf32, #tpu.memory_space<hbm>>
        tpu.enqueue_dma source(%arg21 : memref<32x1024xf32, #tpu.memory_space<vmem>>) target(%dma_start3A_145 : memref<32x1024xf32, #tpu.memory_space<hbm>>) target_semaphore(%run_scoped3A : memref<!tpu.dma_semaphore, #tpu.memory_space<semaphore_mem>>)
        %dma_wait3A_146 = arith.constant 0 : i32
        %dma_wait3A_147 = tpu.memref_slice %arg11[%dma_wait3A_146, %add3A_74] : memref<32x262144xf32, #tpu.memory_space<hbm>> -> memref<32x1024xf32, #tpu.memory_space<hbm>>
        %dma_wait3A_148 = arith.constant 0 : i32
        %dma_wait3A_149 = tpu.memref_slice %arg11[%dma_wait3A_148, %add3A_74] : memref<32x262144xf32, #tpu.memory_space<hbm>> -> memref<32x1024xf32, #tpu.memory_space<hbm>>
        tpu.wait_dma2 semaphore(%run_scoped3A : memref<!tpu.dma_semaphore, #tpu.memory_space<semaphore_mem>>) src(%arg21 : memref<32x1024xf32, #tpu.memory_space<vmem>>) dst(%dma_wait3A_149 : memref<32x1024xf32, #tpu.memory_space<hbm>>)
        tpu.yield
      }) : () -> ()
    }
    %scan3A_70 = arith.constant 8 : i32
    return
  }
}

module attributes {stable_mosaic.version = 14 : i64} {
  func.func @_mlp_kernel(%arg0: i32, %arg1: memref<32x8192xf32, #tpu.memory_space<vmem>>, %arg2: memref<64x32xf32, #tpu.memory_space<vmem>>, %arg3: memref<64x1xf32, #tpu.memory_space<vmem>>, %arg4: memref<64x1xf32, #tpu.memory_space<vmem>>, %arg5: memref<1x1xf32, #tpu.memory_space<vmem>>, %arg6: memref<1x8192xf32, #tpu.memory_space<vmem>>) attributes {dimension_semantics = [#tpu.dimension_semantics<arbitrary>], iteration_bounds = array<i64: 32>, scalar_prefetch = 0 : i64, scratch_operands = 0 : i64, tpu.core_type = #tpu.core_type<tc>, window_params = [{transform_indices = @transform_0, window_bounds = array<i64: 32, 8192>}, {pipeline_mode = #tpu.pipeline_mode<synchronous>, transform_indices = @transform_1, window_bounds = array<i64: 64, 32>}, {pipeline_mode = #tpu.pipeline_mode<synchronous>, transform_indices = @transform_2, window_bounds = array<i64: 64, 1>}, {pipeline_mode = #tpu.pipeline_mode<synchronous>, transform_indices = @transform_3, window_bounds = array<i64: 64, 1>}, {pipeline_mode = #tpu.pipeline_mode<synchronous>, transform_indices = @transform_4, window_bounds = array<i64: 1, 1>}, {transform_indices = @transform_5, window_bounds = array<i64: 1, 8192>}]} {
    %get3A = arith.constant 0 : index
    %get3A_0 = arith.constant 0 : index
    %get3A_1 = vector.load %arg1[%get3A, %get3A_0] : memref<32x8192xf32, #tpu.memory_space<vmem>>, vector<32x8192xf32>
    %get3A_2 = arith.constant 0 : index
    %get3A_3 = arith.constant 0 : index
    %get3A_4 = vector.load %arg2[%get3A_2, %get3A_3] : memref<64x32xf32, #tpu.memory_space<vmem>>, vector<64x32xf32>
    %dot_general3A = arith.constant dense<0.000000e+00> : vector<64x8192xf32>
    %dot_general3A_5 = tpu.matmul %get3A_4, %get3A_1, %dot_general3A {dimension_numbers = #tpu.dot_dimension_numbers<[1], [0], [0], [1], [0, 0, 1, 1], [], []>, precision = #tpu.contract_precision<fp32>, transpose_lhs_hint = false} : vector<64x32xf32>, vector<32x8192xf32>, vector<64x8192xf32> -> vector<64x8192xf32>
    %get3A_6 = arith.constant 0 : index
    %get3A_7 = arith.constant 0 : index
    %get3A_8 = vector.load %arg3[%get3A_6, %get3A_7] : memref<64x1xf32, #tpu.memory_space<vmem>>, vector<64x1xf32>
    %add3A = vector.broadcast %get3A_8 : vector<64x1xf32> to vector<64x8192xf32>
    %add3A_9 = arith.addf %dot_general3A_5, %add3A : vector<64x8192xf32>
    %max3A = arith.constant 0.000000e+00 : f32
    %max3A_10 = vector.broadcast %max3A : f32 to vector<64x8192xf32>
    %max3A_11 = arith.maximumf %add3A_9, %max3A_10 : vector<64x8192xf32>
    %get3A_12 = arith.constant 0 : index
    %get3A_13 = arith.constant 0 : index
    %get3A_14 = vector.load %arg4[%get3A_12, %get3A_13] : memref<64x1xf32, #tpu.memory_space<vmem>>, vector<64x1xf32>
    %mul3A = vector.broadcast %get3A_14 : vector<64x1xf32> to vector<64x8192xf32>
    %mul3A_15 = arith.mulf %max3A_11, %mul3A : vector<64x8192xf32>
    %reduce_sum3A = arith.constant dense<0.000000e+00> : vector<8192xf32>
    %reduce_sum3A_16 = vector.multi_reduction <add>, %mul3A_15, %reduce_sum3A [0] : vector<64x8192xf32> to vector<8192xf32>
    %broadcast_in_dim3A = vector.shape_cast %reduce_sum3A_16 : vector<8192xf32> to vector<1x8192xf32>
    %get3A_17 = arith.constant 0 : index
    %get3A_18 = arith.constant 0 : index
    %get3A_19 = vector.load %arg5[%get3A_17, %get3A_18] : memref<1x1xf32, #tpu.memory_space<vmem>>, vector<1x1xf32>
    %add3A_20 = vector.broadcast %get3A_19 : vector<1x1xf32> to vector<1x8192xf32>
    %add3A_21 = arith.addf %broadcast_in_dim3A, %add3A_20 : vector<1x8192xf32>
    %neg3A = arith.constant 0.000000e+00 : f32
    %neg3A_22 = vector.broadcast %neg3A : f32 to vector<1x8192xf32>
    %neg3A_23 = arith.subf %neg3A_22, %add3A_21 : vector<1x8192xf32>
    %exp3A = math.exp %neg3A_23 : vector<1x8192xf32>
    %add3A_24 = arith.constant 1.000000e+00 : f32
    %add3A_25 = vector.broadcast %add3A_24 : f32 to vector<1x8192xf32>
    %add3A_26 = arith.addf %add3A_25, %exp3A : vector<1x8192xf32>
    %div3A = arith.constant 1.000000e+00 : f32
    %div3A_27 = vector.broadcast %div3A : f32 to vector<1x8192xf32>
    %div3A_28 = arith.divf %div3A_27, %add3A_26 : vector<1x8192xf32>
    %swap3A = arith.constant 0 : index
    %swap3A_29 = arith.constant 0 : index
    %swap3A_30 = vector.load %arg6[%swap3A, %swap3A_29] : memref<1x8192xf32, #tpu.memory_space<vmem>>, vector<1x8192xf32>
    tpu.vector_store %arg6[%swap3A, %swap3A_29], %div3A_28 {strides = array<i32>} : memref<1x8192xf32, #tpu.memory_space<vmem>>, vector<1x8192xf32>,
    return
  }
  func.func @transform_0(%arg0: i32) -> (i32, i32) {
    %c0_i32 = arith.constant 0 : i32
    %c0_i32_0 = arith.constant 0 : i32
    return %c0_i32, %arg0 : i32, i32
  }
  func.func @transform_1(%arg0: i32) -> (i32, i32) {
    %c0_i32 = arith.constant 0 : i32
    %c0_i32_0 = arith.constant 0 : i32
    %c0_i32_1 = arith.constant 0 : i32
    return %c0_i32, %c0_i32_0 : i32, i32
  }
  func.func @transform_2(%arg0: i32) -> (i32, i32) {
    %c0_i32 = arith.constant 0 : i32
    %c0_i32_0 = arith.constant 0 : i32
    %c0_i32_1 = arith.constant 0 : i32
    return %c0_i32, %c0_i32_0 : i32, i32
  }
  func.func @transform_3(%arg0: i32) -> (i32, i32) {
    %c0_i32 = arith.constant 0 : i32
    %c0_i32_0 = arith.constant 0 : i32
    %c0_i32_1 = arith.constant 0 : i32
    return %c0_i32, %c0_i32_0 : i32, i32
  }
  func.func @transform_4(%arg0: i32) -> (i32, i32) {
    %c0_i32 = arith.constant 0 : i32
    %c0_i32_0 = arith.constant 0 : i32
    %c0_i32_1 = arith.constant 0 : i32
    return %c0_i32, %c0_i32_0 : i32, i32
  }
  func.func @transform_5(%arg0: i32) -> (i32, i32) {
    %c0_i32 = arith.constant 0 : i32
    %c0_i32_0 = arith.constant 0 : i32
    return %c0_i32, %arg0 : i32, i32
  }
}

</mosaic_0001>

<sc_bundles>
// kernel: kernel.5.cloned.1.call-start
scs
__scs_entry_jumppad:
0x0: {  	(pc) =	sbr.rel $0x88, $3  }
0x1: {  	(tag) =	ssettag $0x0;
	lr =	simm.s32 $0x1  }
0x2: {  	[smem:$0x3F9B] =	sst lr;
	_ =	strace $0xD0000000  }
0x3: {  	_ = 	snop  }
0x4: {  	_ = 	snop  }
0x5: {  	_ = 	snop  }
0x6: {  	_ = 	snop  }
0x7: {  	_ = 	snop  }
__scs_overlays_trampoline_lowered:
0x8: {  	[smem:$0x3FAA] =	sst s0  }
0x9: {  	[smem:$0x3FAB] =	sst s1  }
0xa: {  	[smem:$0x3FAC] =	sst s2  }
0xb: {  	[smem:$0x3FAD] =	sst s3  }
0xc: {  	[smem:$0x3FAE] =	sst s4  }
0xd: {  	[smem:$0x3FAF] =	sst s5  }
0xe: {  	[smem:$0x3FB0] =	sst s6  }
0xf: {  	[smem:$0x3FB1] =	sst s7  }
0x10: {  	[smem:$0x3FB2] =	sst s8  }
0x11: {  	[smem:$0x3FB3] =	sst s9;
	s0 =	simm.s32 @!p0 $0x0  }
0x12: {  	s1 =	sld [smem:$0x3F99];
	s0 =	simm.s32 @p0 $0x1  }
0x13: {  	[smem:$0x3FB4] =	sst s0;
	s0 =	simm.s32 @!p1 $0x0  }
0x14: {  	s2 =	sld [smem:$0x3F98];
	s0 =	simm.s32 @p1 $0x1  }
0x15: {  	[smem:$0x3FB5] =	sst s0;
	s0 =	simm.s32 @!p2 $0x0  }
0x16: {  	s3 =	sld [smem:$0x3FDB];
	s0 =	simm.s32 @p2 $0x1  }
0x17: {  	s4 =	simm.s32 $0x1BF5;
	[smem:$0x3FB7] =	sst s0  }
0x18: {  	s0 =	sld [smem:$0x3F9A];
	_ =	swait.ge [sflag:s4], $0x0  }
0x19: {  	s7 =	sld [smem:$0x3F9B]  }
0x1a: {  	s8 =	sadd.s32 $0xFFFFE003, lr  }
0x1b: {  	s9 =	sadd.s32 $0xFFFFFEF7, lr;
	s5 =	simm.s32 $0xFFFFFFFF;
	p2 =	slt.u32 s8, $0xFFFFF086  }
0x1c: {  	p1 =	slt.u32 s9, $0xF7A;
	s5 =	simm.s32 @!p2 $0x0  }
0x1d: {  	s5 =	simm.s32 @p1 $0x1;
	p0 =	seq.s32 s7, s2  }
0x1e: {  	s7 =	smul.u32 @!p0 $0xF7A, s2;
	p2 =	seq.s32 @!p0 s5, $0x0  }
0x1f: {  	s9 =	smul.u32 $0xF7A, s1;
	s8 =	simm.s32 @!p0 $0x1BF5;
	p2 =	por !p2, p0  }
0x20: {  	[sflag:s8] =	ssyncset.s32 @!p0 $0xFFFFF086;
	s6 =	sadd.s32 @!p0 s3, s7;
	s7 =	simm.s32 @!p0 $0x108  }
0x21: {  	s3 =	sadd.s32 s3, s9;
	s6 =	sadd.s32 @!p0 $0x88, s6;
	s7 =	simm.s32 @p2 $0x1082  }
0x22: {  	[simem:s7], [sflag:s8] =	dma.local @!p0 [hbm:s6], $0xF7A  }
0x23: {  	s9 =	sor.u32 $0xD0000000, s2;
	s6 =	simm.s32 $0x108;
	_ =	swait.ge @!p0 [sflag:s8], $0x0  }
0x24: {  	s3 =	sadd.s32 $0x88, s3;
	s6 =	simm.s32 @!p1 $0x1082;
	[sflag:s4] =	ssyncset.s32 $0xFFFFF086  }
0x25: {  	[simem:s6], [sflag:s4] =	dma.local [hbm:s3], $0xF7A  }
0x26: {  	[smem:$0x3F9B] =	sst s1;
	(tag) =	ssettag s2;
	_ =	strace s9  }
0x27: {  	s1 =	sld [smem:$0x3FAB]  }
0x28: {  	s2 =	sld [smem:$0x3FAC]  }
0x29: {  	s4 =	sld [smem:$0x3FAE]  }
0x2a: {  	p0 =	seq.s32 s5, $0x0;
	s5 =	sld [smem:$0x3FAF]  }
0x2b: {  	s6 =	sld [smem:$0x3FB0]  }
0x2c: {  	s7 =	sld [smem:$0x3FB1]  }
0x2d: {  	s3 =	simm.s32 $0x108;
	s8 =	sld [smem:$0x3FB2]  }
0x2e: {  	s3 =	simm.s32 @!p0 $0x1082;
	s9 =	sld [smem:$0x3FB3]  }
0x2f: {  	lr =	sadd.s32 s0, s3;
	s0 =	sld [smem:$0x3FAA]  }
0x30: {  	s3 =	sld [smem:$0x3FAD]  }
0x31: {  	[smem:$0x3FB6] =	sst s10  }
0x32: {  	s10 =	sld [smem:$0x3FB4];
	_ =	sdelay $0x3  }
0x33: {  	p0 =	seq.s32 s10, $0x1;
	s10 =	sld [smem:$0x3FB6];
	_ =	sdelay $0x3  }
0x34: {  	[smem:$0x3FB6] =	sst s10  }
0x35: {  	s10 =	sld [smem:$0x3FB5];
	_ =	sdelay $0x3  }
0x36: {  	p1 =	seq.s32 s10, $0x1;
	s10 =	sld [smem:$0x3FB6];
	_ =	sdelay $0x3  }
0x37: {  	[smem:$0x3FB6] =	sst s10  }
0x38: {  	s10 =	sld [smem:$0x3FB7]  }
0x39: {  	_ = 	snop;
	(pc) =	sbr.ind lr, $3  }
0x3a: {  	_ = 	snop  }
0x3b: {  	_ = 	snop  }
0x3c: {  	p2 =	seq.s32 s10, $0x1;
	s10 =	sld [smem:$0x3FB6]  }
0x3d: {  	_ =	shalt  }
0x3e: {  	_ =	shalt  }
0x3f: {  	_ =	shalt  }
0x40: {  	_ =	shalt  }
0x41: {  	_ =	shalt  }
0x42: {  	_ =	shalt  }
0x43: {  	_ =	shalt  }
0x44: {  	_ =	shalt  }
0x45: {  	_ =	shalt  }
0x46: {  	_ =	shalt  }
0x47: {  	_ =	shalt  }
0x48: {  	_ =	shalt  }
0x49: {  	_ =	shalt  }
0x4a: {  	_ =	shalt  }
0x4b: {  	_ =	shalt  }
0x4c: {  	_ =	shalt  }
0x4d: {  	_ =	shalt  }
0x4e: {  	_ =	shalt  }
0x4f: {  	_ =	shalt  }
0x50: {  	_ =	shalt  }
0x51: {  	_ =	shalt  }
0x52: {  	_ =	shalt  }
0x53: {  	_ =	shalt  }
0x54: {  	_ =	shalt  }
0x55: {  	_ =	shalt  }
0x56: {  	_ =	shalt  }
0x57: {  	_ =	shalt  }
0x58: {  	_ =	shalt  }
0x59: {  	_ =	shalt  }
0x5a: {  	_ =	shalt  }
0x5b: {  	_ =	shalt  }
0x5c: {  	_ =	shalt  }
0x5d: {  	_ =	shalt  }
0x5e: {  	_ =	shalt  }
0x5f: {  	_ =	shalt  }
0x60: {  	_ =	shalt  }
0x61: {  	_ =	shalt  }
0x62: {  	_ =	shalt  }
0x63: {  	_ =	shalt  }
0x64: {  	_ =	shalt  }
0x65: {  	_ =	shalt  }
0x66: {  	_ =	shalt  }
0x67: {  	_ =	shalt  }
0x68: {  	_ =	shalt  }
0x69: {  	_ =	shalt  }
0x6a: {  	_ =	shalt  }
0x6b: {  	_ =	shalt  }
0x6c: {  	_ =	shalt  }
0x6d: {  	_ =	shalt  }
0x6e: {  	_ =	shalt  }
0x6f: {  	_ =	shalt  }
0x70: {  	_ =	shalt  }
0x71: {  	_ =	shalt  }
0x72: {  	_ =	shalt  }
0x73: {  	_ =	shalt  }
0x74: {  	_ =	shalt  }
0x75: {  	_ =	shalt  }
0x76: {  	_ =	shalt  }
0x77: {  	_ =	shalt  }
0x78: {  	_ =	shalt  }
0x79: {  	_ =	shalt  }
0x7a: {  	_ =	shalt  }
0x7b: {  	_ =	shalt  }
0x7c: {  	_ =	shalt  }
0x7d: {  	_ =	shalt  }
0x7e: {  	_ =	shalt  }
0x7f: {  	_ =	shalt  }
0x80: {  	_ =	shalt  }
0x81: {  	_ =	shalt  }
0x82: {  	_ =	shalt  }
0x83: {  	_ =	shalt  }
0x84: {  	_ =	shalt  }
0x85: {  	_ =	shalt  }
0x86: {  	_ =	shalt  }
0x87: {  	_ =	shalt  }
.Lfunc_end0:
.L_simem_size_0:
called_computation_lowered:
.L_overlay_start_0:
0x88: {  	s2 =	sld [smem:$0x3FD9]  }
0x89: {  	s3 =	sld [smem:$0x3FFE];
	_ =	sdelay $0x1  }
0x8a: {  	s1 =	srdreg.scid  }
0x8b: {  	s0 =	sand.u32 $0x1, s1  }
0x8c: {  	s17 =	sshll.u32 s0, $0xA;
	s2 =	sadd.s32 s3, s2  }
0x8d: {  	s2 =	sadd.s32 s2, s17  }
0x8e: {  	[smem:$0x3FC2] =	sst s2  }
0x8f: {  	_ = 	snop  }
0x90: {  	s2 =	sld [smem:$0x3FC8];
	(tm) =	ssettm $0x1  }
0x91: {  	s18 =	sld [smem:$0x3FFB];
	_ =	sdelay $0x3  }
0x92: {  	_ =	strace s18  }
0x93: {  	s3 =	sld [smem:$0x3FFC];
	_ =	sdelay $0x3  }
0x94: {  	_ =	strace s3  }
0x95: {  	s3 =	sld [smem:$0x3FFD];
	_ =	sdelay $0x3  }
0x96: {  	_ =	strace s3  }
0x97: {  	_ =	strace $0x8FFFFFFF  }
0x98: {  	s19 =	sld [smem:$0x3FDB];
	_ =	sdelay $0x1  }
0x99: {  	s4 =	simm.s32 $_scs_section_size  }
0x9a: {  	s5 =	simm.s32 $_size__tile_overlayer_lowered;
	s6 =	simm.s32 $_tile_overlayer_lowered  }
0x9b: {  	s22 =	simm.s32 $0x1BFF;
	s21 =	sshll.u32 s6, $0x1;
	s3 =	sadd.s32 s4, s19  }
0x9c: {  	s7 =	simm.s32 $0x0;
	s20 =	sshll.u32 s5, $0x1;
	s5 =	sadd.s32 s21, s3  }
0x9d: {  	[timem:s7], [sflag:s22] =	dma.local [hbm:s5], s20  }
0x9e: {  	_ =	swait.ge [sflag:s22], s20  }
0x9f: {  	s4 =	ssub.s32 $0x0, s20;
	[sflag:s22] =	ssyncset.done $0x0  }
0xa0: {  	[sflag:s22] =	ssyncadd.s32 s4;
	_ =	sdelay $0x1  }
0xa1: {  	s23 =	simm.s32 $0x1B8B  }
0xa2: {  	_ =	swait.ge [sflag:s23], $0x1  }
0xa3: {  	[sflag:s23] =	ssyncset.done $0x0  }
0xa4: {  	s25 =	simm.s32 $0x1B8E;
	s24 =	sld [smem:$0x3FFE];
	[sflag:s23] =	ssyncadd.s32 $0xFFFFFFFF  }
0xa5: {  	s26 =	simm.s32 $execute0_lowered;
	[smem:$0x3FD2] =	sst s25  }
0xa6: {  	s5 =	sshll.u32 s26, $0x1;
	_ =	strace $0x80000046;
	[dreg:$0x1] =	wrdreg $0xFFFFFFFF  }
0xa7: {  	s28 =	simm.s32 $_size_execute0_lowered;
	s3 =	sadd.s32 s3, s5;
	[dreg:$0x0] =	wrdreg $0x0  }
0xa8: {  	s5 =	sshll.u32 s28, $0x1;
	[dreg:$0x2] =	wrdreg s3  }
0xa9: {  	[dreg:$0x3] =	wrdreg s5  }
0xaa: {  	[dreg:$0x4] =	wrdreg $0xC0  }
0xab: {  	_ =	task [dreg:s7], $0x5FFFF  }
0xac: {  	[dreg:$0x1] =	wrdreg $0xFFFFFFFF  }
0xad: {  	[dreg:$0x0] =	wrdreg $0x60  }
0xae: {  	[dreg:$0x2] =	wrdreg s2  }
0xaf: {  	[dreg:$0x3] =	wrdreg s24  }
0xb0: {  	[dreg:$0x4] =	wrdreg $0x9  }
0xb1: {  	_ =	task.clear_ibuf [dreg:s7], $0x5FFFF;
	_ =	strace $0x90000046  }
0xb2: {  	s29 =	simm.s32 $0x9;
	_ =	strace $0x80000048  }
0xb3: {  	_ =	swait.ge [sflag:s29], $0x1  }
0xb4: {  	[sflag:s29] =	ssyncadd.s32 $0xFFFFFFFF  }
0xb5: {  	_ =	strace $0x90000048  }
0xb6: {  	_ =	sfence  }
0xb7: {  	s30 =	sld [smem:$0x0];
	_ =	sdelay $0x2  }
0xb8: {  	s31 =	sshll.u32 s1, $0xD;
	s1 =	sshrl.u32 s1, $0x2  }
0xb9: {  	s3 =	sand.u32 $0x4000, s31;
	s1 =	sadd.s32 s1, s30  }
0xba: {  	s0 =	sor.u32 s3, s0;
	s1 =	sshll.u32 s1, $0x11  }
0xbb: {  	s0 =	sor.u32 s1, s0  }
0xbc: {  	s0 =	sadd.s32 $0x8F2B, s0  }
0xbd: {  	[sflag:s0] =	ssyncadd.remote.s32 $0x1  }
0xbe: {  	_ =	sfence.sel $0xFFFF  }
0xbf: {  	[dreg:$0x0] =	wrdreg $0xFFFFFFFF;
	(pc) =	sbr.abs _section_cstart, $3  }
0xc0: {  	[dreg:$0x1] =	wrdreg $0xFFFFFFFF  }
0xc1: {  	_ =	task.clear_ibuf [dreg:s7], $0x2FFFF;
	_ =	strace $0x9FFFFFFF  }
0xc2: {  	(tm) =	ssettm $0x7FFFFFFF  }
0xc3: {  	_ =	shalt  }
tec
execute0_lowered:
.L_overlay_start_1:
0x0: {  	(tag) =	ssettag $0x1  }
0x1: {  	s1 =	rddreg [dreg:$0x0]  }
0x2: {  	s4 =	rddreg [dreg:$0x1]  }
0x3: {  	s3 =	srdreg.scid;
	s0 =	rddreg [dreg:$0x2];
	s2 =	simm.s32 $0x0  }
0x4: {  	s8 =	simm.s32 $0x4000;
	s9 =	simm.s32 $0x0;
	s5 =	sand.u32 $0x1, s3  }
0x5: {  	[smem:$0x7FF] =	sst s2;
	s3 =	stileid.u32;
	s6 =	ssub.s32 $0x2, s5  }
0x6: {  	s4 =	sadd.s32 $0x1800, s4;
	_ =	strace $0x80000047;
	s7 =	sshrl.u32 s6, $0x1  }
0x7: {  	s31 =	sshll.u32 s3, $0xC;
	s5 =	sshll.u32 s5, $0xB;
	s6 =	ssub.s32 s6, s7  }
0x8: {  	s5 =	sor.u32 s5, s31;
	s7 =	simm.s32 $0x1;
	s6 =	smax.u32 s6, $0x1  }
.LBB2_1:
0x9: {  	s10 =	simm.s32 $0x0  }
.LBB2_2:
0xa: {  	s11 =	sshll.u32 s10, $0x6  }
0xb: {  	s11 =	sadd.s32 s5, s11  }
0xc: {  	s12 =	sshll.u32 s11, $0x5  }
0xd: {  	s13 =	simm.s32 $0x0;
	s12 =	sadd.s32 s1, s12  }
0xe: {  	[tilespmem:s13], [sflag:$0x1] =	stream.linear.gather [hbm4b:s12+s13], $0x4000, $0x38;
	[tilespmem:$0x6000] =	vst v63  }
0xf: {  	_ =	swait.ge [sflag:s7], $0x4000  }
0x10: {  	s31 =	sand.u32 $0x3F00, s13;
	s13 =	sand.u32 $0x70, s13;
	[sflag:s7] =	ssyncset.done $0x0  }
0x11: {  	s12 =	sor.u32 s13, s31;
	[sflag:s7] =	ssyncadd.s32 $0xFFFFC000  }
0x12: {  	v0 =	vld [tilespmem:s12+$0x0]  }
0x13: {  	v1 =	vld [tilespmem:s12+$0x80];
	_ =	sdelay $0x4  }
0x14: {  	v2 =	vshrl.u32 v0, $0x10;
	v3 =	vshrl.u32 v1, $0x10  }
0x15: {  	v2 =	vand.u32 $0x1, v2;
	v3 =	vand.u32 $0x1, v3  }
0x16: {  	v0 =	vadd.s32 v2, v0;
	v1 =	vadd.s32 v3, v1  }
0x17: {  	v0 =	vadd.s32 $0x7FFF, v0;
	v1 =	vadd.s32 $0x7FFF, v1  }
0x18: {  	s14 =	simm.s32 $0x20;
	s13 =	simm.s32 $0x10;
	v0 =	vshrl.u32 v0, $0x10;
	v1 =	vand.u32 $0xFFFF0000, v1  }
0x19: {  	s14 =	sand.u32 $0x3F00, s14;
	s15 =	sand.u32 $0x70, s13;
	s12 =	simm.s32 $0x4000;
	v0 =	vor.u32 v0, v1  }
0x1a: {  	s15 =	sor.u32 s15, s14;
	s14 =	simm.s32 $0x40;
	[tilespmem:s12+$0x0] =	vst v0  }
.LBB2_3:
0x1b: {  	p0 =	sne.s32 s14, $0x3FE0;
	v0 =	vld [tilespmem:s15+$0x0]  }
0x1c: {  	v1 =	vld [tilespmem:s15+$0x80];
	_ =	sdelay $0x4  }
0x1d: {  	v2 =	vshrl.u32 v0, $0x10;
	v3 =	vshrl.u32 v1, $0x10  }
0x1e: {  	v2 =	vand.u32 $0x1, v2;
	v3 =	vand.u32 $0x1, v3  }
.Ltmp0:
0x1f: {  	v0 =	vadd.s32 v2, v0;
	v1 =	vadd.s32 v3, v1;
	(pc) =	sbr.rel @p0 .LBB2_3-.Ltmp0, $4  }
0x20: {  	v0 =	vadd.s32 $0x7FFF, v0;
	v1 =	vadd.s32 $0x7FFF, v1  }
0x21: {  	s13 =	sadd.s32 $0x10, s13;
	v0 =	vshrl.u32 v0, $0x10;
	v1 =	vand.u32 $0xFFFF0000, v1  }
0x22: {  	s12 =	sadd.s32 $0x10, s12;
	s15 =	sand.u32 $0x3F00, s14;
	s16 =	sand.u32 $0x70, s13;
	v0 =	vor.u32 v0, v1  }
0x23: {  	s14 =	sadd.s32 $0x20, s14;
	s15 =	sor.u32 s16, s15;
	[tilespmem:s12+$0x0] =	vst v0  }
0x24: {  	v0 =	vld [tilespmem:s15+$0x0]  }
0x25: {  	v1 =	vld [tilespmem:s15+$0x80];
	_ =	sdelay $0x4  }
0x26: {  	v2 =	vshrl.u32 v0, $0x10;
	v3 =	vshrl.u32 v1, $0x10  }
0x27: {  	v2 =	vand.u32 $0x1, v2;
	v3 =	vand.u32 $0x1, v3  }
0x28: {  	v0 =	vadd.s32 v2, v0;
	v1 =	vadd.s32 v3, v1  }
0x29: {  	v0 =	vadd.s32 $0x7FFF, v0;
	v1 =	vadd.s32 $0x7FFF, v1  }
0x2a: {  	s10 =	sadd.s32 $0x1, s10;
	v0 =	vshrl.u32 v0, $0x10;
	v1 =	vand.u32 $0xFFFF0000, v1  }
0x2b: {  	s12 =	sadd.s32 $0x10, s12;
	s11 =	sshll.u32 s11, $0x4;
	p0 =	sne.s32 s10, $0x20;
	v0 =	vor.u32 v0, v1  }
.Ltmp1:
0x2c: {  	s11 =	sadd.s32 s4, s11;
	[tilespmem:s12+$0x0] =	vst v0;
	(pc) =	sbr.rel @p0 .LBB2_2-.Ltmp1, $4  }
0x2d: {  	[hbm4b:s11+s2] =	stream.linear.scatter [tilespmem:s8], [sflag:$0x1], $0x2000, $0x38;
	[tilespmem:$0x6000] =	vst v63  }
0x2e: {  	_ =	swait.ge [sflag:s7], $0x2000  }
0x2f: {  	[sflag:s7] =	ssyncset.done $0x0  }
0x30: {  	[sflag:s7] =	ssyncadd.s32 $0xFFFFE000  }
0x31: {  	s9 =	sadd.s32 $0x1, s9  }
0x32: {  	p0 =	sne.s32 s9, s6  }
.Ltmp2:
0x33: {  	_ = 	snop;
	(pc) =	sbr.rel @p0 .LBB2_1-.Ltmp2, $1  }
0x34: {  	_ =	sdelay $0x3  }
0x35: {  	_ =	sfence.sel $0x180000  }
0x36: {  	[bflag:$0x0] =	sbarrier.arrive $0xFFFF  }
0x37: {  	p0 =	sne.s32 s3, $0x0;
	_ =	strace $0x90000047  }
0x38: {  	s0 =	sadd.s32 @!p0 $0x100000, s0;
	[bflag:$0x2] =	sbarrier.arrive $0xFFFF  }
0x39: {  	[sflag:s0] =	ssyncadd.tile.s32 @!p0 $0x1;
	_ =	shalt  }
.Lfunc_end2:
_tile_overlayer_lowered:
.L_overlay_start_2:
0x3a: {  	(tag) =	ssettag $0x2  }
0x3b: {  	s0 =	rddreg [dreg:$0x0];
	s2 =	stileid.u32  }
0x3c: {  	s1 =	rddreg [dreg:$0x1];
	p0 =	sne.s32 s2, $0x0  }
0x3d: {  	s3 =	rddreg [dreg:$0x2];
	[bflag:$0x3] =	sbarrier.arrive $0xFFFF;
	s2 =	simm.s32 @!p0 $0x1C01  }
0x3e: {  	[timem:s3], [sflag:s2] =	dma.local @!p0 [hbm:s0], s1  }
0x3f: {  	s0 =	simm.s32 @!p0 $0x1  }
0x40: {  	_ =	swait.ge @!p0 [sflag:s0], s1  }
0x41: {  	s1 =	ssub.s32 @!p0 $0x0, s1;
	[sflag:s0] =	ssyncset.done @!p0 $0x0  }
0x42: {  	[sflag:s0] =	ssyncadd.s32 @!p0 s1  }
0x43: {  	[bflag:$0x3] =	sbarrier.arrive $0xFFFF  }
0x44: {  	_ =	shalt  }

// kernel: kernel.8.cloned.1.call-start
scs
__scs_entry_jumppad:
0x0: {  	(pc) =	sbr.rel $0x88, $3  }
0x1: {  	(tag) =	ssettag $0x0;
	lr =	simm.s32 $0x1  }
0x2: {  	[smem:$0x3F9B] =	sst lr;
	_ =	strace $0xD0000000  }
0x3: {  	_ = 	snop  }
0x4: {  	_ = 	snop  }
0x5: {  	_ = 	snop  }
0x6: {  	_ = 	snop  }
0x7: {  	_ = 	snop  }
__scs_overlays_trampoline_lowered:
0x8: {  	[smem:$0x3FAA] =	sst s0  }
0x9: {  	[smem:$0x3FAB] =	sst s1  }
0xa: {  	[smem:$0x3FAC] =	sst s2  }
0xb: {  	[smem:$0x3FAD] =	sst s3  }
0xc: {  	[smem:$0x3FAE] =	sst s4  }
0xd: {  	[smem:$0x3FAF] =	sst s5  }
0xe: {  	[smem:$0x3FB0] =	sst s6  }
0xf: {  	[smem:$0x3FB1] =	sst s7  }
0x10: {  	[smem:$0x3FB2] =	sst s8  }
0x11: {  	[smem:$0x3FB3] =	sst s9;
	s0 =	simm.s32 @!p0 $0x0  }
0x12: {  	s1 =	sld [smem:$0x3F99];
	s0 =	simm.s32 @p0 $0x1  }
0x13: {  	[smem:$0x3FB4] =	sst s0;
	s0 =	simm.s32 @!p1 $0x0  }
0x14: {  	s2 =	sld [smem:$0x3F98];
	s0 =	simm.s32 @p1 $0x1  }
0x15: {  	[smem:$0x3FB5] =	sst s0;
	s0 =	simm.s32 @!p2 $0x0  }
0x16: {  	s3 =	sld [smem:$0x3FDB];
	s0 =	simm.s32 @p2 $0x1  }
0x17: {  	s4 =	simm.s32 $0x1BF5;
	[smem:$0x3FB7] =	sst s0  }
0x18: {  	s0 =	sld [smem:$0x3F9A];
	_ =	swait.ge [sflag:s4], $0x0  }
0x19: {  	s7 =	sld [smem:$0x3F9B]  }
0x1a: {  	s8 =	sadd.s32 $0xFFFFE003, lr  }
0x1b: {  	s9 =	sadd.s32 $0xFFFFFEF7, lr;
	s5 =	simm.s32 $0xFFFFFFFF;
	p2 =	slt.u32 s8, $0xFFFFF086  }
0x1c: {  	p1 =	slt.u32 s9, $0xF7A;
	s5 =	simm.s32 @!p2 $0x0  }
0x1d: {  	s5 =	simm.s32 @p1 $0x1;
	p0 =	seq.s32 s7, s2  }
0x1e: {  	s7 =	smul.u32 @!p0 $0xF7A, s2;
	p2 =	seq.s32 @!p0 s5, $0x0  }
0x1f: {  	s9 =	smul.u32 $0xF7A, s1;
	s8 =	simm.s32 @!p0 $0x1BF5;
	p2 =	por !p2, p0  }
0x20: {  	[sflag:s8] =	ssyncset.s32 @!p0 $0xFFFFF086;
	s6 =	sadd.s32 @!p0 s3, s7;
	s7 =	simm.s32 @!p0 $0x108  }
0x21: {  	s3 =	sadd.s32 s3, s9;
	s6 =	sadd.s32 @!p0 $0x88, s6;
	s7 =	simm.s32 @p2 $0x1082  }
0x22: {  	[simem:s7], [sflag:s8] =	dma.local @!p0 [hbm:s6], $0xF7A  }
0x23: {  	s9 =	sor.u32 $0xD0000000, s2;
	s6 =	simm.s32 $0x108;
	_ =	swait.ge @!p0 [sflag:s8], $0x0  }
0x24: {  	s3 =	sadd.s32 $0x88, s3;
	s6 =	simm.s32 @!p1 $0x1082;
	[sflag:s4] =	ssyncset.s32 $0xFFFFF086  }
0x25: {  	[simem:s6], [sflag:s4] =	dma.local [hbm:s3], $0xF7A  }
0x26: {  	[smem:$0x3F9B] =	sst s1;
	(tag) =	ssettag s2;
	_ =	strace s9  }
0x27: {  	s1 =	sld [smem:$0x3FAB]  }
0x28: {  	s2 =	sld [smem:$0x3FAC]  }
0x29: {  	s4 =	sld [smem:$0x3FAE]  }
0x2a: {  	p0 =	seq.s32 s5, $0x0;
	s5 =	sld [smem:$0x3FAF]  }
0x2b: {  	s6 =	sld [smem:$0x3FB0]  }
0x2c: {  	s7 =	sld [smem:$0x3FB1]  }
0x2d: {  	s3 =	simm.s32 $0x108;
	s8 =	sld [smem:$0x3FB2]  }
0x2e: {  	s3 =	simm.s32 @!p0 $0x1082;
	s9 =	sld [smem:$0x3FB3]  }
0x2f: {  	lr =	sadd.s32 s0, s3;
	s0 =	sld [smem:$0x3FAA]  }
0x30: {  	s3 =	sld [smem:$0x3FAD]  }
0x31: {  	[smem:$0x3FB6] =	sst s10  }
0x32: {  	s10 =	sld [smem:$0x3FB4];
	_ =	sdelay $0x3  }
0x33: {  	p0 =	seq.s32 s10, $0x1;
	s10 =	sld [smem:$0x3FB6];
	_ =	sdelay $0x3  }
0x34: {  	[smem:$0x3FB6] =	sst s10  }
0x35: {  	s10 =	sld [smem:$0x3FB5];
	_ =	sdelay $0x3  }
0x36: {  	p1 =	seq.s32 s10, $0x1;
	s10 =	sld [smem:$0x3FB6];
	_ =	sdelay $0x3  }
0x37: {  	[smem:$0x3FB6] =	sst s10  }
0x38: {  	s10 =	sld [smem:$0x3FB7]  }
0x39: {  	_ = 	snop;
	(pc) =	sbr.ind lr, $3  }
0x3a: {  	_ = 	snop  }
0x3b: {  	_ = 	snop  }
0x3c: {  	p2 =	seq.s32 s10, $0x1;
	s10 =	sld [smem:$0x3FB6]  }
0x3d: {  	_ =	shalt  }
0x3e: {  	_ =	shalt  }
0x3f: {  	_ =	shalt  }
0x40: {  	_ =	shalt  }
0x41: {  	_ =	shalt  }
0x42: {  	_ =	shalt  }
0x43: {  	_ =	shalt  }
0x44: {  	_ =	shalt  }
0x45: {  	_ =	shalt  }
0x46: {  	_ =	shalt  }
0x47: {  	_ =	shalt  }
0x48: {  	_ =	shalt  }
0x49: {  	_ =	shalt  }
0x4a: {  	_ =	shalt  }
0x4b: {  	_ =	shalt  }
0x4c: {  	_ =	shalt  }
0x4d: {  	_ =	shalt  }
0x4e: {  	_ =	shalt  }
0x4f: {  	_ =	shalt  }
0x50: {  	_ =	shalt  }
0x51: {  	_ =	shalt  }
0x52: {  	_ =	shalt  }
0x53: {  	_ =	shalt  }
0x54: {  	_ =	shalt  }
0x55: {  	_ =	shalt  }
0x56: {  	_ =	shalt  }
0x57: {  	_ =	shalt  }
0x58: {  	_ =	shalt  }
0x59: {  	_ =	shalt  }
0x5a: {  	_ =	shalt  }
0x5b: {  	_ =	shalt  }
0x5c: {  	_ =	shalt  }
0x5d: {  	_ =	shalt  }
0x5e: {  	_ =	shalt  }
0x5f: {  	_ =	shalt  }
0x60: {  	_ =	shalt  }
0x61: {  	_ =	shalt  }
0x62: {  	_ =	shalt  }
0x63: {  	_ =	shalt  }
0x64: {  	_ =	shalt  }
0x65: {  	_ =	shalt  }
0x66: {  	_ =	shalt  }
0x67: {  	_ =	shalt  }
0x68: {  	_ =	shalt  }
0x69: {  	_ =	shalt  }
0x6a: {  	_ =	shalt  }
0x6b: {  	_ =	shalt  }
0x6c: {  	_ =	shalt  }
0x6d: {  	_ =	shalt  }
0x6e: {  	_ =	shalt  }
0x6f: {  	_ =	shalt  }
0x70: {  	_ =	shalt  }
0x71: {  	_ =	shalt  }
0x72: {  	_ =	shalt  }
0x73: {  	_ =	shalt  }
0x74: {  	_ =	shalt  }
0x75: {  	_ =	shalt  }
0x76: {  	_ =	shalt  }
0x77: {  	_ =	shalt  }
0x78: {  	_ =	shalt  }
0x79: {  	_ =	shalt  }
0x7a: {  	_ =	shalt  }
0x7b: {  	_ =	shalt  }
0x7c: {  	_ =	shalt  }
0x7d: {  	_ =	shalt  }
0x7e: {  	_ =	shalt  }
0x7f: {  	_ =	shalt  }
0x80: {  	_ =	shalt  }
0x81: {  	_ =	shalt  }
0x82: {  	_ =	shalt  }
0x83: {  	_ =	shalt  }
0x84: {  	_ =	shalt  }
0x85: {  	_ =	shalt  }
0x86: {  	_ =	shalt  }
0x87: {  	_ =	shalt  }
.Lfunc_end0:
.L_simem_size_0:
called_computation.1_lowered:
.L_overlay_start_0:
0x88: {  	s2 =	sld [smem:$0x3FD9]  }
0x89: {  	s3 =	sld [smem:$0x3FFE];
	_ =	sdelay $0x1  }
0x8a: {  	s1 =	srdreg.scid  }
0x8b: {  	s0 =	sand.u32 $0x1, s1  }
0x8c: {  	s17 =	sshll.u32 s0, $0xA;
	s2 =	sadd.s32 s3, s2  }
0x8d: {  	s2 =	sadd.s32 s2, s17  }
0x8e: {  	[smem:$0x3FC2] =	sst s2  }
0x8f: {  	_ = 	snop  }
0x90: {  	s2 =	sld [smem:$0x3FD0];
	(tm) =	ssettm $0x1  }
0x91: {  	s18 =	sld [smem:$0x3FFB];
	_ =	sdelay $0x3  }
0x92: {  	_ =	strace s18  }
0x93: {  	s3 =	sld [smem:$0x3FFC];
	_ =	sdelay $0x3  }
0x94: {  	_ =	strace s3  }
0x95: {  	s3 =	sld [smem:$0x3FFD];
	_ =	sdelay $0x3  }
0x96: {  	_ =	strace s3  }
0x97: {  	_ =	strace $0x8FFFFFFF  }
0x98: {  	s19 =	sld [smem:$0x3FDB];
	_ =	sdelay $0x1  }
0x99: {  	s4 =	simm.s32 $_scs_section_size  }
0x9a: {  	s5 =	simm.s32 $_size__tile_overlayer_lowered;
	s6 =	simm.s32 $_tile_overlayer_lowered  }
0x9b: {  	s22 =	simm.s32 $0x1BFF;
	s21 =	sshll.u32 s6, $0x1;
	s3 =	sadd.s32 s4, s19  }
0x9c: {  	s7 =	simm.s32 $0x0;
	s20 =	sshll.u32 s5, $0x1;
	s5 =	sadd.s32 s21, s3  }
0x9d: {  	[timem:s7], [sflag:s22] =	dma.local [hbm:s5], s20  }
0x9e: {  	_ =	swait.ge [sflag:s22], s20  }
0x9f: {  	s4 =	ssub.s32 $0x0, s20;
	[sflag:s22] =	ssyncset.done $0x0  }
0xa0: {  	[sflag:s22] =	ssyncadd.s32 s4;
	_ =	sdelay $0x1  }
0xa1: {  	s23 =	simm.s32 $0x1B8B  }
0xa2: {  	_ =	swait.ge [sflag:s23], $0x1  }
0xa3: {  	[sflag:s23] =	ssyncset.done $0x0  }
0xa4: {  	s25 =	simm.s32 $0x1B8E;
	s24 =	sld [smem:$0x3FFE];
	[sflag:s23] =	ssyncadd.s32 $0xFFFFFFFF  }
0xa5: {  	s26 =	simm.s32 $execute0_lowered;
	[smem:$0x3FD2] =	sst s25  }
0xa6: {  	s5 =	sshll.u32 s26, $0x1;
	_ =	strace $0x80000049;
	[dreg:$0x1] =	wrdreg $0xFFFFFFFF  }
0xa7: {  	s28 =	simm.s32 $_size_execute0_lowered;
	s3 =	sadd.s32 s3, s5;
	[dreg:$0x0] =	wrdreg $0x0  }
0xa8: {  	s5 =	sshll.u32 s28, $0x1;
	[dreg:$0x2] =	wrdreg s3  }
0xa9: {  	[dreg:$0x3] =	wrdreg s5  }
0xaa: {  	[dreg:$0x4] =	wrdreg $0xC0  }
0xab: {  	_ =	task [dreg:s7], $0x5FFFF  }
0xac: {  	[dreg:$0x1] =	wrdreg $0xFFFFFFFF  }
0xad: {  	[dreg:$0x0] =	wrdreg $0x60  }
0xae: {  	[dreg:$0x2] =	wrdreg s24  }
0xaf: {  	[dreg:$0x3] =	wrdreg s2  }
0xb0: {  	[dreg:$0x4] =	wrdreg $0x174000  }
0xb1: {  	[dreg:$0x5] =	wrdreg $0x9  }
0xb2: {  	_ =	task.clear_ibuf [dreg:s7], $0x6FFFF;
	_ =	strace $0x90000049  }
0xb3: {  	s29 =	simm.s32 $0x9;
	_ =	strace $0x8000004B  }
0xb4: {  	_ =	swait.ge [sflag:s29], $0x1  }
0xb5: {  	[sflag:s29] =	ssyncadd.s32 $0xFFFFFFFF  }
0xb6: {  	_ =	strace $0x9000004B  }
0xb7: {  	_ =	sfence  }
0xb8: {  	s30 =	sld [smem:$0x0];
	_ =	sdelay $0x2  }
0xb9: {  	s31 =	sshll.u32 s1, $0xD;
	s1 =	sshrl.u32 s1, $0x2  }
0xba: {  	s3 =	sand.u32 $0x4000, s31;
	s1 =	sadd.s32 s1, s30  }
0xbb: {  	s0 =	sor.u32 s3, s0;
	s1 =	sshll.u32 s1, $0x11  }
0xbc: {  	s0 =	sor.u32 s1, s0  }
0xbd: {  	s0 =	sadd.s32 $0x8F2B, s0  }
0xbe: {  	[sflag:s0] =	ssyncadd.remote.s32 $0x1  }
0xbf: {  	_ =	sfence.sel $0xFFFF  }
0xc0: {  	[dreg:$0x0] =	wrdreg $0xFFFFFFFF;
	(pc) =	sbr.abs _section_cstart, $3  }
0xc1: {  	[dreg:$0x1] =	wrdreg $0xFFFFFFFF  }
0xc2: {  	_ =	task.clear_ibuf [dreg:s7], $0x2FFFF;
	_ =	strace $0x9FFFFFFF  }
0xc3: {  	(tm) =	ssettm $0x7FFFFFFF  }
tec
execute0_lowered:
.L_overlay_start_1:
0x0: {  	(tag) =	ssettag $0x1  }
0x1: {  	s0 =	rddreg [dreg:$0x0]  }
0x2: {  	s2 =	rddreg [dreg:$0x2];
	s11 =	simm.s32 $0x0  }
0x3: {  	s21 =	srdreg.scid;
	[smem:$0x7FF] =	sst s11  }
0x4: {  	s7 =	stileid.u32;
	s4 =	sadd.s32 $0x109800, s0;
	s5 =	sadd.s32 $0x101800, s0  }
0x5: {  	s6 =	sadd.s32 $0x1800, s0;
	s1 =	sadd.s32 $0x111800, s0;
	s3 =	sadd.s32 $0x111A00, s0  }
0x6: {  	s28 =	simm.s32 $0x1C00;
	s22 =	sadd.s32 $0x111C00, s0;
	s23 =	sadd.s32 $0x111E00, s0  }
0x7: {  	s24 =	sadd.s32 $0x112000, s0;
	_ =	strace $0x8000004A;
	[dreg:$0x4] =	wrdreg s1  }
0x8: {  	s12 =	sadd.s32 $0x112200, s0;
	s26 =	sshll.u32 s7, $0xE;
	[dreg:$0x5] =	wrdreg s3  }
0x9: {  	s9 =	sshll.u32 s7, $0xA;
	s10 =	sshll.u32 s7, $0xD;
	[dreg:$0x6] =	wrdreg s22  }
0xa: {  	p1 =	sgt.u32 s7, $0xA;
	p0 =	sne.s32 s7, $0x0;
	[dreg:$0x7] =	wrdreg s23  }
0xb: {  	p2 =	sgt.u32 s7, $0x3;
	s20 =	sadd.s32 $0x11800, s0;
	[dreg:$0x8] =	wrdreg s24  }
0xc: {  	s1 =	sand.u32 $0x1, s21;
	[dreg:$0x13] =	wrdreg s20;
	s21 =	sadd.s32 $0x11C00, s0  }
0xd: {  	p3 =	sgt.u32 s7, $0xD;
	s22 =	sadd.s32 $0x22800, s0;
	[dreg:$0x14] =	wrdreg s21  }
0xe: {  	s9 =	sadd.s32 s9, s6;
	s23 =	sadd.s32 $0x35000, s0;
	[dreg:$0x15] =	wrdreg s22  }
0xf: {  	s30 =	sadd.s32 s10, s2;
	s0 =	sadd.s32 $0x4C400, s0;
	[dreg:$0x16] =	wrdreg s23  }
0x10: {  	p4 =	sne.s32 @!p1 s7, $0x0;
	s29 =	sadd.s32 $0x20000, s9;
	[dreg:$0x17] =	wrdreg s0  }
0x11: {  	s7 =	simm.s32 $0x2400;
	s31 =	sadd.s32 $0x4938, s30;
	[dreg:$0x9] =	wrdreg s29  }
0x12: {  	s25 =	ssub.s32 $0x2, s1;
	s10 =	sadd.s32 $0x30000, s9;
	[dreg:$0xa] =	wrdreg s31  }
0x13: {  	s1 =	sshll.u32 s1, $0xD;
	s14 =	sadd.s32 $0xE2C0, s30;
	[dreg:$0xb] =	wrdreg s10  }
0x14: {  	s15 =	sadd.s32 $0x40000, s9;
	s16 =	sadd.s32 $0x2AE58, s30;
	[dreg:$0xc] =	wrdreg s14  }
0x15: {  	s17 =	sadd.s32 $0x44000, s9;
	s18 =	sadd.s32 $0x4AE58, s30;
	[dreg:$0xd] =	wrdreg s15  }
0x16: {  	s19 =	sadd.s32 $0x48000, s9;
	p4 =	por p4, p1;
	[dreg:$0xe] =	wrdreg s16  }
0x17: {  	s0 =	simm.s32 $0x3;
	s9 =	simm.s32 $0x1;
	[dreg:$0xf] =	wrdreg s17  }
0x18: {  	s21 =	simm.s32 $0x0;
	s8 =	sshrl.u32 s25, $0x1;
	[dreg:$0x10] =	wrdreg s18  }
0x19: {  	s13 =	sor.u32 s1, s26;
	[dreg:$0x11] =	wrdreg s19;
	s1 =	sadd.s32 $0x6AE58, s30  }
0x1a: {  	s26 =	sadd.s32 $0x3338, s2;
	s29 =	sadd.s32 $0xC938, s2;
	s30 =	sadd.s32 $0x2A2C0, s2  }
0x1b: {  	s31 =	sadd.s32 $0x80E58, s2;
	s14 =	simm.s32 $0x8C00;
	[dreg:$0x12] =	wrdreg s1  }
0x1c: {  	s16 =	simm.s32 $0x1400;
	s17 =	simm.s32 $0x9400;
	[dreg:$0x1a] =	wrdreg s26  }
0x1d: {  	s10 =	simm.s32 $0x2;
	s19 =	simm.s32 $0xCC00;
	[dreg:$0x1b] =	wrdreg s29  }
0x1e: {  	s3 =	ssub.s32 s25, s8;
	s25 =	sadd.s32 $0x1338, s2;
	[dreg:$0x1c] =	wrdreg s30  }
0x1f: {  	[dreg:$0x1d] =	wrdreg s31;
	s26 =	simm.s32 $0x800;
	s8 =	simm.s32 $0xA400  }
0x20: {  	s24 =	smax.u32 s3, $0x1;
	[dreg:$0x19] =	wrdreg s25;
	s25 =	simm.s32 $0x9C00  }
0x21: {  	s3 =	simm.s32 $0x0;
	[dreg:$0x18] =	wrdreg s24;
	s24 =	simm.s32 $0xC00  }
.LBB2_1:
0x22: {  	[dreg:$0x1e] =	wrdreg s3  }
0x23: {  	s1 =	rddreg [dreg:$0x4];
	s31 =	simm.s32 $0x14C00  }
0x24: {  	[tilespmem:s31], [sflag:$0x3] =	stream.linear.gather [hbm4b:s1+s11], $0x800, $0x38;
	[tilespmem:$0x1F648] =	vst v63  }
0x25: {  	_ =	swait.ge [sflag:s0], $0x800  }
0x26: {  	[sflag:s0] =	ssyncset.done $0x0  }
0x27: {  	s18 =	simm.s32 $0x15400;
	s15 =	rddreg [dreg:$0x5];
	[sflag:s0] =	ssyncadd.s32 $0xFFFFF800  }
0x28: {  	[tilespmem:s18], [sflag:$0x3] =	stream.linear.gather [hbm4b:s15+s11], $0x800, $0x38;
	[tilespmem:$0x1F648] =	vst v63  }
0x29: {  	_ =	swait.ge [sflag:s0], $0x800  }
0x2a: {  	[sflag:s0] =	ssyncset.done $0x0  }
0x2b: {  	s22 =	simm.s32 $0x15C00;
	s20 =	rddreg [dreg:$0x6];
	[sflag:s0] =	ssyncadd.s32 $0xFFFFF800  }
0x2c: {  	[tilespmem:s22], [sflag:$0x3] =	stream.linear.gather [hbm4b:s20+s11], $0x800, $0x38;
	[tilespmem:$0x1F648] =	vst v63  }
0x2d: {  	_ =	swait.ge [sflag:s0], $0x800  }
0x2e: {  	[sflag:s0] =	ssyncset.done $0x0  }
0x2f: {  	s29 =	simm.s32 $0x16400;
	s23 =	rddreg [dreg:$0x7];
	[sflag:s0] =	ssyncadd.s32 $0xFFFFF800  }
0x30: {  	[tilespmem:s29], [sflag:$0x3] =	stream.linear.gather [hbm4b:s23+s11], $0x800, $0x38;
	[tilespmem:$0x1F648] =	vst v63  }
0x31: {  	_ =	swait.ge [sflag:s0], $0x800  }
0x32: {  	s31 =	simm.s32 $0x16C00;
	[sflag:s0] =	ssyncset.done $0x0  }
.Ltmp0:
0x33: {  	s30 =	rddreg [dreg:$0x8];
	[sflag:s0] =	ssyncadd.s32 $0xFFFFF800;
	(pc) =	sbr.rel @!p0 .LBB2_2-.Ltmp0, $4  }
0x34: {  	[tilespmem:s31], [sflag:$0x3] =	stream.linear.gather [hbm4b:s30+s11], $0x800, $0x38;
	[tilespmem:$0x1F648] =	vst v63  }
0x35: {  	_ =	swait.ge [sflag:s0], $0x800  }
0x36: {  	[sflag:s0] =	ssyncset.done $0x0  }
0x37: {  	[sflag:s0] =	ssyncadd.s32 $0xFFFFF800  }
.Ltmp1:
0x38: {  	(pc) =	sbr.rel @!p2 .LBB2_4-.Ltmp1, $1  }
0x39: {  	_ =	sdelay $0x3  }
.Ltmp2:
0x3a: {  	(pc) =	sbr.rel @p3 .LBB2_7-.Ltmp2, $4  }
.Ltmp3:
0x3b: {  	(pc) =	sbr.rel @!p3 .LBB2_6-.Ltmp3, $4  }
0x3c: {  	_ = 	snop  }
0x3d: {  	_ = 	snop  }
0x3e: {  	_ = 	snop  }
0x3f: {  	_ = 	snop  }
.LBB2_2:
0x40: {  	[tilespmem:s14], [sflag:$0x3] =	stream.linear.gather [hbm4b:s6+s11], $0x1338, $0x38;
	[tilespmem:$0x1F648] =	vst v63  }
0x41: {  	_ =	swait.ge [sflag:s0], $0x1338  }
0x42: {  	[sflag:s0] =	ssyncset.done $0x0  }
0x43: {  	[sflag:s0] =	ssyncadd.s32 $0xFFFFECC8  }
0x44: {  	[spmem:s2] =	stream.linear.scatter [tilespmem:s14], [sflag:$0x3], $0x1338, $0x38;
	[tilespmem:$0x1F648] =	vst v63  }
0x45: {  	_ =	swait.ge [sflag:s0], $0x1338  }
0x46: {  	[sflag:s0] =	ssyncset.done $0x0  }
0x47: {  	s1 =	rddreg [dreg:$0x13];
	[sflag:s0] =	ssyncadd.s32 $0xFFFFECC8  }
0x48: {  	[tilespmem:s14], [sflag:$0x3] =	stream.linear.gather [hbm4b:s1+s11], $0x2000, $0x38;
	[tilespmem:$0x1F648] =	vst v63  }
0x49: {  	_ =	swait.ge [sflag:s0], $0x2000  }
0x4a: {  	[sflag:s0] =	ssyncset.done $0x0  }
0x4b: {  	s29 =	rddreg [dreg:$0x19];
	[sflag:s0] =	ssyncadd.s32 $0xFFFFE000  }
0x4c: {  	[spmem:s29] =	stream.linear.scatter [tilespmem:s14], [sflag:$0x3], $0x2000, $0x38;
	[tilespmem:$0x1F648] =	vst v63  }
0x4d: {  	_ =	swait.ge [sflag:s0], $0x2000  }
0x4e: {  	[sflag:s0] =	ssyncset.done $0x0  }
0x4f: {  	s30 =	rddreg [dreg:$0x14];
	[sflag:s0] =	ssyncadd.s32 $0xFFFFE000  }
0x50: {  	[tilespmem:s14], [sflag:$0x3] =	stream.linear.gather [hbm4b:s30+s11], $0x1600, $0x38;
	[tilespmem:$0x1F648] =	vst v63  }
0x51: {  	_ =	swait.ge [sflag:s0], $0x1600  }
0x52: {  	[sflag:s0] =	ssyncset.done $0x0  }
0x53: {  	s31 =	rddreg [dreg:$0x1a];
	[sflag:s0] =	ssyncadd.s32 $0xFFFFEA00  }
0x54: {  	[spmem:s31] =	stream.linear.scatter [tilespmem:s14], [sflag:$0x3], $0x1600, $0x38;
	[tilespmem:$0x1F648] =	vst v63  }
0x55: {  	_ =	swait.ge [sflag:s0], $0x1600  }
0x56: {  	[sflag:s0] =	ssyncset.done $0x0  }
0x57: {  	[sflag:s0] =	ssyncadd.s32 $0xFFFFEA00  }
.LBB2_4:
0x58: {  	s1 =	rddreg [dreg:$0x9]  }
0x59: {  	[tilespmem:s14], [sflag:$0x3] =	stream.linear.gather [hbm4b:s1+s11], $0x2000, $0x38;
	[tilespmem:$0x1F648] =	vst v63  }
0x5a: {  	_ =	swait.ge [sflag:s0], $0x2000  }
0x5b: {  	[sflag:s0] =	ssyncset.done $0x0  }
0x5c: {  	s31 =	rddreg [dreg:$0xa];
	[sflag:s0] =	ssyncadd.s32 $0xFFFFE000  }
0x5d: {  	[spmem:s31] =	stream.linear.scatter [tilespmem:s14], [sflag:$0x3], $0x2000, $0x38;
	[tilespmem:$0x1F648] =	vst v63  }
0x5e: {  	_ =	swait.ge [sflag:s0], $0x2000  }
0x5f: {  	s3 =	simm.s32 @!p0 $0x8C00;
	[sflag:s0] =	ssyncset.done $0x0  }
0x60: {  	s1 =	simm.s32 @!p0 $0x0;
	s15 =	rddreg [dreg:$0x15];
	[sflag:s0] =	ssyncadd.s32 $0xFFFFE000  }
0x61: {  	[tilespmem:s3], [sflag:$0x3] =	stream.linear.gather @!p0 [hbm4b:s15+s1], $0x1988, $0x38;
	[tilespmem:$0x1F648] =	vst v63  }
0x62: {  	s1 =	simm.s32 @!p0 $0x3  }
0x63: {  	_ =	swait.ge @!p0 [sflag:s1], $0x1988  }
0x64: {  	[sflag:s1] =	ssyncset.done @!p0 $0x0  }
0x65: {  	s15 =	rddreg [dreg:$0x1b];
	[sflag:s1] =	ssyncadd.s32 @!p0 $0xFFFFE678  }
0x66: {  	[spmem:s15] =	stream.linear.scatter @!p0 [tilespmem:s3], [sflag:$0x3], $0x1988, $0x38;
	[tilespmem:$0x1F648] =	vst v63  }
0x67: {  	_ =	swait.ge @!p0 [sflag:s1], $0x1988  }
0x68: {  	[sflag:s1] =	ssyncset.done @!p0 $0x0  }
0x69: {  	[sflag:s1] =	ssyncadd.s32 @!p0 $0xFFFFE678  }
.LBB2_6:
0x6a: {  	s1 =	rddreg [dreg:$0xb]  }
0x6b: {  	[tilespmem:s14], [sflag:$0x3] =	stream.linear.gather [hbm4b:s1+s11], $0x2000, $0x38;
	[tilespmem:$0x1F648] =	vst v63  }
0x6c: {  	_ =	swait.ge [sflag:s0], $0x2000  }
0x6d: {  	[sflag:s0] =	ssyncset.done $0x0  }
0x6e: {  	s31 =	rddreg [dreg:$0xc];
	[sflag:s0] =	ssyncadd.s32 $0xFFFFE000  }
0x6f: {  	[spmem:s31] =	stream.linear.scatter [tilespmem:s14], [sflag:$0x3], $0x2000, $0x38;
	[tilespmem:$0x1F648] =	vst v63  }
0x70: {  	_ =	swait.ge [sflag:s0], $0x2000  }
0x71: {  	s3 =	simm.s32 @!p0 $0x8C00;
	[sflag:s0] =	ssyncset.done $0x0  }
0x72: {  	s1 =	simm.s32 @!p0 $0x0;
	s15 =	rddreg [dreg:$0x16];
	[sflag:s0] =	ssyncadd.s32 $0xFFFFE000  }
0x73: {  	[tilespmem:s3], [sflag:$0x3] =	stream.linear.gather @!p0 [hbm4b:s15+s1], $0xB98, $0x38;
	[tilespmem:$0x1F648] =	vst v63  }
0x74: {  	s1 =	simm.s32 @!p0 $0x3  }
0x75: {  	_ =	swait.ge @!p0 [sflag:s1], $0xB98  }
0x76: {  	[sflag:s1] =	ssyncset.done @!p0 $0x0  }
0x77: {  	s15 =	rddreg [dreg:$0x1c];
	[sflag:s1] =	ssyncadd.s32 @!p0 $0xFFFFF468  }
0x78: {  	[spmem:s15] =	stream.linear.scatter @!p0 [tilespmem:s3], [sflag:$0x3], $0xB98, $0x38;
	[tilespmem:$0x1F648] =	vst v63  }
0x79: {  	_ =	swait.ge @!p0 [sflag:s1], $0xB98  }
0x7a: {  	[sflag:s1] =	ssyncset.done @!p0 $0x0  }
0x7b: {  	[sflag:s1] =	ssyncadd.s32 @!p0 $0xFFFFF468  }
.LBB2_7:
0x7c: {  	s1 =	rddreg [dreg:$0xd]  }
0x7d: {  	[tilespmem:s14], [sflag:$0x3] =	stream.linear.gather [hbm4b:s1+s11], $0x2000, $0x38;
	[tilespmem:$0x1F648] =	vst v63  }
0x7e: {  	_ =	swait.ge [sflag:s0], $0x2000  }
0x7f: {  	[sflag:s0] =	ssyncset.done $0x0  }
0x80: {  	s29 =	rddreg [dreg:$0xe];
	[sflag:s0] =	ssyncadd.s32 $0xFFFFE000  }
0x81: {  	[spmem:s29] =	stream.linear.scatter [tilespmem:s14], [sflag:$0x3], $0x2000, $0x38;
	[tilespmem:$0x1F648] =	vst v63  }
0x82: {  	_ =	swait.ge [sflag:s0], $0x2000  }
0x83: {  	[sflag:s0] =	ssyncset.done $0x0  }
0x84: {  	s30 =	rddreg [dreg:$0xf];
	[sflag:s0] =	ssyncadd.s32 $0xFFFFE000  }
0x85: {  	[tilespmem:s14], [sflag:$0x3] =	stream.linear.gather [hbm4b:s30+s11], $0x2000, $0x38;
	[tilespmem:$0x1F648] =	vst v63  }
0x86: {  	_ =	swait.ge [sflag:s0], $0x2000  }
0x87: {  	[sflag:s0] =	ssyncset.done $0x0  }
0x88: {  	s31 =	rddreg [dreg:$0x10];
	[sflag:s0] =	ssyncadd.s32 $0xFFFFE000  }
0x89: {  	[spmem:s31] =	stream.linear.scatter [tilespmem:s14], [sflag:$0x3], $0x2000, $0x38;
	[tilespmem:$0x1F648] =	vst v63  }
0x8a: {  	_ =	swait.ge [sflag:s0], $0x2000  }
0x8b: {  	s3 =	simm.s32 @!p1 $0x8C00;
	[sflag:s0] =	ssyncset.done $0x0  }
0x8c: {  	s1 =	simm.s32 @!p1 $0x0;
	s11 =	rddreg [dreg:$0x11];
	[sflag:s0] =	ssyncadd.s32 $0xFFFFE000  }
0x8d: {  	[tilespmem:s3], [sflag:$0x3] =	stream.linear.gather @!p1 [hbm4b:s11+s1], $0x2000, $0x38;
	[tilespmem:$0x1F648] =	vst v63  }
0x8e: {  	s1 =	simm.s32 @!p1 $0x3  }
0x8f: {  	_ =	swait.ge @!p1 [sflag:s1], $0x2000  }
0x90: {  	[sflag:s1] =	ssyncset.done @!p1 $0x0  }
0x91: {  	s11 =	rddreg [dreg:$0x12];
	[sflag:s1] =	ssyncadd.s32 @!p1 $0xFFFFE000  }
0x92: {  	[spmem:s11] =	stream.linear.scatter @!p1 [tilespmem:s3], [sflag:$0x3], $0x2000, $0x38;
	[tilespmem:$0x1F648] =	vst v63  }
0x93: {  	_ =	swait.ge @!p1 [sflag:s1], $0x2000  }
0x94: {  	s3 =	simm.s32 @!p4 $0x8C00;
	[sflag:s1] =	ssyncset.done @!p1 $0x0  }
0x95: {  	s11 =	rddreg [dreg:$0x17];
	[sflag:s1] =	ssyncadd.s32 @!p1 $0xFFFFE000;
	s1 =	simm.s32 @!p4 $0x0  }
0x96: {  	[tilespmem:s3], [sflag:$0x3] =	stream.linear.gather @!p4 [hbm4b:s11+s1], $0x1618, $0x38;
	[tilespmem:$0x1F648] =	vst v63  }
0x97: {  	s1 =	simm.s32 @!p4 $0x3  }
0x98: {  	_ =	swait.ge @!p4 [sflag:s1], $0x1618  }
0x99: {  	[sflag:s1] =	ssyncset.done @!p4 $0x0  }
0x9a: {  	s11 =	rddreg [dreg:$0x1d];
	[sflag:s1] =	ssyncadd.s32 @!p4 $0xFFFFE9E8  }
0x9b: {  	[spmem:s11] =	stream.linear.scatter @!p4 [tilespmem:s3], [sflag:$0x3], $0x1618, $0x38;
	[tilespmem:$0x1F648] =	vst v63  }
0x9c: {  	_ =	swait.ge @!p4 [sflag:s1], $0x1618  }
0x9d: {  	[sflag:s1] =	ssyncset.done @!p4 $0x0  }
0x9e: {  	[sflag:s1] =	ssyncadd.s32 @!p4 $0xFFFFE9E8  }
0x9f: {  	s22 =	simm.s32 $0x0;
	[bflag:$0x0] =	sbarrier.arrive $0xFFFF  }
.LBB2_8:
0xa0: {  	s1 =	sshll.u32 s22, $0xA  }
0xa1: {  	s23 =	sadd.s32 s13, s1  }
0xa2: {  	s1 =	sshrl.u32 s23, $0x3  }
0xa3: {  	s3 =	sadd.s32 s4, s1  }
0xa4: {  	[tilespmem:s21], [sflag:$0x3] =	stream.linear.gather [hbm4b:s3+s21], $0x400, $0x38;
	[tilespmem:$0x1F648] =	vst v63  }
0xa5: {  	_ =	swait.ge [sflag:s0], $0x400  }
0xa6: {  	[sflag:s0] =	ssyncset.done $0x0  }
0xa7: {  	s11 =	simm.s32 $0x400;
	s30 =	sadd.s32 s5, s1;
	[sflag:s0] =	ssyncadd.s32 $0xFFFFFC00  }
0xa8: {  	[tilespmem:s11], [sflag:$0x3] =	stream.linear.gather [hbm4b:s30+s21], $0x400, $0x38;
	[tilespmem:$0x1F648] =	vst v63  }
0xa9: {  	_ =	swait.ge [sflag:s0], $0x400  }
0xaa: {  	[sflag:s0] =	ssyncset.done $0x0  }
0xab: {  	[sflag:s0] =	ssyncadd.s32 $0xFFFFFC00  }
0xac: {  	s31 =	rddreg [dreg:$0x1]  }
0xad: {  	s1 =	sadd.s32 s31, s1  }
0xae: {  	[tilespmem:s26], [sflag:$0x3] =	stream.linear.gather [hbm4b:s1+s21], $0x400, $0x38;
	[tilespmem:$0x1F648] =	vst v63  }
0xaf: {  	_ =	swait.ge [sflag:s0], $0x400  }
0xb0: {  	[sflag:s0] =	ssyncset.done $0x0  }
0xb1: {  	s29 =	simm.s32 $0x0;
	[sflag:s0] =	ssyncadd.s32 $0xFFFFFC00  }
.LBB2_9:
0xb2: {  	s1 =	sshll.u32 s29, $0x8  }
0xb3: {  	s3 =	simm.s32 $0x0;
	v2 =	vld [tilespmem:s1+$0x14C00]  }
0xb4: {  	v0 =	vld [tilespmem:s3+$0x800]  }
0xb5: {  	v1 =	vld [tilespmem:s3+$0x0]  }
0xb6: {  	v5 =	vld [tilespmem:s3+$0x400];
	_ =	sdelay $0x1  }
0xb7: {  	v6 =	vld [tilespmem:s1+$0x16400]  }
0xb8: {  	v0 =	vmul.f32 v0, v2  }
0xb9: {  	v4 =	vld [tilespmem:s1+$0x15C00];
	v8 =	vmul.f32 v1, v2  }
0xba: {  	v3 =	vld [tilespmem:s1+$0x15400];
	v9 =	vmul.f32 v5, v2;
	v1 =	vtrunc.f32 v0  }
0xbb: {  	v5 =	vtrunc.f32 v8;
	v1 =	vcvt.f32.s32 v1  }
0xbc: {  	vm0 =	vgt.s32 v6, $0x0;
	v11 =	vcvt.f32.s32 v5;
	v5 =	vtrunc.f32 v9  }
0xbd: {  	v6 =	vcvt.f32.s32 v5;
	v10 =	vcvt.s32.f32 v1;
	v5 =	vadd.s32 $0x1, v1  }
0xbe: {  	v12 =	vcvt.s32.f32 v11;
	v7 =	vmul.u32 v1, v4;
	v13 =	vadd.s32 $0x1, v11  }
0xbf: {  	v14 =	vcvt.s32.f32 v6;
	v1 =	vsub.f32 v0, v10;
	v0 =	vmul.u32 v6, v3  }
0xc0: {  	v5 =	vmul.u32 v4, v5;
	v17 =	vadd.s32 $0x1, v6;
	v8 =	vsub.f32 v8, v12  }
0xc1: {  	v18 =	vsub.f32 v9, v14;
	v9 =	vadd.s32 v11, v0;
	v12 =	vadd.s32 v13, v0  }
0xc2: {  	v15 =	vxor.u32 v11, v0;
	v16 =	vxor.u32 v13, v0;
	v19 =	vsub.f32 $1.000000000e+00, v8  }
0xc3: {  	v6 =	vadd.s32 v7, v12;
	v22 =	vsub.f32 $1.000000000e+00, v18;
	v0 =	vxor.u32 v7, v16  }
0xc4: {  	s20 =	simm.s32 $0xC40;
	s31 =	simm.s32 $0xC40;
	v14 =	vsub.f32 $1.000000000e+00, v1;
	v21 =	vsel vm0, v0, v6;
	v6 =	vmul.f32 v18, v8;
	v0 =	vld [tilespmem:s1+$0x16C00]  }
0xc5: {  	s30 =	simm.s32 $0x4C40;
	s3 =	simm.s32 $0x4C40;
	v20 =	vadd.s32 v7, v9;
	s1 =	simm.s32 $0x40;
	v10 =	vmul.f32 v22, v19;
	v8 =	vmul.f32 v22, v8  }
.LBB2_10:
0xc6: {  	p5 =	sne.s32 s1, $0xFC0;
	v22 =	vxor.u32 v7, v15;
	v21 =	vand.u32 $0x7FFFF, v21;
	v18 =	vmul.f32 v18, v19;
	s3 =	sadd.s32 $0x80, s3;
	s20 =	sadd.s32 $0x80, s20  }
0xc7: {  	v17 =	vmul.u32 v3, v17;
	s11 =	smov.u32 s1;
	s1 =	sadd.s32 $0x40, s1;
	v19 =	vsel vm0, v22, v20;
	v20 =	vmul.f32 v14, v10  }
0xc8: {  	v22 =	vmul.f32 v14, v8;
	v19 =	vand.u32 $0x7FFFF, v19;
	v23 =	vmul.f32 v14, v18  }
0xc9: {  	v16 =	vxor.u32 v16, v5;
	v24 =	vadd.s32 v11, v17;
	v19 =	vadd.s32 v0, v19  }
0xca: {  	v12 =	vadd.s32 v12, v5;
	v11 =	vxor.u32 v11, v17;
	[tilespmem:s31+$0xFFFFFFC0] =	vst v19;
	v19 =	vadd.s32 v7, v24  }
0xcb: {  	v15 =	vxor.u32 v15, v5;
	v25 =	vxor.u32 v13, v17;
	[tilespmem:s30+$0xFFFFFFC0] =	vst v20;
	v20 =	vxor.u32 v7, v11  }
0xcc: {  	s11 =	sshra.s32 s11, $0x2;
	v13 =	vadd.s32 v13, v17;
	v17 =	vxor.u32 v7, v25;
	v19 =	vsel vm0, v20, v19  }
0xcd: {  	v11 =	vxor.u32 v5, v11;
	v20 =	vadd.s32 v0, v21;
	v19 =	vand.u32 $0x7FFFF, v19  }
0xce: {  	v9 =	vadd.s32 v9, v5;
	v7 =	vadd.s32 v7, v13;
	[tilespmem:s31+$0xFFFFFFD0] =	vst v20;
	v19 =	vadd.s32 v0, v19  }
0xcf: {  	v7 =	vsel vm0, v17, v7;
	v17 =	vadd.s32 v5, v24;
	v20 =	vxor.u32 v5, v25;
	[tilespmem:s30+$0xFFFFFFD0] =	vst v22  }
0xd0: {  	v14 =	vmul.f32 v14, v6;
	v7 =	vand.u32 $0x7FFFF, v7;
	v5 =	vadd.s32 v5, v13;
	[tilespmem:s31+$0xFFFFFFE0] =	vst v19  }
0xd1: {  	v9 =	vsel vm0, v15, v9;
	v7 =	vadd.s32 v0, v7;
	v5 =	vsel vm0, v20, v5;
	[tilespmem:s30+$0xFFFFFFE0] =	vst v23  }
0xd2: {  	v5 =	vand.u32 $0x7FFFF, v5;
	[tilespmem:s31+$0xFFFFFFF0] =	vst v7;
	v7 =	vand.u32 $0x7FFFF, v9;
	v9 =	vmul.f32 v10, v1  }
0xd3: {  	v8 =	vmul.f32 v8, v1;
	v10 =	vsel vm0, v16, v12;
	[tilespmem:s30+$0xFFFFFFF0] =	vst v14;
	v7 =	vadd.s32 v0, v7  }
0xd4: {  	[tilespmem:s31+$0x0] =	vst v7;
	v7 =	vand.u32 $0x7FFFF, v10;
	v10 =	vsel vm0, v11, v17;
	v11 =	vmul.f32 v1, v18  }
0xd5: {  	[tilespmem:s30+$0x0] =	vst v9;
	v7 =	vadd.s32 v0, v7;
	v9 =	vand.u32 $0x7FFFF, v10  }
0xd6: {  	[tilespmem:s31+$0x10] =	vst v7  }
0xd7: {  	v7 =	vadd.s32 v0, v9;
	[tilespmem:s30+$0x10] =	vst v8  }
0xd8: {  	[tilespmem:s31+$0x20] =	vst v7  }
0xd9: {  	v5 =	vadd.s32 v0, v5;
	v1 =	vmul.f32 v1, v6;
	[tilespmem:s30+$0x20] =	vst v11  }
0xda: {  	[tilespmem:s31+$0x30] =	vst v5;
	s31 =	smov.u32 s20  }
0xdb: {  	[tilespmem:s30+$0x30] =	vst v1;
	s30 =	smov.u32 s3  }
0xdc: {  	v1 =	vld [tilespmem:s11+$0x800]  }
0xdd: {  	v5 =	vld [tilespmem:s11+$0x0]  }
0xde: {  	v6 =	vld [tilespmem:s11+$0x400];
	_ =	sdelay $0x2  }
0xdf: {  	v1 =	vmul.f32 v1, v2  }
0xe0: {  	v8 =	vmul.f32 v5, v2  }
0xe1: {  	v6 =	vmul.f32 v6, v2;
	v5 =	vtrunc.f32 v1  }
0xe2: {  	v7 =	vtrunc.f32 v8;
	v5 =	vcvt.f32.s32 v5  }
0xe3: {  	v11 =	vcvt.f32.s32 v7;
	v7 =	vtrunc.f32 v6  }
0xe4: {  	v9 =	vcvt.f32.s32 v7;
	v10 =	vcvt.s32.f32 v5;
	v12 =	vadd.s32 $0x1, v5  }
0xe5: {  	v7 =	vmul.u32 v5, v4;
	v13 =	vcvt.s32.f32 v11;
	v5 =	vmul.u32 v4, v12  }
0xe6: {  	v12 =	vcvt.s32.f32 v9;
	v1 =	vsub.f32 v1, v10;
	v10 =	vmul.u32 v9, v3  }
0xe7: {  	v17 =	vadd.s32 $0x1, v9;
	v8 =	vsub.f32 v8, v13;
	v13 =	vadd.s32 $0x1, v11  }
.Ltmp4:
0xe8: {  	v18 =	vsub.f32 v6, v12;
	v9 =	vadd.s32 v11, v10;
	v12 =	vadd.s32 v13, v10;
	(pc) =	sbr.rel @p5 .LBB2_10-.Ltmp4, $4  }
0xe9: {  	v15 =	vxor.u32 v11, v10;
	v16 =	vxor.u32 v13, v10;
	v6 =	vadd.s32 v7, v12  }
0xea: {  	v19 =	vsub.f32 $1.000000000e+00, v8;
	v10 =	vxor.u32 v7, v16;
	v22 =	vsub.f32 $1.000000000e+00, v18  }
0xeb: {  	v20 =	vadd.s32 v7, v9;
	v21 =	vsel vm0, v10, v6;
	v6 =	vmul.f32 v18, v8  }
0xec: {  	v14 =	vsub.f32 $1.000000000e+00, v1;
	v10 =	vmul.f32 v22, v19;
	v8 =	vmul.f32 v22, v8  }
0xed: {  	v2 =	vxor.u32 v7, v15;
	v4 =	vand.u32 $0x7FFFF, v21  }
0xee: {  	v18 =	vmul.f32 v18, v19;
	v3 =	vmul.u32 v3, v17;
	v2 =	vsel vm0, v2, v20  }
0xef: {  	v35 =	vmul.f32 v14, v10;
	v36 =	vmul.f32 v14, v8;
	v2 =	vand.u32 $0x7FFFF, v2  }
0xf0: {  	v37 =	vadd.s32 v11, v3;
	v38 =	vxor.u32 v11, v3;
	v2 =	vadd.s32 v0, v2  }
0xf1: {  	v4 =	vadd.s32 v0, v4;
	v39 =	vadd.s32 v7, v37;
	v40 =	vxor.u32 v7, v38;
	[tilespmem:s31+$0xFFFFFFC0] =	vst v2  }
0xf2: {  	v22 =	vxor.u32 v13, v3;
	v3 =	vadd.s32 v13, v3;
	v2 =	vsel vm0, v40, v39;
	[tilespmem:s30+$0xFFFFFFC0] =	vst v35  }
0xf3: {  	v41 =	vxor.u32 v7, v22;
	v42 =	vadd.s32 v7, v3;
	v2 =	vand.u32 $0x7FFFF, v2;
	[tilespmem:s31+$0xFFFFFFD0] =	vst v4  }
0xf4: {  	v43 =	vmul.f32 v14, v18;
	v2 =	vadd.s32 v0, v2;
	v4 =	vsel vm0, v41, v42;
	[tilespmem:s30+$0xFFFFFFD0] =	vst v36  }
0xf5: {  	v44 =	vxor.u32 v15, v5;
	v9 =	vadd.s32 v9, v5;
	v45 =	vand.u32 $0x7FFFF, v4;
	[tilespmem:s31+$0xFFFFFFE0] =	vst v2  }
0xf6: {  	v46 =	vmul.f32 v14, v6;
	v47 =	vsel vm0, v44, v9;
	v2 =	vadd.s32 v0, v45;
	[tilespmem:s30+$0xFFFFFFE0] =	vst v43  }
0xf7: {  	v48 =	vxor.u32 v16, v5;
	v12 =	vadd.s32 v12, v5;
	v49 =	vand.u32 $0x7FFFF, v47;
	[tilespmem:s31+$0xFFFFFFF0] =	vst v2  }
0xf8: {  	v50 =	vmul.f32 v10, v1;
	v51 =	vsel vm0, v48, v12;
	v2 =	vadd.s32 v0, v49;
	[tilespmem:s30+$0xFFFFFFF0] =	vst v46  }
0xf9: {  	v54 =	vand.u32 $0x7FFFF, v51;
	v52 =	vxor.u32 v5, v38;
	v53 =	vadd.s32 v5, v37;
	[tilespmem:s31+$0x0] =	vst v2  }
0xfa: {  	v55 =	vmul.f32 v8, v1;
	v56 =	vsel vm0, v52, v53;
	v2 =	vadd.s32 v0, v54;
	[tilespmem:s30+$0x0] =	vst v50  }
0xfb: {  	p5 =	slt.u32 s29, $0x3;
	v57 =	vxor.u32 v5, v22;
	v3 =	vadd.s32 v5, v3;
	v58 =	vand.u32 $0x7FFFF, v56;
	[tilespmem:s31+$0x10] =	vst v2  }
.Ltmp5:
0xfc: {  	v60 =	vmul.f32 v1, v18;
	v59 =	vsel vm0, v57, v3;
	v61 =	vadd.s32 v0, v58;
	[tilespmem:s30+$0x10] =	vst v55;
	(pc) =	sbr.rel @!p5 .LBB2_12-.Ltmp5, $4  }
0xfd: {  	v2 =	vand.u32 $0x7FFFF, v59;
	[tilespmem:s31+$0x20] =	vst v61  }
0xfe: {  	v62 =	vmul.f32 v1, v6;
	v63 =	vadd.s32 v0, v2;
	[tilespmem:s30+$0x20] =	vst v60  }
0xff: {  	[tilespmem:s31+$0x30] =	vst v63  }
0x100: {  	[tilespmem:s30+$0x30] =	vst v62;
	s30 =	sshll.u32 s29, $0x1  }
0x101: {  	[tilespmem:s14], [sflag:$0x1] =	stream.indirect.gather [spmem:s2], $0x1, s24, s26, $0xb8;
	[tilespmem:$0x1F648] =	vst v63  }
0x102: {  	p5 =	seq.s32 s29, $0x0  }
0x103: {  	[tilespmem:s17], [sflag:$0x1] =	stream.indirect.gather [spmem:s2], $0x1, s16, s26, $0xb8;
	[tilespmem:$0x1F648] =	vst v63  }
.Ltmp6:
0x104: {  	_ = 	snop;
	(pc) =	sbr.rel @!p5 .LBB2_14-.Ltmp6, $4  }
.Ltmp7:
0x105: {  	_ = 	snop;
	(pc) =	sbr.rel @p5 .LBB2_23-.Ltmp7, $4  }
0x106: {  	[tilespmem:s25], [sflag:$0x1] =	stream.indirect.gather [spmem:s2], $0x1, s28, s26, $0xb8;
	[tilespmem:$0x1F648] =	vst v63  }
0x107: {  	_ = 	snop  }
0x108: {  	[tilespmem:s8], [sflag:$0x1] =	stream.indirect.gather [spmem:s2], $0x1, s7, s26, $0xb8;
	[tilespmem:$0x1F648] =	vst v63  }
0x109: {  	_ = 	snop  }
.LBB2_12:
0x10a: {  	[tilespmem:s14], [sflag:$0x1] =	stream.indirect.gather [hbm4b:s6+s26], $0x1, s24, s26, $0xb8;
	[tilespmem:$0x1F648] =	vst v63  }
0x10b: {  	_ = 	snop  }
0x10c: {  	[tilespmem:s17], [sflag:$0x1] =	stream.indirect.gather [hbm4b:s6+s26], $0x1, s16, s26, $0xb8;
	[tilespmem:$0x1F648] =	vst v63  }
0x10d: {  	_ = 	snop  }
0x10e: {  	[tilespmem:s25], [sflag:$0x1] =	stream.indirect.gather [hbm4b:s6+s26], $0x1, s28, s26, $0xb8;
	[tilespmem:$0x1F648] =	vst v63  }
0x10f: {  	_ = 	snop  }
0x110: {  	[tilespmem:s8], [sflag:$0x1] =	stream.indirect.gather [hbm4b:s6+s26], $0x1, s7, s26, $0xb8;
	[tilespmem:$0x1F648] =	vst v63  }
.LBB2_14:
0x111: {  	_ =	swait.ge [sflag:s10], $0x800  }
0x112: {  	[sflag:s10] =	ssyncset.done $0x0  }
0x113: {  	s3 =	simm.s32 $0xAC40;
	[sflag:s10] =	ssyncadd.s32 $0xFFFFF800  }
0x114: {  	s20 =	simm.s32 $0x6C40;
	v0 =	vld [tilespmem:s3+$0xFFFFFFC0]  }
0x115: {  	v1 =	vld [tilespmem:s20+$0xFFFFFFC0]  }
0x116: {  	v2 =	vld [tilespmem:s3+$0xFFFFFFD0]  }
0x117: {  	v3 =	vld [tilespmem:s20+$0xFFFFFFD0]  }
0x118: {  	v4 =	vld [tilespmem:s3+$0xFFFFFFE0]  }
0x119: {  	v6 =	vld [tilespmem:s20+$0xFFFFFFE0];
	v5 =	vshll.u32 v0, $0x10  }
0x11a: {  	v7 =	vld [tilespmem:s3+$0xFFFFFFF0];
	v0 =	vand.u32 $0xFFFF0000, v0;
	v5 =	vmul.f32 v5, v1  }
0x11b: {  	v8 =	vld [tilespmem:s20+$0xFFFFFFF0];
	v0 =	vmul.f32 v0, v1;
	v1 =	vshll.u32 v2, $0x10  }
0x11c: {  	v9 =	vld [tilespmem:s3+$0x0];
	v2 =	vand.u32 $0xFFFF0000, v2;
	v1 =	vmul.f32 v1, v3;
	v5 =	vadd.f32 $0.0e+00, v5  }
0x11d: {  	v10 =	vld [tilespmem:s20+$0x0];
	v2 =	vmul.f32 v2, v3;
	v3 =	vshll.u32 v4, $0x10;
	v0 =	vadd.f32 $0.0e+00, v0  }
0x11e: {  	v53 =	vld [tilespmem:s3+$0x10];
	v4 =	vand.u32 $0xFFFF0000, v4;
	v3 =	vmul.f32 v3, v6;
	v1 =	vadd.f32 v1, v5  }
0x11f: {  	v55 =	vld [tilespmem:s20+$0x10];
	v54 =	vshll.u32 v7, $0x10;
	v0 =	vadd.f32 v2, v0;
	v2 =	vmul.f32 v4, v6  }
0x120: {  	v56 =	vld [tilespmem:s3+$0x20];
	v4 =	vmul.f32 v54, v8;
	v1 =	vadd.f32 v3, v1;
	v3 =	vand.u32 $0xFFFF0000, v7  }
0x121: {  	v57 =	vld [tilespmem:s20+$0x20];
	v0 =	vadd.f32 v2, v0;
	v2 =	vmul.f32 v3, v8;
	v3 =	vshll.u32 v9, $0x10  }
0x122: {  	v59 =	vld [tilespmem:s3+$0x30];
	v58 =	vand.u32 $0xFFFF0000, v9;
	v1 =	vadd.f32 v4, v1;
	v3 =	vmul.f32 v3, v10  }
0x123: {  	v61 =	vld [tilespmem:s20+$0x30];
	v60 =	vshll.u32 v53, $0x10;
	v0 =	vadd.f32 v2, v0;
	v2 =	vmul.f32 v58, v10  }
0x124: {  	v4 =	vmul.f32 v60, v55;
	v1 =	vadd.f32 v3, v1;
	v3 =	vand.u32 $0xFFFF0000, v53  }
0x125: {  	s1 =	sadd.s32 $0xFFFFFFFF, s30;
	v0 =	vadd.f32 v2, v0;
	v2 =	vmul.f32 v3, v55;
	v3 =	vshll.u32 v56, $0x10  }
0x126: {  	s11 =	sshll.u32 s1, $0x8;
	s1 =	sshll.u32 s1, $0xB;
	v62 =	vand.u32 $0xFFFF0000, v56;
	v1 =	vadd.f32 v4, v1;
	v3 =	vmul.f32 v3, v57  }
0x127: {  	s1 =	sand.u32 $0xFFFFE000, s1;
	s11 =	sand.u32 $0x300, s11;
	v63 =	vshll.u32 v59, $0x10;
	v0 =	vadd.f32 v2, v0;
	v2 =	vmul.f32 v62, v57  }
0x128: {  	s11 =	sor.u32 s11, s1;
	s1 =	simm.s32 $0x0;
	v4 =	vmul.f32 v63, v61;
	v1 =	vadd.f32 v3, v1;
	v3 =	vand.u32 $0xFFFF0000, v59  }
0x129: {  	s31 =	sadd.s32 $0xCC00, s11;
	s15 =	sand.u32 $0x400, s1;
	v0 =	vadd.f32 v2, v0;
	v2 =	vmul.f32 v3, v61  }
0x12a: {  	s18 =	sand.u32 $0x70, s1;
	s11 =	sadd.s32 s15, s31;
	v1 =	vadd.f32 v4, v1  }
0x12b: {  	s15 =	simm.s32 $0x10;
	s11 =	sadd.s32 s18, s11;
	v0 =	vadd.f32 v2, v0  }
.LBB2_15:
0x12c: {  	[tilespmem:s11+$0x0] =	vst v1;
	s1 =	sadd.s32 $0x80, s1;
	s3 =	sadd.s32 $0x80, s3;
	s20 =	sadd.s32 $0x80, s20  }
0x12d: {  	p5 =	sne.s32 s15, $0xF0;
	[tilespmem:s11+$0x80] =	vst v0;
	s11 =	smov.u32 s15;
	s15 =	sadd.s32 $0x10, s15  }
0x12e: {  	v0 =	vld [tilespmem:s3+$0xFFFFFFC0]  }
0x12f: {  	v1 =	vld [tilespmem:s20+$0xFFFFFFC0]  }
0x130: {  	v2 =	vld [tilespmem:s3+$0xFFFFFFD0]  }
0x131: {  	v3 =	vld [tilespmem:s20+$0xFFFFFFD0]  }
0x132: {  	v4 =	vld [tilespmem:s3+$0xFFFFFFE0]  }
0x133: {  	v5 =	vshll.u32 v0, $0x10;
	v0 =	vand.u32 $0xFFFF0000, v0;
	v6 =	vld [tilespmem:s20+$0xFFFFFFE0]  }
0x134: {  	v5 =	vmul.f32 v5, v1;
	v0 =	vmul.f32 v0, v1;
	v1 =	vld [tilespmem:s3+$0xFFFFFFF0]  }
0x135: {  	v7 =	vshll.u32 v2, $0x10;
	v2 =	vand.u32 $0xFFFF0000, v2;
	v8 =	vld [tilespmem:s20+$0xFFFFFFF0]  }
0x136: {  	v5 =	vadd.f32 $0.0e+00, v5;
	v0 =	vadd.f32 $0.0e+00, v0;
	v7 =	vmul.f32 v7, v3;
	v9 =	vld [tilespmem:s3+$0x0]  }
0x137: {  	v2 =	vmul.f32 v2, v3;
	v3 =	vshll.u32 v4, $0x10;
	v4 =	vand.u32 $0xFFFF0000, v4;
	v10 =	vld [tilespmem:s20+$0x0]  }
0x138: {  	v5 =	vadd.f32 v7, v5;
	v3 =	vmul.f32 v3, v6;
	v7 =	vld [tilespmem:s3+$0x10]  }
0x139: {  	v0 =	vadd.f32 v2, v0;
	v2 =	vmul.f32 v4, v6;
	v4 =	vshll.u32 v1, $0x10;
	v6 =	vld [tilespmem:s20+$0x10]  }
0x13a: {  	v1 =	vand.u32 $0xFFFF0000, v1;
	v3 =	vadd.f32 v3, v5;
	v4 =	vmul.f32 v4, v8;
	v5 =	vld [tilespmem:s3+$0x20]  }
0x13b: {  	v0 =	vadd.f32 v2, v0;
	v1 =	vmul.f32 v1, v8;
	v2 =	vshll.u32 v9, $0x10;
	v8 =	vld [tilespmem:s20+$0x20]  }
0x13c: {  	v3 =	vadd.f32 v4, v3;
	v4 =	vand.u32 $0xFFFF0000, v9;
	v2 =	vmul.f32 v2, v10;
	v9 =	vld [tilespmem:s3+$0x30]  }
0x13d: {  	v0 =	vadd.f32 v1, v0;
	v1 =	vmul.f32 v4, v10;
	v4 =	vshll.u32 v7, $0x10;
	v10 =	vld [tilespmem:s20+$0x30]  }
0x13e: {  	v2 =	vadd.f32 v2, v3;
	v3 =	vand.u32 $0xFFFF0000, v7;
	v4 =	vmul.f32 v4, v6  }
0x13f: {  	v0 =	vadd.f32 v1, v0;
	v1 =	vmul.f32 v3, v6;
	v3 =	vshll.u32 v5, $0x10  }
0x140: {  	v2 =	vadd.f32 v4, v2;
	v4 =	vand.u32 $0xFFFF0000, v5;
	v3 =	vmul.f32 v3, v8  }
.Ltmp8:
0x141: {  	v0 =	vadd.f32 v1, v0;
	v1 =	vmul.f32 v4, v8;
	v4 =	vshll.u32 v9, $0x10;
	(pc) =	sbr.rel @p5 .LBB2_15-.Ltmp8, $4  }
0x142: {  	v2 =	vadd.f32 v3, v2;
	v3 =	vand.u32 $0xFFFF0000, v9;
	v4 =	vmul.f32 v4, v10  }
0x143: {  	s18 =	sand.u32 $0x400, s1;
	v0 =	vadd.f32 v1, v0;
	v3 =	vmul.f32 v3, v10  }
0x144: {  	s11 =	sand.u32 $0x70, s11;
	s18 =	sadd.s32 s18, s31;
	v1 =	vadd.f32 v4, v2  }
0x145: {  	s11 =	sadd.s32 s11, s18;
	v0 =	vadd.f32 v3, v0  }
0x146: {  	[tilespmem:s11+$0x0] =	vst v1  }
0x147: {  	[tilespmem:s11+$0x80] =	vst v0  }
0x148: {  	_ =	swait.ge [sflag:s10], $0x800  }
0x149: {  	[sflag:s10] =	ssyncset.done $0x0  }
0x14a: {  	s3 =	simm.s32 $0xB470;
	[sflag:s10] =	ssyncadd.s32 $0xFFFFF800  }
0x14b: {  	s20 =	simm.s32 $0x7470;
	v0 =	vld [tilespmem:s3+$0xFFFFFF90]  }
0x14c: {  	v1 =	vld [tilespmem:s20+$0xFFFFFF90]  }
0x14d: {  	v2 =	vld [tilespmem:s3+$0xFFFFFFA0]  }
0x14e: {  	v3 =	vld [tilespmem:s20+$0xFFFFFFA0]  }
0x14f: {  	v4 =	vld [tilespmem:s3+$0xFFFFFFB0]  }
0x150: {  	v6 =	vld [tilespmem:s20+$0xFFFFFFB0];
	v5 =	vshll.u32 v0, $0x10  }
0x151: {  	v7 =	vld [tilespmem:s3+$0xFFFFFFC0];
	v0 =	vand.u32 $0xFFFF0000, v0;
	v5 =	vmul.f32 v5, v1  }
0x152: {  	v8 =	vld [tilespmem:s20+$0xFFFFFFC0];
	v0 =	vmul.f32 v0, v1;
	v1 =	vshll.u32 v2, $0x10  }
0x153: {  	v9 =	vld [tilespmem:s3+$0xFFFFFFD0];
	v2 =	vand.u32 $0xFFFF0000, v2;
	v1 =	vmul.f32 v1, v3;
	v5 =	vadd.f32 $0.0e+00, v5  }
0x154: {  	v10 =	vld [tilespmem:s20+$0xFFFFFFD0];
	v2 =	vmul.f32 v2, v3;
	v3 =	vshll.u32 v4, $0x10;
	v0 =	vadd.f32 $0.0e+00, v0  }
0x155: {  	v53 =	vld [tilespmem:s3+$0xFFFFFFE0];
	v4 =	vand.u32 $0xFFFF0000, v4;
	v3 =	vmul.f32 v3, v6;
	v1 =	vadd.f32 v1, v5  }
0x156: {  	v55 =	vld [tilespmem:s20+$0xFFFFFFE0];
	v54 =	vshll.u32 v7, $0x10;
	v0 =	vadd.f32 v2, v0;
	v2 =	vmul.f32 v4, v6  }
0x157: {  	v56 =	vld [tilespmem:s3+$0xFFFFFFF0];
	v4 =	vmul.f32 v54, v8;
	v1 =	vadd.f32 v3, v1;
	v3 =	vand.u32 $0xFFFF0000, v7  }
0x158: {  	v57 =	vld [tilespmem:s20+$0xFFFFFFF0];
	v0 =	vadd.f32 v2, v0;
	v2 =	vmul.f32 v3, v8;
	v3 =	vshll.u32 v9, $0x10  }
0x159: {  	v59 =	vld [tilespmem:s3+$0x0];
	v58 =	vand.u32 $0xFFFF0000, v9;
	v1 =	vadd.f32 v4, v1;
	v3 =	vmul.f32 v3, v10  }
0x15a: {  	v61 =	vld [tilespmem:s20+$0x0];
	v60 =	vshll.u32 v53, $0x10;
	v0 =	vadd.f32 v2, v0;
	v2 =	vmul.f32 v58, v10  }
0x15b: {  	v4 =	vmul.f32 v60, v55;
	v1 =	vadd.f32 v3, v1;
	v3 =	vand.u32 $0xFFFF0000, v53  }
0x15c: {  	v0 =	vadd.f32 v2, v0;
	v2 =	vmul.f32 v3, v55;
	v3 =	vshll.u32 v56, $0x10  }
0x15d: {  	v62 =	vand.u32 $0xFFFF0000, v56;
	v1 =	vadd.f32 v4, v1;
	v3 =	vmul.f32 v3, v57  }
0x15e: {  	v63 =	vshll.u32 v59, $0x10;
	v0 =	vadd.f32 v2, v0;
	v2 =	vmul.f32 v62, v57  }
0x15f: {  	s1 =	simm.s32 $0x800;
	v4 =	vmul.f32 v63, v61;
	v1 =	vadd.f32 v3, v1;
	v3 =	vand.u32 $0xFFFF0000, v59  }
0x160: {  	s18 =	simm.s32 $0x100;
	s15 =	sand.u32 $0xC00, s1;
	v0 =	vadd.f32 v2, v0;
	v2 =	vmul.f32 v3, v61  }
0x161: {  	s11 =	sand.u32 $0x70, s18;
	s18 =	sadd.s32 s15, s31;
	v1 =	vadd.f32 v4, v1  }
0x162: {  	s15 =	simm.s32 $0x110;
	s11 =	sadd.s32 s11, s18;
	v0 =	vadd.f32 v2, v0  }
.LBB2_17:
0x163: {  	[tilespmem:s11+$0x0] =	vst v1;
	s1 =	sadd.s32 $0x80, s1;
	s3 =	sadd.s32 $0x80, s3;
	s20 =	sadd.s32 $0x80, s20  }
0x164: {  	p5 =	sne.s32 s15, $0x1F0;
	[tilespmem:s11+$0x80] =	vst v0;
	s11 =	smov.u32 s15;
	s15 =	sadd.s32 $0x10, s15  }
0x165: {  	v0 =	vld [tilespmem:s3+$0xFFFFFF90]  }
0x166: {  	v1 =	vld [tilespmem:s20+$0xFFFFFF90]  }
0x167: {  	v2 =	vld [tilespmem:s3+$0xFFFFFFA0]  }
0x168: {  	v3 =	vld [tilespmem:s20+$0xFFFFFFA0]  }
0x169: {  	v4 =	vld [tilespmem:s3+$0xFFFFFFB0]  }
0x16a: {  	v5 =	vshll.u32 v0, $0x10;
	v0 =	vand.u32 $0xFFFF0000, v0;
	v6 =	vld [tilespmem:s20+$0xFFFFFFB0]  }
0x16b: {  	v5 =	vmul.f32 v5, v1;
	v0 =	vmul.f32 v0, v1;
	v1 =	vld [tilespmem:s3+$0xFFFFFFC0]  }
0x16c: {  	v7 =	vshll.u32 v2, $0x10;
	v2 =	vand.u32 $0xFFFF0000, v2;
	v8 =	vld [tilespmem:s20+$0xFFFFFFC0]  }
0x16d: {  	v5 =	vadd.f32 $0.0e+00, v5;
	v0 =	vadd.f32 $0.0e+00, v0;
	v7 =	vmul.f32 v7, v3;
	v9 =	vld [tilespmem:s3+$0xFFFFFFD0]  }
0x16e: {  	v2 =	vmul.f32 v2, v3;
	v3 =	vshll.u32 v4, $0x10;
	v4 =	vand.u32 $0xFFFF0000, v4;
	v10 =	vld [tilespmem:s20+$0xFFFFFFD0]  }
0x16f: {  	v5 =	vadd.f32 v7, v5;
	v3 =	vmul.f32 v3, v6;
	v7 =	vld [tilespmem:s3+$0xFFFFFFE0]  }
0x170: {  	v0 =	vadd.f32 v2, v0;
	v2 =	vmul.f32 v4, v6;
	v4 =	vshll.u32 v1, $0x10;
	v6 =	vld [tilespmem:s20+$0xFFFFFFE0]  }
0x171: {  	v1 =	vand.u32 $0xFFFF0000, v1;
	v3 =	vadd.f32 v3, v5;
	v4 =	vmul.f32 v4, v8;
	v5 =	vld [tilespmem:s3+$0xFFFFFFF0]  }
0x172: {  	v0 =	vadd.f32 v2, v0;
	v1 =	vmul.f32 v1, v8;
	v2 =	vshll.u32 v9, $0x10;
	v8 =	vld [tilespmem:s20+$0xFFFFFFF0]  }
0x173: {  	v3 =	vadd.f32 v4, v3;
	v4 =	vand.u32 $0xFFFF0000, v9;
	v2 =	vmul.f32 v2, v10;
	v9 =	vld [tilespmem:s3+$0x0]  }
0x174: {  	v0 =	vadd.f32 v1, v0;
	v1 =	vmul.f32 v4, v10;
	v4 =	vshll.u32 v7, $0x10;
	v10 =	vld [tilespmem:s20+$0x0]  }
0x175: {  	v2 =	vadd.f32 v2, v3;
	v3 =	vand.u32 $0xFFFF0000, v7;
	v4 =	vmul.f32 v4, v6  }
0x176: {  	v0 =	vadd.f32 v1, v0;
	v1 =	vmul.f32 v3, v6;
	v3 =	vshll.u32 v5, $0x10  }
0x177: {  	v2 =	vadd.f32 v4, v2;
	v4 =	vand.u32 $0xFFFF0000, v5;
	v3 =	vmul.f32 v3, v8  }
.Ltmp9:
0x178: {  	v0 =	vadd.f32 v1, v0;
	v1 =	vmul.f32 v4, v8;
	v4 =	vshll.u32 v9, $0x10;
	(pc) =	sbr.rel @p5 .LBB2_17-.Ltmp9, $4  }
0x179: {  	v2 =	vadd.f32 v3, v2;
	v3 =	vand.u32 $0xFFFF0000, v9;
	v4 =	vmul.f32 v4, v10  }
0x17a: {  	s18 =	sand.u32 $0xC00, s1;
	v0 =	vadd.f32 v1, v0;
	v3 =	vmul.f32 v3, v10  }
0x17b: {  	s11 =	sand.u32 $0x70, s11;
	s18 =	sadd.s32 s18, s31;
	v1 =	vadd.f32 v4, v2  }
0x17c: {  	s11 =	sadd.s32 s11, s18;
	v0 =	vadd.f32 v3, v0  }
0x17d: {  	[tilespmem:s11+$0x0] =	vst v1  }
0x17e: {  	[tilespmem:s11+$0x80] =	vst v0  }
0x17f: {  	_ =	swait.ge [sflag:s10], $0x800  }
0x180: {  	[sflag:s10] =	ssyncset.done $0x0  }
0x181: {  	s3 =	simm.s32 $0xBC70;
	[sflag:s10] =	ssyncadd.s32 $0xFFFFF800  }
0x182: {  	s20 =	simm.s32 $0x7C70;
	v0 =	vld [tilespmem:s3+$0xFFFFFF90]  }
0x183: {  	v1 =	vld [tilespmem:s20+$0xFFFFFF90]  }
0x184: {  	v2 =	vld [tilespmem:s3+$0xFFFFFFA0]  }
0x185: {  	v3 =	vld [tilespmem:s20+$0xFFFFFFA0]  }
0x186: {  	v4 =	vld [tilespmem:s3+$0xFFFFFFB0]  }
0x187: {  	v6 =	vld [tilespmem:s20+$0xFFFFFFB0];
	v5 =	vshll.u32 v0, $0x10  }
0x188: {  	v7 =	vld [tilespmem:s3+$0xFFFFFFC0];
	v0 =	vand.u32 $0xFFFF0000, v0;
	v5 =	vmul.f32 v5, v1  }
0x189: {  	v8 =	vld [tilespmem:s20+$0xFFFFFFC0];
	v0 =	vmul.f32 v0, v1;
	v1 =	vshll.u32 v2, $0x10  }
0x18a: {  	v9 =	vld [tilespmem:s3+$0xFFFFFFD0];
	v2 =	vand.u32 $0xFFFF0000, v2;
	v1 =	vmul.f32 v1, v3;
	v5 =	vadd.f32 $0.0e+00, v5  }
0x18b: {  	v10 =	vld [tilespmem:s20+$0xFFFFFFD0];
	v2 =	vmul.f32 v2, v3;
	v3 =	vshll.u32 v4, $0x10;
	v0 =	vadd.f32 $0.0e+00, v0  }
0x18c: {  	v53 =	vld [tilespmem:s3+$0xFFFFFFE0];
	v4 =	vand.u32 $0xFFFF0000, v4;
	v3 =	vmul.f32 v3, v6;
	v1 =	vadd.f32 v1, v5  }
0x18d: {  	v55 =	vld [tilespmem:s20+$0xFFFFFFE0];
	v54 =	vshll.u32 v7, $0x10;
	v0 =	vadd.f32 v2, v0;
	v2 =	vmul.f32 v4, v6  }
0x18e: {  	v56 =	vld [tilespmem:s3+$0xFFFFFFF0];
	v4 =	vmul.f32 v54, v8;
	v1 =	vadd.f32 v3, v1;
	v3 =	vand.u32 $0xFFFF0000, v7  }
0x18f: {  	v57 =	vld [tilespmem:s20+$0xFFFFFFF0];
	v0 =	vadd.f32 v2, v0;
	v2 =	vmul.f32 v3, v8;
	v3 =	vshll.u32 v9, $0x10  }
0x190: {  	v59 =	vld [tilespmem:s3+$0x0];
	v58 =	vand.u32 $0xFFFF0000, v9;
	v1 =	vadd.f32 v4, v1;
	v3 =	vmul.f32 v3, v10  }
0x191: {  	v61 =	vld [tilespmem:s20+$0x0];
	v60 =	vshll.u32 v53, $0x10;
	v0 =	vadd.f32 v2, v0;
	v2 =	vmul.f32 v58, v10  }
0x192: {  	v4 =	vmul.f32 v60, v55;
	v1 =	vadd.f32 v3, v1;
	v3 =	vand.u32 $0xFFFF0000, v53  }
0x193: {  	v0 =	vadd.f32 v2, v0;
	v2 =	vmul.f32 v3, v55;
	v3 =	vshll.u32 v56, $0x10  }
0x194: {  	v62 =	vand.u32 $0xFFFF0000, v56;
	v1 =	vadd.f32 v4, v1;
	v3 =	vmul.f32 v3, v57  }
0x195: {  	v63 =	vshll.u32 v59, $0x10;
	v0 =	vadd.f32 v2, v0;
	v2 =	vmul.f32 v62, v57  }
0x196: {  	s1 =	simm.s32 $0x1000;
	v4 =	vmul.f32 v63, v61;
	v1 =	vadd.f32 v3, v1;
	v3 =	vand.u32 $0xFFFF0000, v59  }
0x197: {  	s18 =	simm.s32 $0x200;
	s15 =	sand.u32 $0x1C00, s1;
	v0 =	vadd.f32 v2, v0;
	v2 =	vmul.f32 v3, v61  }
0x198: {  	s11 =	sand.u32 $0x70, s18;
	s18 =	sadd.s32 s15, s31;
	v1 =	vadd.f32 v4, v1  }
0x199: {  	s15 =	simm.s32 $0x210;
	s11 =	sadd.s32 s11, s18;
	v0 =	vadd.f32 v2, v0  }
.LBB2_19:
0x19a: {  	[tilespmem:s11+$0x0] =	vst v1;
	s1 =	sadd.s32 $0x80, s1;
	s3 =	sadd.s32 $0x80, s3;
	s20 =	sadd.s32 $0x80, s20  }
0x19b: {  	p5 =	sne.s32 s15, $0x2F0;
	[tilespmem:s11+$0x80] =	vst v0;
	s11 =	smov.u32 s15;
	s15 =	sadd.s32 $0x10, s15  }
0x19c: {  	v0 =	vld [tilespmem:s3+$0xFFFFFF90]  }
0x19d: {  	v1 =	vld [tilespmem:s20+$0xFFFFFF90]  }
0x19e: {  	v2 =	vld [tilespmem:s3+$0xFFFFFFA0]  }
0x19f: {  	v3 =	vld [tilespmem:s20+$0xFFFFFFA0]  }
0x1a0: {  	v4 =	vld [tilespmem:s3+$0xFFFFFFB0]  }
0x1a1: {  	v5 =	vshll.u32 v0, $0x10;
	v0 =	vand.u32 $0xFFFF0000, v0;
	v6 =	vld [tilespmem:s20+$0xFFFFFFB0]  }
0x1a2: {  	v5 =	vmul.f32 v5, v1;
	v0 =	vmul.f32 v0, v1;
	v1 =	vld [tilespmem:s3+$0xFFFFFFC0]  }
0x1a3: {  	v7 =	vshll.u32 v2, $0x10;
	v2 =	vand.u32 $0xFFFF0000, v2;
	v8 =	vld [tilespmem:s20+$0xFFFFFFC0]  }
0x1a4: {  	v5 =	vadd.f32 $0.0e+00, v5;
	v0 =	vadd.f32 $0.0e+00, v0;
	v7 =	vmul.f32 v7, v3;
	v9 =	vld [tilespmem:s3+$0xFFFFFFD0]  }
0x1a5: {  	v2 =	vmul.f32 v2, v3;
	v3 =	vshll.u32 v4, $0x10;
	v4 =	vand.u32 $0xFFFF0000, v4;
	v10 =	vld [tilespmem:s20+$0xFFFFFFD0]  }
0x1a6: {  	v5 =	vadd.f32 v7, v5;
	v3 =	vmul.f32 v3, v6;
	v7 =	vld [tilespmem:s3+$0xFFFFFFE0]  }
0x1a7: {  	v0 =	vadd.f32 v2, v0;
	v2 =	vmul.f32 v4, v6;
	v4 =	vshll.u32 v1, $0x10;
	v6 =	vld [tilespmem:s20+$0xFFFFFFE0]  }
0x1a8: {  	v1 =	vand.u32 $0xFFFF0000, v1;
	v3 =	vadd.f32 v3, v5;
	v4 =	vmul.f32 v4, v8;
	v5 =	vld [tilespmem:s3+$0xFFFFFFF0]  }
0x1a9: {  	v0 =	vadd.f32 v2, v0;
	v1 =	vmul.f32 v1, v8;
	v2 =	vshll.u32 v9, $0x10;
	v8 =	vld [tilespmem:s20+$0xFFFFFFF0]  }
0x1aa: {  	v3 =	vadd.f32 v4, v3;
	v4 =	vand.u32 $0xFFFF0000, v9;
	v2 =	vmul.f32 v2, v10;
	v9 =	vld [tilespmem:s3+$0x0]  }
0x1ab: {  	v0 =	vadd.f32 v1, v0;
	v1 =	vmul.f32 v4, v10;
	v4 =	vshll.u32 v7, $0x10;
	v10 =	vld [tilespmem:s20+$0x0]  }
0x1ac: {  	v2 =	vadd.f32 v2, v3;
	v3 =	vand.u32 $0xFFFF0000, v7;
	v4 =	vmul.f32 v4, v6  }
0x1ad: {  	v0 =	vadd.f32 v1, v0;
	v1 =	vmul.f32 v3, v6;
	v3 =	vshll.u32 v5, $0x10  }
0x1ae: {  	v2 =	vadd.f32 v4, v2;
	v4 =	vand.u32 $0xFFFF0000, v5;
	v3 =	vmul.f32 v3, v8  }
.Ltmp10:
0x1af: {  	v0 =	vadd.f32 v1, v0;
	v1 =	vmul.f32 v4, v8;
	v4 =	vshll.u32 v9, $0x10;
	(pc) =	sbr.rel @p5 .LBB2_19-.Ltmp10, $4  }
0x1b0: {  	v2 =	vadd.f32 v3, v2;
	v3 =	vand.u32 $0xFFFF0000, v9;
	v4 =	vmul.f32 v4, v10  }
0x1b1: {  	s18 =	sand.u32 $0x1C00, s1;
	v0 =	vadd.f32 v1, v0;
	v3 =	vmul.f32 v3, v10  }
0x1b2: {  	s11 =	sand.u32 $0x70, s11;
	s18 =	sadd.s32 s18, s31;
	v1 =	vadd.f32 v4, v2  }
0x1b3: {  	s11 =	sadd.s32 s11, s18;
	v0 =	vadd.f32 v3, v0  }
0x1b4: {  	[tilespmem:s11+$0x0] =	vst v1  }
0x1b5: {  	[tilespmem:s11+$0x80] =	vst v0  }
0x1b6: {  	_ =	swait.ge [sflag:s10], $0x800  }
0x1b7: {  	[sflag:s10] =	ssyncset.done $0x0  }
0x1b8: {  	s3 =	simm.s32 $0xC470;
	[sflag:s10] =	ssyncadd.s32 $0xFFFFF800  }
0x1b9: {  	s20 =	simm.s32 $0x8470;
	v0 =	vld [tilespmem:s3+$0xFFFFFF90]  }
0x1ba: {  	v1 =	vld [tilespmem:s20+$0xFFFFFF90]  }
0x1bb: {  	v2 =	vld [tilespmem:s3+$0xFFFFFFA0]  }
0x1bc: {  	v3 =	vld [tilespmem:s20+$0xFFFFFFA0]  }
0x1bd: {  	v4 =	vld [tilespmem:s3+$0xFFFFFFB0]  }
0x1be: {  	v6 =	vld [tilespmem:s20+$0xFFFFFFB0];
	v5 =	vshll.u32 v0, $0x10  }
0x1bf: {  	v7 =	vld [tilespmem:s3+$0xFFFFFFC0];
	v0 =	vand.u32 $0xFFFF0000, v0;
	v5 =	vmul.f32 v5, v1  }
0x1c0: {  	v8 =	vld [tilespmem:s20+$0xFFFFFFC0];
	v0 =	vmul.f32 v0, v1;
	v1 =	vshll.u32 v2, $0x10  }
0x1c1: {  	v9 =	vld [tilespmem:s3+$0xFFFFFFD0];
	v2 =	vand.u32 $0xFFFF0000, v2;
	v1 =	vmul.f32 v1, v3;
	v5 =	vadd.f32 $0.0e+00, v5  }
0x1c2: {  	v10 =	vld [tilespmem:s20+$0xFFFFFFD0];
	v2 =	vmul.f32 v2, v3;
	v3 =	vshll.u32 v4, $0x10;
	v0 =	vadd.f32 $0.0e+00, v0  }
0x1c3: {  	v53 =	vld [tilespmem:s3+$0xFFFFFFE0];
	v4 =	vand.u32 $0xFFFF0000, v4;
	v3 =	vmul.f32 v3, v6;
	v1 =	vadd.f32 v1, v5  }
0x1c4: {  	v55 =	vld [tilespmem:s20+$0xFFFFFFE0];
	v54 =	vshll.u32 v7, $0x10;
	v0 =	vadd.f32 v2, v0;
	v2 =	vmul.f32 v4, v6  }
0x1c5: {  	v56 =	vld [tilespmem:s3+$0xFFFFFFF0];
	v4 =	vmul.f32 v54, v8;
	v1 =	vadd.f32 v3, v1;
	v3 =	vand.u32 $0xFFFF0000, v7  }
0x1c6: {  	v57 =	vld [tilespmem:s20+$0xFFFFFFF0];
	v0 =	vadd.f32 v2, v0;
	v2 =	vmul.f32 v3, v8;
	v3 =	vshll.u32 v9, $0x10  }
0x1c7: {  	v59 =	vld [tilespmem:s3+$0x0];
	v58 =	vand.u32 $0xFFFF0000, v9;
	v1 =	vadd.f32 v4, v1;
	v3 =	vmul.f32 v3, v10  }
0x1c8: {  	v61 =	vld [tilespmem:s20+$0x0];
	v60 =	vshll.u32 v53, $0x10;
	v0 =	vadd.f32 v2, v0;
	v2 =	vmul.f32 v58, v10  }
0x1c9: {  	v4 =	vmul.f32 v60, v55;
	v1 =	vadd.f32 v3, v1;
	v3 =	vand.u32 $0xFFFF0000, v53  }
0x1ca: {  	v0 =	vadd.f32 v2, v0;
	v2 =	vmul.f32 v3, v55;
	v3 =	vshll.u32 v56, $0x10  }
0x1cb: {  	v62 =	vand.u32 $0xFFFF0000, v56;
	v1 =	vadd.f32 v4, v1;
	v3 =	vmul.f32 v3, v57  }
0x1cc: {  	v63 =	vshll.u32 v59, $0x10;
	v0 =	vadd.f32 v2, v0;
	v2 =	vmul.f32 v62, v57  }
0x1cd: {  	s1 =	simm.s32 $0x1800;
	v4 =	vmul.f32 v63, v61;
	v1 =	vadd.f32 v3, v1;
	v3 =	vand.u32 $0xFFFF0000, v59  }
0x1ce: {  	s18 =	simm.s32 $0x300;
	s15 =	sand.u32 $0x1C00, s1;
	v0 =	vadd.f32 v2, v0;
	v2 =	vmul.f32 v3, v61  }
0x1cf: {  	s11 =	sand.u32 $0x70, s18;
	s18 =	sadd.s32 s15, s31;
	v1 =	vadd.f32 v4, v1  }
0x1d0: {  	s15 =	simm.s32 $0x310;
	s11 =	sadd.s32 s11, s18;
	v0 =	vadd.f32 v2, v0  }
.LBB2_21:
0x1d1: {  	[tilespmem:s11+$0x0] =	vst v1;
	s1 =	sadd.s32 $0x80, s1;
	s3 =	sadd.s32 $0x80, s3;
	s20 =	sadd.s32 $0x80, s20  }
0x1d2: {  	p5 =	sne.s32 s15, $0x3F0;
	[tilespmem:s11+$0x80] =	vst v0;
	s11 =	smov.u32 s15;
	s15 =	sadd.s32 $0x10, s15  }
0x1d3: {  	v0 =	vld [tilespmem:s3+$0xFFFFFF90]  }
0x1d4: {  	v1 =	vld [tilespmem:s20+$0xFFFFFF90]  }
0x1d5: {  	v2 =	vld [tilespmem:s3+$0xFFFFFFA0]  }
0x1d6: {  	v3 =	vld [tilespmem:s20+$0xFFFFFFA0]  }
0x1d7: {  	v4 =	vld [tilespmem:s3+$0xFFFFFFB0]  }
0x1d8: {  	v5 =	vshll.u32 v0, $0x10;
	v0 =	vand.u32 $0xFFFF0000, v0;
	v6 =	vld [tilespmem:s20+$0xFFFFFFB0]  }
0x1d9: {  	v5 =	vmul.f32 v5, v1;
	v0 =	vmul.f32 v0, v1;
	v1 =	vld [tilespmem:s3+$0xFFFFFFC0]  }
0x1da: {  	v7 =	vshll.u32 v2, $0x10;
	v2 =	vand.u32 $0xFFFF0000, v2;
	v8 =	vld [tilespmem:s20+$0xFFFFFFC0]  }
0x1db: {  	v5 =	vadd.f32 $0.0e+00, v5;
	v0 =	vadd.f32 $0.0e+00, v0;
	v7 =	vmul.f32 v7, v3;
	v9 =	vld [tilespmem:s3+$0xFFFFFFD0]  }
0x1dc: {  	v2 =	vmul.f32 v2, v3;
	v3 =	vshll.u32 v4, $0x10;
	v4 =	vand.u32 $0xFFFF0000, v4;
	v10 =	vld [tilespmem:s20+$0xFFFFFFD0]  }
0x1dd: {  	v5 =	vadd.f32 v7, v5;
	v3 =	vmul.f32 v3, v6;
	v7 =	vld [tilespmem:s3+$0xFFFFFFE0]  }
0x1de: {  	v0 =	vadd.f32 v2, v0;
	v2 =	vmul.f32 v4, v6;
	v4 =	vshll.u32 v1, $0x10;
	v6 =	vld [tilespmem:s20+$0xFFFFFFE0]  }
0x1df: {  	v1 =	vand.u32 $0xFFFF0000, v1;
	v3 =	vadd.f32 v3, v5;
	v4 =	vmul.f32 v4, v8;
	v5 =	vld [tilespmem:s3+$0xFFFFFFF0]  }
0x1e0: {  	v0 =	vadd.f32 v2, v0;
	v1 =	vmul.f32 v1, v8;
	v2 =	vshll.u32 v9, $0x10;
	v8 =	vld [tilespmem:s20+$0xFFFFFFF0]  }
0x1e1: {  	v3 =	vadd.f32 v4, v3;
	v4 =	vand.u32 $0xFFFF0000, v9;
	v2 =	vmul.f32 v2, v10;
	v9 =	vld [tilespmem:s3+$0x0]  }
0x1e2: {  	v0 =	vadd.f32 v1, v0;
	v1 =	vmul.f32 v4, v10;
	v4 =	vshll.u32 v7, $0x10;
	v10 =	vld [tilespmem:s20+$0x0]  }
0x1e3: {  	v2 =	vadd.f32 v2, v3;
	v3 =	vand.u32 $0xFFFF0000, v7;
	v4 =	vmul.f32 v4, v6  }
0x1e4: {  	v0 =	vadd.f32 v1, v0;
	v1 =	vmul.f32 v3, v6;
	v3 =	vshll.u32 v5, $0x10  }
0x1e5: {  	v2 =	vadd.f32 v4, v2;
	v4 =	vand.u32 $0xFFFF0000, v5;
	v3 =	vmul.f32 v3, v8  }
.Ltmp11:
0x1e6: {  	v0 =	vadd.f32 v1, v0;
	v1 =	vmul.f32 v4, v8;
	v4 =	vshll.u32 v9, $0x10;
	(pc) =	sbr.rel @p5 .LBB2_21-.Ltmp11, $4  }
0x1e7: {  	v2 =	vadd.f32 v3, v2;
	v3 =	vand.u32 $0xFFFF0000, v9;
	v4 =	vmul.f32 v4, v10  }
0x1e8: {  	s18 =	sand.u32 $0x1C00, s1;
	v0 =	vadd.f32 v1, v0;
	v3 =	vmul.f32 v3, v10  }
0x1e9: {  	s11 =	sand.u32 $0x70, s11;
	s18 =	sadd.s32 s18, s31;
	v1 =	vadd.f32 v4, v2  }
0x1ea: {  	s11 =	sadd.s32 s11, s18;
	v0 =	vadd.f32 v3, v0  }
0x1eb: {  	[tilespmem:s11+$0x0] =	vst v1  }
0x1ec: {  	[tilespmem:s11+$0x80] =	vst v0  }
.LBB2_23:
0x1ed: {  	s30 =	sor.u32 $0x1, s30;
	s1 =	simm.s32 $0x0  }
0x1ee: {  	s3 =	sshll.u32 s30, $0x7;
	v0 =	vld [tilespmem:s1+$0x800]  }
0x1ef: {  	v2 =	vld [tilespmem:s3+$0x14C00]  }
0x1f0: {  	v1 =	vld [tilespmem:s1+$0x0]  }
0x1f1: {  	v5 =	vld [tilespmem:s1+$0x400];
	_ =	sdelay $0x1  }
0x1f2: {  	v6 =	vld [tilespmem:s3+$0x16400]  }
0x1f3: {  	v0 =	vmul.f32 v0, v2  }
0x1f4: {  	v4 =	vld [tilespmem:s3+$0x15C00];
	v8 =	vmul.f32 v1, v2  }
0x1f5: {  	v3 =	vld [tilespmem:s3+$0x15400];
	v9 =	vmul.f32 v5, v2;
	v1 =	vtrunc.f32 v0  }
0x1f6: {  	v5 =	vtrunc.f32 v8;
	v1 =	vcvt.f32.s32 v1  }
0x1f7: {  	vm0 =	vgt.s32 v6, $0x0;
	v11 =	vcvt.f32.s32 v5;
	v5 =	vtrunc.f32 v9  }
0x1f8: {  	v6 =	vcvt.f32.s32 v5;
	v10 =	vcvt.s32.f32 v1;
	v5 =	vadd.s32 $0x1, v1  }
0x1f9: {  	v12 =	vcvt.s32.f32 v11;
	v7 =	vmul.u32 v1, v4;
	v13 =	vadd.s32 $0x1, v11  }
0x1fa: {  	v14 =	vcvt.s32.f32 v6;
	v1 =	vsub.f32 v0, v10;
	v0 =	vmul.u32 v6, v3  }
0x1fb: {  	v5 =	vmul.u32 v4, v5;
	v17 =	vadd.s32 $0x1, v6;
	v8 =	vsub.f32 v8, v12  }
0x1fc: {  	v18 =	vsub.f32 v9, v14;
	v9 =	vadd.s32 v11, v0;
	v12 =	vadd.s32 v13, v0  }
0x1fd: {  	v15 =	vxor.u32 v11, v0;
	v16 =	vxor.u32 v13, v0;
	v19 =	vsub.f32 $1.000000000e+00, v8  }
0x1fe: {  	v6 =	vadd.s32 v7, v12;
	v22 =	vsub.f32 $1.000000000e+00, v18;
	v0 =	vxor.u32 v7, v16  }
0x1ff: {  	s20 =	simm.s32 $0x6C40;
	s15 =	simm.s32 $0x40;
	v14 =	vsub.f32 $1.000000000e+00, v1;
	v21 =	vsel vm0, v0, v6;
	v6 =	vmul.f32 v18, v8;
	v0 =	vld [tilespmem:s3+$0x16C00]  }
0x200: {  	s31 =	simm.s32 $0x6C40;
	s1 =	simm.s32 $0x2C40;
	v20 =	vadd.s32 v7, v9;
	s3 =	simm.s32 $0x2C40;
	v10 =	vmul.f32 v22, v19;
	v8 =	vmul.f32 v22, v8  }
.LBB2_24:
0x201: {  	p5 =	sne.s32 s15, $0xFC0;
	v22 =	vxor.u32 v7, v15;
	v21 =	vand.u32 $0x7FFFF, v21;
	v18 =	vmul.f32 v18, v19;
	s20 =	sadd.s32 $0x80, s20;
	s1 =	sadd.s32 $0x80, s1  }
0x202: {  	v17 =	vmul.u32 v3, v17;
	s11 =	smov.u32 s15;
	s15 =	sadd.s32 $0x40, s15;
	v19 =	vsel vm0, v22, v20;
	v20 =	vmul.f32 v14, v10  }
0x203: {  	v22 =	vmul.f32 v14, v8;
	v19 =	vand.u32 $0x7FFFF, v19;
	v23 =	vmul.f32 v14, v18  }
0x204: {  	v16 =	vxor.u32 v16, v5;
	v24 =	vadd.s32 v11, v17;
	v19 =	vadd.s32 v0, v19  }
0x205: {  	v12 =	vadd.s32 v12, v5;
	v11 =	vxor.u32 v11, v17;
	[tilespmem:s3+$0xFFFFFFC0] =	vst v19;
	v19 =	vadd.s32 v7, v24  }
0x206: {  	v15 =	vxor.u32 v15, v5;
	v25 =	vxor.u32 v13, v17;
	[tilespmem:s31+$0xFFFFFFC0] =	vst v20;
	v20 =	vxor.u32 v7, v11  }
0x207: {  	s11 =	sshra.s32 s11, $0x2;
	v13 =	vadd.s32 v13, v17;
	v17 =	vxor.u32 v7, v25;
	v19 =	vsel vm0, v20, v19  }
0x208: {  	v11 =	vxor.u32 v5, v11;
	v20 =	vadd.s32 v0, v21;
	v19 =	vand.u32 $0x7FFFF, v19  }
0x209: {  	v9 =	vadd.s32 v9, v5;
	v7 =	vadd.s32 v7, v13;
	[tilespmem:s3+$0xFFFFFFD0] =	vst v20;
	v19 =	vadd.s32 v0, v19  }
0x20a: {  	v7 =	vsel vm0, v17, v7;
	v17 =	vadd.s32 v5, v24;
	v20 =	vxor.u32 v5, v25;
	[tilespmem:s31+$0xFFFFFFD0] =	vst v22  }
0x20b: {  	v14 =	vmul.f32 v14, v6;
	v7 =	vand.u32 $0x7FFFF, v7;
	v5 =	vadd.s32 v5, v13;
	[tilespmem:s3+$0xFFFFFFE0] =	vst v19  }
0x20c: {  	v9 =	vsel vm0, v15, v9;
	v7 =	vadd.s32 v0, v7;
	v5 =	vsel vm0, v20, v5;
	[tilespmem:s31+$0xFFFFFFE0] =	vst v23  }
0x20d: {  	v5 =	vand.u32 $0x7FFFF, v5;
	[tilespmem:s3+$0xFFFFFFF0] =	vst v7;
	v7 =	vand.u32 $0x7FFFF, v9;
	v9 =	vmul.f32 v10, v1  }
0x20e: {  	v8 =	vmul.f32 v8, v1;
	v10 =	vsel vm0, v16, v12;
	[tilespmem:s31+$0xFFFFFFF0] =	vst v14;
	v7 =	vadd.s32 v0, v7  }
0x20f: {  	[tilespmem:s3+$0x0] =	vst v7;
	v7 =	vand.u32 $0x7FFFF, v10;
	v10 =	vsel vm0, v11, v17;
	v11 =	vmul.f32 v1, v18  }
0x210: {  	[tilespmem:s31+$0x0] =	vst v9;
	v7 =	vadd.s32 v0, v7;
	v9 =	vand.u32 $0x7FFFF, v10  }
0x211: {  	[tilespmem:s3+$0x10] =	vst v7  }
0x212: {  	v7 =	vadd.s32 v0, v9;
	[tilespmem:s31+$0x10] =	vst v8  }
0x213: {  	[tilespmem:s3+$0x20] =	vst v7  }
0x214: {  	v5 =	vadd.s32 v0, v5;
	v1 =	vmul.f32 v1, v6;
	[tilespmem:s31+$0x20] =	vst v11  }
0x215: {  	[tilespmem:s3+$0x30] =	vst v5;
	s3 =	smov.u32 s1  }
0x216: {  	[tilespmem:s31+$0x30] =	vst v1;
	s31 =	smov.u32 s20  }
0x217: {  	v1 =	vld [tilespmem:s11+$0x800]  }
0x218: {  	v5 =	vld [tilespmem:s11+$0x0]  }
0x219: {  	v6 =	vld [tilespmem:s11+$0x400];
	_ =	sdelay $0x2  }
0x21a: {  	v1 =	vmul.f32 v1, v2  }
0x21b: {  	v8 =	vmul.f32 v5, v2  }
0x21c: {  	v6 =	vmul.f32 v6, v2;
	v5 =	vtrunc.f32 v1  }
0x21d: {  	v7 =	vtrunc.f32 v8;
	v5 =	vcvt.f32.s32 v5  }
0x21e: {  	v11 =	vcvt.f32.s32 v7;
	v7 =	vtrunc.f32 v6  }
0x21f: {  	v9 =	vcvt.f32.s32 v7;
	v10 =	vcvt.s32.f32 v5;
	v12 =	vadd.s32 $0x1, v5  }
0x220: {  	v7 =	vmul.u32 v5, v4;
	v13 =	vcvt.s32.f32 v11;
	v5 =	vmul.u32 v4, v12  }
0x221: {  	v12 =	vcvt.s32.f32 v9;
	v1 =	vsub.f32 v1, v10;
	v10 =	vmul.u32 v9, v3  }
0x222: {  	v17 =	vadd.s32 $0x1, v9;
	v8 =	vsub.f32 v8, v13;
	v13 =	vadd.s32 $0x1, v11  }
.Ltmp12:
0x223: {  	v18 =	vsub.f32 v6, v12;
	v9 =	vadd.s32 v11, v10;
	v12 =	vadd.s32 v13, v10;
	(pc) =	sbr.rel @p5 .LBB2_24-.Ltmp12, $4  }
0x224: {  	v15 =	vxor.u32 v11, v10;
	v16 =	vxor.u32 v13, v10;
	v6 =	vadd.s32 v7, v12  }
0x225: {  	v19 =	vsub.f32 $1.000000000e+00, v8;
	v10 =	vxor.u32 v7, v16;
	v22 =	vsub.f32 $1.000000000e+00, v18  }
0x226: {  	v20 =	vadd.s32 v7, v9;
	v21 =	vsel vm0, v10, v6;
	v6 =	vmul.f32 v18, v8  }
0x227: {  	v14 =	vsub.f32 $1.000000000e+00, v1;
	v10 =	vmul.f32 v22, v19;
	v8 =	vmul.f32 v22, v8  }
0x228: {  	v2 =	vxor.u32 v7, v15;
	v4 =	vand.u32 $0x7FFFF, v21  }
0x229: {  	v18 =	vmul.f32 v18, v19;
	v3 =	vmul.u32 v3, v17;
	v2 =	vsel vm0, v2, v20  }
0x22a: {  	v25 =	vmul.f32 v14, v10;
	v26 =	vmul.f32 v14, v8;
	v2 =	vand.u32 $0x7FFFF, v2  }
0x22b: {  	v27 =	vadd.s32 v11, v3;
	v28 =	vxor.u32 v11, v3;
	v2 =	vadd.s32 v0, v2  }
0x22c: {  	v4 =	vadd.s32 v0, v4;
	v29 =	vxor.u32 v7, v28;
	[tilespmem:s3+$0xFFFFFFC0] =	vst v2;
	v2 =	vadd.s32 v7, v27  }
0x22d: {  	v22 =	vxor.u32 v13, v3;
	v3 =	vadd.s32 v13, v3;
	[tilespmem:s31+$0xFFFFFFC0] =	vst v25;
	v2 =	vsel vm0, v29, v2  }
0x22e: {  	v30 =	vxor.u32 v7, v22;
	v31 =	vadd.s32 v7, v3;
	v2 =	vand.u32 $0x7FFFF, v2;
	[tilespmem:s3+$0xFFFFFFD0] =	vst v4  }
0x22f: {  	v32 =	vmul.f32 v14, v18;
	v4 =	vsel vm0, v30, v31;
	v2 =	vadd.s32 v0, v2;
	[tilespmem:s31+$0xFFFFFFD0] =	vst v26  }
0x230: {  	v33 =	vxor.u32 v15, v5;
	v9 =	vadd.s32 v9, v5;
	[tilespmem:s3+$0xFFFFFFE0] =	vst v2;
	v2 =	vand.u32 $0x7FFFF, v4  }
0x231: {  	v34 =	vmul.f32 v14, v6;
	v35 =	vsel vm0, v33, v9;
	[tilespmem:s31+$0xFFFFFFE0] =	vst v32;
	v2 =	vadd.s32 v0, v2  }
0x232: {  	v36 =	vxor.u32 v16, v5;
	v12 =	vadd.s32 v12, v5;
	[tilespmem:s3+$0xFFFFFFF0] =	vst v2;
	v2 =	vand.u32 $0x7FFFF, v35  }
0x233: {  	v37 =	vmul.f32 v10, v1;
	v38 =	vsel vm0, v36, v12;
	[tilespmem:s31+$0xFFFFFFF0] =	vst v34;
	v2 =	vadd.s32 v0, v2  }
0x234: {  	v39 =	vxor.u32 v5, v28;
	v40 =	vadd.s32 v5, v27;
	[tilespmem:s3+$0x0] =	vst v2;
	v2 =	vand.u32 $0x7FFFF, v38  }
0x235: {  	v41 =	vmul.f32 v8, v1;
	v42 =	vsel vm0, v39, v40;
	[tilespmem:s31+$0x0] =	vst v37;
	v2 =	vadd.s32 v0, v2  }
0x236: {  	v43 =	vxor.u32 v5, v22;
	v3 =	vadd.s32 v5, v3;
	v44 =	vand.u32 $0x7FFFF, v42;
	[tilespmem:s3+$0x10] =	vst v2  }
0x237: {  	v45 =	vadd.s32 v0, v44;
	v2 =	vsel vm0, v43, v3;
	v3 =	vmul.f32 v1, v18;
	[tilespmem:s31+$0x10] =	vst v41  }
0x238: {  	v2 =	vand.u32 $0x7FFFF, v2;
	[tilespmem:s3+$0x20] =	vst v45  }
0x239: {  	v1 =	vmul.f32 v1, v6;
	v0 =	vadd.s32 v0, v2;
	[tilespmem:s31+$0x20] =	vst v3  }
0x23a: {  	p5 =	sgt.u32 s30, $0x4;
	[tilespmem:s3+$0x30] =	vst v0  }
0x23b: {  	s1 =	simm.s32 @!p5 $0x800;
	s11 =	simm.s32 @!p5 $0xAC00;
	s3 =	simm.s32 @!p5 $0x2C00;
	[tilespmem:s31+$0x30] =	vst v1  }
0x23c: {  	[tilespmem:s11], [sflag:$0x2] =	stream.indirect.gather @!p5 [spmem:s2], $0x1, s3, s1, $0xb8;
	[tilespmem:$0x1F648] =	vst v63  }
0x23d: {  	s3 =	simm.s32 @!p5 $0x3400;
	s11 =	simm.s32 @!p5 $0xB400  }
0x23e: {  	[tilespmem:s11], [sflag:$0x2] =	stream.indirect.gather @!p5 [spmem:s2], $0x1, s3, s1, $0xb8;
	[tilespmem:$0x1F648] =	vst v63  }
0x23f: {  	s3 =	simm.s32 @!p5 $0x3C00;
	s11 =	simm.s32 @!p5 $0xBC00  }
0x240: {  	[tilespmem:s11], [sflag:$0x2] =	stream.indirect.gather @!p5 [spmem:s2], $0x1, s3, s1, $0xb8;
	[tilespmem:$0x1F648] =	vst v63  }
0x241: {  	s3 =	simm.s32 @!p5 $0x4400;
	s11 =	simm.s32 @!p5 $0xC400  }
0x242: {  	[tilespmem:s11], [sflag:$0x2] =	stream.indirect.gather @!p5 [spmem:s2], $0x1, s3, s1, $0xb8;
	[tilespmem:$0x1F648] =	vst v63  }
0x243: {  	p5 =	slt.u32 s29, $0x2  }
0x244: {  	s1 =	simm.s32 @!p5 $0x800;
	s3 =	simm.s32 @!p5 $0x2C00;
	s11 =	simm.s32 @!p5 $0xAC00  }
0x245: {  	[tilespmem:s11], [sflag:$0x2] =	stream.indirect.gather @!p5 [hbm4b:s6+s1], $0x1, s3, s1, $0xb8;
	[tilespmem:$0x1F648] =	vst v63  }
0x246: {  	s3 =	simm.s32 @!p5 $0x3400;
	s11 =	simm.s32 @!p5 $0xB400  }
0x247: {  	[tilespmem:s11], [sflag:$0x2] =	stream.indirect.gather @!p5 [hbm4b:s6+s1], $0x1, s3, s1, $0xb8;
	[tilespmem:$0x1F648] =	vst v63  }
0x248: {  	s3 =	simm.s32 @!p5 $0x3C00;
	s11 =	simm.s32 @!p5 $0xBC00  }
0x249: {  	[tilespmem:s11], [sflag:$0x2] =	stream.indirect.gather @!p5 [hbm4b:s6+s1], $0x1, s3, s1, $0xb8;
	[tilespmem:$0x1F648] =	vst v63  }
0x24a: {  	s3 =	simm.s32 @!p5 $0x4400;
	s11 =	simm.s32 @!p5 $0xC400  }
0x24b: {  	[tilespmem:s11], [sflag:$0x2] =	stream.indirect.gather @!p5 [hbm4b:s6+s1], $0x1, s3, s1, $0xb8;
	[tilespmem:$0x1F648] =	vst v63  }
0x24c: {  	_ =	swait.ge [sflag:s9], $0x800  }
0x24d: {  	[sflag:s9] =	ssyncset.done $0x0  }
0x24e: {  	s3 =	simm.s32 $0x8C40;
	[sflag:s9] =	ssyncadd.s32 $0xFFFFF800  }
0x24f: {  	s20 =	simm.s32 $0x4C40;
	v0 =	vld [tilespmem:s3+$0xFFFFFFC0]  }
0x250: {  	v1 =	vld [tilespmem:s20+$0xFFFFFFC0]  }
0x251: {  	v2 =	vld [tilespmem:s3+$0xFFFFFFD0]  }
0x252: {  	v3 =	vld [tilespmem:s20+$0xFFFFFFD0]  }
0x253: {  	v46 =	vld [tilespmem:s3+$0xFFFFFFE0]  }
0x254: {  	v48 =	vld [tilespmem:s20+$0xFFFFFFE0];
	v47 =	vshll.u32 v0, $0x10  }
0x255: {  	v49 =	vld [tilespmem:s3+$0xFFFFFFF0];
	v0 =	vand.u32 $0xFFFF0000, v0;
	v5 =	vmul.f32 v47, v1  }
0x256: {  	v50 =	vld [tilespmem:s20+$0xFFFFFFF0];
	v0 =	vmul.f32 v0, v1;
	v1 =	vshll.u32 v2, $0x10  }
0x257: {  	v51 =	vld [tilespmem:s3+$0x0];
	v2 =	vand.u32 $0xFFFF0000, v2;
	v1 =	vmul.f32 v1, v3;
	v5 =	vadd.f32 $0.0e+00, v5  }
0x258: {  	v52 =	vld [tilespmem:s20+$0x0];
	v2 =	vmul.f32 v2, v3;
	v3 =	vshll.u32 v46, $0x10;
	v0 =	vadd.f32 $0.0e+00, v0  }
0x259: {  	v53 =	vld [tilespmem:s3+$0x10];
	v4 =	vand.u32 $0xFFFF0000, v46;
	v3 =	vmul.f32 v3, v48;
	v1 =	vadd.f32 v1, v5  }
0x25a: {  	v55 =	vld [tilespmem:s20+$0x10];
	v54 =	vshll.u32 v49, $0x10;
	v0 =	vadd.f32 v2, v0;
	v2 =	vmul.f32 v4, v48  }
0x25b: {  	v56 =	vld [tilespmem:s3+$0x20];
	v4 =	vmul.f32 v54, v50;
	v1 =	vadd.f32 v3, v1;
	v3 =	vand.u32 $0xFFFF0000, v49  }
0x25c: {  	v57 =	vld [tilespmem:s20+$0x20];
	v0 =	vadd.f32 v2, v0;
	v2 =	vmul.f32 v3, v50;
	v3 =	vshll.u32 v51, $0x10  }
0x25d: {  	v59 =	vld [tilespmem:s3+$0x30];
	v58 =	vand.u32 $0xFFFF0000, v51;
	v1 =	vadd.f32 v4, v1;
	v3 =	vmul.f32 v3, v52  }
0x25e: {  	v61 =	vld [tilespmem:s20+$0x30];
	v60 =	vshll.u32 v53, $0x10;
	v0 =	vadd.f32 v2, v0;
	v2 =	vmul.f32 v58, v52  }
0x25f: {  	v4 =	vmul.f32 v60, v55;
	v1 =	vadd.f32 v3, v1;
	v3 =	vand.u32 $0xFFFF0000, v53  }
0x260: {  	v0 =	vadd.f32 v2, v0;
	v2 =	vmul.f32 v3, v55;
	v3 =	vshll.u32 v56, $0x10  }
0x261: {  	s15 =	sshll.u32 s29, $0x9;
	s18 =	sshll.u32 s29, $0xC;
	v62 =	vand.u32 $0xFFFF0000, v56;
	v1 =	vadd.f32 v4, v1;
	v3 =	vmul.f32 v3, v57  }
0x262: {  	s11 =	sand.u32 $0x6000, s18;
	s1 =	sand.u32 $0x200, s15;
	v63 =	vshll.u32 v59, $0x10;
	v0 =	vadd.f32 v2, v0;
	v2 =	vmul.f32 v62, v57  }
0x263: {  	s11 =	sor.u32 s1, s11;
	s1 =	simm.s32 $0x0;
	v4 =	vmul.f32 v63, v61;
	v1 =	vadd.f32 v3, v1;
	v3 =	vand.u32 $0xFFFF0000, v59  }
0x264: {  	s30 =	sadd.s32 $0xCC00, s11;
	s31 =	sand.u32 $0x400, s1;
	v0 =	vadd.f32 v2, v0;
	v2 =	vmul.f32 v3, v61  }
0x265: {  	s18 =	sand.u32 $0x70, s1;
	s11 =	sadd.s32 s31, s30;
	v1 =	vadd.f32 v4, v1  }
0x266: {  	s15 =	simm.s32 $0x10;
	s11 =	sadd.s32 s18, s11;
	v0 =	vadd.f32 v2, v0  }
.LBB2_26:
0x267: {  	[tilespmem:s11+$0x0] =	vst v1;
	s1 =	sadd.s32 $0x80, s1;
	s3 =	sadd.s32 $0x80, s3;
	s20 =	sadd.s32 $0x80, s20  }
0x268: {  	p5 =	sne.s32 s15, $0xF0;
	[tilespmem:s11+$0x80] =	vst v0;
	s11 =	smov.u32 s15;
	s15 =	sadd.s32 $0x10, s15  }
0x269: {  	v0 =	vld [tilespmem:s3+$0xFFFFFFC0]  }
0x26a: {  	v1 =	vld [tilespmem:s20+$0xFFFFFFC0]  }
0x26b: {  	v2 =	vld [tilespmem:s3+$0xFFFFFFD0]  }
0x26c: {  	v3 =	vld [tilespmem:s20+$0xFFFFFFD0]  }
0x26d: {  	v4 =	vld [tilespmem:s3+$0xFFFFFFE0]  }
0x26e: {  	v5 =	vshll.u32 v0, $0x10;
	v0 =	vand.u32 $0xFFFF0000, v0;
	v6 =	vld [tilespmem:s20+$0xFFFFFFE0]  }
0x26f: {  	v5 =	vmul.f32 v5, v1;
	v0 =	vmul.f32 v0, v1;
	v1 =	vld [tilespmem:s3+$0xFFFFFFF0]  }
0x270: {  	v7 =	vshll.u32 v2, $0x10;
	v2 =	vand.u32 $0xFFFF0000, v2;
	v8 =	vld [tilespmem:s20+$0xFFFFFFF0]  }
0x271: {  	v5 =	vadd.f32 $0.0e+00, v5;
	v0 =	vadd.f32 $0.0e+00, v0;
	v7 =	vmul.f32 v7, v3;
	v9 =	vld [tilespmem:s3+$0x0]  }
0x272: {  	v2 =	vmul.f32 v2, v3;
	v3 =	vshll.u32 v4, $0x10;
	v4 =	vand.u32 $0xFFFF0000, v4;
	v10 =	vld [tilespmem:s20+$0x0]  }
0x273: {  	v5 =	vadd.f32 v7, v5;
	v3 =	vmul.f32 v3, v6;
	v7 =	vld [tilespmem:s3+$0x10]  }
0x274: {  	v0 =	vadd.f32 v2, v0;
	v2 =	vmul.f32 v4, v6;
	v4 =	vshll.u32 v1, $0x10;
	v6 =	vld [tilespmem:s20+$0x10]  }
0x275: {  	v1 =	vand.u32 $0xFFFF0000, v1;
	v3 =	vadd.f32 v3, v5;
	v4 =	vmul.f32 v4, v8;
	v5 =	vld [tilespmem:s3+$0x20]  }
0x276: {  	v0 =	vadd.f32 v2, v0;
	v1 =	vmul.f32 v1, v8;
	v2 =	vshll.u32 v9, $0x10;
	v8 =	vld [tilespmem:s20+$0x20]  }
0x277: {  	v3 =	vadd.f32 v4, v3;
	v4 =	vand.u32 $0xFFFF0000, v9;
	v2 =	vmul.f32 v2, v10;
	v9 =	vld [tilespmem:s3+$0x30]  }
0x278: {  	v0 =	vadd.f32 v1, v0;
	v1 =	vmul.f32 v4, v10;
	v4 =	vshll.u32 v7, $0x10;
	v10 =	vld [tilespmem:s20+$0x30]  }
0x279: {  	v2 =	vadd.f32 v2, v3;
	v3 =	vand.u32 $0xFFFF0000, v7;
	v4 =	vmul.f32 v4, v6  }
0x27a: {  	v0 =	vadd.f32 v1, v0;
	v1 =	vmul.f32 v3, v6;
	v3 =	vshll.u32 v5, $0x10  }
0x27b: {  	v2 =	vadd.f32 v4, v2;
	v4 =	vand.u32 $0xFFFF0000, v5;
	v3 =	vmul.f32 v3, v8  }
.Ltmp13:
0x27c: {  	v0 =	vadd.f32 v1, v0;
	v1 =	vmul.f32 v4, v8;
	v4 =	vshll.u32 v9, $0x10;
	(pc) =	sbr.rel @p5 .LBB2_26-.Ltmp13, $4  }
0x27d: {  	v2 =	vadd.f32 v3, v2;
	v3 =	vand.u32 $0xFFFF0000, v9;
	v4 =	vmul.f32 v4, v10  }
0x27e: {  	s18 =	sand.u32 $0x400, s1;
	v0 =	vadd.f32 v1, v0;
	v3 =	vmul.f32 v3, v10  }
0x27f: {  	s11 =	sand.u32 $0x70, s11;
	s18 =	sadd.s32 s18, s30;
	v1 =	vadd.f32 v4, v2  }
0x280: {  	s11 =	sadd.s32 s11, s18;
	v0 =	vadd.f32 v3, v0  }
0x281: {  	[tilespmem:s11+$0x0] =	vst v1  }
0x282: {  	[tilespmem:s11+$0x80] =	vst v0  }
0x283: {  	_ =	swait.ge [sflag:s9], $0x800  }
0x284: {  	[sflag:s9] =	ssyncset.done $0x0  }
0x285: {  	s3 =	simm.s32 $0x9470;
	[sflag:s9] =	ssyncadd.s32 $0xFFFFF800  }
0x286: {  	s20 =	simm.s32 $0x5470;
	v0 =	vld [tilespmem:s3+$0xFFFFFF90]  }
0x287: {  	v1 =	vld [tilespmem:s20+$0xFFFFFF90]  }
0x288: {  	v2 =	vld [tilespmem:s3+$0xFFFFFFA0]  }
0x289: {  	v3 =	vld [tilespmem:s20+$0xFFFFFFA0]  }
0x28a: {  	v4 =	vld [tilespmem:s3+$0xFFFFFFB0]  }
0x28b: {  	v6 =	vld [tilespmem:s20+$0xFFFFFFB0];
	v5 =	vshll.u32 v0, $0x10  }
0x28c: {  	v7 =	vld [tilespmem:s3+$0xFFFFFFC0];
	v0 =	vand.u32 $0xFFFF0000, v0;
	v5 =	vmul.f32 v5, v1  }
0x28d: {  	v8 =	vld [tilespmem:s20+$0xFFFFFFC0];
	v0 =	vmul.f32 v0, v1;
	v1 =	vshll.u32 v2, $0x10  }
0x28e: {  	v9 =	vld [tilespmem:s3+$0xFFFFFFD0];
	v2 =	vand.u32 $0xFFFF0000, v2;
	v1 =	vmul.f32 v1, v3;
	v5 =	vadd.f32 $0.0e+00, v5  }
0x28f: {  	v10 =	vld [tilespmem:s20+$0xFFFFFFD0];
	v2 =	vmul.f32 v2, v3;
	v3 =	vshll.u32 v4, $0x10;
	v0 =	vadd.f32 $0.0e+00, v0  }
0x290: {  	v53 =	vld [tilespmem:s3+$0xFFFFFFE0];
	v4 =	vand.u32 $0xFFFF0000, v4;
	v3 =	vmul.f32 v3, v6;
	v1 =	vadd.f32 v1, v5  }
0x291: {  	v55 =	vld [tilespmem:s20+$0xFFFFFFE0];
	v54 =	vshll.u32 v7, $0x10;
	v0 =	vadd.f32 v2, v0;
	v2 =	vmul.f32 v4, v6  }
0x292: {  	v56 =	vld [tilespmem:s3+$0xFFFFFFF0];
	v4 =	vmul.f32 v54, v8;
	v1 =	vadd.f32 v3, v1;
	v3 =	vand.u32 $0xFFFF0000, v7  }
0x293: {  	v57 =	vld [tilespmem:s20+$0xFFFFFFF0];
	v0 =	vadd.f32 v2, v0;
	v2 =	vmul.f32 v3, v8;
	v3 =	vshll.u32 v9, $0x10  }
0x294: {  	v59 =	vld [tilespmem:s3+$0x0];
	v58 =	vand.u32 $0xFFFF0000, v9;
	v1 =	vadd.f32 v4, v1;
	v3 =	vmul.f32 v3, v10  }
0x295: {  	v61 =	vld [tilespmem:s20+$0x0];
	v60 =	vshll.u32 v53, $0x10;
	v0 =	vadd.f32 v2, v0;
	v2 =	vmul.f32 v58, v10  }
0x296: {  	v4 =	vmul.f32 v60, v55;
	v1 =	vadd.f32 v3, v1;
	v3 =	vand.u32 $0xFFFF0000, v53  }
0x297: {  	v0 =	vadd.f32 v2, v0;
	v2 =	vmul.f32 v3, v55;
	v3 =	vshll.u32 v56, $0x10  }
0x298: {  	v62 =	vand.u32 $0xFFFF0000, v56;
	v1 =	vadd.f32 v4, v1;
	v3 =	vmul.f32 v3, v57  }
0x299: {  	v63 =	vshll.u32 v59, $0x10;
	v0 =	vadd.f32 v2, v0;
	v2 =	vmul.f32 v62, v57  }
0x29a: {  	s1 =	simm.s32 $0x800;
	v4 =	vmul.f32 v63, v61;
	v1 =	vadd.f32 v3, v1;
	v3 =	vand.u32 $0xFFFF0000, v59  }
0x29b: {  	s31 =	simm.s32 $0x100;
	s15 =	sand.u32 $0xC00, s1;
	v0 =	vadd.f32 v2, v0;
	v2 =	vmul.f32 v3, v61  }
0x29c: {  	s11 =	sand.u32 $0x70, s31;
	s18 =	sadd.s32 s15, s30;
	v1 =	vadd.f32 v4, v1  }
0x29d: {  	s15 =	simm.s32 $0x110;
	s11 =	sadd.s32 s11, s18;
	v0 =	vadd.f32 v2, v0  }
.LBB2_28:
0x29e: {  	[tilespmem:s11+$0x0] =	vst v1;
	s1 =	sadd.s32 $0x80, s1;
	s3 =	sadd.s32 $0x80, s3;
	s20 =	sadd.s32 $0x80, s20  }
0x29f: {  	p5 =	sne.s32 s15, $0x1F0;
	[tilespmem:s11+$0x80] =	vst v0;
	s11 =	smov.u32 s15;
	s15 =	sadd.s32 $0x10, s15  }
0x2a0: {  	v0 =	vld [tilespmem:s3+$0xFFFFFF90]  }
0x2a1: {  	v1 =	vld [tilespmem:s20+$0xFFFFFF90]  }
0x2a2: {  	v2 =	vld [tilespmem:s3+$0xFFFFFFA0]  }
0x2a3: {  	v3 =	vld [tilespmem:s20+$0xFFFFFFA0]  }
0x2a4: {  	v4 =	vld [tilespmem:s3+$0xFFFFFFB0]  }
0x2a5: {  	v5 =	vshll.u32 v0, $0x10;
	v0 =	vand.u32 $0xFFFF0000, v0;
	v6 =	vld [tilespmem:s20+$0xFFFFFFB0]  }
0x2a6: {  	v5 =	vmul.f32 v5, v1;
	v0 =	vmul.f32 v0, v1;
	v1 =	vld [tilespmem:s3+$0xFFFFFFC0]  }
0x2a7: {  	v7 =	vshll.u32 v2, $0x10;
	v2 =	vand.u32 $0xFFFF0000, v2;
	v8 =	vld [tilespmem:s20+$0xFFFFFFC0]  }
0x2a8: {  	v5 =	vadd.f32 $0.0e+00, v5;
	v0 =	vadd.f32 $0.0e+00, v0;
	v7 =	vmul.f32 v7, v3;
	v9 =	vld [tilespmem:s3+$0xFFFFFFD0]  }
0x2a9: {  	v2 =	vmul.f32 v2, v3;
	v3 =	vshll.u32 v4, $0x10;
	v4 =	vand.u32 $0xFFFF0000, v4;
	v10 =	vld [tilespmem:s20+$0xFFFFFFD0]  }
0x2aa: {  	v5 =	vadd.f32 v7, v5;
	v3 =	vmul.f32 v3, v6;
	v7 =	vld [tilespmem:s3+$0xFFFFFFE0]  }
0x2ab: {  	v0 =	vadd.f32 v2, v0;
	v2 =	vmul.f32 v4, v6;
	v4 =	vshll.u32 v1, $0x10;
	v6 =	vld [tilespmem:s20+$0xFFFFFFE0]  }
0x2ac: {  	v1 =	vand.u32 $0xFFFF0000, v1;
	v3 =	vadd.f32 v3, v5;
	v4 =	vmul.f32 v4, v8;
	v5 =	vld [tilespmem:s3+$0xFFFFFFF0]  }
0x2ad: {  	v0 =	vadd.f32 v2, v0;
	v1 =	vmul.f32 v1, v8;
	v2 =	vshll.u32 v9, $0x10;
	v8 =	vld [tilespmem:s20+$0xFFFFFFF0]  }
0x2ae: {  	v3 =	vadd.f32 v4, v3;
	v4 =	vand.u32 $0xFFFF0000, v9;
	v2 =	vmul.f32 v2, v10;
	v9 =	vld [tilespmem:s3+$0x0]  }
0x2af: {  	v0 =	vadd.f32 v1, v0;
	v1 =	vmul.f32 v4, v10;
	v4 =	vshll.u32 v7, $0x10;
	v10 =	vld [tilespmem:s20+$0x0]  }
0x2b0: {  	v2 =	vadd.f32 v2, v3;
	v3 =	vand.u32 $0xFFFF0000, v7;
	v4 =	vmul.f32 v4, v6  }
0x2b1: {  	v0 =	vadd.f32 v1, v0;
	v1 =	vmul.f32 v3, v6;
	v3 =	vshll.u32 v5, $0x10  }
0x2b2: {  	v2 =	vadd.f32 v4, v2;
	v4 =	vand.u32 $0xFFFF0000, v5;
	v3 =	vmul.f32 v3, v8  }
.Ltmp14:
0x2b3: {  	v0 =	vadd.f32 v1, v0;
	v1 =	vmul.f32 v4, v8;
	v4 =	vshll.u32 v9, $0x10;
	(pc) =	sbr.rel @p5 .LBB2_28-.Ltmp14, $4  }
0x2b4: {  	v2 =	vadd.f32 v3, v2;
	v3 =	vand.u32 $0xFFFF0000, v9;
	v4 =	vmul.f32 v4, v10  }
0x2b5: {  	s18 =	sand.u32 $0xC00, s1;
	v0 =	vadd.f32 v1, v0;
	v3 =	vmul.f32 v3, v10  }
0x2b6: {  	s11 =	sand.u32 $0x70, s11;
	s18 =	sadd.s32 s18, s30;
	v1 =	vadd.f32 v4, v2  }
0x2b7: {  	s11 =	sadd.s32 s11, s18;
	v0 =	vadd.f32 v3, v0  }
0x2b8: {  	[tilespmem:s11+$0x0] =	vst v1  }
0x2b9: {  	[tilespmem:s11+$0x80] =	vst v0  }
0x2ba: {  	_ =	swait.ge [sflag:s9], $0x800  }
0x2bb: {  	[sflag:s9] =	ssyncset.done $0x0  }
0x2bc: {  	s3 =	simm.s32 $0x9C70;
	[sflag:s9] =	ssyncadd.s32 $0xFFFFF800  }
0x2bd: {  	s20 =	simm.s32 $0x5C70;
	v0 =	vld [tilespmem:s3+$0xFFFFFF90]  }
0x2be: {  	v1 =	vld [tilespmem:s20+$0xFFFFFF90]  }
0x2bf: {  	v2 =	vld [tilespmem:s3+$0xFFFFFFA0]  }
0x2c0: {  	v3 =	vld [tilespmem:s20+$0xFFFFFFA0]  }
0x2c1: {  	v4 =	vld [tilespmem:s3+$0xFFFFFFB0]  }
0x2c2: {  	v6 =	vld [tilespmem:s20+$0xFFFFFFB0];
	v5 =	vshll.u32 v0, $0x10  }
0x2c3: {  	v7 =	vld [tilespmem:s3+$0xFFFFFFC0];
	v0 =	vand.u32 $0xFFFF0000, v0;
	v5 =	vmul.f32 v5, v1  }
0x2c4: {  	v8 =	vld [tilespmem:s20+$0xFFFFFFC0];
	v0 =	vmul.f32 v0, v1;
	v1 =	vshll.u32 v2, $0x10  }
0x2c5: {  	v9 =	vld [tilespmem:s3+$0xFFFFFFD0];
	v2 =	vand.u32 $0xFFFF0000, v2;
	v1 =	vmul.f32 v1, v3;
	v5 =	vadd.f32 $0.0e+00, v5  }
0x2c6: {  	v10 =	vld [tilespmem:s20+$0xFFFFFFD0];
	v2 =	vmul.f32 v2, v3;
	v3 =	vshll.u32 v4, $0x10;
	v0 =	vadd.f32 $0.0e+00, v0  }
0x2c7: {  	v53 =	vld [tilespmem:s3+$0xFFFFFFE0];
	v4 =	vand.u32 $0xFFFF0000, v4;
	v3 =	vmul.f32 v3, v6;
	v1 =	vadd.f32 v1, v5  }
0x2c8: {  	v55 =	vld [tilespmem:s20+$0xFFFFFFE0];
	v54 =	vshll.u32 v7, $0x10;
	v0 =	vadd.f32 v2, v0;
	v2 =	vmul.f32 v4, v6  }
0x2c9: {  	v56 =	vld [tilespmem:s3+$0xFFFFFFF0];
	v4 =	vmul.f32 v54, v8;
	v1 =	vadd.f32 v3, v1;
	v3 =	vand.u32 $0xFFFF0000, v7  }
0x2ca: {  	v57 =	vld [tilespmem:s20+$0xFFFFFFF0];
	v0 =	vadd.f32 v2, v0;
	v2 =	vmul.f32 v3, v8;
	v3 =	vshll.u32 v9, $0x10  }
0x2cb: {  	v59 =	vld [tilespmem:s3+$0x0];
	v58 =	vand.u32 $0xFFFF0000, v9;
	v1 =	vadd.f32 v4, v1;
	v3 =	vmul.f32 v3, v10  }
0x2cc: {  	v61 =	vld [tilespmem:s20+$0x0];
	v60 =	vshll.u32 v53, $0x10;
	v0 =	vadd.f32 v2, v0;
	v2 =	vmul.f32 v58, v10  }
0x2cd: {  	v4 =	vmul.f32 v60, v55;
	v1 =	vadd.f32 v3, v1;
	v3 =	vand.u32 $0xFFFF0000, v53  }
0x2ce: {  	v0 =	vadd.f32 v2, v0;
	v2 =	vmul.f32 v3, v55;
	v3 =	vshll.u32 v56, $0x10  }
0x2cf: {  	v62 =	vand.u32 $0xFFFF0000, v56;
	v1 =	vadd.f32 v4, v1;
	v3 =	vmul.f32 v3, v57  }
0x2d0: {  	v63 =	vshll.u32 v59, $0x10;
	v0 =	vadd.f32 v2, v0;
	v2 =	vmul.f32 v62, v57  }
0x2d1: {  	s1 =	simm.s32 $0x1000;
	v4 =	vmul.f32 v63, v61;
	v1 =	vadd.f32 v3, v1;
	v3 =	vand.u32 $0xFFFF0000, v59  }
0x2d2: {  	s31 =	simm.s32 $0x200;
	s15 =	sand.u32 $0x1C00, s1;
	v0 =	vadd.f32 v2, v0;
	v2 =	vmul.f32 v3, v61  }
0x2d3: {  	s11 =	sand.u32 $0x70, s31;
	s18 =	sadd.s32 s15, s30;
	v1 =	vadd.f32 v4, v1  }
0x2d4: {  	s15 =	simm.s32 $0x210;
	s11 =	sadd.s32 s11, s18;
	v0 =	vadd.f32 v2, v0  }
.LBB2_30:
0x2d5: {  	[tilespmem:s11+$0x0] =	vst v1;
	s1 =	sadd.s32 $0x80, s1;
	s3 =	sadd.s32 $0x80, s3;
	s20 =	sadd.s32 $0x80, s20  }
0x2d6: {  	p5 =	sne.s32 s15, $0x2F0;
	[tilespmem:s11+$0x80] =	vst v0;
	s11 =	smov.u32 s15;
	s15 =	sadd.s32 $0x10, s15  }
0x2d7: {  	v0 =	vld [tilespmem:s3+$0xFFFFFF90]  }
0x2d8: {  	v1 =	vld [tilespmem:s20+$0xFFFFFF90]  }
0x2d9: {  	v2 =	vld [tilespmem:s3+$0xFFFFFFA0]  }
0x2da: {  	v3 =	vld [tilespmem:s20+$0xFFFFFFA0]  }
0x2db: {  	v4 =	vld [tilespmem:s3+$0xFFFFFFB0]  }
0x2dc: {  	v5 =	vshll.u32 v0, $0x10;
	v0 =	vand.u32 $0xFFFF0000, v0;
	v6 =	vld [tilespmem:s20+$0xFFFFFFB0]  }
0x2dd: {  	v5 =	vmul.f32 v5, v1;
	v0 =	vmul.f32 v0, v1;
	v1 =	vld [tilespmem:s3+$0xFFFFFFC0]  }
0x2de: {  	v7 =	vshll.u32 v2, $0x10;
	v2 =	vand.u32 $0xFFFF0000, v2;
	v8 =	vld [tilespmem:s20+$0xFFFFFFC0]  }
0x2df: {  	v5 =	vadd.f32 $0.0e+00, v5;
	v0 =	vadd.f32 $0.0e+00, v0;
	v7 =	vmul.f32 v7, v3;
	v9 =	vld [tilespmem:s3+$0xFFFFFFD0]  }
0x2e0: {  	v2 =	vmul.f32 v2, v3;
	v3 =	vshll.u32 v4, $0x10;
	v4 =	vand.u32 $0xFFFF0000, v4;
	v10 =	vld [tilespmem:s20+$0xFFFFFFD0]  }
0x2e1: {  	v5 =	vadd.f32 v7, v5;
	v3 =	vmul.f32 v3, v6;
	v7 =	vld [tilespmem:s3+$0xFFFFFFE0]  }
0x2e2: {  	v0 =	vadd.f32 v2, v0;
	v2 =	vmul.f32 v4, v6;
	v4 =	vshll.u32 v1, $0x10;
	v6 =	vld [tilespmem:s20+$0xFFFFFFE0]  }
0x2e3: {  	v1 =	vand.u32 $0xFFFF0000, v1;
	v3 =	vadd.f32 v3, v5;
	v4 =	vmul.f32 v4, v8;
	v5 =	vld [tilespmem:s3+$0xFFFFFFF0]  }
0x2e4: {  	v0 =	vadd.f32 v2, v0;
	v1 =	vmul.f32 v1, v8;
	v2 =	vshll.u32 v9, $0x10;
	v8 =	vld [tilespmem:s20+$0xFFFFFFF0]  }
0x2e5: {  	v3 =	vadd.f32 v4, v3;
	v4 =	vand.u32 $0xFFFF0000, v9;
	v2 =	vmul.f32 v2, v10;
	v9 =	vld [tilespmem:s3+$0x0]  }
0x2e6: {  	v0 =	vadd.f32 v1, v0;
	v1 =	vmul.f32 v4, v10;
	v4 =	vshll.u32 v7, $0x10;
	v10 =	vld [tilespmem:s20+$0x0]  }
0x2e7: {  	v2 =	vadd.f32 v2, v3;
	v3 =	vand.u32 $0xFFFF0000, v7;
	v4 =	vmul.f32 v4, v6  }
0x2e8: {  	v0 =	vadd.f32 v1, v0;
	v1 =	vmul.f32 v3, v6;
	v3 =	vshll.u32 v5, $0x10  }
0x2e9: {  	v2 =	vadd.f32 v4, v2;
	v4 =	vand.u32 $0xFFFF0000, v5;
	v3 =	vmul.f32 v3, v8  }
.Ltmp15:
0x2ea: {  	v0 =	vadd.f32 v1, v0;
	v1 =	vmul.f32 v4, v8;
	v4 =	vshll.u32 v9, $0x10;
	(pc) =	sbr.rel @p5 .LBB2_30-.Ltmp15, $4  }
0x2eb: {  	v2 =	vadd.f32 v3, v2;
	v3 =	vand.u32 $0xFFFF0000, v9;
	v4 =	vmul.f32 v4, v10  }
0x2ec: {  	s18 =	sand.u32 $0x1C00, s1;
	v0 =	vadd.f32 v1, v0;
	v3 =	vmul.f32 v3, v10  }
0x2ed: {  	s11 =	sand.u32 $0x70, s11;
	s18 =	sadd.s32 s18, s30;
	v1 =	vadd.f32 v4, v2  }
0x2ee: {  	s11 =	sadd.s32 s11, s18;
	v0 =	vadd.f32 v3, v0  }
0x2ef: {  	[tilespmem:s11+$0x0] =	vst v1  }
0x2f0: {  	[tilespmem:s11+$0x80] =	vst v0  }
0x2f1: {  	_ =	swait.ge [sflag:s9], $0x800  }
0x2f2: {  	[sflag:s9] =	ssyncset.done $0x0  }
0x2f3: {  	s3 =	simm.s32 $0xA470;
	[sflag:s9] =	ssyncadd.s32 $0xFFFFF800  }
0x2f4: {  	s20 =	simm.s32 $0x6470;
	v0 =	vld [tilespmem:s3+$0xFFFFFF90]  }
0x2f5: {  	v1 =	vld [tilespmem:s20+$0xFFFFFF90]  }
0x2f6: {  	v2 =	vld [tilespmem:s3+$0xFFFFFFA0]  }
0x2f7: {  	v3 =	vld [tilespmem:s20+$0xFFFFFFA0]  }
0x2f8: {  	v4 =	vld [tilespmem:s3+$0xFFFFFFB0]  }
0x2f9: {  	v6 =	vld [tilespmem:s20+$0xFFFFFFB0];
	v5 =	vshll.u32 v0, $0x10  }
0x2fa: {  	v7 =	vld [tilespmem:s3+$0xFFFFFFC0];
	v0 =	vand.u32 $0xFFFF0000, v0;
	v5 =	vmul.f32 v5, v1  }
0x2fb: {  	v8 =	vld [tilespmem:s20+$0xFFFFFFC0];
	v0 =	vmul.f32 v0, v1;
	v1 =	vshll.u32 v2, $0x10  }
0x2fc: {  	v9 =	vld [tilespmem:s3+$0xFFFFFFD0];
	v2 =	vand.u32 $0xFFFF0000, v2;
	v1 =	vmul.f32 v1, v3;
	v5 =	vadd.f32 $0.0e+00, v5  }
0x2fd: {  	v10 =	vld [tilespmem:s20+$0xFFFFFFD0];
	v2 =	vmul.f32 v2, v3;
	v3 =	vshll.u32 v4, $0x10;
	v0 =	vadd.f32 $0.0e+00, v0  }
0x2fe: {  	v53 =	vld [tilespmem:s3+$0xFFFFFFE0];
	v4 =	vand.u32 $0xFFFF0000, v4;
	v3 =	vmul.f32 v3, v6;
	v1 =	vadd.f32 v1, v5  }
0x2ff: {  	v55 =	vld [tilespmem:s20+$0xFFFFFFE0];
	v54 =	vshll.u32 v7, $0x10;
	v0 =	vadd.f32 v2, v0;
	v2 =	vmul.f32 v4, v6  }
0x300: {  	v56 =	vld [tilespmem:s3+$0xFFFFFFF0];
	v4 =	vmul.f32 v54, v8;
	v1 =	vadd.f32 v3, v1;
	v3 =	vand.u32 $0xFFFF0000, v7  }
0x301: {  	v57 =	vld [tilespmem:s20+$0xFFFFFFF0];
	v0 =	vadd.f32 v2, v0;
	v2 =	vmul.f32 v3, v8;
	v3 =	vshll.u32 v9, $0x10  }
0x302: {  	v59 =	vld [tilespmem:s3+$0x0];
	v58 =	vand.u32 $0xFFFF0000, v9;
	v1 =	vadd.f32 v4, v1;
	v3 =	vmul.f32 v3, v10  }
0x303: {  	v61 =	vld [tilespmem:s20+$0x0];
	v60 =	vshll.u32 v53, $0x10;
	v0 =	vadd.f32 v2, v0;
	v2 =	vmul.f32 v58, v10  }
0x304: {  	v4 =	vmul.f32 v60, v55;
	v1 =	vadd.f32 v3, v1;
	v3 =	vand.u32 $0xFFFF0000, v53  }
0x305: {  	v0 =	vadd.f32 v2, v0;
	v2 =	vmul.f32 v3, v55;
	v3 =	vshll.u32 v56, $0x10  }
0x306: {  	v62 =	vand.u32 $0xFFFF0000, v56;
	v1 =	vadd.f32 v4, v1;
	v3 =	vmul.f32 v3, v57  }
0x307: {  	v63 =	vshll.u32 v59, $0x10;
	v0 =	vadd.f32 v2, v0;
	v2 =	vmul.f32 v62, v57  }
0x308: {  	s1 =	simm.s32 $0x1800;
	v4 =	vmul.f32 v63, v61;
	v1 =	vadd.f32 v3, v1;
	v3 =	vand.u32 $0xFFFF0000, v59  }
0x309: {  	s31 =	simm.s32 $0x300;
	s15 =	sand.u32 $0x1C00, s1;
	v0 =	vadd.f32 v2, v0;
	v2 =	vmul.f32 v3, v61  }
0x30a: {  	s11 =	sand.u32 $0x70, s31;
	s18 =	sadd.s32 s15, s30;
	v1 =	vadd.f32 v4, v1  }
0x30b: {  	s15 =	simm.s32 $0x310;
	s11 =	sadd.s32 s11, s18;
	v0 =	vadd.f32 v2, v0  }
.LBB2_32:
0x30c: {  	[tilespmem:s11+$0x0] =	vst v1;
	s1 =	sadd.s32 $0x80, s1;
	s3 =	sadd.s32 $0x80, s3;
	s20 =	sadd.s32 $0x80, s20  }
0x30d: {  	p5 =	sne.s32 s15, $0x3F0;
	[tilespmem:s11+$0x80] =	vst v0;
	s11 =	smov.u32 s15;
	s15 =	sadd.s32 $0x10, s15  }
0x30e: {  	v0 =	vld [tilespmem:s3+$0xFFFFFF90]  }
0x30f: {  	v1 =	vld [tilespmem:s20+$0xFFFFFF90]  }
0x310: {  	v2 =	vld [tilespmem:s3+$0xFFFFFFA0]  }
0x311: {  	v3 =	vld [tilespmem:s20+$0xFFFFFFA0]  }
0x312: {  	v4 =	vld [tilespmem:s3+$0xFFFFFFB0]  }
0x313: {  	v5 =	vshll.u32 v0, $0x10;
	v0 =	vand.u32 $0xFFFF0000, v0;
	v6 =	vld [tilespmem:s20+$0xFFFFFFB0]  }
0x314: {  	v5 =	vmul.f32 v5, v1;
	v0 =	vmul.f32 v0, v1;
	v1 =	vld [tilespmem:s3+$0xFFFFFFC0]  }
0x315: {  	v7 =	vshll.u32 v2, $0x10;
	v2 =	vand.u32 $0xFFFF0000, v2;
	v8 =	vld [tilespmem:s20+$0xFFFFFFC0]  }
0x316: {  	v5 =	vadd.f32 $0.0e+00, v5;
	v0 =	vadd.f32 $0.0e+00, v0;
	v7 =	vmul.f32 v7, v3;
	v9 =	vld [tilespmem:s3+$0xFFFFFFD0]  }
0x317: {  	v2 =	vmul.f32 v2, v3;
	v3 =	vshll.u32 v4, $0x10;
	v4 =	vand.u32 $0xFFFF0000, v4;
	v10 =	vld [tilespmem:s20+$0xFFFFFFD0]  }
0x318: {  	v5 =	vadd.f32 v7, v5;
	v3 =	vmul.f32 v3, v6;
	v7 =	vld [tilespmem:s3+$0xFFFFFFE0]  }
0x319: {  	v0 =	vadd.f32 v2, v0;
	v2 =	vmul.f32 v4, v6;
	v4 =	vshll.u32 v1, $0x10;
	v6 =	vld [tilespmem:s20+$0xFFFFFFE0]  }
0x31a: {  	v1 =	vand.u32 $0xFFFF0000, v1;
	v3 =	vadd.f32 v3, v5;
	v4 =	vmul.f32 v4, v8;
	v5 =	vld [tilespmem:s3+$0xFFFFFFF0]  }
0x31b: {  	v0 =	vadd.f32 v2, v0;
	v1 =	vmul.f32 v1, v8;
	v2 =	vshll.u32 v9, $0x10;
	v8 =	vld [tilespmem:s20+$0xFFFFFFF0]  }
0x31c: {  	v3 =	vadd.f32 v4, v3;
	v4 =	vand.u32 $0xFFFF0000, v9;
	v2 =	vmul.f32 v2, v10;
	v9 =	vld [tilespmem:s3+$0x0]  }
0x31d: {  	v0 =	vadd.f32 v1, v0;
	v1 =	vmul.f32 v4, v10;
	v4 =	vshll.u32 v7, $0x10;
	v10 =	vld [tilespmem:s20+$0x0]  }
0x31e: {  	v2 =	vadd.f32 v2, v3;
	v3 =	vand.u32 $0xFFFF0000, v7;
	v4 =	vmul.f32 v4, v6  }
0x31f: {  	v0 =	vadd.f32 v1, v0;
	v1 =	vmul.f32 v3, v6;
	v3 =	vshll.u32 v5, $0x10  }
0x320: {  	v2 =	vadd.f32 v4, v2;
	v4 =	vand.u32 $0xFFFF0000, v5;
	v3 =	vmul.f32 v3, v8  }
.Ltmp16:
0x321: {  	v0 =	vadd.f32 v1, v0;
	v1 =	vmul.f32 v4, v8;
	v4 =	vshll.u32 v9, $0x10;
	(pc) =	sbr.rel @p5 .LBB2_32-.Ltmp16, $4  }
0x322: {  	v2 =	vadd.f32 v3, v2;
	v3 =	vand.u32 $0xFFFF0000, v9;
	v4 =	vmul.f32 v4, v10  }
0x323: {  	s18 =	sand.u32 $0x1C00, s1;
	v0 =	vadd.f32 v1, v0;
	v3 =	vmul.f32 v3, v10  }
0x324: {  	s11 =	sand.u32 $0x70, s11;
	s18 =	sadd.s32 s18, s30;
	v1 =	vadd.f32 v4, v2  }
0x325: {  	s11 =	sadd.s32 s11, s18;
	v0 =	vadd.f32 v3, v0  }
0x326: {  	s29 =	sadd.s32 $0x1, s29  }
0x327: {  	p5 =	sne.s32 s29, $0x8  }
.Ltmp17:
0x328: {  	_ = 	snop;
	(pc) =	sbr.rel @p5 .LBB2_9-.Ltmp17, $3  }
0x329: {  	_ =	sdelay $0x1  }
0x32a: {  	[tilespmem:s11+$0x0] =	vst v1  }
0x32b: {  	[tilespmem:s11+$0x80] =	vst v0  }
0x32c: {  	_ =	swait.ge [sflag:s10], $0x800  }
0x32d: {  	[sflag:s10] =	ssyncset.done $0x0  }
0x32e: {  	s3 =	simm.s32 $0xAC40;
	[sflag:s10] =	ssyncadd.s32 $0xFFFFF800  }
0x32f: {  	s20 =	simm.s32 $0x6C40;
	v0 =	vld [tilespmem:s3+$0xFFFFFFC0]  }
0x330: {  	v1 =	vld [tilespmem:s20+$0xFFFFFFC0]  }
0x331: {  	v2 =	vld [tilespmem:s3+$0xFFFFFFD0]  }
0x332: {  	v3 =	vld [tilespmem:s20+$0xFFFFFFD0]  }
0x333: {  	v4 =	vld [tilespmem:s3+$0xFFFFFFE0]  }
0x334: {  	v6 =	vld [tilespmem:s20+$0xFFFFFFE0];
	v5 =	vshll.u32 v0, $0x10  }
0x335: {  	v7 =	vld [tilespmem:s3+$0xFFFFFFF0];
	v0 =	vand.u32 $0xFFFF0000, v0;
	v5 =	vmul.f32 v5, v1  }
0x336: {  	v8 =	vld [tilespmem:s20+$0xFFFFFFF0];
	v0 =	vmul.f32 v0, v1;
	v1 =	vshll.u32 v2, $0x10  }
0x337: {  	v9 =	vld [tilespmem:s3+$0x0];
	v2 =	vand.u32 $0xFFFF0000, v2;
	v1 =	vmul.f32 v1, v3;
	v5 =	vadd.f32 $0.0e+00, v5  }
0x338: {  	v10 =	vld [tilespmem:s20+$0x0];
	v2 =	vmul.f32 v2, v3;
	v3 =	vshll.u32 v4, $0x10;
	v0 =	vadd.f32 $0.0e+00, v0  }
0x339: {  	v53 =	vld [tilespmem:s3+$0x10];
	v4 =	vand.u32 $0xFFFF0000, v4;
	v3 =	vmul.f32 v3, v6;
	v1 =	vadd.f32 v1, v5  }
0x33a: {  	v55 =	vld [tilespmem:s20+$0x10];
	v54 =	vshll.u32 v7, $0x10;
	v0 =	vadd.f32 v2, v0;
	v2 =	vmul.f32 v4, v6  }
0x33b: {  	v56 =	vld [tilespmem:s3+$0x20];
	v4 =	vmul.f32 v54, v8;
	v1 =	vadd.f32 v3, v1;
	v3 =	vand.u32 $0xFFFF0000, v7  }
0x33c: {  	v57 =	vld [tilespmem:s20+$0x20];
	v0 =	vadd.f32 v2, v0;
	v2 =	vmul.f32 v3, v8;
	v3 =	vshll.u32 v9, $0x10  }
0x33d: {  	v59 =	vld [tilespmem:s3+$0x30];
	v58 =	vand.u32 $0xFFFF0000, v9;
	v1 =	vadd.f32 v4, v1;
	v3 =	vmul.f32 v3, v10  }
0x33e: {  	v61 =	vld [tilespmem:s20+$0x30];
	v60 =	vshll.u32 v53, $0x10;
	v0 =	vadd.f32 v2, v0;
	v2 =	vmul.f32 v58, v10  }
0x33f: {  	v4 =	vmul.f32 v60, v55;
	v1 =	vadd.f32 v3, v1;
	v3 =	vand.u32 $0xFFFF0000, v53  }
0x340: {  	v0 =	vadd.f32 v2, v0;
	v2 =	vmul.f32 v3, v55;
	v3 =	vshll.u32 v56, $0x10  }
0x341: {  	v62 =	vand.u32 $0xFFFF0000, v56;
	v1 =	vadd.f32 v4, v1;
	v3 =	vmul.f32 v3, v57  }
0x342: {  	v63 =	vshll.u32 v59, $0x10;
	v0 =	vadd.f32 v2, v0;
	v2 =	vmul.f32 v62, v57  }
0x343: {  	v4 =	vmul.f32 v63, v61;
	v1 =	vadd.f32 v3, v1;
	v3 =	vand.u32 $0xFFFF0000, v59  }
0x344: {  	s1 =	simm.s32 $0x0;
	v0 =	vadd.f32 v2, v0;
	v2 =	vmul.f32 v3, v61  }
0x345: {  	s11 =	sand.u32 $0x70, s1;
	s18 =	sand.u32 $0x400, s1;
	v1 =	vadd.f32 v4, v1  }
0x346: {  	s15 =	simm.s32 $0x10;
	s11 =	sor.u32 s11, s18;
	v0 =	vadd.f32 v2, v0  }
.LBB2_35:
0x347: {  	[tilespmem:s11+$0x12F00] =	vst v1;
	s1 =	sadd.s32 $0x80, s1;
	s3 =	sadd.s32 $0x80, s3;
	s20 =	sadd.s32 $0x80, s20  }
0x348: {  	p5 =	sne.s32 s15, $0xF0;
	[tilespmem:s11+$0x12F80] =	vst v0;
	s11 =	smov.u32 s15;
	s15 =	sadd.s32 $0x10, s15  }
0x349: {  	v0 =	vld [tilespmem:s3+$0xFFFFFFC0]  }
0x34a: {  	v1 =	vld [tilespmem:s20+$0xFFFFFFC0]  }
0x34b: {  	v2 =	vld [tilespmem:s3+$0xFFFFFFD0]  }
0x34c: {  	v3 =	vld [tilespmem:s20+$0xFFFFFFD0]  }
0x34d: {  	v4 =	vld [tilespmem:s3+$0xFFFFFFE0]  }
0x34e: {  	v5 =	vshll.u32 v0, $0x10;
	v0 =	vand.u32 $0xFFFF0000, v0;
	v6 =	vld [tilespmem:s20+$0xFFFFFFE0]  }
0x34f: {  	v5 =	vmul.f32 v5, v1;
	v0 =	vmul.f32 v0, v1;
	v1 =	vld [tilespmem:s3+$0xFFFFFFF0]  }
0x350: {  	v7 =	vshll.u32 v2, $0x10;
	v2 =	vand.u32 $0xFFFF0000, v2;
	v8 =	vld [tilespmem:s20+$0xFFFFFFF0]  }
0x351: {  	v5 =	vadd.f32 $0.0e+00, v5;
	v0 =	vadd.f32 $0.0e+00, v0;
	v7 =	vmul.f32 v7, v3;
	v9 =	vld [tilespmem:s3+$0x0]  }
0x352: {  	v2 =	vmul.f32 v2, v3;
	v3 =	vshll.u32 v4, $0x10;
	v4 =	vand.u32 $0xFFFF0000, v4;
	v10 =	vld [tilespmem:s20+$0x0]  }
0x353: {  	v5 =	vadd.f32 v7, v5;
	v3 =	vmul.f32 v3, v6;
	v7 =	vld [tilespmem:s3+$0x10]  }
0x354: {  	v0 =	vadd.f32 v2, v0;
	v2 =	vmul.f32 v4, v6;
	v4 =	vshll.u32 v1, $0x10;
	v6 =	vld [tilespmem:s20+$0x10]  }
0x355: {  	v1 =	vand.u32 $0xFFFF0000, v1;
	v3 =	vadd.f32 v3, v5;
	v4 =	vmul.f32 v4, v8;
	v5 =	vld [tilespmem:s3+$0x20]  }
0x356: {  	v0 =	vadd.f32 v2, v0;
	v1 =	vmul.f32 v1, v8;
	v2 =	vshll.u32 v9, $0x10;
	v8 =	vld [tilespmem:s20+$0x20]  }
0x357: {  	v3 =	vadd.f32 v4, v3;
	v4 =	vand.u32 $0xFFFF0000, v9;
	v2 =	vmul.f32 v2, v10;
	v9 =	vld [tilespmem:s3+$0x30]  }
0x358: {  	v0 =	vadd.f32 v1, v0;
	v1 =	vmul.f32 v4, v10;
	v4 =	vshll.u32 v7, $0x10;
	v10 =	vld [tilespmem:s20+$0x30]  }
0x359: {  	v2 =	vadd.f32 v2, v3;
	v3 =	vand.u32 $0xFFFF0000, v7;
	v4 =	vmul.f32 v4, v6  }
0x35a: {  	v0 =	vadd.f32 v1, v0;
	v1 =	vmul.f32 v3, v6;
	v3 =	vshll.u32 v5, $0x10  }
0x35b: {  	v2 =	vadd.f32 v4, v2;
	v4 =	vand.u32 $0xFFFF0000, v5;
	v3 =	vmul.f32 v3, v8  }
.Ltmp18:
0x35c: {  	v0 =	vadd.f32 v1, v0;
	v1 =	vmul.f32 v4, v8;
	v4 =	vshll.u32 v9, $0x10;
	(pc) =	sbr.rel @p5 .LBB2_35-.Ltmp18, $4  }
0x35d: {  	v2 =	vadd.f32 v3, v2;
	v3 =	vand.u32 $0xFFFF0000, v9;
	v4 =	vmul.f32 v4, v10  }
0x35e: {  	v0 =	vadd.f32 v1, v0;
	v3 =	vmul.f32 v3, v10  }
0x35f: {  	s18 =	sand.u32 $0x400, s1;
	s11 =	sand.u32 $0x70, s11;
	v1 =	vadd.f32 v4, v2  }
0x360: {  	s11 =	sor.u32 s11, s18;
	v0 =	vadd.f32 v3, v0  }
0x361: {  	[tilespmem:s11+$0x12F00] =	vst v1  }
0x362: {  	[tilespmem:s11+$0x12F80] =	vst v0  }
0x363: {  	_ =	swait.ge [sflag:s10], $0x800  }
0x364: {  	[sflag:s10] =	ssyncset.done $0x0  }
0x365: {  	s3 =	simm.s32 $0xB470;
	[sflag:s10] =	ssyncadd.s32 $0xFFFFF800  }
0x366: {  	s20 =	simm.s32 $0x7470;
	v0 =	vld [tilespmem:s3+$0xFFFFFF90]  }
0x367: {  	v1 =	vld [tilespmem:s20+$0xFFFFFF90]  }
0x368: {  	v2 =	vld [tilespmem:s3+$0xFFFFFFA0]  }
0x369: {  	v3 =	vld [tilespmem:s20+$0xFFFFFFA0]  }
0x36a: {  	v4 =	vld [tilespmem:s3+$0xFFFFFFB0]  }
0x36b: {  	v6 =	vld [tilespmem:s20+$0xFFFFFFB0];
	v5 =	vshll.u32 v0, $0x10  }
0x36c: {  	v7 =	vld [tilespmem:s3+$0xFFFFFFC0];
	v0 =	vand.u32 $0xFFFF0000, v0;
	v5 =	vmul.f32 v5, v1  }
0x36d: {  	v8 =	vld [tilespmem:s20+$0xFFFFFFC0];
	v0 =	vmul.f32 v0, v1;
	v1 =	vshll.u32 v2, $0x10  }
0x36e: {  	v9 =	vld [tilespmem:s3+$0xFFFFFFD0];
	v2 =	vand.u32 $0xFFFF0000, v2;
	v1 =	vmul.f32 v1, v3;
	v5 =	vadd.f32 $0.0e+00, v5  }
0x36f: {  	v10 =	vld [tilespmem:s20+$0xFFFFFFD0];
	v2 =	vmul.f32 v2, v3;
	v3 =	vshll.u32 v4, $0x10;
	v0 =	vadd.f32 $0.0e+00, v0  }
0x370: {  	v53 =	vld [tilespmem:s3+$0xFFFFFFE0];
	v4 =	vand.u32 $0xFFFF0000, v4;
	v3 =	vmul.f32 v3, v6;
	v1 =	vadd.f32 v1, v5  }
0x371: {  	v55 =	vld [tilespmem:s20+$0xFFFFFFE0];
	v54 =	vshll.u32 v7, $0x10;
	v0 =	vadd.f32 v2, v0;
	v2 =	vmul.f32 v4, v6  }
0x372: {  	v56 =	vld [tilespmem:s3+$0xFFFFFFF0];
	v4 =	vmul.f32 v54, v8;
	v1 =	vadd.f32 v3, v1;
	v3 =	vand.u32 $0xFFFF0000, v7  }
0x373: {  	v57 =	vld [tilespmem:s20+$0xFFFFFFF0];
	v0 =	vadd.f32 v2, v0;
	v2 =	vmul.f32 v3, v8;
	v3 =	vshll.u32 v9, $0x10  }
0x374: {  	v59 =	vld [tilespmem:s3+$0x0];
	v58 =	vand.u32 $0xFFFF0000, v9;
	v1 =	vadd.f32 v4, v1;
	v3 =	vmul.f32 v3, v10  }
0x375: {  	v61 =	vld [tilespmem:s20+$0x0];
	v60 =	vshll.u32 v53, $0x10;
	v0 =	vadd.f32 v2, v0;
	v2 =	vmul.f32 v58, v10  }
0x376: {  	v4 =	vmul.f32 v60, v55;
	v1 =	vadd.f32 v3, v1;
	v3 =	vand.u32 $0xFFFF0000, v53  }
0x377: {  	v0 =	vadd.f32 v2, v0;
	v2 =	vmul.f32 v3, v55;
	v3 =	vshll.u32 v56, $0x10  }
0x378: {  	v62 =	vand.u32 $0xFFFF0000, v56;
	v1 =	vadd.f32 v4, v1;
	v3 =	vmul.f32 v3, v57  }
0x379: {  	v63 =	vshll.u32 v59, $0x10;
	v0 =	vadd.f32 v2, v0;
	v2 =	vmul.f32 v62, v57  }
0x37a: {  	v4 =	vmul.f32 v63, v61;
	v1 =	vadd.f32 v3, v1;
	v3 =	vand.u32 $0xFFFF0000, v59  }
0x37b: {  	s31 =	simm.s32 $0x100;
	s1 =	simm.s32 $0x800;
	v0 =	vadd.f32 v2, v0;
	v2 =	vmul.f32 v3, v61  }
0x37c: {  	s11 =	sand.u32 $0x70, s31;
	s18 =	sand.u32 $0xC00, s1;
	v1 =	vadd.f32 v4, v1  }
0x37d: {  	s15 =	simm.s32 $0x110;
	s11 =	sor.u32 s11, s18;
	v0 =	vadd.f32 v2, v0  }
.LBB2_37:
0x37e: {  	[tilespmem:s11+$0x12F00] =	vst v1;
	s1 =	sadd.s32 $0x80, s1;
	s3 =	sadd.s32 $0x80, s3;
	s20 =	sadd.s32 $0x80, s20  }
0x37f: {  	p5 =	sne.s32 s15, $0x1F0;
	[tilespmem:s11+$0x12F80] =	vst v0;
	s11 =	smov.u32 s15;
	s15 =	sadd.s32 $0x10, s15  }
0x380: {  	v0 =	vld [tilespmem:s3+$0xFFFFFF90]  }
0x381: {  	v1 =	vld [tilespmem:s20+$0xFFFFFF90]  }
0x382: {  	v2 =	vld [tilespmem:s3+$0xFFFFFFA0]  }
0x383: {  	v3 =	vld [tilespmem:s20+$0xFFFFFFA0]  }
0x384: {  	v4 =	vld [tilespmem:s3+$0xFFFFFFB0]  }
0x385: {  	v5 =	vshll.u32 v0, $0x10;
	v0 =	vand.u32 $0xFFFF0000, v0;
	v6 =	vld [tilespmem:s20+$0xFFFFFFB0]  }
0x386: {  	v5 =	vmul.f32 v5, v1;
	v0 =	vmul.f32 v0, v1;
	v1 =	vld [tilespmem:s3+$0xFFFFFFC0]  }
0x387: {  	v7 =	vshll.u32 v2, $0x10;
	v2 =	vand.u32 $0xFFFF0000, v2;
	v8 =	vld [tilespmem:s20+$0xFFFFFFC0]  }
0x388: {  	v5 =	vadd.f32 $0.0e+00, v5;
	v0 =	vadd.f32 $0.0e+00, v0;
	v7 =	vmul.f32 v7, v3;
	v9 =	vld [tilespmem:s3+$0xFFFFFFD0]  }
0x389: {  	v2 =	vmul.f32 v2, v3;
	v3 =	vshll.u32 v4, $0x10;
	v4 =	vand.u32 $0xFFFF0000, v4;
	v10 =	vld [tilespmem:s20+$0xFFFFFFD0]  }
0x38a: {  	v5 =	vadd.f32 v7, v5;
	v3 =	vmul.f32 v3, v6;
	v7 =	vld [tilespmem:s3+$0xFFFFFFE0]  }
0x38b: {  	v0 =	vadd.f32 v2, v0;
	v2 =	vmul.f32 v4, v6;
	v4 =	vshll.u32 v1, $0x10;
	v6 =	vld [tilespmem:s20+$0xFFFFFFE0]  }
0x38c: {  	v1 =	vand.u32 $0xFFFF0000, v1;
	v3 =	vadd.f32 v3, v5;
	v4 =	vmul.f32 v4, v8;
	v5 =	vld [tilespmem:s3+$0xFFFFFFF0]  }
0x38d: {  	v0 =	vadd.f32 v2, v0;
	v1 =	vmul.f32 v1, v8;
	v2 =	vshll.u32 v9, $0x10;
	v8 =	vld [tilespmem:s20+$0xFFFFFFF0]  }
0x38e: {  	v3 =	vadd.f32 v4, v3;
	v4 =	vand.u32 $0xFFFF0000, v9;
	v2 =	vmul.f32 v2, v10;
	v9 =	vld [tilespmem:s3+$0x0]  }
0x38f: {  	v0 =	vadd.f32 v1, v0;
	v1 =	vmul.f32 v4, v10;
	v4 =	vshll.u32 v7, $0x10;
	v10 =	vld [tilespmem:s20+$0x0]  }
0x390: {  	v2 =	vadd.f32 v2, v3;
	v3 =	vand.u32 $0xFFFF0000, v7;
	v4 =	vmul.f32 v4, v6  }
0x391: {  	v0 =	vadd.f32 v1, v0;
	v1 =	vmul.f32 v3, v6;
	v3 =	vshll.u32 v5, $0x10  }
0x392: {  	v2 =	vadd.f32 v4, v2;
	v4 =	vand.u32 $0xFFFF0000, v5;
	v3 =	vmul.f32 v3, v8  }
.Ltmp19:
0x393: {  	v0 =	vadd.f32 v1, v0;
	v1 =	vmul.f32 v4, v8;
	v4 =	vshll.u32 v9, $0x10;
	(pc) =	sbr.rel @p5 .LBB2_37-.Ltmp19, $4  }
0x394: {  	v2 =	vadd.f32 v3, v2;
	v3 =	vand.u32 $0xFFFF0000, v9;
	v4 =	vmul.f32 v4, v10  }
0x395: {  	v0 =	vadd.f32 v1, v0;
	v3 =	vmul.f32 v3, v10  }
0x396: {  	s18 =	sand.u32 $0xC00, s1;
	s11 =	sand.u32 $0x70, s11;
	v1 =	vadd.f32 v4, v2  }
0x397: {  	s11 =	sor.u32 s11, s18;
	v0 =	vadd.f32 v3, v0  }
0x398: {  	[tilespmem:s11+$0x12F00] =	vst v1  }
0x399: {  	[tilespmem:s11+$0x12F80] =	vst v0  }
0x39a: {  	_ =	swait.ge [sflag:s10], $0x800  }
0x39b: {  	[sflag:s10] =	ssyncset.done $0x0  }
0x39c: {  	s3 =	simm.s32 $0xBC70;
	[sflag:s10] =	ssyncadd.s32 $0xFFFFF800  }
0x39d: {  	s20 =	simm.s32 $0x7C70;
	v0 =	vld [tilespmem:s3+$0xFFFFFF90]  }
0x39e: {  	v1 =	vld [tilespmem:s20+$0xFFFFFF90]  }
0x39f: {  	v2 =	vld [tilespmem:s3+$0xFFFFFFA0]  }
0x3a0: {  	v3 =	vld [tilespmem:s20+$0xFFFFFFA0]  }
0x3a1: {  	v4 =	vld [tilespmem:s3+$0xFFFFFFB0]  }
0x3a2: {  	v6 =	vld [tilespmem:s20+$0xFFFFFFB0];
	v5 =	vshll.u32 v0, $0x10  }
0x3a3: {  	v7 =	vld [tilespmem:s3+$0xFFFFFFC0];
	v0 =	vand.u32 $0xFFFF0000, v0;
	v5 =	vmul.f32 v5, v1  }
0x3a4: {  	v8 =	vld [tilespmem:s20+$0xFFFFFFC0];
	v0 =	vmul.f32 v0, v1;
	v1 =	vshll.u32 v2, $0x10  }
0x3a5: {  	v9 =	vld [tilespmem:s3+$0xFFFFFFD0];
	v2 =	vand.u32 $0xFFFF0000, v2;
	v1 =	vmul.f32 v1, v3;
	v5 =	vadd.f32 $0.0e+00, v5  }
0x3a6: {  	v10 =	vld [tilespmem:s20+$0xFFFFFFD0];
	v2 =	vmul.f32 v2, v3;
	v3 =	vshll.u32 v4, $0x10;
	v0 =	vadd.f32 $0.0e+00, v0  }
0x3a7: {  	v53 =	vld [tilespmem:s3+$0xFFFFFFE0];
	v4 =	vand.u32 $0xFFFF0000, v4;
	v3 =	vmul.f32 v3, v6;
	v1 =	vadd.f32 v1, v5  }
0x3a8: {  	v55 =	vld [tilespmem:s20+$0xFFFFFFE0];
	v54 =	vshll.u32 v7, $0x10;
	v0 =	vadd.f32 v2, v0;
	v2 =	vmul.f32 v4, v6  }
0x3a9: {  	v56 =	vld [tilespmem:s3+$0xFFFFFFF0];
	v4 =	vmul.f32 v54, v8;
	v1 =	vadd.f32 v3, v1;
	v3 =	vand.u32 $0xFFFF0000, v7  }
0x3aa: {  	v57 =	vld [tilespmem:s20+$0xFFFFFFF0];
	v0 =	vadd.f32 v2, v0;
	v2 =	vmul.f32 v3, v8;
	v3 =	vshll.u32 v9, $0x10  }
0x3ab: {  	v59 =	vld [tilespmem:s3+$0x0];
	v58 =	vand.u32 $0xFFFF0000, v9;
	v1 =	vadd.f32 v4, v1;
	v3 =	vmul.f32 v3, v10  }
0x3ac: {  	v61 =	vld [tilespmem:s20+$0x0];
	v60 =	vshll.u32 v53, $0x10;
	v0 =	vadd.f32 v2, v0;
	v2 =	vmul.f32 v58, v10  }
0x3ad: {  	v4 =	vmul.f32 v60, v55;
	v1 =	vadd.f32 v3, v1;
	v3 =	vand.u32 $0xFFFF0000, v53  }
0x3ae: {  	v0 =	vadd.f32 v2, v0;
	v2 =	vmul.f32 v3, v55;
	v3 =	vshll.u32 v56, $0x10  }
0x3af: {  	v62 =	vand.u32 $0xFFFF0000, v56;
	v1 =	vadd.f32 v4, v1;
	v3 =	vmul.f32 v3, v57  }
0x3b0: {  	v63 =	vshll.u32 v59, $0x10;
	v0 =	vadd.f32 v2, v0;
	v2 =	vmul.f32 v62, v57  }
0x3b1: {  	v4 =	vmul.f32 v63, v61;
	v1 =	vadd.f32 v3, v1;
	v3 =	vand.u32 $0xFFFF0000, v59  }
0x3b2: {  	s31 =	simm.s32 $0x200;
	s1 =	simm.s32 $0x1000;
	v0 =	vadd.f32 v2, v0;
	v2 =	vmul.f32 v3, v61  }
0x3b3: {  	s11 =	sand.u32 $0x70, s31;
	s18 =	sand.u32 $0x1C00, s1;
	v1 =	vadd.f32 v4, v1  }
0x3b4: {  	s15 =	simm.s32 $0x210;
	s11 =	sor.u32 s11, s18;
	v0 =	vadd.f32 v2, v0  }
.LBB2_39:
0x3b5: {  	[tilespmem:s11+$0x12F00] =	vst v1;
	s1 =	sadd.s32 $0x80, s1;
	s3 =	sadd.s32 $0x80, s3;
	s20 =	sadd.s32 $0x80, s20  }
0x3b6: {  	p5 =	sne.s32 s15, $0x2F0;
	[tilespmem:s11+$0x12F80] =	vst v0;
	s11 =	smov.u32 s15;
	s15 =	sadd.s32 $0x10, s15  }
0x3b7: {  	v0 =	vld [tilespmem:s3+$0xFFFFFF90]  }
0x3b8: {  	v1 =	vld [tilespmem:s20+$0xFFFFFF90]  }
0x3b9: {  	v2 =	vld [tilespmem:s3+$0xFFFFFFA0]  }
0x3ba: {  	v3 =	vld [tilespmem:s20+$0xFFFFFFA0]  }
0x3bb: {  	v4 =	vld [tilespmem:s3+$0xFFFFFFB0]  }
0x3bc: {  	v5 =	vshll.u32 v0, $0x10;
	v0 =	vand.u32 $0xFFFF0000, v0;
	v6 =	vld [tilespmem:s20+$0xFFFFFFB0]  }
0x3bd: {  	v5 =	vmul.f32 v5, v1;
	v0 =	vmul.f32 v0, v1;
	v1 =	vld [tilespmem:s3+$0xFFFFFFC0]  }
0x3be: {  	v7 =	vshll.u32 v2, $0x10;
	v2 =	vand.u32 $0xFFFF0000, v2;
	v8 =	vld [tilespmem:s20+$0xFFFFFFC0]  }
0x3bf: {  	v5 =	vadd.f32 $0.0e+00, v5;
	v0 =	vadd.f32 $0.0e+00, v0;
	v7 =	vmul.f32 v7, v3;
	v9 =	vld [tilespmem:s3+$0xFFFFFFD0]  }
0x3c0: {  	v2 =	vmul.f32 v2, v3;
	v3 =	vshll.u32 v4, $0x10;
	v4 =	vand.u32 $0xFFFF0000, v4;
	v10 =	vld [tilespmem:s20+$0xFFFFFFD0]  }
0x3c1: {  	v5 =	vadd.f32 v7, v5;
	v3 =	vmul.f32 v3, v6;
	v7 =	vld [tilespmem:s3+$0xFFFFFFE0]  }
0x3c2: {  	v0 =	vadd.f32 v2, v0;
	v2 =	vmul.f32 v4, v6;
	v4 =	vshll.u32 v1, $0x10;
	v6 =	vld [tilespmem:s20+$0xFFFFFFE0]  }
0x3c3: {  	v1 =	vand.u32 $0xFFFF0000, v1;
	v3 =	vadd.f32 v3, v5;
	v4 =	vmul.f32 v4, v8;
	v5 =	vld [tilespmem:s3+$0xFFFFFFF0]  }
0x3c4: {  	v0 =	vadd.f32 v2, v0;
	v1 =	vmul.f32 v1, v8;
	v2 =	vshll.u32 v9, $0x10;
	v8 =	vld [tilespmem:s20+$0xFFFFFFF0]  }
0x3c5: {  	v3 =	vadd.f32 v4, v3;
	v4 =	vand.u32 $0xFFFF0000, v9;
	v2 =	vmul.f32 v2, v10;
	v9 =	vld [tilespmem:s3+$0x0]  }
0x3c6: {  	v0 =	vadd.f32 v1, v0;
	v1 =	vmul.f32 v4, v10;
	v4 =	vshll.u32 v7, $0x10;
	v10 =	vld [tilespmem:s20+$0x0]  }
0x3c7: {  	v2 =	vadd.f32 v2, v3;
	v3 =	vand.u32 $0xFFFF0000, v7;
	v4 =	vmul.f32 v4, v6  }
0x3c8: {  	v0 =	vadd.f32 v1, v0;
	v1 =	vmul.f32 v3, v6;
	v3 =	vshll.u32 v5, $0x10  }
0x3c9: {  	v2 =	vadd.f32 v4, v2;
	v4 =	vand.u32 $0xFFFF0000, v5;
	v3 =	vmul.f32 v3, v8  }
.Ltmp20:
0x3ca: {  	v0 =	vadd.f32 v1, v0;
	v1 =	vmul.f32 v4, v8;
	v4 =	vshll.u32 v9, $0x10;
	(pc) =	sbr.rel @p5 .LBB2_39-.Ltmp20, $4  }
0x3cb: {  	v2 =	vadd.f32 v3, v2;
	v3 =	vand.u32 $0xFFFF0000, v9;
	v4 =	vmul.f32 v4, v10  }
0x3cc: {  	v0 =	vadd.f32 v1, v0;
	v3 =	vmul.f32 v3, v10  }
0x3cd: {  	s18 =	sand.u32 $0x1C00, s1;
	s11 =	sand.u32 $0x70, s11;
	v1 =	vadd.f32 v4, v2  }
0x3ce: {  	s11 =	sor.u32 s11, s18;
	v0 =	vadd.f32 v3, v0  }
0x3cf: {  	[tilespmem:s11+$0x12F00] =	vst v1  }
0x3d0: {  	[tilespmem:s11+$0x12F80] =	vst v0  }
0x3d1: {  	_ =	swait.ge [sflag:s10], $0x800  }
0x3d2: {  	[sflag:s10] =	ssyncset.done $0x0  }
0x3d3: {  	s3 =	simm.s32 $0xC470;
	[sflag:s10] =	ssyncadd.s32 $0xFFFFF800  }
0x3d4: {  	s20 =	simm.s32 $0x8470;
	v0 =	vld [tilespmem:s3+$0xFFFFFF90]  }
0x3d5: {  	v1 =	vld [tilespmem:s20+$0xFFFFFF90]  }
0x3d6: {  	v2 =	vld [tilespmem:s3+$0xFFFFFFA0]  }
0x3d7: {  	v3 =	vld [tilespmem:s20+$0xFFFFFFA0]  }
0x3d8: {  	v4 =	vld [tilespmem:s3+$0xFFFFFFB0]  }
0x3d9: {  	v6 =	vld [tilespmem:s20+$0xFFFFFFB0];
	v5 =	vshll.u32 v0, $0x10  }
0x3da: {  	v7 =	vld [tilespmem:s3+$0xFFFFFFC0];
	v0 =	vand.u32 $0xFFFF0000, v0;
	v5 =	vmul.f32 v5, v1  }
0x3db: {  	v8 =	vld [tilespmem:s20+$0xFFFFFFC0];
	v0 =	vmul.f32 v0, v1;
	v1 =	vshll.u32 v2, $0x10  }
0x3dc: {  	v9 =	vld [tilespmem:s3+$0xFFFFFFD0];
	v2 =	vand.u32 $0xFFFF0000, v2;
	v1 =	vmul.f32 v1, v3;
	v5 =	vadd.f32 $0.0e+00, v5  }
0x3dd: {  	v10 =	vld [tilespmem:s20+$0xFFFFFFD0];
	v2 =	vmul.f32 v2, v3;
	v3 =	vshll.u32 v4, $0x10;
	v0 =	vadd.f32 $0.0e+00, v0  }
0x3de: {  	v53 =	vld [tilespmem:s3+$0xFFFFFFE0];
	v4 =	vand.u32 $0xFFFF0000, v4;
	v3 =	vmul.f32 v3, v6;
	v1 =	vadd.f32 v1, v5  }
0x3df: {  	v55 =	vld [tilespmem:s20+$0xFFFFFFE0];
	v54 =	vshll.u32 v7, $0x10;
	v0 =	vadd.f32 v2, v0;
	v2 =	vmul.f32 v4, v6  }
0x3e0: {  	v56 =	vld [tilespmem:s3+$0xFFFFFFF0];
	v4 =	vmul.f32 v54, v8;
	v1 =	vadd.f32 v3, v1;
	v3 =	vand.u32 $0xFFFF0000, v7  }
0x3e1: {  	v57 =	vld [tilespmem:s20+$0xFFFFFFF0];
	v0 =	vadd.f32 v2, v0;
	v2 =	vmul.f32 v3, v8;
	v3 =	vshll.u32 v9, $0x10  }
0x3e2: {  	v59 =	vld [tilespmem:s3+$0x0];
	v58 =	vand.u32 $0xFFFF0000, v9;
	v1 =	vadd.f32 v4, v1;
	v3 =	vmul.f32 v3, v10  }
0x3e3: {  	v61 =	vld [tilespmem:s20+$0x0];
	v60 =	vshll.u32 v53, $0x10;
	v0 =	vadd.f32 v2, v0;
	v2 =	vmul.f32 v58, v10  }
0x3e4: {  	v4 =	vmul.f32 v60, v55;
	v1 =	vadd.f32 v3, v1;
	v3 =	vand.u32 $0xFFFF0000, v53  }
0x3e5: {  	v0 =	vadd.f32 v2, v0;
	v2 =	vmul.f32 v3, v55;
	v3 =	vshll.u32 v56, $0x10  }
0x3e6: {  	v62 =	vand.u32 $0xFFFF0000, v56;
	v1 =	vadd.f32 v4, v1;
	v3 =	vmul.f32 v3, v57  }
0x3e7: {  	v63 =	vshll.u32 v59, $0x10;
	v0 =	vadd.f32 v2, v0;
	v2 =	vmul.f32 v62, v57  }
0x3e8: {  	v4 =	vmul.f32 v63, v61;
	v1 =	vadd.f32 v3, v1;
	v3 =	vand.u32 $0xFFFF0000, v59  }
0x3e9: {  	s31 =	simm.s32 $0x300;
	s1 =	simm.s32 $0x1800;
	v0 =	vadd.f32 v2, v0;
	v2 =	vmul.f32 v3, v61  }
0x3ea: {  	s11 =	sand.u32 $0x70, s31;
	s18 =	sand.u32 $0x1C00, s1;
	v1 =	vadd.f32 v4, v1  }
0x3eb: {  	s15 =	simm.s32 $0x310;
	s11 =	sor.u32 s11, s18;
	v0 =	vadd.f32 v2, v0  }
.LBB2_41:
0x3ec: {  	[tilespmem:s11+$0x12F00] =	vst v1;
	s1 =	sadd.s32 $0x80, s1;
	s3 =	sadd.s32 $0x80, s3;
	s20 =	sadd.s32 $0x80, s20  }
0x3ed: {  	p5 =	sne.s32 s15, $0x3F0;
	[tilespmem:s11+$0x12F80] =	vst v0;
	s11 =	smov.u32 s15;
	s15 =	sadd.s32 $0x10, s15  }
0x3ee: {  	v0 =	vld [tilespmem:s3+$0xFFFFFF90]  }
0x3ef: {  	v1 =	vld [tilespmem:s20+$0xFFFFFF90]  }
0x3f0: {  	v2 =	vld [tilespmem:s3+$0xFFFFFFA0]  }
0x3f1: {  	v3 =	vld [tilespmem:s20+$0xFFFFFFA0]  }
0x3f2: {  	v4 =	vld [tilespmem:s3+$0xFFFFFFB0]  }
0x3f3: {  	v5 =	vshll.u32 v0, $0x10;
	v0 =	vand.u32 $0xFFFF0000, v0;
	v6 =	vld [tilespmem:s20+$0xFFFFFFB0]  }
0x3f4: {  	v5 =	vmul.f32 v5, v1;
	v0 =	vmul.f32 v0, v1;
	v1 =	vld [tilespmem:s3+$0xFFFFFFC0]  }
0x3f5: {  	v7 =	vshll.u32 v2, $0x10;
	v2 =	vand.u32 $0xFFFF0000, v2;
	v8 =	vld [tilespmem:s20+$0xFFFFFFC0]  }
0x3f6: {  	v5 =	vadd.f32 $0.0e+00, v5;
	v0 =	vadd.f32 $0.0e+00, v0;
	v7 =	vmul.f32 v7, v3;
	v9 =	vld [tilespmem:s3+$0xFFFFFFD0]  }
0x3f7: {  	v2 =	vmul.f32 v2, v3;
	v3 =	vshll.u32 v4, $0x10;
	v4 =	vand.u32 $0xFFFF0000, v4;
	v10 =	vld [tilespmem:s20+$0xFFFFFFD0]  }
0x3f8: {  	v5 =	vadd.f32 v7, v5;
	v3 =	vmul.f32 v3, v6;
	v7 =	vld [tilespmem:s3+$0xFFFFFFE0]  }
0x3f9: {  	v0 =	vadd.f32 v2, v0;
	v2 =	vmul.f32 v4, v6;
	v4 =	vshll.u32 v1, $0x10;
	v6 =	vld [tilespmem:s20+$0xFFFFFFE0]  }
0x3fa: {  	v1 =	vand.u32 $0xFFFF0000, v1;
	v3 =	vadd.f32 v3, v5;
	v4 =	vmul.f32 v4, v8;
	v5 =	vld [tilespmem:s3+$0xFFFFFFF0]  }
0x3fb: {  	v0 =	vadd.f32 v2, v0;
	v1 =	vmul.f32 v1, v8;
	v2 =	vshll.u32 v9, $0x10;
	v8 =	vld [tilespmem:s20+$0xFFFFFFF0]  }
0x3fc: {  	v3 =	vadd.f32 v4, v3;
	v4 =	vand.u32 $0xFFFF0000, v9;
	v2 =	vmul.f32 v2, v10;
	v9 =	vld [tilespmem:s3+$0x0]  }
0x3fd: {  	v0 =	vadd.f32 v1, v0;
	v1 =	vmul.f32 v4, v10;
	v4 =	vshll.u32 v7, $0x10;
	v10 =	vld [tilespmem:s20+$0x0]  }
0x3fe: {  	v2 =	vadd.f32 v2, v3;
	v3 =	vand.u32 $0xFFFF0000, v7;
	v4 =	vmul.f32 v4, v6  }
0x3ff: {  	v0 =	vadd.f32 v1, v0;
	v1 =	vmul.f32 v3, v6;
	v3 =	vshll.u32 v5, $0x10  }
0x400: {  	v2 =	vadd.f32 v4, v2;
	v4 =	vand.u32 $0xFFFF0000, v5;
	v3 =	vmul.f32 v3, v8  }
.Ltmp21:
0x401: {  	v0 =	vadd.f32 v1, v0;
	v1 =	vmul.f32 v4, v8;
	v4 =	vshll.u32 v9, $0x10;
	(pc) =	sbr.rel @p5 .LBB2_41-.Ltmp21, $4  }
0x402: {  	v2 =	vadd.f32 v3, v2;
	v3 =	vand.u32 $0xFFFF0000, v9;
	v4 =	vmul.f32 v4, v10  }
0x403: {  	v0 =	vadd.f32 v1, v0;
	v3 =	vmul.f32 v3, v10  }
0x404: {  	s18 =	sand.u32 $0x1C00, s1;
	s11 =	sand.u32 $0x70, s11;
	v1 =	vadd.f32 v4, v2  }
0x405: {  	s11 =	sor.u32 s11, s18;
	v0 =	vadd.f32 v3, v0  }
0x406: {  	s22 =	sadd.s32 $0x1, s22  }
0x407: {  	[tilespmem:s11+$0x12F00] =	vst v1;
	s1 =	sadd.s32 s12, s23;
	p5 =	sne.s32 s22, $0x8  }
.Ltmp22:
0x408: {  	s3 =	simm.s32 $0x2000;
	s31 =	simm.s32 $0x200000;
	[tilespmem:s11+$0x12F80] =	vst v0;
	(pc) =	sbr.rel @p5 .LBB2_8-.Ltmp22, $4  }
0x409: {  	[hbm4b:s1+s3] =	stream.strided.scatter [tilespmem:s19], [sflag:$0x3], $0x8000, s31, s3, $0x38;
	[tilespmem:$0x1F648] =	vst v63  }
0x40a: {  	_ =	swait.ge [sflag:s0], $0x8000  }
0x40b: {  	[sflag:s0] =	ssyncset.done $0x0  }
0x40c: {  	[sflag:s0] =	ssyncadd.s32 $0xFFFF8000  }
0x40d: {  	s3 =	rddreg [dreg:$0x1e]  }
0x40e: {  	s1 =	rddreg [dreg:$0x18];
	s3 =	sadd.s32 $0x1, s3  }
0x40f: {  	p5 =	sne.s32 s3, s1  }
.Ltmp23:
0x410: {  	_ = 	snop;
	(pc) =	sbr.rel @p5 .LBB2_1-.Ltmp23, $2  }
0x411: {  	_ =	sdelay $0x2  }
0x412: {  	s11 =	simm.s32 $0x0  }
0x413: {  	_ =	sfence.sel $0x180000  }
0x414: {  	[bflag:$0x0] =	sbarrier.arrive $0xFFFF  }
0x415: {  	_ =	strace $0x9000004A  }
0x416: {  	[bflag:$0x2] =	sbarrier.arrive $0xFFFF  }
0x417: {  	s0 =	rddreg [dreg:$0x3]  }
0x418: {  	s0 =	sadd.s32 @!p0 $0x100000, s0  }
0x419: {  	[sflag:s0] =	ssyncadd.tile.s32 @!p0 $0x1;
	_ =	shalt  }
.Lfunc_end2:
_tile_overlayer_lowered:
.L_overlay_start_2:
0x41a: {  	(tag) =	ssettag $0x2  }
0x41b: {  	s0 =	rddreg [dreg:$0x0];
	s2 =	stileid.u32  }
0x41c: {  	s1 =	rddreg [dreg:$0x1];
	p0 =	sne.s32 s2, $0x0  }
0x41d: {  	s3 =	rddreg [dreg:$0x2];
	[bflag:$0x3] =	sbarrier.arrive $0xFFFF;
	s2 =	simm.s32 @!p0 $0x1C03  }
0x41e: {  	[timem:s3], [sflag:s2] =	dma.local @!p0 [hbm:s0], s1  }
0x41f: {  	s0 =	simm.s32 @!p0 $0x3  }
0x420: {  	_ =	swait.ge @!p0 [sflag:s0], s1  }
0x421: {  	s1 =	ssub.s32 @!p0 $0x0, s1;
	[sflag:s0] =	ssyncset.done @!p0 $0x0  }
0x422: {  	[sflag:s0] =	ssyncadd.s32 @!p0 s1  }
0x423: {  	[bflag:$0x3] =	sbarrier.arrive $0xFFFF  }
0x424: {  	_ =	shalt  }

</sc_bundles>
